<compile_context>
chip_gen: v7x
topology: tpu7x:2x2x1
jax: 0.10.2.dev20260603
libtpu: 0.0.44.dev20260713+nightly
codegen_flags: <defaults>
</compile_context>

<pallas_src>
import functools

import jax
import jax.numpy as jnp
from jax import lax
from jax.experimental import pallas as pl
from jax.experimental.pallas import tpu as pltpu
from jax.experimental.pallas import tpu_sc as plsc

N = 10000
D = 128
E = 320000
NC = 2
NS = 16
NW = NC * NS
EPT = E // NW
K = 80
NCHUNK = EPT // K
NPAD = 10240
RPT = NPAD // NS
R = 400
GRID = N // R

NB = 4
NI = 8

_mesh = plsc.VectorSubcoreMesh(core_axis_name="c", subcore_axis_name="s")


@functools.partial(
    pl.kernel,
    out_type=jax.ShapeDtypeStruct((NC, NPAD, D), jnp.float32),
    mesh=_mesh,
    scratch_types=[
        pltpu.VMEM((K, D), jnp.float32),
        [pltpu.VMEM((K,), jnp.int32) for _ in range(NI)],
        pltpu.VMEM_SHARED((NPAD, D), jnp.float32),
        [pltpu.SemaphoreType.DMA for _ in range(NI)],
        [pltpu.SemaphoreType.DMA for _ in range(NI)],
    ],
)
def _deg_kernel(dst_hbm, ones_hbm, zrows_hbm, out_hbm, ones_v, dd, acc,
                di, ss):
    cid = lax.axis_index("c")
    sid = lax.axis_index("s")
    wid = sid * NC + cid
    base = wid * EPT

    pltpu.sync_copy(ones_hbm, ones_v)
    pltpu.sync_copy(zrows_hbm, acc.at[pl.ds(sid * RPT, RPT)])
    plsc.subcore_barrier()

    def icp(c, s8):
        off = pl.multiple_of(base + c * K, 8)
        return pltpu.make_async_copy(dst_hbm.at[pl.ds(off, K)], dd[s8], di[s8])

    def scp(s8):
        return pltpu.make_async_copy(ones_v, acc.at[dd[s8]], ss[s8])

    def sstart(s8):
        pltpu.async_copy(ones_v, acc.at[dd[s8]], ss[s8], add=True)

    for c in range(4):
        icp(c, c % NI).start()
    for c in range(4):
        icp(c, c % NI).wait()
        sstart(c % NI)
        icp(c + 4, (c + 4) % NI).start()

    def body(c, s8):
        icp(c, s8).wait()
        sstart(s8)
        scp((s8 + 4) % NI).wait()
        icp(c + 4, (s8 + 4) % NI).start()

    def group(j, carry):
        for b2 in range(NI):
            cc = 4 + b2
            body(j * NI + cc, cc % NI)
        return carry

    NGRP = (NCHUNK - 8) // NI
    lax.fori_loop(0, NGRP, group, 0)
    for c in range(4 + NI * NGRP, NCHUNK):
        icp(c, c % NI).wait()
        sstart(c % NI)
        scp((c - 4) % NI).wait()
        if c + 4 < NCHUNK:
            icp(c + 4, (c + 4) % NI).start()
    for c in range(NCHUNK - 4, NCHUNK):
        scp(c % NI).wait()

    plsc.subcore_barrier()
    pltpu.sync_copy(acc.at[pl.ds(sid * RPT, RPT)],
                    out_hbm.at[cid, pl.ds(sid * RPT, RPT)])


@functools.partial(
    pl.kernel,
    out_type=jax.ShapeDtypeStruct((NC, NPAD, D), jnp.float32),
    mesh=_mesh,
    scratch_types=[
        [pltpu.VMEM((K,), jnp.int32) for _ in range(NI)],
        [pltpu.VMEM((K,), jnp.int32) for _ in range(NI)],
        [pltpu.VMEM((K, D), jnp.float32) for _ in range(NB)],
        pltpu.VMEM_SHARED((NPAD, D), jnp.float32),
        [pltpu.SemaphoreType.DMA for _ in range(NI)],
        [pltpu.SemaphoreType.DMA for _ in range(NI)],
        [pltpu.SemaphoreType.DMA for _ in range(NB)],
    ],
)
def _agg_kernel(hp_hbm, src_hbm, dst_hbm, zrows_hbm, out_hbm,
                sb, db, rb, acc, si, di, gsem):
    cid = lax.axis_index("c")
    sid = lax.axis_index("s")
    wid = sid * NC + cid
    base = wid * EPT

    pltpu.sync_copy(zrows_hbm, acc.at[pl.ds(sid * RPT, RPT)])
    plsc.subcore_barrier()

    def icp(c, s8):
        off = pl.multiple_of(base + c * K, 8)
        return (pltpu.make_async_copy(src_hbm.at[pl.ds(off, K)], sb[s8],
                                      si[s8]),
                pltpu.make_async_copy(dst_hbm.at[pl.ds(off, K)], db[s8],
                                      di[s8]))

    def istart(c, s8):
        s, d2 = icp(c, s8)
        s.start()
        d2.start()

    def iwait(c, s8):
        s, d2 = icp(c, s8)
        s.wait()
        d2.wait()

    def gcp(s4, s8):
        return pltpu.make_async_copy(hp_hbm.at[sb[s8]], rb[s4], gsem[s4])

    def scatter(s4, s8):
        pltpu.sync_copy(rb[s4], acc.at[db[s8]], add=True)

    for c in range(5):
        istart(c, c % NI)
    for c in range(3):
        iwait(c, c % NI)
        gcp(c % NB, c % NI).start()

    def body(c, s4, s8):
        gcp(s4, s8).wait()
        iwait(c + 3, (s8 + 3) % NI)
        gcp((s4 + 3) % NB, (s8 + 3) % NI).start()
        scatter(s4, s8)
        istart(c + 5, (s8 + 5) % NI)

    def group(j, carry):
        for b2 in range(NI):
            body(j * NI + b2, b2 % NB, b2 % NI)
        return carry

    NGRP2 = 120 // NI
    lax.fori_loop(0, NGRP2, group, 0)
    for c in range(NI * NGRP2, NCHUNK):
        gcp(c % NB, c % NI).wait()
        if c + 3 < NCHUNK:
            iwait(c + 3, (c + 3) % NI)
            gcp((c + 3) % NB, (c + 3) % NI).start()
        scatter(c % NB, c % NI)
        if c + 5 < NCHUNK:
            istart(c + 5, (c + 5) % NI)

    plsc.subcore_barrier()
    pltpu.sync_copy(acc.at[pl.ds(sid * RPT, RPT)],
                    out_hbm.at[cid, pl.ds(sid * RPT, RPT)])


def _dinv_from(deg_blk):
    deg = deg_blk[0, :, 0] + deg_blk[1, :, 0] + 1.0
    return lax.rsqrt(deg)[:, None]


def _tc1_body(x_ref, w1_ref, deg_ref, o_ref):
    dinv = _dinv_from(deg_ref[...])
    h = jnp.dot(x_ref[...], w1_ref[...], preferred_element_type=jnp.float32)
    o_ref[...] = h * dinv


def _tc2_body(agg_ref, hp_ref, deg_ref, b1_ref, w2_ref, o_ref):
    dinv = _dinv_from(deg_ref[...])
    s = agg_ref[0] + agg_ref[1] + hp_ref[...]
    z = jnp.tanh(dinv * s + b1_ref[...])
    o_ref[...] = dinv * jnp.dot(z, w2_ref[...], preferred_element_type=jnp.float32)


def _tc3_body(agg_ref, hp_ref, deg_ref, b2_ref, wf1_ref, bf1_ref, wf2_ref,
              bf2_ref, o_ref):
    dinv = _dinv_from(deg_ref[...])
    s = agg_ref[0] + agg_ref[1] + hp_ref[...]
    z = jnp.tanh(dinv * s + b2_ref[...])
    f = jnp.tanh(jnp.dot(z, wf1_ref[...], preferred_element_type=jnp.float32)
                 + bf1_ref[...])
    o_ref[...] = (jnp.dot(f, wf2_ref[...], preferred_element_type=jnp.float32)
                  + bf2_ref[...])


def _row_spec(width):
    return pl.BlockSpec((R, width), lambda i: (i, 0))


def _full(shape):
    return pl.BlockSpec(shape, lambda i, _s=shape: tuple(0 for _ in _s))


_agg_spec = pl.BlockSpec((NC, R, D), lambda i: (0, i, 0))

_tc1 = pl.pallas_call(
    _tc1_body,
    grid=(GRID,),
    in_specs=[_row_spec(D), _full((D, D)), _agg_spec],
    out_specs=_row_spec(D),
    out_shape=jax.ShapeDtypeStruct((N, D), jnp.float32),
)

_tc2 = pl.pallas_call(
    _tc2_body,
    grid=(GRID,),
    in_specs=[_agg_spec, _row_spec(D), _agg_spec, _full((1, D)),
              _full((D, D))],
    out_specs=_row_spec(D),
    out_shape=jax.ShapeDtypeStruct((N, D), jnp.float32),
)

_tc3 = pl.pallas_call(
    _tc3_body,
    grid=(GRID,),
    in_specs=[_agg_spec, _row_spec(D), _agg_spec, _full((1, D)),
              _full((D, 64)), _full((1, 64)), _full((64, 1)), _full((1, 1))],
    out_specs=_row_spec(1),
    out_shape=jax.ShapeDtypeStruct((N, 1), jnp.float32),
)


def kernel(x, edge_index, W1, b1, W2, b2, Wf1, bf1, Wf2, bf2):
    ei = edge_index.astype(jnp.int32)
    src = ei[0]
    dst = ei[1]
    z128 = jnp.zeros((RPT, D), jnp.float32)

    degp = _deg_kernel(dst, jnp.ones((K, D), jnp.float32), z128)

    h1p = _tc1(x, W1, degp)
    agg1 = _agg_kernel(h1p, src, dst, z128)
    h2p = _tc2(agg1, h1p, degp, b1.reshape(1, D), W2)
    agg2 = _agg_kernel(h2p, src, dst, z128)
    out = _tc3(agg2, h2p, degp, b2.reshape(1, D), Wf1, bf1.reshape(1, 64),
               Wf2, bf2.reshape(1, 1))
    return out

# --- scband reference (transcript-rebuilt; emitter-appended) ---
"""Pipeline reference for scband-brain-gcn-11390253269178 (READ-ONLY COPY).

The authoritative reference and input builder live on the scoring server;
editing this copy changes nothing except your own understanding.
"""

import jax, jax.numpy as jnp
import numpy as np

N_NODES = 10000
D_FEAT = 128
N_EDGES = 320000
LAYER_SIZES = [128, 128, 64, 1]
N_CONV = 2


def glorot(key, shape):
    fan_in, fan_out = shape[0], shape[1]
    limit = (6.0 / (fan_in + fan_out)) ** 0.5
    return jax.random.uniform(key, shape, jnp.float32, -limit, limit)


def setup_inputs(seed: int = 0) -> dict:
    key = jax.random.key(seed)
    ks = jax.random.split(key, 12)
    x = jax.random.normal(ks[0], (N_NODES, D_FEAT), dtype=jnp.float32)
    edge_index = jax.random.randint(ks[1], (2, N_EDGES), 0, N_NODES, dtype=jnp.int64 if jax.config.jax_enable_x64 else jnp.int32)
    W1 = glorot(ks[2], (D_FEAT, LAYER_SIZES[0]))
    b1 = jnp.zeros((LAYER_SIZES[0],), jnp.float32)
    W2 = glorot(ks[3], (LAYER_SIZES[0], LAYER_SIZES[1]))
    b2 = jnp.zeros((LAYER_SIZES[1],), jnp.float32)
    Wf1 = glorot(ks[4], (LAYER_SIZES[1], LAYER_SIZES[2]))
    bf1 = jnp.zeros((LAYER_SIZES[2],), jnp.float32)
    Wf2 = glorot(ks[5], (LAYER_SIZES[2], LAYER_SIZES[3]))
    bf2 = jnp.zeros((LAYER_SIZES[3],), jnp.float32)
    return {"x": x, "edge_index": edge_index, "W1": W1, "b1": b1, "W2": W2, "b2": b2, "Wf1": Wf1, "bf1": bf1, "Wf2": Wf2, "bf2": bf2}


def gcn_conv(x, edge_index, W, b):
    # Faithful GCNConv: x @ W, add self-loops, symmetric deg normalization, scatter-add aggregation, + bias
    n = x.shape[0]
    loop = jnp.arange(n, dtype=edge_index.dtype)
    src = jnp.concatenate([edge_index[0], loop])
    dst = jnp.concatenate([edge_index[1], loop])
    h = x @ W
    deg = jnp.zeros((n,), jnp.float32).at[dst].add(1.0)
    dinv = jnp.where(deg > 0, deg ** -0.5, 0.0)
    norm = dinv[src] * dinv[dst]
    msg = h[src] * norm[:, None]
    out = jnp.zeros((n, h.shape[1]), jnp.float32).at[dst].add(msg)
    return out + b


def reference(x, edge_index, W1, b1, W2, b2, Wf1, bf1, Wf2, bf2):
    h = gcn_conv(x, edge_index, W1, b1)
    h = jnp.tanh(h)
    h = gcn_conv(h, edge_index, W2, b2)
    h = jnp.tanh(h)
    h = h @ Wf1 + bf1
    h = jnp.tanh(h)
    h = h @ Wf2 + bf2
    return h

if __name__ == "__main__":
    import jax
    _d = setup_inputs()
    print(jax.jit(kernel)(*tuple(_d.values())))

</pallas_src>

<mosaic_0001>
#map = affine_map<(d0, d1) -> (0)>
#map1 = affine_map<(d0, d1) -> (0, 0)>
#map2 = affine_map<(d0, d1) -> (0, 0, 0)>
module attributes {stable_mosaic.version = 14 : i64} {
  func.func @_deg_kernel(%arg0: i32, %arg1: i32, %arg2: memref<320000xi32, #tpu.memory_space<hbm>>, %arg3: memref<80x128xf32, #tpu.memory_space<hbm>>, %arg4: memref<640x128xf32, #tpu.memory_space<hbm>>, %arg5: memref<2x10240x128xf32, #tpu.memory_space<hbm>>, %arg6: memref<80x128xf32, #tpu.memory_space<vmem>>, %arg7: memref<80xi32, #tpu.memory_space<vmem>>, %arg8: memref<80xi32, #tpu.memory_space<vmem>>, %arg9: memref<80xi32, #tpu.memory_space<vmem>>, %arg10: memref<80xi32, #tpu.memory_space<vmem>>, %arg11: memref<80xi32, #tpu.memory_space<vmem>>, %arg12: memref<80xi32, #tpu.memory_space<vmem>>, %arg13: memref<80xi32, #tpu.memory_space<vmem>>, %arg14: memref<80xi32, #tpu.memory_space<vmem>>, %arg15: memref<10240x128xf32, #tpu.memory_space<vmem_shared>>, %arg16: memref<!tpu.dma_semaphore, #tpu.memory_space<semaphore_mem>>, %arg17: memref<!tpu.dma_semaphore, #tpu.memory_space<semaphore_mem>>, %arg18: memref<!tpu.dma_semaphore, #tpu.memory_space<semaphore_mem>>, %arg19: memref<!tpu.dma_semaphore, #tpu.memory_space<semaphore_mem>>, %arg20: memref<!tpu.dma_semaphore, #tpu.memory_space<semaphore_mem>>, %arg21: memref<!tpu.dma_semaphore, #tpu.memory_space<semaphore_mem>>, %arg22: memref<!tpu.dma_semaphore, #tpu.memory_space<semaphore_mem>>, %arg23: memref<!tpu.dma_semaphore, #tpu.memory_space<semaphore_mem>>, %arg24: memref<!tpu.dma_semaphore, #tpu.memory_space<semaphore_mem>>, %arg25: memref<!tpu.dma_semaphore, #tpu.memory_space<semaphore_mem>>, %arg26: memref<!tpu.dma_semaphore, #tpu.memory_space<semaphore_mem>>, %arg27: memref<!tpu.dma_semaphore, #tpu.memory_space<semaphore_mem>>, %arg28: memref<!tpu.dma_semaphore, #tpu.memory_space<semaphore_mem>>, %arg29: memref<!tpu.dma_semaphore, #tpu.memory_space<semaphore_mem>>, %arg30: memref<!tpu.dma_semaphore, #tpu.memory_space<semaphore_mem>>, %arg31: memref<!tpu.dma_semaphore, #tpu.memory_space<semaphore_mem>>) attributes {dimension_semantics = [#tpu.dimension_semantics<core_parallel>, #tpu.dimension_semantics<subcore_parallel>], iteration_bounds = array<i64: 2, 16>, scalar_prefetch = 0 : i64, scratch_operands = 26 : i64, tpu.core_type = #tpu.core_type<sc_vector_subcore>, window_params = [{transform_indices = #map}, {transform_indices = #map1}, {transform_indices = #map1}, {transform_indices = #map2}]} {
    %mul3A = arith.constant 2 : i32
    %mul3A_0 = arith.muli %arg1, %mul3A : i32
    %add3A = arith.addi %mul3A_0, %arg0 : i32
    %mul3A_1 = arith.constant 10000 : i32
    %mul3A_2 = arith.muli %add3A, %mul3A_1 : i32
    "tpu.region"() ({
      %run_scoped3A = tpu.sem_alloc : memref<!tpu.dma_semaphore, #tpu.memory_space<semaphore_mem>>
      tpu.enqueue_dma source(%arg3 : memref<80x128xf32, #tpu.memory_space<hbm>>) target(%arg6 : memref<80x128xf32, #tpu.memory_space<vmem>>) target_semaphore(%run_scoped3A : memref<!tpu.dma_semaphore, #tpu.memory_space<semaphore_mem>>)
      tpu.wait_dma2 semaphore(%run_scoped3A : memref<!tpu.dma_semaphore, #tpu.memory_space<semaphore_mem>>) src(%arg3 : memref<80x128xf32, #tpu.memory_space<hbm>>) dst(%arg6 : memref<80x128xf32, #tpu.memory_space<vmem>>)
      tpu.yield
    }) : () -> ()
    %mul3A_3 = arith.constant 640 : i32
    %mul3A_4 = arith.muli %arg1, %mul3A_3 : i32
    "tpu.region"() ({
      %run_scoped3A = tpu.sem_alloc : memref<!tpu.dma_semaphore, #tpu.memory_space<semaphore_mem>>
      %dma_start3A_220 = arith.constant 0 : i32
      %dma_start3A_221 = tpu.memref_slice %arg15[%mul3A_4, %dma_start3A_220] : memref<10240x128xf32, #tpu.memory_space<vmem_shared>> -> memref<640x128xf32, #tpu.memory_space<vmem_shared>>
      tpu.enqueue_dma source(%arg4 : memref<640x128xf32, #tpu.memory_space<hbm>>) target(%dma_start3A_221 : memref<640x128xf32, #tpu.memory_space<vmem_shared>>) target_semaphore(%run_scoped3A : memref<!tpu.dma_semaphore, #tpu.memory_space<semaphore_mem>>)
      %dma_wait3A_222 = arith.constant 0 : i32
      %dma_wait3A_223 = tpu.memref_slice %arg15[%mul3A_4, %dma_wait3A_222] : memref<10240x128xf32, #tpu.memory_space<vmem_shared>> -> memref<640x128xf32, #tpu.memory_space<vmem_shared>>
      tpu.wait_dma2 semaphore(%run_scoped3A : memref<!tpu.dma_semaphore, #tpu.memory_space<semaphore_mem>>) src(%arg4 : memref<640x128xf32, #tpu.memory_space<hbm>>) dst(%dma_wait3A_223 : memref<640x128xf32, #tpu.memory_space<vmem_shared>>)
      tpu.yield
    }) : () -> ()
    %barrier3A = arith.constant 0 : index
    tpu.barrier barrier_id(%barrier3A)
    %add3A_5 = arith.constant 0 : i32
    %add3A_6 = arith.addi %mul3A_2, %add3A_5 : i32
    %multiple_of3A = tpu.assume_multiple %add3A_6, 8 : i32
    %dma_start3A = tpu.memref_slice %arg2[%multiple_of3A] : memref<320000xi32, #tpu.memory_space<hbm>> -> memref<80xi32, #tpu.memory_space<hbm>>
    %dma_start3A_7 = tpu.memref_slice %arg2[%multiple_of3A] : memref<320000xi32, #tpu.memory_space<hbm>> -> memref<80xi32, #tpu.memory_space<hbm>>
    tpu.enqueue_dma source(%dma_start3A_7 : memref<80xi32, #tpu.memory_space<hbm>>) target(%arg7 : memref<80xi32, #tpu.memory_space<vmem>>) target_semaphore(%arg16 : memref<!tpu.dma_semaphore, #tpu.memory_space<semaphore_mem>>)
    %add3A_8 = arith.constant 80 : i32
    %add3A_9 = arith.addi %mul3A_2, %add3A_8 : i32
    %multiple_of3A_10 = tpu.assume_multiple %add3A_9, 8 : i32
    %dma_start3A_11 = tpu.memref_slice %arg2[%multiple_of3A_10] : memref<320000xi32, #tpu.memory_space<hbm>> -> memref<80xi32, #tpu.memory_space<hbm>>
    %dma_start3A_12 = tpu.memref_slice %arg2[%multiple_of3A_10] : memref<320000xi32, #tpu.memory_space<hbm>> -> memref<80xi32, #tpu.memory_space<hbm>>
    tpu.enqueue_dma source(%dma_start3A_12 : memref<80xi32, #tpu.memory_space<hbm>>) target(%arg8 : memref<80xi32, #tpu.memory_space<vmem>>) target_semaphore(%arg17 : memref<!tpu.dma_semaphore, #tpu.memory_space<semaphore_mem>>)
    %add3A_13 = arith.constant 160 : i32
    %add3A_14 = arith.addi %mul3A_2, %add3A_13 : i32
    %multiple_of3A_15 = tpu.assume_multiple %add3A_14, 8 : i32
    %dma_start3A_16 = tpu.memref_slice %arg2[%multiple_of3A_15] : memref<320000xi32, #tpu.memory_space<hbm>> -> memref<80xi32, #tpu.memory_space<hbm>>
    %dma_start3A_17 = tpu.memref_slice %arg2[%multiple_of3A_15] : memref<320000xi32, #tpu.memory_space<hbm>> -> memref<80xi32, #tpu.memory_space<hbm>>
    tpu.enqueue_dma source(%dma_start3A_17 : memref<80xi32, #tpu.memory_space<hbm>>) target(%arg9 : memref<80xi32, #tpu.memory_space<vmem>>) target_semaphore(%arg18 : memref<!tpu.dma_semaphore, #tpu.memory_space<semaphore_mem>>)
    %add3A_18 = arith.constant 240 : i32
    %add3A_19 = arith.addi %mul3A_2, %add3A_18 : i32
    %multiple_of3A_20 = tpu.assume_multiple %add3A_19, 8 : i32
    %dma_start3A_21 = tpu.memref_slice %arg2[%multiple_of3A_20] : memref<320000xi32, #tpu.memory_space<hbm>> -> memref<80xi32, #tpu.memory_space<hbm>>
    %dma_start3A_22 = tpu.memref_slice %arg2[%multiple_of3A_20] : memref<320000xi32, #tpu.memory_space<hbm>> -> memref<80xi32, #tpu.memory_space<hbm>>
    tpu.enqueue_dma source(%dma_start3A_22 : memref<80xi32, #tpu.memory_space<hbm>>) target(%arg10 : memref<80xi32, #tpu.memory_space<vmem>>) target_semaphore(%arg19 : memref<!tpu.dma_semaphore, #tpu.memory_space<semaphore_mem>>)
    %add3A_23 = arith.constant 0 : i32
    %add3A_24 = arith.addi %mul3A_2, %add3A_23 : i32
    %multiple_of3A_25 = tpu.assume_multiple %add3A_24, 8 : i32
    %dma_wait3A = tpu.memref_slice %arg2[%multiple_of3A_25] : memref<320000xi32, #tpu.memory_space<hbm>> -> memref<80xi32, #tpu.memory_space<hbm>>
    %dma_wait3A_26 = tpu.memref_slice %arg2[%multiple_of3A_25] : memref<320000xi32, #tpu.memory_space<hbm>> -> memref<80xi32, #tpu.memory_space<hbm>>
    tpu.wait_dma2 semaphore(%arg16 : memref<!tpu.dma_semaphore, #tpu.memory_space<semaphore_mem>>) src(%dma_wait3A_26 : memref<80xi32, #tpu.memory_space<hbm>>) dst(%arg7 : memref<80xi32, #tpu.memory_space<vmem>>)
    %dma_start3A_27 = arith.constant 0 : i32
    %dma_start3A_28 = arith.constant 0 : i32
    %dma_start3A_29 = tpu.memref_slice %arg15[%dma_start3A_27, %dma_start3A_28] : memref<10240x128xf32, #tpu.memory_space<vmem_shared>> -> memref<10240x128xf32, #tpu.memory_space<vmem_shared>>
    tpu.enqueue_indirect_dma source(%arg6 : memref<80x128xf32, #tpu.memory_space<vmem>>) target(%dma_start3A_29 : memref<10240x128xf32, #tpu.memory_space<vmem_shared>>) offsets(%arg7 : memref<80xi32, #tpu.memory_space<vmem>>) semaphore(%arg24 : memref<!tpu.dma_semaphore, #tpu.memory_space<semaphore_mem>>) {add = true}
    %add3A_30 = arith.constant 320 : i32
    %add3A_31 = arith.addi %mul3A_2, %add3A_30 : i32
    %multiple_of3A_32 = tpu.assume_multiple %add3A_31, 8 : i32
    %dma_start3A_33 = tpu.memref_slice %arg2[%multiple_of3A_32] : memref<320000xi32, #tpu.memory_space<hbm>> -> memref<80xi32, #tpu.memory_space<hbm>>
    %dma_start3A_34 = tpu.memref_slice %arg2[%multiple_of3A_32] : memref<320000xi32, #tpu.memory_space<hbm>> -> memref<80xi32, #tpu.memory_space<hbm>>
    tpu.enqueue_dma source(%dma_start3A_34 : memref<80xi32, #tpu.memory_space<hbm>>) target(%arg11 : memref<80xi32, #tpu.memory_space<vmem>>) target_semaphore(%arg20 : memref<!tpu.dma_semaphore, #tpu.memory_space<semaphore_mem>>)
    %add3A_35 = arith.constant 80 : i32
    %add3A_36 = arith.addi %mul3A_2, %add3A_35 : i32
    %multiple_of3A_37 = tpu.assume_multiple %add3A_36, 8 : i32
    %dma_wait3A_38 = tpu.memref_slice %arg2[%multiple_of3A_37] : memref<320000xi32, #tpu.memory_space<hbm>> -> memref<80xi32, #tpu.memory_space<hbm>>
    %dma_wait3A_39 = tpu.memref_slice %arg2[%multiple_of3A_37] : memref<320000xi32, #tpu.memory_space<hbm>> -> memref<80xi32, #tpu.memory_space<hbm>>
    tpu.wait_dma2 semaphore(%arg17 : memref<!tpu.dma_semaphore, #tpu.memory_space<semaphore_mem>>) src(%dma_wait3A_39 : memref<80xi32, #tpu.memory_space<hbm>>) dst(%arg8 : memref<80xi32, #tpu.memory_space<vmem>>)
    %dma_start3A_40 = arith.constant 0 : i32
    %dma_start3A_41 = arith.constant 0 : i32
    %dma_start3A_42 = tpu.memref_slice %arg15[%dma_start3A_40, %dma_start3A_41] : memref<10240x128xf32, #tpu.memory_space<vmem_shared>> -> memref<10240x128xf32, #tpu.memory_space<vmem_shared>>
    tpu.enqueue_indirect_dma source(%arg6 : memref<80x128xf32, #tpu.memory_space<vmem>>) target(%dma_start3A_42 : memref<10240x128xf32, #tpu.memory_space<vmem_shared>>) offsets(%arg8 : memref<80xi32, #tpu.memory_space<vmem>>) semaphore(%arg25 : memref<!tpu.dma_semaphore, #tpu.memory_space<semaphore_mem>>) {add = true}
    %add3A_43 = arith.constant 400 : i32
    %add3A_44 = arith.addi %mul3A_2, %add3A_43 : i32
    %multiple_of3A_45 = tpu.assume_multiple %add3A_44, 8 : i32
    %dma_start3A_46 = tpu.memref_slice %arg2[%multiple_of3A_45] : memref<320000xi32, #tpu.memory_space<hbm>> -> memref<80xi32, #tpu.memory_space<hbm>>
    %dma_start3A_47 = tpu.memref_slice %arg2[%multiple_of3A_45] : memref<320000xi32, #tpu.memory_space<hbm>> -> memref<80xi32, #tpu.memory_space<hbm>>
    tpu.enqueue_dma source(%dma_start3A_47 : memref<80xi32, #tpu.memory_space<hbm>>) target(%arg12 : memref<80xi32, #tpu.memory_space<vmem>>) target_semaphore(%arg21 : memref<!tpu.dma_semaphore, #tpu.memory_space<semaphore_mem>>)
    %add3A_48 = arith.constant 160 : i32
    %add3A_49 = arith.addi %mul3A_2, %add3A_48 : i32
    %multiple_of3A_50 = tpu.assume_multiple %add3A_49, 8 : i32
    %dma_wait3A_51 = tpu.memref_slice %arg2[%multiple_of3A_50] : memref<320000xi32, #tpu.memory_space<hbm>> -> memref<80xi32, #tpu.memory_space<hbm>>
    %dma_wait3A_52 = tpu.memref_slice %arg2[%multiple_of3A_50] : memref<320000xi32, #tpu.memory_space<hbm>> -> memref<80xi32, #tpu.memory_space<hbm>>
    tpu.wait_dma2 semaphore(%arg18 : memref<!tpu.dma_semaphore, #tpu.memory_space<semaphore_mem>>) src(%dma_wait3A_52 : memref<80xi32, #tpu.memory_space<hbm>>) dst(%arg9 : memref<80xi32, #tpu.memory_space<vmem>>)
    %dma_start3A_53 = arith.constant 0 : i32
    %dma_start3A_54 = arith.constant 0 : i32
    %dma_start3A_55 = tpu.memref_slice %arg15[%dma_start3A_53, %dma_start3A_54] : memref<10240x128xf32, #tpu.memory_space<vmem_shared>> -> memref<10240x128xf32, #tpu.memory_space<vmem_shared>>
    tpu.enqueue_indirect_dma source(%arg6 : memref<80x128xf32, #tpu.memory_space<vmem>>) target(%dma_start3A_55 : memref<10240x128xf32, #tpu.memory_space<vmem_shared>>) offsets(%arg9 : memref<80xi32, #tpu.memory_space<vmem>>) semaphore(%arg26 : memref<!tpu.dma_semaphore, #tpu.memory_space<semaphore_mem>>) {add = true}
    %add3A_56 = arith.constant 480 : i32
    %add3A_57 = arith.addi %mul3A_2, %add3A_56 : i32
    %multiple_of3A_58 = tpu.assume_multiple %add3A_57, 8 : i32
    %dma_start3A_59 = tpu.memref_slice %arg2[%multiple_of3A_58] : memref<320000xi32, #tpu.memory_space<hbm>> -> memref<80xi32, #tpu.memory_space<hbm>>
    %dma_start3A_60 = tpu.memref_slice %arg2[%multiple_of3A_58] : memref<320000xi32, #tpu.memory_space<hbm>> -> memref<80xi32, #tpu.memory_space<hbm>>
    tpu.enqueue_dma source(%dma_start3A_60 : memref<80xi32, #tpu.memory_space<hbm>>) target(%arg13 : memref<80xi32, #tpu.memory_space<vmem>>) target_semaphore(%arg22 : memref<!tpu.dma_semaphore, #tpu.memory_space<semaphore_mem>>)
    %add3A_61 = arith.constant 240 : i32
    %add3A_62 = arith.addi %mul3A_2, %add3A_61 : i32
    %multiple_of3A_63 = tpu.assume_multiple %add3A_62, 8 : i32
    %dma_wait3A_64 = tpu.memref_slice %arg2[%multiple_of3A_63] : memref<320000xi32, #tpu.memory_space<hbm>> -> memref<80xi32, #tpu.memory_space<hbm>>
    %dma_wait3A_65 = tpu.memref_slice %arg2[%multiple_of3A_63] : memref<320000xi32, #tpu.memory_space<hbm>> -> memref<80xi32, #tpu.memory_space<hbm>>
    tpu.wait_dma2 semaphore(%arg19 : memref<!tpu.dma_semaphore, #tpu.memory_space<semaphore_mem>>) src(%dma_wait3A_65 : memref<80xi32, #tpu.memory_space<hbm>>) dst(%arg10 : memref<80xi32, #tpu.memory_space<vmem>>)
    %dma_start3A_66 = arith.constant 0 : i32
    %dma_start3A_67 = arith.constant 0 : i32
    %dma_start3A_68 = tpu.memref_slice %arg15[%dma_start3A_66, %dma_start3A_67] : memref<10240x128xf32, #tpu.memory_space<vmem_shared>> -> memref<10240x128xf32, #tpu.memory_space<vmem_shared>>
    tpu.enqueue_indirect_dma source(%arg6 : memref<80x128xf32, #tpu.memory_space<vmem>>) target(%dma_start3A_68 : memref<10240x128xf32, #tpu.memory_space<vmem_shared>>) offsets(%arg10 : memref<80xi32, #tpu.memory_space<vmem>>) semaphore(%arg27 : memref<!tpu.dma_semaphore, #tpu.memory_space<semaphore_mem>>) {add = true}
    %add3A_69 = arith.constant 560 : i32
    %add3A_70 = arith.addi %mul3A_2, %add3A_69 : i32
    %multiple_of3A_71 = tpu.assume_multiple %add3A_70, 8 : i32
    %dma_start3A_72 = tpu.memref_slice %arg2[%multiple_of3A_71] : memref<320000xi32, #tpu.memory_space<hbm>> -> memref<80xi32, #tpu.memory_space<hbm>>
    %dma_start3A_73 = tpu.memref_slice %arg2[%multiple_of3A_71] : memref<320000xi32, #tpu.memory_space<hbm>> -> memref<80xi32, #tpu.memory_space<hbm>>
    tpu.enqueue_dma source(%dma_start3A_73 : memref<80xi32, #tpu.memory_space<hbm>>) target(%arg14 : memref<80xi32, #tpu.memory_space<vmem>>) target_semaphore(%arg23 : memref<!tpu.dma_semaphore, #tpu.memory_space<semaphore_mem>>)
    %scan3A = arith.constant 0 : i32
    %scan3A_74 = arith.constant 0 : i32
    %scan3A_75 = arith.constant 14 : i32
    %scan3A_76 = arith.addi %scan3A_74, %scan3A_75 : i32
    %scan3A_77 = arith.constant 1 : i32
    scf.for %scan3A_220 = %scan3A_74 to %scan3A_76 step %scan3A_77  : i32 {
      %mul3A_221 = arith.constant 8 : i32
      %mul3A_222 = arith.muli %scan3A_220, %mul3A_221 : i32
      %add3A_223 = arith.constant 4 : i32
      %add3A_224 = arith.addi %mul3A_222, %add3A_223 : i32
      %mul3A_225 = arith.constant 80 : i32
      %mul3A_226 = arith.muli %add3A_224, %mul3A_225 : i32
      %add3A_227 = arith.addi %mul3A_2, %mul3A_226 : i32
      %multiple_of3A_228 = tpu.assume_multiple %add3A_227, 8 : i32
      %dma_wait3A_229 = tpu.memref_slice %arg2[%multiple_of3A_228] : memref<320000xi32, #tpu.memory_space<hbm>> -> memref<80xi32, #tpu.memory_space<hbm>>
      %dma_wait3A_230 = tpu.memref_slice %arg2[%multiple_of3A_228] : memref<320000xi32, #tpu.memory_space<hbm>> -> memref<80xi32, #tpu.memory_space<hbm>>
      tpu.wait_dma2 semaphore(%arg20 : memref<!tpu.dma_semaphore, #tpu.memory_space<semaphore_mem>>) src(%dma_wait3A_230 : memref<80xi32, #tpu.memory_space<hbm>>) dst(%arg11 : memref<80xi32, #tpu.memory_space<vmem>>)
      %dma_start3A_231 = arith.constant 0 : i32
      %dma_start3A_232 = arith.constant 0 : i32
      %dma_start3A_233 = tpu.memref_slice %arg15[%dma_start3A_231, %dma_start3A_232] : memref<10240x128xf32, #tpu.memory_space<vmem_shared>> -> memref<10240x128xf32, #tpu.memory_space<vmem_shared>>
      tpu.enqueue_indirect_dma source(%arg6 : memref<80x128xf32, #tpu.memory_space<vmem>>) target(%dma_start3A_233 : memref<10240x128xf32, #tpu.memory_space<vmem_shared>>) offsets(%arg11 : memref<80xi32, #tpu.memory_space<vmem>>) semaphore(%arg28 : memref<!tpu.dma_semaphore, #tpu.memory_space<semaphore_mem>>) {add = true}
      %dma_wait3A_234 = arith.constant 0 : i32
      %dma_wait3A_235 = arith.constant 0 : i32
      %dma_wait3A_236 = tpu.memref_slice %arg15[%dma_wait3A_234, %dma_wait3A_235] : memref<10240x128xf32, #tpu.memory_space<vmem_shared>> -> memref<10240x128xf32, #tpu.memory_space<vmem_shared>>
      tpu.wait_indirect_dma semaphore(%arg24 : memref<!tpu.dma_semaphore, #tpu.memory_space<semaphore_mem>>) src(%arg6 : memref<80x128xf32, #tpu.memory_space<vmem>>) dst(%dma_wait3A_236 : memref<10240x128xf32, #tpu.memory_space<vmem_shared>>)
      %add3A_237 = arith.constant 4 : i32
      %add3A_238 = arith.addi %add3A_224, %add3A_237 : i32
      %mul3A_239 = arith.constant 80 : i32
      %mul3A_240 = arith.muli %add3A_238, %mul3A_239 : i32
      %add3A_241 = arith.addi %mul3A_2, %mul3A_240 : i32
      %multiple_of3A_242 = tpu.assume_multiple %add3A_241, 8 : i32
      %dma_start3A_243 = tpu.memref_slice %arg2[%multiple_of3A_242] : memref<320000xi32, #tpu.memory_space<hbm>> -> memref<80xi32, #tpu.memory_space<hbm>>
      %dma_start3A_244 = tpu.memref_slice %arg2[%multiple_of3A_242] : memref<320000xi32, #tpu.memory_space<hbm>> -> memref<80xi32, #tpu.memory_space<hbm>>
      tpu.enqueue_dma source(%dma_start3A_244 : memref<80xi32, #tpu.memory_space<hbm>>) target(%arg7 : memref<80xi32, #tpu.memory_space<vmem>>) target_semaphore(%arg16 : memref<!tpu.dma_semaphore, #tpu.memory_space<semaphore_mem>>)
      %mul3A_245 = arith.constant 8 : i32
      %mul3A_246 = arith.muli %scan3A_220, %mul3A_245 : i32
      %add3A_247 = arith.constant 5 : i32
      %add3A_248 = arith.addi %mul3A_246, %add3A_247 : i32
      %mul3A_249 = arith.constant 80 : i32
      %mul3A_250 = arith.muli %add3A_248, %mul3A_249 : i32
      %add3A_251 = arith.addi %mul3A_2, %mul3A_250 : i32
      %multiple_of3A_252 = tpu.assume_multiple %add3A_251, 8 : i32
      %dma_wait3A_253 = tpu.memref_slice %arg2[%multiple_of3A_252] : memref<320000xi32, #tpu.memory_space<hbm>> -> memref<80xi32, #tpu.memory_space<hbm>>
      %dma_wait3A_254 = tpu.memref_slice %arg2[%multiple_of3A_252] : memref<320000xi32, #tpu.memory_space<hbm>> -> memref<80xi32, #tpu.memory_space<hbm>>
      tpu.wait_dma2 semaphore(%arg21 : memref<!tpu.dma_semaphore, #tpu.memory_space<semaphore_mem>>) src(%dma_wait3A_254 : memref<80xi32, #tpu.memory_space<hbm>>) dst(%arg12 : memref<80xi32, #tpu.memory_space<vmem>>)
      %dma_start3A_255 = arith.constant 0 : i32
      %dma_start3A_256 = arith.constant 0 : i32
      %dma_start3A_257 = tpu.memref_slice %arg15[%dma_start3A_255, %dma_start3A_256] : memref<10240x128xf32, #tpu.memory_space<vmem_shared>> -> memref<10240x128xf32, #tpu.memory_space<vmem_shared>>
      tpu.enqueue_indirect_dma source(%arg6 : memref<80x128xf32, #tpu.memory_space<vmem>>) target(%dma_start3A_257 : memref<10240x128xf32, #tpu.memory_space<vmem_shared>>) offsets(%arg12 : memref<80xi32, #tpu.memory_space<vmem>>) semaphore(%arg29 : memref<!tpu.dma_semaphore, #tpu.memory_space<semaphore_mem>>) {add = true}
      %dma_wait3A_258 = arith.constant 0 : i32
      %dma_wait3A_259 = arith.constant 0 : i32
      %dma_wait3A_260 = tpu.memref_slice %arg15[%dma_wait3A_258, %dma_wait3A_259] : memref<10240x128xf32, #tpu.memory_space<vmem_shared>> -> memref<10240x128xf32, #tpu.memory_space<vmem_shared>>
      tpu.wait_indirect_dma semaphore(%arg25 : memref<!tpu.dma_semaphore, #tpu.memory_space<semaphore_mem>>) src(%arg6 : memref<80x128xf32, #tpu.memory_space<vmem>>) dst(%dma_wait3A_260 : memref<10240x128xf32, #tpu.memory_space<vmem_shared>>)
      %add3A_261 = arith.constant 4 : i32
      %add3A_262 = arith.addi %add3A_248, %add3A_261 : i32
      %mul3A_263 = arith.constant 80 : i32
      %mul3A_264 = arith.muli %add3A_262, %mul3A_263 : i32
      %add3A_265 = arith.addi %mul3A_2, %mul3A_264 : i32
      %multiple_of3A_266 = tpu.assume_multiple %add3A_265, 8 : i32
      %dma_start3A_267 = tpu.memref_slice %arg2[%multiple_of3A_266] : memref<320000xi32, #tpu.memory_space<hbm>> -> memref<80xi32, #tpu.memory_space<hbm>>
      %dma_start3A_268 = tpu.memref_slice %arg2[%multiple_of3A_266] : memref<320000xi32, #tpu.memory_space<hbm>> -> memref<80xi32, #tpu.memory_space<hbm>>
      tpu.enqueue_dma source(%dma_start3A_268 : memref<80xi32, #tpu.memory_space<hbm>>) target(%arg8 : memref<80xi32, #tpu.memory_space<vmem>>) target_semaphore(%arg17 : memref<!tpu.dma_semaphore, #tpu.memory_space<semaphore_mem>>)
      %mul3A_269 = arith.constant 8 : i32
      %mul3A_270 = arith.muli %scan3A_220, %mul3A_269 : i32
      %add3A_271 = arith.constant 6 : i32
      %add3A_272 = arith.addi %mul3A_270, %add3A_271 : i32
      %mul3A_273 = arith.constant 80 : i32
      %mul3A_274 = arith.muli %add3A_272, %mul3A_273 : i32
      %add3A_275 = arith.addi %mul3A_2, %mul3A_274 : i32
      %multiple_of3A_276 = tpu.assume_multiple %add3A_275, 8 : i32
      %dma_wait3A_277 = tpu.memref_slice %arg2[%multiple_of3A_276] : memref<320000xi32, #tpu.memory_space<hbm>> -> memref<80xi32, #tpu.memory_space<hbm>>
      %dma_wait3A_278 = tpu.memref_slice %arg2[%multiple_of3A_276] : memref<320000xi32, #tpu.memory_space<hbm>> -> memref<80xi32, #tpu.memory_space<hbm>>
      tpu.wait_dma2 semaphore(%arg22 : memref<!tpu.dma_semaphore, #tpu.memory_space<semaphore_mem>>) src(%dma_wait3A_278 : memref<80xi32, #tpu.memory_space<hbm>>) dst(%arg13 : memref<80xi32, #tpu.memory_space<vmem>>)
      %dma_start3A_279 = arith.constant 0 : i32
      %dma_start3A_280 = arith.constant 0 : i32
      %dma_start3A_281 = tpu.memref_slice %arg15[%dma_start3A_279, %dma_start3A_280] : memref<10240x128xf32, #tpu.memory_space<vmem_shared>> -> memref<10240x128xf32, #tpu.memory_space<vmem_shared>>
      tpu.enqueue_indirect_dma source(%arg6 : memref<80x128xf32, #tpu.memory_space<vmem>>) target(%dma_start3A_281 : memref<10240x128xf32, #tpu.memory_space<vmem_shared>>) offsets(%arg13 : memref<80xi32, #tpu.memory_space<vmem>>) semaphore(%arg30 : memref<!tpu.dma_semaphore, #tpu.memory_space<semaphore_mem>>) {add = true}
      %dma_wait3A_282 = arith.constant 0 : i32
      %dma_wait3A_283 = arith.constant 0 : i32
      %dma_wait3A_284 = tpu.memref_slice %arg15[%dma_wait3A_282, %dma_wait3A_283] : memref<10240x128xf32, #tpu.memory_space<vmem_shared>> -> memref<10240x128xf32, #tpu.memory_space<vmem_shared>>
      tpu.wait_indirect_dma semaphore(%arg26 : memref<!tpu.dma_semaphore, #tpu.memory_space<semaphore_mem>>) src(%arg6 : memref<80x128xf32, #tpu.memory_space<vmem>>) dst(%dma_wait3A_284 : memref<10240x128xf32, #tpu.memory_space<vmem_shared>>)
      %add3A_285 = arith.constant 4 : i32
      %add3A_286 = arith.addi %add3A_272, %add3A_285 : i32
      %mul3A_287 = arith.constant 80 : i32
      %mul3A_288 = arith.muli %add3A_286, %mul3A_287 : i32
      %add3A_289 = arith.addi %mul3A_2, %mul3A_288 : i32
      %multiple_of3A_290 = tpu.assume_multiple %add3A_289, 8 : i32
      %dma_start3A_291 = tpu.memref_slice %arg2[%multiple_of3A_290] : memref<320000xi32, #tpu.memory_space<hbm>> -> memref<80xi32, #tpu.memory_space<hbm>>
      %dma_start3A_292 = tpu.memref_slice %arg2[%multiple_of3A_290] : memref<320000xi32, #tpu.memory_space<hbm>> -> memref<80xi32, #tpu.memory_space<hbm>>
      tpu.enqueue_dma source(%dma_start3A_292 : memref<80xi32, #tpu.memory_space<hbm>>) target(%arg9 : memref<80xi32, #tpu.memory_space<vmem>>) target_semaphore(%arg18 : memref<!tpu.dma_semaphore, #tpu.memory_space<semaphore_mem>>)
      %mul3A_293 = arith.constant 8 : i32
      %mul3A_294 = arith.muli %scan3A_220, %mul3A_293 : i32
      %add3A_295 = arith.constant 7 : i32
      %add3A_296 = arith.addi %mul3A_294, %add3A_295 : i32
      %mul3A_297 = arith.constant 80 : i32
      %mul3A_298 = arith.muli %add3A_296, %mul3A_297 : i32
      %add3A_299 = arith.addi %mul3A_2, %mul3A_298 : i32
      %multiple_of3A_300 = tpu.assume_multiple %add3A_299, 8 : i32
      %dma_wait3A_301 = tpu.memref_slice %arg2[%multiple_of3A_300] : memref<320000xi32, #tpu.memory_space<hbm>> -> memref<80xi32, #tpu.memory_space<hbm>>
      %dma_wait3A_302 = tpu.memref_slice %arg2[%multiple_of3A_300] : memref<320000xi32, #tpu.memory_space<hbm>> -> memref<80xi32, #tpu.memory_space<hbm>>
      tpu.wait_dma2 semaphore(%arg23 : memref<!tpu.dma_semaphore, #tpu.memory_space<semaphore_mem>>) src(%dma_wait3A_302 : memref<80xi32, #tpu.memory_space<hbm>>) dst(%arg14 : memref<80xi32, #tpu.memory_space<vmem>>)
      %dma_start3A_303 = arith.constant 0 : i32
      %dma_start3A_304 = arith.constant 0 : i32
      %dma_start3A_305 = tpu.memref_slice %arg15[%dma_start3A_303, %dma_start3A_304] : memref<10240x128xf32, #tpu.memory_space<vmem_shared>> -> memref<10240x128xf32, #tpu.memory_space<vmem_shared>>
      tpu.enqueue_indirect_dma source(%arg6 : memref<80x128xf32, #tpu.memory_space<vmem>>) target(%dma_start3A_305 : memref<10240x128xf32, #tpu.memory_space<vmem_shared>>) offsets(%arg14 : memref<80xi32, #tpu.memory_space<vmem>>) semaphore(%arg31 : memref<!tpu.dma_semaphore, #tpu.memory_space<semaphore_mem>>) {add = true}
      %dma_wait3A_306 = arith.constant 0 : i32
      %dma_wait3A_307 = arith.constant 0 : i32
      %dma_wait3A_308 = tpu.memref_slice %arg15[%dma_wait3A_306, %dma_wait3A_307] : memref<10240x128xf32, #tpu.memory_space<vmem_shared>> -> memref<10240x128xf32, #tpu.memory_space<vmem_shared>>
      tpu.wait_indirect_dma semaphore(%arg27 : memref<!tpu.dma_semaphore, #tpu.memory_space<semaphore_mem>>) src(%arg6 : memref<80x128xf32, #tpu.memory_space<vmem>>) dst(%dma_wait3A_308 : memref<10240x128xf32, #tpu.memory_space<vmem_shared>>)
      %add3A_309 = arith.constant 4 : i32
      %add3A_310 = arith.addi %add3A_296, %add3A_309 : i32
      %mul3A_311 = arith.constant 80 : i32
      %mul3A_312 = arith.muli %add3A_310, %mul3A_311 : i32
      %add3A_313 = arith.addi %mul3A_2, %mul3A_312 : i32
      %multiple_of3A_314 = tpu.assume_multiple %add3A_313, 8 : i32
      %dma_start3A_315 = tpu.memref_slice %arg2[%multiple_of3A_314] : memref<320000xi32, #tpu.memory_space<hbm>> -> memref<80xi32, #tpu.memory_space<hbm>>
      %dma_start3A_316 = tpu.memref_slice %arg2[%multiple_of3A_314] : memref<320000xi32, #tpu.memory_space<hbm>> -> memref<80xi32, #tpu.memory_space<hbm>>
      tpu.enqueue_dma source(%dma_start3A_316 : memref<80xi32, #tpu.memory_space<hbm>>) target(%arg10 : memref<80xi32, #tpu.memory_space<vmem>>) target_semaphore(%arg19 : memref<!tpu.dma_semaphore, #tpu.memory_space<semaphore_mem>>)
      %mul3A_317 = arith.constant 8 : i32
      %mul3A_318 = arith.muli %scan3A_220, %mul3A_317 : i32
      %add3A_319 = arith.constant 8 : i32
      %add3A_320 = arith.addi %mul3A_318, %add3A_319 : i32
      %mul3A_321 = arith.constant 80 : i32
      %mul3A_322 = arith.muli %add3A_320, %mul3A_321 : i32
      %add3A_323 = arith.addi %mul3A_2, %mul3A_322 : i32
      %multiple_of3A_324 = tpu.assume_multiple %add3A_323, 8 : i32
      %dma_wait3A_325 = tpu.memref_slice %arg2[%multiple_of3A_324] : memref<320000xi32, #tpu.memory_space<hbm>> -> memref<80xi32, #tpu.memory_space<hbm>>
      %dma_wait3A_326 = tpu.memref_slice %arg2[%multiple_of3A_324] : memref<320000xi32, #tpu.memory_space<hbm>> -> memref<80xi32, #tpu.memory_space<hbm>>
      tpu.wait_dma2 semaphore(%arg16 : memref<!tpu.dma_semaphore, #tpu.memory_space<semaphore_mem>>) src(%dma_wait3A_326 : memref<80xi32, #tpu.memory_space<hbm>>) dst(%arg7 : memref<80xi32, #tpu.memory_space<vmem>>)
      %dma_start3A_327 = arith.constant 0 : i32
      %dma_start3A_328 = arith.constant 0 : i32
      %dma_start3A_329 = tpu.memref_slice %arg15[%dma_start3A_327, %dma_start3A_328] : memref<10240x128xf32, #tpu.memory_space<vmem_shared>> -> memref<10240x128xf32, #tpu.memory_space<vmem_shared>>
      tpu.enqueue_indirect_dma source(%arg6 : memref<80x128xf32, #tpu.memory_space<vmem>>) target(%dma_start3A_329 : memref<10240x128xf32, #tpu.memory_space<vmem_shared>>) offsets(%arg7 : memref<80xi32, #tpu.memory_space<vmem>>) semaphore(%arg24 : memref<!tpu.dma_semaphore, #tpu.memory_space<semaphore_mem>>) {add = true}
      %dma_wait3A_330 = arith.constant 0 : i32
      %dma_wait3A_331 = arith.constant 0 : i32
      %dma_wait3A_332 = tpu.memref_slice %arg15[%dma_wait3A_330, %dma_wait3A_331] : memref<10240x128xf32, #tpu.memory_space<vmem_shared>> -> memref<10240x128xf32, #tpu.memory_space<vmem_shared>>
      tpu.wait_indirect_dma semaphore(%arg28 : memref<!tpu.dma_semaphore, #tpu.memory_space<semaphore_mem>>) src(%arg6 : memref<80x128xf32, #tpu.memory_space<vmem>>) dst(%dma_wait3A_332 : memref<10240x128xf32, #tpu.memory_space<vmem_shared>>)
      %add3A_333 = arith.constant 4 : i32
      %add3A_334 = arith.addi %add3A_320, %add3A_333 : i32
      %mul3A_335 = arith.constant 80 : i32
      %mul3A_336 = arith.muli %add3A_334, %mul3A_335 : i32
      %add3A_337 = arith.addi %mul3A_2, %mul3A_336 : i32
      %multiple_of3A_338 = tpu.assume_multiple %add3A_337, 8 : i32
      %dma_start3A_339 = tpu.memref_slice %arg2[%multiple_of3A_338] : memref<320000xi32, #tpu.memory_space<hbm>> -> memref<80xi32, #tpu.memory_space<hbm>>
      %dma_start3A_340 = tpu.memref_slice %arg2[%multiple_of3A_338] : memref<320000xi32, #tpu.memory_space<hbm>> -> memref<80xi32, #tpu.memory_space<hbm>>
      tpu.enqueue_dma source(%dma_start3A_340 : memref<80xi32, #tpu.memory_space<hbm>>) target(%arg11 : memref<80xi32, #tpu.memory_space<vmem>>) target_semaphore(%arg20 : memref<!tpu.dma_semaphore, #tpu.memory_space<semaphore_mem>>)
      %mul3A_341 = arith.constant 8 : i32
      %mul3A_342 = arith.muli %scan3A_220, %mul3A_341 : i32
      %add3A_343 = arith.constant 9 : i32
      %add3A_344 = arith.addi %mul3A_342, %add3A_343 : i32
      %mul3A_345 = arith.constant 80 : i32
      %mul3A_346 = arith.muli %add3A_344, %mul3A_345 : i32
      %add3A_347 = arith.addi %mul3A_2, %mul3A_346 : i32
      %multiple_of3A_348 = tpu.assume_multiple %add3A_347, 8 : i32
      %dma_wait3A_349 = tpu.memref_slice %arg2[%multiple_of3A_348] : memref<320000xi32, #tpu.memory_space<hbm>> -> memref<80xi32, #tpu.memory_space<hbm>>
      %dma_wait3A_350 = tpu.memref_slice %arg2[%multiple_of3A_348] : memref<320000xi32, #tpu.memory_space<hbm>> -> memref<80xi32, #tpu.memory_space<hbm>>
      tpu.wait_dma2 semaphore(%arg17 : memref<!tpu.dma_semaphore, #tpu.memory_space<semaphore_mem>>) src(%dma_wait3A_350 : memref<80xi32, #tpu.memory_space<hbm>>) dst(%arg8 : memref<80xi32, #tpu.memory_space<vmem>>)
      %dma_start3A_351 = arith.constant 0 : i32
      %dma_start3A_352 = arith.constant 0 : i32
      %dma_start3A_353 = tpu.memref_slice %arg15[%dma_start3A_351, %dma_start3A_352] : memref<10240x128xf32, #tpu.memory_space<vmem_shared>> -> memref<10240x128xf32, #tpu.memory_space<vmem_shared>>
      tpu.enqueue_indirect_dma source(%arg6 : memref<80x128xf32, #tpu.memory_space<vmem>>) target(%dma_start3A_353 : memref<10240x128xf32, #tpu.memory_space<vmem_shared>>) offsets(%arg8 : memref<80xi32, #tpu.memory_space<vmem>>) semaphore(%arg25 : memref<!tpu.dma_semaphore, #tpu.memory_space<semaphore_mem>>) {add = true}
      %dma_wait3A_354 = arith.constant 0 : i32
      %dma_wait3A_355 = arith.constant 0 : i32
      %dma_wait3A_356 = tpu.memref_slice %arg15[%dma_wait3A_354, %dma_wait3A_355] : memref<10240x128xf32, #tpu.memory_space<vmem_shared>> -> memref<10240x128xf32, #tpu.memory_space<vmem_shared>>
      tpu.wait_indirect_dma semaphore(%arg29 : memref<!tpu.dma_semaphore, #tpu.memory_space<semaphore_mem>>) src(%arg6 : memref<80x128xf32, #tpu.memory_space<vmem>>) dst(%dma_wait3A_356 : memref<10240x128xf32, #tpu.memory_space<vmem_shared>>)
      %add3A_357 = arith.constant 4 : i32
      %add3A_358 = arith.addi %add3A_344, %add3A_357 : i32
      %mul3A_359 = arith.constant 80 : i32
      %mul3A_360 = arith.muli %add3A_358, %mul3A_359 : i32
      %add3A_361 = arith.addi %mul3A_2, %mul3A_360 : i32
      %multiple_of3A_362 = tpu.assume_multiple %add3A_361, 8 : i32
      %dma_start3A_363 = tpu.memref_slice %arg2[%multiple_of3A_362] : memref<320000xi32, #tpu.memory_space<hbm>> -> memref<80xi32, #tpu.memory_space<hbm>>
      %dma_start3A_364 = tpu.memref_slice %arg2[%multiple_of3A_362] : memref<320000xi32, #tpu.memory_space<hbm>> -> memref<80xi32, #tpu.memory_space<hbm>>
      tpu.enqueue_dma source(%dma_start3A_364 : memref<80xi32, #tpu.memory_space<hbm>>) target(%arg12 : memref<80xi32, #tpu.memory_space<vmem>>) target_semaphore(%arg21 : memref<!tpu.dma_semaphore, #tpu.memory_space<semaphore_mem>>)
      %mul3A_365 = arith.constant 8 : i32
      %mul3A_366 = arith.muli %scan3A_220, %mul3A_365 : i32
      %add3A_367 = arith.constant 10 : i32
      %add3A_368 = arith.addi %mul3A_366, %add3A_367 : i32
      %mul3A_369 = arith.constant 80 : i32
      %mul3A_370 = arith.muli %add3A_368, %mul3A_369 : i32
      %add3A_371 = arith.addi %mul3A_2, %mul3A_370 : i32
      %multiple_of3A_372 = tpu.assume_multiple %add3A_371, 8 : i32
      %dma_wait3A_373 = tpu.memref_slice %arg2[%multiple_of3A_372] : memref<320000xi32, #tpu.memory_space<hbm>> -> memref<80xi32, #tpu.memory_space<hbm>>
      %dma_wait3A_374 = tpu.memref_slice %arg2[%multiple_of3A_372] : memref<320000xi32, #tpu.memory_space<hbm>> -> memref<80xi32, #tpu.memory_space<hbm>>
      tpu.wait_dma2 semaphore(%arg18 : memref<!tpu.dma_semaphore, #tpu.memory_space<semaphore_mem>>) src(%dma_wait3A_374 : memref<80xi32, #tpu.memory_space<hbm>>) dst(%arg9 : memref<80xi32, #tpu.memory_space<vmem>>)
      %dma_start3A_375 = arith.constant 0 : i32
      %dma_start3A_376 = arith.constant 0 : i32
      %dma_start3A_377 = tpu.memref_slice %arg15[%dma_start3A_375, %dma_start3A_376] : memref<10240x128xf32, #tpu.memory_space<vmem_shared>> -> memref<10240x128xf32, #tpu.memory_space<vmem_shared>>
      tpu.enqueue_indirect_dma source(%arg6 : memref<80x128xf32, #tpu.memory_space<vmem>>) target(%dma_start3A_377 : memref<10240x128xf32, #tpu.memory_space<vmem_shared>>) offsets(%arg9 : memref<80xi32, #tpu.memory_space<vmem>>) semaphore(%arg26 : memref<!tpu.dma_semaphore, #tpu.memory_space<semaphore_mem>>) {add = true}
      %dma_wait3A_378 = arith.constant 0 : i32
      %dma_wait3A_379 = arith.constant 0 : i32
      %dma_wait3A_380 = tpu.memref_slice %arg15[%dma_wait3A_378, %dma_wait3A_379] : memref<10240x128xf32, #tpu.memory_space<vmem_shared>> -> memref<10240x128xf32, #tpu.memory_space<vmem_shared>>
      tpu.wait_indirect_dma semaphore(%arg30 : memref<!tpu.dma_semaphore, #tpu.memory_space<semaphore_mem>>) src(%arg6 : memref<80x128xf32, #tpu.memory_space<vmem>>) dst(%dma_wait3A_380 : memref<10240x128xf32, #tpu.memory_space<vmem_shared>>)
      %add3A_381 = arith.constant 4 : i32
      %add3A_382 = arith.addi %add3A_368, %add3A_381 : i32
      %mul3A_383 = arith.constant 80 : i32
      %mul3A_384 = arith.muli %add3A_382, %mul3A_383 : i32
      %add3A_385 = arith.addi %mul3A_2, %mul3A_384 : i32
      %multiple_of3A_386 = tpu.assume_multiple %add3A_385, 8 : i32
      %dma_start3A_387 = tpu.memref_slice %arg2[%multiple_of3A_386] : memref<320000xi32, #tpu.memory_space<hbm>> -> memref<80xi32, #tpu.memory_space<hbm>>
      %dma_start3A_388 = tpu.memref_slice %arg2[%multiple_of3A_386] : memref<320000xi32, #tpu.memory_space<hbm>> -> memref<80xi32, #tpu.memory_space<hbm>>
      tpu.enqueue_dma source(%dma_start3A_388 : memref<80xi32, #tpu.memory_space<hbm>>) target(%arg13 : memref<80xi32, #tpu.memory_space<vmem>>) target_semaphore(%arg22 : memref<!tpu.dma_semaphore, #tpu.memory_space<semaphore_mem>>)
      %mul3A_389 = arith.constant 8 : i32
      %mul3A_390 = arith.muli %scan3A_220, %mul3A_389 : i32
      %add3A_391 = arith.constant 11 : i32
      %add3A_392 = arith.addi %mul3A_390, %add3A_391 : i32
      %mul3A_393 = arith.constant 80 : i32
      %mul3A_394 = arith.muli %add3A_392, %mul3A_393 : i32
      %add3A_395 = arith.addi %mul3A_2, %mul3A_394 : i32
      %multiple_of3A_396 = tpu.assume_multiple %add3A_395, 8 : i32
      %dma_wait3A_397 = tpu.memref_slice %arg2[%multiple_of3A_396] : memref<320000xi32, #tpu.memory_space<hbm>> -> memref<80xi32, #tpu.memory_space<hbm>>
      %dma_wait3A_398 = tpu.memref_slice %arg2[%multiple_of3A_396] : memref<320000xi32, #tpu.memory_space<hbm>> -> memref<80xi32, #tpu.memory_space<hbm>>
      tpu.wait_dma2 semaphore(%arg19 : memref<!tpu.dma_semaphore, #tpu.memory_space<semaphore_mem>>) src(%dma_wait3A_398 : memref<80xi32, #tpu.memory_space<hbm>>) dst(%arg10 : memref<80xi32, #tpu.memory_space<vmem>>)
      %dma_start3A_399 = arith.constant 0 : i32
      %dma_start3A_400 = arith.constant 0 : i32
      %dma_start3A_401 = tpu.memref_slice %arg15[%dma_start3A_399, %dma_start3A_400] : memref<10240x128xf32, #tpu.memory_space<vmem_shared>> -> memref<10240x128xf32, #tpu.memory_space<vmem_shared>>
      tpu.enqueue_indirect_dma source(%arg6 : memref<80x128xf32, #tpu.memory_space<vmem>>) target(%dma_start3A_401 : memref<10240x128xf32, #tpu.memory_space<vmem_shared>>) offsets(%arg10 : memref<80xi32, #tpu.memory_space<vmem>>) semaphore(%arg27 : memref<!tpu.dma_semaphore, #tpu.memory_space<semaphore_mem>>) {add = true}
      %dma_wait3A_402 = arith.constant 0 : i32
      %dma_wait3A_403 = arith.constant 0 : i32
      %dma_wait3A_404 = tpu.memref_slice %arg15[%dma_wait3A_402, %dma_wait3A_403] : memref<10240x128xf32, #tpu.memory_space<vmem_shared>> -> memref<10240x128xf32, #tpu.memory_space<vmem_shared>>
      tpu.wait_indirect_dma semaphore(%arg31 : memref<!tpu.dma_semaphore, #tpu.memory_space<semaphore_mem>>) src(%arg6 : memref<80x128xf32, #tpu.memory_space<vmem>>) dst(%dma_wait3A_404 : memref<10240x128xf32, #tpu.memory_space<vmem_shared>>)
      %add3A_405 = arith.constant 4 : i32
      %add3A_406 = arith.addi %add3A_392, %add3A_405 : i32
      %mul3A_407 = arith.constant 80 : i32
      %mul3A_408 = arith.muli %add3A_406, %mul3A_407 : i32
      %add3A_409 = arith.addi %mul3A_2, %mul3A_408 : i32
      %multiple_of3A_410 = tpu.assume_multiple %add3A_409, 8 : i32
      %dma_start3A_411 = tpu.memref_slice %arg2[%multiple_of3A_410] : memref<320000xi32, #tpu.memory_space<hbm>> -> memref<80xi32, #tpu.memory_space<hbm>>
      %dma_start3A_412 = tpu.memref_slice %arg2[%multiple_of3A_410] : memref<320000xi32, #tpu.memory_space<hbm>> -> memref<80xi32, #tpu.memory_space<hbm>>
      tpu.enqueue_dma source(%dma_start3A_412 : memref<80xi32, #tpu.memory_space<hbm>>) target(%arg14 : memref<80xi32, #tpu.memory_space<vmem>>) target_semaphore(%arg23 : memref<!tpu.dma_semaphore, #tpu.memory_space<semaphore_mem>>)
    }
    %scan3A_78 = arith.constant 14 : i32
    %add3A_79 = arith.constant 9280 : i32
    %add3A_80 = arith.addi %mul3A_2, %add3A_79 : i32
    %multiple_of3A_81 = tpu.assume_multiple %add3A_80, 8 : i32
    %dma_wait3A_82 = tpu.memref_slice %arg2[%multiple_of3A_81] : memref<320000xi32, #tpu.memory_space<hbm>> -> memref<80xi32, #tpu.memory_space<hbm>>
    %dma_wait3A_83 = tpu.memref_slice %arg2[%multiple_of3A_81] : memref<320000xi32, #tpu.memory_space<hbm>> -> memref<80xi32, #tpu.memory_space<hbm>>
    tpu.wait_dma2 semaphore(%arg20 : memref<!tpu.dma_semaphore, #tpu.memory_space<semaphore_mem>>) src(%dma_wait3A_83 : memref<80xi32, #tpu.memory_space<hbm>>) dst(%arg11 : memref<80xi32, #tpu.memory_space<vmem>>)
    %dma_start3A_84 = arith.constant 0 : i32
    %dma_start3A_85 = arith.constant 0 : i32
    %dma_start3A_86 = tpu.memref_slice %arg15[%dma_start3A_84, %dma_start3A_85] : memref<10240x128xf32, #tpu.memory_space<vmem_shared>> -> memref<10240x128xf32, #tpu.memory_space<vmem_shared>>
    tpu.enqueue_indirect_dma source(%arg6 : memref<80x128xf32, #tpu.memory_space<vmem>>) target(%dma_start3A_86 : memref<10240x128xf32, #tpu.memory_space<vmem_shared>>) offsets(%arg11 : memref<80xi32, #tpu.memory_space<vmem>>) semaphore(%arg28 : memref<!tpu.dma_semaphore, #tpu.memory_space<semaphore_mem>>) {add = true}
    %dma_wait3A_87 = arith.constant 0 : i32
    %dma_wait3A_88 = arith.constant 0 : i32
    %dma_wait3A_89 = tpu.memref_slice %arg15[%dma_wait3A_87, %dma_wait3A_88] : memref<10240x128xf32, #tpu.memory_space<vmem_shared>> -> memref<10240x128xf32, #tpu.memory_space<vmem_shared>>
    tpu.wait_indirect_dma semaphore(%arg24 : memref<!tpu.dma_semaphore, #tpu.memory_space<semaphore_mem>>) src(%arg6 : memref<80x128xf32, #tpu.memory_space<vmem>>) dst(%dma_wait3A_89 : memref<10240x128xf32, #tpu.memory_space<vmem_shared>>)
    %add3A_90 = arith.constant 9600 : i32
    %add3A_91 = arith.addi %mul3A_2, %add3A_90 : i32
    %multiple_of3A_92 = tpu.assume_multiple %add3A_91, 8 : i32
    %dma_start3A_93 = tpu.memref_slice %arg2[%multiple_of3A_92] : memref<320000xi32, #tpu.memory_space<hbm>> -> memref<80xi32, #tpu.memory_space<hbm>>
    %dma_start3A_94 = tpu.memref_slice %arg2[%multiple_of3A_92] : memref<320000xi32, #tpu.memory_space<hbm>> -> memref<80xi32, #tpu.memory_space<hbm>>
    tpu.enqueue_dma source(%dma_start3A_94 : memref<80xi32, #tpu.memory_space<hbm>>) target(%arg7 : memref<80xi32, #tpu.memory_space<vmem>>) target_semaphore(%arg16 : memref<!tpu.dma_semaphore, #tpu.memory_space<semaphore_mem>>)
    %add3A_95 = arith.constant 9360 : i32
    %add3A_96 = arith.addi %mul3A_2, %add3A_95 : i32
    %multiple_of3A_97 = tpu.assume_multiple %add3A_96, 8 : i32
    %dma_wait3A_98 = tpu.memref_slice %arg2[%multiple_of3A_97] : memref<320000xi32, #tpu.memory_space<hbm>> -> memref<80xi32, #tpu.memory_space<hbm>>
    %dma_wait3A_99 = tpu.memref_slice %arg2[%multiple_of3A_97] : memref<320000xi32, #tpu.memory_space<hbm>> -> memref<80xi32, #tpu.memory_space<hbm>>
    tpu.wait_dma2 semaphore(%arg21 : memref<!tpu.dma_semaphore, #tpu.memory_space<semaphore_mem>>) src(%dma_wait3A_99 : memref<80xi32, #tpu.memory_space<hbm>>) dst(%arg12 : memref<80xi32, #tpu.memory_space<vmem>>)
    %dma_start3A_100 = arith.constant 0 : i32
    %dma_start3A_101 = arith.constant 0 : i32
    %dma_start3A_102 = tpu.memref_slice %arg15[%dma_start3A_100, %dma_start3A_101] : memref<10240x128xf32, #tpu.memory_space<vmem_shared>> -> memref<10240x128xf32, #tpu.memory_space<vmem_shared>>
    tpu.enqueue_indirect_dma source(%arg6 : memref<80x128xf32, #tpu.memory_space<vmem>>) target(%dma_start3A_102 : memref<10240x128xf32, #tpu.memory_space<vmem_shared>>) offsets(%arg12 : memref<80xi32, #tpu.memory_space<vmem>>) semaphore(%arg29 : memref<!tpu.dma_semaphore, #tpu.memory_space<semaphore_mem>>) {add = true}
    %dma_wait3A_103 = arith.constant 0 : i32
    %dma_wait3A_104 = arith.constant 0 : i32
    %dma_wait3A_105 = tpu.memref_slice %arg15[%dma_wait3A_103, %dma_wait3A_104] : memref<10240x128xf32, #tpu.memory_space<vmem_shared>> -> memref<10240x128xf32, #tpu.memory_space<vmem_shared>>
    tpu.wait_indirect_dma semaphore(%arg25 : memref<!tpu.dma_semaphore, #tpu.memory_space<semaphore_mem>>) src(%arg6 : memref<80x128xf32, #tpu.memory_space<vmem>>) dst(%dma_wait3A_105 : memref<10240x128xf32, #tpu.memory_space<vmem_shared>>)
    %add3A_106 = arith.constant 9680 : i32
    %add3A_107 = arith.addi %mul3A_2, %add3A_106 : i32
    %multiple_of3A_108 = tpu.assume_multiple %add3A_107, 8 : i32
    %dma_start3A_109 = tpu.memref_slice %arg2[%multiple_of3A_108] : memref<320000xi32, #tpu.memory_space<hbm>> -> memref<80xi32, #tpu.memory_space<hbm>>
    %dma_start3A_110 = tpu.memref_slice %arg2[%multiple_of3A_108] : memref<320000xi32, #tpu.memory_space<hbm>> -> memref<80xi32, #tpu.memory_space<hbm>>
    tpu.enqueue_dma source(%dma_start3A_110 : memref<80xi32, #tpu.memory_space<hbm>>) target(%arg8 : memref<80xi32, #tpu.memory_space<vmem>>) target_semaphore(%arg17 : memref<!tpu.dma_semaphore, #tpu.memory_space<semaphore_mem>>)
    %add3A_111 = arith.constant 9440 : i32
    %add3A_112 = arith.addi %mul3A_2, %add3A_111 : i32
    %multiple_of3A_113 = tpu.assume_multiple %add3A_112, 8 : i32
    %dma_wait3A_114 = tpu.memref_slice %arg2[%multiple_of3A_113] : memref<320000xi32, #tpu.memory_space<hbm>> -> memref<80xi32, #tpu.memory_space<hbm>>
    %dma_wait3A_115 = tpu.memref_slice %arg2[%multiple_of3A_113] : memref<320000xi32, #tpu.memory_space<hbm>> -> memref<80xi32, #tpu.memory_space<hbm>>
    tpu.wait_dma2 semaphore(%arg22 : memref<!tpu.dma_semaphore, #tpu.memory_space<semaphore_mem>>) src(%dma_wait3A_115 : memref<80xi32, #tpu.memory_space<hbm>>) dst(%arg13 : memref<80xi32, #tpu.memory_space<vmem>>)
    %dma_start3A_116 = arith.constant 0 : i32
    %dma_start3A_117 = arith.constant 0 : i32
    %dma_start3A_118 = tpu.memref_slice %arg15[%dma_start3A_116, %dma_start3A_117] : memref<10240x128xf32, #tpu.memory_space<vmem_shared>> -> memref<10240x128xf32, #tpu.memory_space<vmem_shared>>
    tpu.enqueue_indirect_dma source(%arg6 : memref<80x128xf32, #tpu.memory_space<vmem>>) target(%dma_start3A_118 : memref<10240x128xf32, #tpu.memory_space<vmem_shared>>) offsets(%arg13 : memref<80xi32, #tpu.memory_space<vmem>>) semaphore(%arg30 : memref<!tpu.dma_semaphore, #tpu.memory_space<semaphore_mem>>) {add = true}
    %dma_wait3A_119 = arith.constant 0 : i32
    %dma_wait3A_120 = arith.constant 0 : i32
    %dma_wait3A_121 = tpu.memref_slice %arg15[%dma_wait3A_119, %dma_wait3A_120] : memref<10240x128xf32, #tpu.memory_space<vmem_shared>> -> memref<10240x128xf32, #tpu.memory_space<vmem_shared>>
    tpu.wait_indirect_dma semaphore(%arg26 : memref<!tpu.dma_semaphore, #tpu.memory_space<semaphore_mem>>) src(%arg6 : memref<80x128xf32, #tpu.memory_space<vmem>>) dst(%dma_wait3A_121 : memref<10240x128xf32, #tpu.memory_space<vmem_shared>>)
    %add3A_122 = arith.constant 9760 : i32
    %add3A_123 = arith.addi %mul3A_2, %add3A_122 : i32
    %multiple_of3A_124 = tpu.assume_multiple %add3A_123, 8 : i32
    %dma_start3A_125 = tpu.memref_slice %arg2[%multiple_of3A_124] : memref<320000xi32, #tpu.memory_space<hbm>> -> memref<80xi32, #tpu.memory_space<hbm>>
    %dma_start3A_126 = tpu.memref_slice %arg2[%multiple_of3A_124] : memref<320000xi32, #tpu.memory_space<hbm>> -> memref<80xi32, #tpu.memory_space<hbm>>
    tpu.enqueue_dma source(%dma_start3A_126 : memref<80xi32, #tpu.memory_space<hbm>>) target(%arg9 : memref<80xi32, #tpu.memory_space<vmem>>) target_semaphore(%arg18 : memref<!tpu.dma_semaphore, #tpu.memory_space<semaphore_mem>>)
    %add3A_127 = arith.constant 9520 : i32
    %add3A_128 = arith.addi %mul3A_2, %add3A_127 : i32
    %multiple_of3A_129 = tpu.assume_multiple %add3A_128, 8 : i32
    %dma_wait3A_130 = tpu.memref_slice %arg2[%multiple_of3A_129] : memref<320000xi32, #tpu.memory_space<hbm>> -> memref<80xi32, #tpu.memory_space<hbm>>
    %dma_wait3A_131 = tpu.memref_slice %arg2[%multiple_of3A_129] : memref<320000xi32, #tpu.memory_space<hbm>> -> memref<80xi32, #tpu.memory_space<hbm>>
    tpu.wait_dma2 semaphore(%arg23 : memref<!tpu.dma_semaphore, #tpu.memory_space<semaphore_mem>>) src(%dma_wait3A_131 : memref<80xi32, #tpu.memory_space<hbm>>) dst(%arg14 : memref<80xi32, #tpu.memory_space<vmem>>)
    %dma_start3A_132 = arith.constant 0 : i32
    %dma_start3A_133 = arith.constant 0 : i32
    %dma_start3A_134 = tpu.memref_slice %arg15[%dma_start3A_132, %dma_start3A_133] : memref<10240x128xf32, #tpu.memory_space<vmem_shared>> -> memref<10240x128xf32, #tpu.memory_space<vmem_shared>>
    tpu.enqueue_indirect_dma source(%arg6 : memref<80x128xf32, #tpu.memory_space<vmem>>) target(%dma_start3A_134 : memref<10240x128xf32, #tpu.memory_space<vmem_shared>>) offsets(%arg14 : memref<80xi32, #tpu.memory_space<vmem>>) semaphore(%arg31 : memref<!tpu.dma_semaphore, #tpu.memory_space<semaphore_mem>>) {add = true}
    %dma_wait3A_135 = arith.constant 0 : i32
    %dma_wait3A_136 = arith.constant 0 : i32
    %dma_wait3A_137 = tpu.memref_slice %arg15[%dma_wait3A_135, %dma_wait3A_136] : memref<10240x128xf32, #tpu.memory_space<vmem_shared>> -> memref<10240x128xf32, #tpu.memory_space<vmem_shared>>
    tpu.wait_indirect_dma semaphore(%arg27 : memref<!tpu.dma_semaphore, #tpu.memory_space<semaphore_mem>>) src(%arg6 : memref<80x128xf32, #tpu.memory_space<vmem>>) dst(%dma_wait3A_137 : memref<10240x128xf32, #tpu.memory_space<vmem_shared>>)
    %add3A_138 = arith.constant 9840 : i32
    %add3A_139 = arith.addi %mul3A_2, %add3A_138 : i32
    %multiple_of3A_140 = tpu.assume_multiple %add3A_139, 8 : i32
    %dma_start3A_141 = tpu.memref_slice %arg2[%multiple_of3A_140] : memref<320000xi32, #tpu.memory_space<hbm>> -> memref<80xi32, #tpu.memory_space<hbm>>
    %dma_start3A_142 = tpu.memref_slice %arg2[%multiple_of3A_140] : memref<320000xi32, #tpu.memory_space<hbm>> -> memref<80xi32, #tpu.memory_space<hbm>>
    tpu.enqueue_dma source(%dma_start3A_142 : memref<80xi32, #tpu.memory_space<hbm>>) target(%arg10 : memref<80xi32, #tpu.memory_space<vmem>>) target_semaphore(%arg19 : memref<!tpu.dma_semaphore, #tpu.memory_space<semaphore_mem>>)
    %add3A_143 = arith.constant 9600 : i32
    %add3A_144 = arith.addi %mul3A_2, %add3A_143 : i32
    %multiple_of3A_145 = tpu.assume_multiple %add3A_144, 8 : i32
    %dma_wait3A_146 = tpu.memref_slice %arg2[%multiple_of3A_145] : memref<320000xi32, #tpu.memory_space<hbm>> -> memref<80xi32, #tpu.memory_space<hbm>>
    %dma_wait3A_147 = tpu.memref_slice %arg2[%multiple_of3A_145] : memref<320000xi32, #tpu.memory_space<hbm>> -> memref<80xi32, #tpu.memory_space<hbm>>
    tpu.wait_dma2 semaphore(%arg16 : memref<!tpu.dma_semaphore, #tpu.memory_space<semaphore_mem>>) src(%dma_wait3A_147 : memref<80xi32, #tpu.memory_space<hbm>>) dst(%arg7 : memref<80xi32, #tpu.memory_space<vmem>>)
    %dma_start3A_148 = arith.constant 0 : i32
    %dma_start3A_149 = arith.constant 0 : i32
    %dma_start3A_150 = tpu.memref_slice %arg15[%dma_start3A_148, %dma_start3A_149] : memref<10240x128xf32, #tpu.memory_space<vmem_shared>> -> memref<10240x128xf32, #tpu.memory_space<vmem_shared>>
    tpu.enqueue_indirect_dma source(%arg6 : memref<80x128xf32, #tpu.memory_space<vmem>>) target(%dma_start3A_150 : memref<10240x128xf32, #tpu.memory_space<vmem_shared>>) offsets(%arg7 : memref<80xi32, #tpu.memory_space<vmem>>) semaphore(%arg24 : memref<!tpu.dma_semaphore, #tpu.memory_space<semaphore_mem>>) {add = true}
    %dma_wait3A_151 = arith.constant 0 : i32
    %dma_wait3A_152 = arith.constant 0 : i32
    %dma_wait3A_153 = tpu.memref_slice %arg15[%dma_wait3A_151, %dma_wait3A_152] : memref<10240x128xf32, #tpu.memory_space<vmem_shared>> -> memref<10240x128xf32, #tpu.memory_space<vmem_shared>>
    tpu.wait_indirect_dma semaphore(%arg28 : memref<!tpu.dma_semaphore, #tpu.memory_space<semaphore_mem>>) src(%arg6 : memref<80x128xf32, #tpu.memory_space<vmem>>) dst(%dma_wait3A_153 : memref<10240x128xf32, #tpu.memory_space<vmem_shared>>)
    %add3A_154 = arith.constant 9920 : i32
    %add3A_155 = arith.addi %mul3A_2, %add3A_154 : i32
    %multiple_of3A_156 = tpu.assume_multiple %add3A_155, 8 : i32
    %dma_start3A_157 = tpu.memref_slice %arg2[%multiple_of3A_156] : memref<320000xi32, #tpu.memory_space<hbm>> -> memref<80xi32, #tpu.memory_space<hbm>>
    %dma_start3A_158 = tpu.memref_slice %arg2[%multiple_of3A_156] : memref<320000xi32, #tpu.memory_space<hbm>> -> memref<80xi32, #tpu.memory_space<hbm>>
    tpu.enqueue_dma source(%dma_start3A_158 : memref<80xi32, #tpu.memory_space<hbm>>) target(%arg11 : memref<80xi32, #tpu.memory_space<vmem>>) target_semaphore(%arg20 : memref<!tpu.dma_semaphore, #tpu.memory_space<semaphore_mem>>)
    %add3A_159 = arith.constant 9680 : i32
    %add3A_160 = arith.addi %mul3A_2, %add3A_159 : i32
    %multiple_of3A_161 = tpu.assume_multiple %add3A_160, 8 : i32
    %dma_wait3A_162 = tpu.memref_slice %arg2[%multiple_of3A_161] : memref<320000xi32, #tpu.memory_space<hbm>> -> memref<80xi32, #tpu.memory_space<hbm>>
    %dma_wait3A_163 = tpu.memref_slice %arg2[%multiple_of3A_161] : memref<320000xi32, #tpu.memory_space<hbm>> -> memref<80xi32, #tpu.memory_space<hbm>>
    tpu.wait_dma2 semaphore(%arg17 : memref<!tpu.dma_semaphore, #tpu.memory_space<semaphore_mem>>) src(%dma_wait3A_163 : memref<80xi32, #tpu.memory_space<hbm>>) dst(%arg8 : memref<80xi32, #tpu.memory_space<vmem>>)
    %dma_start3A_164 = arith.constant 0 : i32
    %dma_start3A_165 = arith.constant 0 : i32
    %dma_start3A_166 = tpu.memref_slice %arg15[%dma_start3A_164, %dma_start3A_165] : memref<10240x128xf32, #tpu.memory_space<vmem_shared>> -> memref<10240x128xf32, #tpu.memory_space<vmem_shared>>
    tpu.enqueue_indirect_dma source(%arg6 : memref<80x128xf32, #tpu.memory_space<vmem>>) target(%dma_start3A_166 : memref<10240x128xf32, #tpu.memory_space<vmem_shared>>) offsets(%arg8 : memref<80xi32, #tpu.memory_space<vmem>>) semaphore(%arg25 : memref<!tpu.dma_semaphore, #tpu.memory_space<semaphore_mem>>) {add = true}
    %dma_wait3A_167 = arith.constant 0 : i32
    %dma_wait3A_168 = arith.constant 0 : i32
    %dma_wait3A_169 = tpu.memref_slice %arg15[%dma_wait3A_167, %dma_wait3A_168] : memref<10240x128xf32, #tpu.memory_space<vmem_shared>> -> memref<10240x128xf32, #tpu.memory_space<vmem_shared>>
    tpu.wait_indirect_dma semaphore(%arg29 : memref<!tpu.dma_semaphore, #tpu.memory_space<semaphore_mem>>) src(%arg6 : memref<80x128xf32, #tpu.memory_space<vmem>>) dst(%dma_wait3A_169 : memref<10240x128xf32, #tpu.memory_space<vmem_shared>>)
    %add3A_170 = arith.constant 9760 : i32
    %add3A_171 = arith.addi %mul3A_2, %add3A_170 : i32
    %multiple_of3A_172 = tpu.assume_multiple %add3A_171, 8 : i32
    %dma_wait3A_173 = tpu.memref_slice %arg2[%multiple_of3A_172] : memref<320000xi32, #tpu.memory_space<hbm>> -> memref<80xi32, #tpu.memory_space<hbm>>
    %dma_wait3A_174 = tpu.memref_slice %arg2[%multiple_of3A_172] : memref<320000xi32, #tpu.memory_space<hbm>> -> memref<80xi32, #tpu.memory_space<hbm>>
    tpu.wait_dma2 semaphore(%arg18 : memref<!tpu.dma_semaphore, #tpu.memory_space<semaphore_mem>>) src(%dma_wait3A_174 : memref<80xi32, #tpu.memory_space<hbm>>) dst(%arg9 : memref<80xi32, #tpu.memory_space<vmem>>)
    %dma_start3A_175 = arith.constant 0 : i32
    %dma_start3A_176 = arith.constant 0 : i32
    %dma_start3A_177 = tpu.memref_slice %arg15[%dma_start3A_175, %dma_start3A_176] : memref<10240x128xf32, #tpu.memory_space<vmem_shared>> -> memref<10240x128xf32, #tpu.memory_space<vmem_shared>>
    tpu.enqueue_indirect_dma source(%arg6 : memref<80x128xf32, #tpu.memory_space<vmem>>) target(%dma_start3A_177 : memref<10240x128xf32, #tpu.memory_space<vmem_shared>>) offsets(%arg9 : memref<80xi32, #tpu.memory_space<vmem>>) semaphore(%arg26 : memref<!tpu.dma_semaphore, #tpu.memory_space<semaphore_mem>>) {add = true}
    %dma_wait3A_178 = arith.constant 0 : i32
    %dma_wait3A_179 = arith.constant 0 : i32
    %dma_wait3A_180 = tpu.memref_slice %arg15[%dma_wait3A_178, %dma_wait3A_179] : memref<10240x128xf32, #tpu.memory_space<vmem_shared>> -> memref<10240x128xf32, #tpu.memory_space<vmem_shared>>
    tpu.wait_indirect_dma semaphore(%arg30 : memref<!tpu.dma_semaphore, #tpu.memory_space<semaphore_mem>>) src(%arg6 : memref<80x128xf32, #tpu.memory_space<vmem>>) dst(%dma_wait3A_180 : memref<10240x128xf32, #tpu.memory_space<vmem_shared>>)
    %add3A_181 = arith.constant 9840 : i32
    %add3A_182 = arith.addi %mul3A_2, %add3A_181 : i32
    %multiple_of3A_183 = tpu.assume_multiple %add3A_182, 8 : i32
    %dma_wait3A_184 = tpu.memref_slice %arg2[%multiple_of3A_183] : memref<320000xi32, #tpu.memory_space<hbm>> -> memref<80xi32, #tpu.memory_space<hbm>>
    %dma_wait3A_185 = tpu.memref_slice %arg2[%multiple_of3A_183] : memref<320000xi32, #tpu.memory_space<hbm>> -> memref<80xi32, #tpu.memory_space<hbm>>
    tpu.wait_dma2 semaphore(%arg19 : memref<!tpu.dma_semaphore, #tpu.memory_space<semaphore_mem>>) src(%dma_wait3A_185 : memref<80xi32, #tpu.memory_space<hbm>>) dst(%arg10 : memref<80xi32, #tpu.memory_space<vmem>>)
    %dma_start3A_186 = arith.constant 0 : i32
    %dma_start3A_187 = arith.constant 0 : i32
    %dma_start3A_188 = tpu.memref_slice %arg15[%dma_start3A_186, %dma_start3A_187] : memref<10240x128xf32, #tpu.memory_space<vmem_shared>> -> memref<10240x128xf32, #tpu.memory_space<vmem_shared>>
    tpu.enqueue_indirect_dma source(%arg6 : memref<80x128xf32, #tpu.memory_space<vmem>>) target(%dma_start3A_188 : memref<10240x128xf32, #tpu.memory_space<vmem_shared>>) offsets(%arg10 : memref<80xi32, #tpu.memory_space<vmem>>) semaphore(%arg27 : memref<!tpu.dma_semaphore, #tpu.memory_space<semaphore_mem>>) {add = true}
    %dma_wait3A_189 = arith.constant 0 : i32
    %dma_wait3A_190 = arith.constant 0 : i32
    %dma_wait3A_191 = tpu.memref_slice %arg15[%dma_wait3A_189, %dma_wait3A_190] : memref<10240x128xf32, #tpu.memory_space<vmem_shared>> -> memref<10240x128xf32, #tpu.memory_space<vmem_shared>>
    tpu.wait_indirect_dma semaphore(%arg31 : memref<!tpu.dma_semaphore, #tpu.memory_space<semaphore_mem>>) src(%arg6 : memref<80x128xf32, #tpu.memory_space<vmem>>) dst(%dma_wait3A_191 : memref<10240x128xf32, #tpu.memory_space<vmem_shared>>)
    %add3A_192 = arith.constant 9920 : i32
    %add3A_193 = arith.addi %mul3A_2, %add3A_192 : i32
    %multiple_of3A_194 = tpu.assume_multiple %add3A_193, 8 : i32
    %dma_wait3A_195 = tpu.memref_slice %arg2[%multiple_of3A_194] : memref<320000xi32, #tpu.memory_space<hbm>> -> memref<80xi32, #tpu.memory_space<hbm>>
    %dma_wait3A_196 = tpu.memref_slice %arg2[%multiple_of3A_194] : memref<320000xi32, #tpu.memory_space<hbm>> -> memref<80xi32, #tpu.memory_space<hbm>>
    tpu.wait_dma2 semaphore(%arg20 : memref<!tpu.dma_semaphore, #tpu.memory_space<semaphore_mem>>) src(%dma_wait3A_196 : memref<80xi32, #tpu.memory_space<hbm>>) dst(%arg11 : memref<80xi32, #tpu.memory_space<vmem>>)
    %dma_start3A_197 = arith.constant 0 : i32
    %dma_start3A_198 = arith.constant 0 : i32
    %dma_start3A_199 = tpu.memref_slice %arg15[%dma_start3A_197, %dma_start3A_198] : memref<10240x128xf32, #tpu.memory_space<vmem_shared>> -> memref<10240x128xf32, #tpu.memory_space<vmem_shared>>
    tpu.enqueue_indirect_dma source(%arg6 : memref<80x128xf32, #tpu.memory_space<vmem>>) target(%dma_start3A_199 : memref<10240x128xf32, #tpu.memory_space<vmem_shared>>) offsets(%arg11 : memref<80xi32, #tpu.memory_space<vmem>>) semaphore(%arg28 : memref<!tpu.dma_semaphore, #tpu.memory_space<semaphore_mem>>) {add = true}
    %dma_wait3A_200 = arith.constant 0 : i32
    %dma_wait3A_201 = arith.constant 0 : i32
    %dma_wait3A_202 = tpu.memref_slice %arg15[%dma_wait3A_200, %dma_wait3A_201] : memref<10240x128xf32, #tpu.memory_space<vmem_shared>> -> memref<10240x128xf32, #tpu.memory_space<vmem_shared>>
    tpu.wait_indirect_dma semaphore(%arg24 : memref<!tpu.dma_semaphore, #tpu.memory_space<semaphore_mem>>) src(%arg6 : memref<80x128xf32, #tpu.memory_space<vmem>>) dst(%dma_wait3A_202 : memref<10240x128xf32, #tpu.memory_space<vmem_shared>>)
    %dma_wait3A_203 = arith.constant 0 : i32
    %dma_wait3A_204 = arith.constant 0 : i32
    %dma_wait3A_205 = tpu.memref_slice %arg15[%dma_wait3A_203, %dma_wait3A_204] : memref<10240x128xf32, #tpu.memory_space<vmem_shared>> -> memref<10240x128xf32, #tpu.memory_space<vmem_shared>>
    tpu.wait_indirect_dma semaphore(%arg25 : memref<!tpu.dma_semaphore, #tpu.memory_space<semaphore_mem>>) src(%arg6 : memref<80x128xf32, #tpu.memory_space<vmem>>) dst(%dma_wait3A_205 : memref<10240x128xf32, #tpu.memory_space<vmem_shared>>)
    %dma_wait3A_206 = arith.constant 0 : i32
    %dma_wait3A_207 = arith.constant 0 : i32
    %dma_wait3A_208 = tpu.memref_slice %arg15[%dma_wait3A_206, %dma_wait3A_207] : memref<10240x128xf32, #tpu.memory_space<vmem_shared>> -> memref<10240x128xf32, #tpu.memory_space<vmem_shared>>
    tpu.wait_indirect_dma semaphore(%arg26 : memref<!tpu.dma_semaphore, #tpu.memory_space<semaphore_mem>>) src(%arg6 : memref<80x128xf32, #tpu.memory_space<vmem>>) dst(%dma_wait3A_208 : memref<10240x128xf32, #tpu.memory_space<vmem_shared>>)
    %dma_wait3A_209 = arith.constant 0 : i32
    %dma_wait3A_210 = arith.constant 0 : i32
    %dma_wait3A_211 = tpu.memref_slice %arg15[%dma_wait3A_209, %dma_wait3A_210] : memref<10240x128xf32, #tpu.memory_space<vmem_shared>> -> memref<10240x128xf32, #tpu.memory_space<vmem_shared>>
    tpu.wait_indirect_dma semaphore(%arg27 : memref<!tpu.dma_semaphore, #tpu.memory_space<semaphore_mem>>) src(%arg6 : memref<80x128xf32, #tpu.memory_space<vmem>>) dst(%dma_wait3A_211 : memref<10240x128xf32, #tpu.memory_space<vmem_shared>>)
    %dma_wait3A_212 = arith.constant 0 : i32
    %dma_wait3A_213 = arith.constant 0 : i32
    %dma_wait3A_214 = tpu.memref_slice %arg15[%dma_wait3A_212, %dma_wait3A_213] : memref<10240x128xf32, #tpu.memory_space<vmem_shared>> -> memref<10240x128xf32, #tpu.memory_space<vmem_shared>>
    tpu.wait_indirect_dma semaphore(%arg28 : memref<!tpu.dma_semaphore, #tpu.memory_space<semaphore_mem>>) src(%arg6 : memref<80x128xf32, #tpu.memory_space<vmem>>) dst(%dma_wait3A_214 : memref<10240x128xf32, #tpu.memory_space<vmem_shared>>)
    %barrier3A_215 = arith.constant 0 : index
    tpu.barrier barrier_id(%barrier3A_215)
    %mul3A_216 = arith.constant 640 : i32
    %mul3A_217 = arith.muli %arg1, %mul3A_216 : i32
    %mul3A_218 = arith.constant 640 : i32
    %mul3A_219 = arith.muli %arg1, %mul3A_218 : i32
    "tpu.region"() ({
      %run_scoped3A = tpu.sem_alloc : memref<!tpu.dma_semaphore, #tpu.memory_space<semaphore_mem>>
      %dma_start3A_220 = arith.constant 0 : i32
      %dma_start3A_221 = tpu.memref_slice %arg5[%arg0, %mul3A_219, %dma_start3A_220] : memref<2x10240x128xf32, #tpu.memory_space<hbm>> -> memref<1x640x128xf32, #tpu.memory_space<hbm>>
      %dma_start3A_222 = tpu.memref_squeeze %dma_start3A_221 : memref<1x640x128xf32, #tpu.memory_space<hbm>> -> memref<640x128xf32, #tpu.memory_space<hbm>>
      %dma_start3A_223 = arith.constant 0 : i32
      %dma_start3A_224 = tpu.memref_slice %arg15[%mul3A_217, %dma_start3A_223] : memref<10240x128xf32, #tpu.memory_space<vmem_shared>> -> memref<640x128xf32, #tpu.memory_space<vmem_shared>>
      tpu.enqueue_dma source(%dma_start3A_224 : memref<640x128xf32, #tpu.memory_space<vmem_shared>>) target(%dma_start3A_222 : memref<640x128xf32, #tpu.memory_space<hbm>>) target_semaphore(%run_scoped3A : memref<!tpu.dma_semaphore, #tpu.memory_space<semaphore_mem>>)
      %dma_wait3A_225 = arith.constant 0 : i32
      %dma_wait3A_226 = tpu.memref_slice %arg5[%arg0, %mul3A_219, %dma_wait3A_225] : memref<2x10240x128xf32, #tpu.memory_space<hbm>> -> memref<1x640x128xf32, #tpu.memory_space<hbm>>
      %dma_wait3A_227 = tpu.memref_squeeze %dma_wait3A_226 : memref<1x640x128xf32, #tpu.memory_space<hbm>> -> memref<640x128xf32, #tpu.memory_space<hbm>>
      %dma_wait3A_228 = arith.constant 0 : i32
      %dma_wait3A_229 = tpu.memref_slice %arg15[%mul3A_217, %dma_wait3A_228] : memref<10240x128xf32, #tpu.memory_space<vmem_shared>> -> memref<640x128xf32, #tpu.memory_space<vmem_shared>>
      tpu.wait_dma2 semaphore(%run_scoped3A : memref<!tpu.dma_semaphore, #tpu.memory_space<semaphore_mem>>) src(%dma_wait3A_229 : memref<640x128xf32, #tpu.memory_space<vmem_shared>>) dst(%dma_wait3A_227 : memref<640x128xf32, #tpu.memory_space<hbm>>)
      tpu.yield
    }) : () -> ()
    return
  }
}

#map = affine_map<(d0, d1) -> (0, 0)>
#map1 = affine_map<(d0, d1) -> (0)>
#map2 = affine_map<(d0, d1) -> (0, 0, 0)>
module attributes {stable_mosaic.version = 14 : i64} {
  func.func @_agg_kernel(%arg0: i32, %arg1: i32, %arg2: memref<10000x128xf32, #tpu.memory_space<hbm>>, %arg3: memref<320000xi32, #tpu.memory_space<hbm>>, %arg4: memref<320000xi32, #tpu.memory_space<hbm>>, %arg5: memref<640x128xf32, #tpu.memory_space<hbm>>, %arg6: memref<2x10240x128xf32, #tpu.memory_space<hbm>>, %arg7: memref<80xi32, #tpu.memory_space<vmem>>, %arg8: memref<80xi32, #tpu.memory_space<vmem>>, %arg9: memref<80xi32, #tpu.memory_space<vmem>>, %arg10: memref<80xi32, #tpu.memory_space<vmem>>, %arg11: memref<80xi32, #tpu.memory_space<vmem>>, %arg12: memref<80xi32, #tpu.memory_space<vmem>>, %arg13: memref<80xi32, #tpu.memory_space<vmem>>, %arg14: memref<80xi32, #tpu.memory_space<vmem>>, %arg15: memref<80xi32, #tpu.memory_space<vmem>>, %arg16: memref<80xi32, #tpu.memory_space<vmem>>, %arg17: memref<80xi32, #tpu.memory_space<vmem>>, %arg18: memref<80xi32, #tpu.memory_space<vmem>>, %arg19: memref<80xi32, #tpu.memory_space<vmem>>, %arg20: memref<80xi32, #tpu.memory_space<vmem>>, %arg21: memref<80xi32, #tpu.memory_space<vmem>>, %arg22: memref<80xi32, #tpu.memory_space<vmem>>, %arg23: memref<80x128xf32, #tpu.memory_space<vmem>>, %arg24: memref<80x128xf32, #tpu.memory_space<vmem>>, %arg25: memref<80x128xf32, #tpu.memory_space<vmem>>, %arg26: memref<80x128xf32, #tpu.memory_space<vmem>>, %arg27: memref<10240x128xf32, #tpu.memory_space<vmem_shared>>, %arg28: memref<!tpu.dma_semaphore, #tpu.memory_space<semaphore_mem>>, %arg29: memref<!tpu.dma_semaphore, #tpu.memory_space<semaphore_mem>>, %arg30: memref<!tpu.dma_semaphore, #tpu.memory_space<semaphore_mem>>, %arg31: memref<!tpu.dma_semaphore, #tpu.memory_space<semaphore_mem>>, %arg32: memref<!tpu.dma_semaphore, #tpu.memory_space<semaphore_mem>>, %arg33: memref<!tpu.dma_semaphore, #tpu.memory_space<semaphore_mem>>, %arg34: memref<!tpu.dma_semaphore, #tpu.memory_space<semaphore_mem>>, %arg35: memref<!tpu.dma_semaphore, #tpu.memory_space<semaphore_mem>>, %arg36: memref<!tpu.dma_semaphore, #tpu.memory_space<semaphore_mem>>, %arg37: memref<!tpu.dma_semaphore, #tpu.memory_space<semaphore_mem>>, %arg38: memref<!tpu.dma_semaphore, #tpu.memory_space<semaphore_mem>>, %arg39: memref<!tpu.dma_semaphore, #tpu.memory_space<semaphore_mem>>, %arg40: memref<!tpu.dma_semaphore, #tpu.memory_space<semaphore_mem>>, %arg41: memref<!tpu.dma_semaphore, #tpu.memory_space<semaphore_mem>>, %arg42: memref<!tpu.dma_semaphore, #tpu.memory_space<semaphore_mem>>, %arg43: memref<!tpu.dma_semaphore, #tpu.memory_space<semaphore_mem>>, %arg44: memref<!tpu.dma_semaphore, #tpu.memory_space<semaphore_mem>>, %arg45: memref<!tpu.dma_semaphore, #tpu.memory_space<semaphore_mem>>, %arg46: memref<!tpu.dma_semaphore, #tpu.memory_space<semaphore_mem>>, %arg47: memref<!tpu.dma_semaphore, #tpu.memory_space<semaphore_mem>>) attributes {dimension_semantics = [#tpu.dimension_semantics<core_parallel>, #tpu.dimension_semantics<subcore_parallel>], iteration_bounds = array<i64: 2, 16>, scalar_prefetch = 0 : i64, scratch_operands = 41 : i64, tpu.core_type = #tpu.core_type<sc_vector_subcore>, window_params = [{transform_indices = #map}, {transform_indices = #map1}, {transform_indices = #map1}, {transform_indices = #map}, {transform_indices = #map2}]} {
    %mul3A = arith.constant 2 : i32
    %mul3A_0 = arith.muli %arg1, %mul3A : i32
    %add3A = arith.addi %mul3A_0, %arg0 : i32
    %mul3A_1 = arith.constant 10000 : i32
    %mul3A_2 = arith.muli %add3A, %mul3A_1 : i32
    %mul3A_3 = arith.constant 640 : i32
    %mul3A_4 = arith.muli %arg1, %mul3A_3 : i32
    "tpu.region"() ({
      %run_scoped3A = tpu.sem_alloc : memref<!tpu.dma_semaphore, #tpu.memory_space<semaphore_mem>>
      %dma_start3A_112 = arith.constant 0 : i32
      %dma_start3A_113 = tpu.memref_slice %arg27[%mul3A_4, %dma_start3A_112] : memref<10240x128xf32, #tpu.memory_space<vmem_shared>> -> memref<640x128xf32, #tpu.memory_space<vmem_shared>>
      tpu.enqueue_dma source(%arg5 : memref<640x128xf32, #tpu.memory_space<hbm>>) target(%dma_start3A_113 : memref<640x128xf32, #tpu.memory_space<vmem_shared>>) target_semaphore(%run_scoped3A : memref<!tpu.dma_semaphore, #tpu.memory_space<semaphore_mem>>)
      %dma_wait3A_114 = arith.constant 0 : i32
      %dma_wait3A_115 = tpu.memref_slice %arg27[%mul3A_4, %dma_wait3A_114] : memref<10240x128xf32, #tpu.memory_space<vmem_shared>> -> memref<640x128xf32, #tpu.memory_space<vmem_shared>>
      tpu.wait_dma2 semaphore(%run_scoped3A : memref<!tpu.dma_semaphore, #tpu.memory_space<semaphore_mem>>) src(%arg5 : memref<640x128xf32, #tpu.memory_space<hbm>>) dst(%dma_wait3A_115 : memref<640x128xf32, #tpu.memory_space<vmem_shared>>)
      tpu.yield
    }) : () -> ()
    %barrier3A = arith.constant 0 : index
    tpu.barrier barrier_id(%barrier3A)
    %add3A_5 = arith.constant 0 : i32
    %add3A_6 = arith.addi %mul3A_2, %add3A_5 : i32
    %multiple_of3A = tpu.assume_multiple %add3A_6, 8 : i32
    %dma_start3A = tpu.memref_slice %arg3[%multiple_of3A] : memref<320000xi32, #tpu.memory_space<hbm>> -> memref<80xi32, #tpu.memory_space<hbm>>
    %dma_start3A_7 = tpu.memref_slice %arg3[%multiple_of3A] : memref<320000xi32, #tpu.memory_space<hbm>> -> memref<80xi32, #tpu.memory_space<hbm>>
    tpu.enqueue_dma source(%dma_start3A_7 : memref<80xi32, #tpu.memory_space<hbm>>) target(%arg7 : memref<80xi32, #tpu.memory_space<vmem>>) target_semaphore(%arg28 : memref<!tpu.dma_semaphore, #tpu.memory_space<semaphore_mem>>)
    %dma_start3A_8 = tpu.memref_slice %arg4[%multiple_of3A] : memref<320000xi32, #tpu.memory_space<hbm>> -> memref<80xi32, #tpu.memory_space<hbm>>
    %dma_start3A_9 = tpu.memref_slice %arg4[%multiple_of3A] : memref<320000xi32, #tpu.memory_space<hbm>> -> memref<80xi32, #tpu.memory_space<hbm>>
    tpu.enqueue_dma source(%dma_start3A_9 : memref<80xi32, #tpu.memory_space<hbm>>) target(%arg15 : memref<80xi32, #tpu.memory_space<vmem>>) target_semaphore(%arg36 : memref<!tpu.dma_semaphore, #tpu.memory_space<semaphore_mem>>)
    %add3A_10 = arith.constant 80 : i32
    %add3A_11 = arith.addi %mul3A_2, %add3A_10 : i32
    %multiple_of3A_12 = tpu.assume_multiple %add3A_11, 8 : i32
    %dma_start3A_13 = tpu.memref_slice %arg3[%multiple_of3A_12] : memref<320000xi32, #tpu.memory_space<hbm>> -> memref<80xi32, #tpu.memory_space<hbm>>
    %dma_start3A_14 = tpu.memref_slice %arg3[%multiple_of3A_12] : memref<320000xi32, #tpu.memory_space<hbm>> -> memref<80xi32, #tpu.memory_space<hbm>>
    tpu.enqueue_dma source(%dma_start3A_14 : memref<80xi32, #tpu.memory_space<hbm>>) target(%arg8 : memref<80xi32, #tpu.memory_space<vmem>>) target_semaphore(%arg29 : memref<!tpu.dma_semaphore, #tpu.memory_space<semaphore_mem>>)
    %dma_start3A_15 = tpu.memref_slice %arg4[%multiple_of3A_12] : memref<320000xi32, #tpu.memory_space<hbm>> -> memref<80xi32, #tpu.memory_space<hbm>>
    %dma_start3A_16 = tpu.memref_slice %arg4[%multiple_of3A_12] : memref<320000xi32, #tpu.memory_space<hbm>> -> memref<80xi32, #tpu.memory_space<hbm>>
    tpu.enqueue_dma source(%dma_start3A_16 : memref<80xi32, #tpu.memory_space<hbm>>) target(%arg16 : memref<80xi32, #tpu.memory_space<vmem>>) target_semaphore(%arg37 : memref<!tpu.dma_semaphore, #tpu.memory_space<semaphore_mem>>)
    %add3A_17 = arith.constant 160 : i32
    %add3A_18 = arith.addi %mul3A_2, %add3A_17 : i32
    %multiple_of3A_19 = tpu.assume_multiple %add3A_18, 8 : i32
    %dma_start3A_20 = tpu.memref_slice %arg3[%multiple_of3A_19] : memref<320000xi32, #tpu.memory_space<hbm>> -> memref<80xi32, #tpu.memory_space<hbm>>
    %dma_start3A_21 = tpu.memref_slice %arg3[%multiple_of3A_19] : memref<320000xi32, #tpu.memory_space<hbm>> -> memref<80xi32, #tpu.memory_space<hbm>>
    tpu.enqueue_dma source(%dma_start3A_21 : memref<80xi32, #tpu.memory_space<hbm>>) target(%arg9 : memref<80xi32, #tpu.memory_space<vmem>>) target_semaphore(%arg30 : memref<!tpu.dma_semaphore, #tpu.memory_space<semaphore_mem>>)
    %dma_start3A_22 = tpu.memref_slice %arg4[%multiple_of3A_19] : memref<320000xi32, #tpu.memory_space<hbm>> -> memref<80xi32, #tpu.memory_space<hbm>>
    %dma_start3A_23 = tpu.memref_slice %arg4[%multiple_of3A_19] : memref<320000xi32, #tpu.memory_space<hbm>> -> memref<80xi32, #tpu.memory_space<hbm>>
    tpu.enqueue_dma source(%dma_start3A_23 : memref<80xi32, #tpu.memory_space<hbm>>) target(%arg17 : memref<80xi32, #tpu.memory_space<vmem>>) target_semaphore(%arg38 : memref<!tpu.dma_semaphore, #tpu.memory_space<semaphore_mem>>)
    %add3A_24 = arith.constant 240 : i32
    %add3A_25 = arith.addi %mul3A_2, %add3A_24 : i32
    %multiple_of3A_26 = tpu.assume_multiple %add3A_25, 8 : i32
    %dma_start3A_27 = tpu.memref_slice %arg3[%multiple_of3A_26] : memref<320000xi32, #tpu.memory_space<hbm>> -> memref<80xi32, #tpu.memory_space<hbm>>
    %dma_start3A_28 = tpu.memref_slice %arg3[%multiple_of3A_26] : memref<320000xi32, #tpu.memory_space<hbm>> -> memref<80xi32, #tpu.memory_space<hbm>>
    tpu.enqueue_dma source(%dma_start3A_28 : memref<80xi32, #tpu.memory_space<hbm>>) target(%arg10 : memref<80xi32, #tpu.memory_space<vmem>>) target_semaphore(%arg31 : memref<!tpu.dma_semaphore, #tpu.memory_space<semaphore_mem>>)
    %dma_start3A_29 = tpu.memref_slice %arg4[%multiple_of3A_26] : memref<320000xi32, #tpu.memory_space<hbm>> -> memref<80xi32, #tpu.memory_space<hbm>>
    %dma_start3A_30 = tpu.memref_slice %arg4[%multiple_of3A_26] : memref<320000xi32, #tpu.memory_space<hbm>> -> memref<80xi32, #tpu.memory_space<hbm>>
    tpu.enqueue_dma source(%dma_start3A_30 : memref<80xi32, #tpu.memory_space<hbm>>) target(%arg18 : memref<80xi32, #tpu.memory_space<vmem>>) target_semaphore(%arg39 : memref<!tpu.dma_semaphore, #tpu.memory_space<semaphore_mem>>)
    %add3A_31 = arith.constant 320 : i32
    %add3A_32 = arith.addi %mul3A_2, %add3A_31 : i32
    %multiple_of3A_33 = tpu.assume_multiple %add3A_32, 8 : i32
    %dma_start3A_34 = tpu.memref_slice %arg3[%multiple_of3A_33] : memref<320000xi32, #tpu.memory_space<hbm>> -> memref<80xi32, #tpu.memory_space<hbm>>
    %dma_start3A_35 = tpu.memref_slice %arg3[%multiple_of3A_33] : memref<320000xi32, #tpu.memory_space<hbm>> -> memref<80xi32, #tpu.memory_space<hbm>>
    tpu.enqueue_dma source(%dma_start3A_35 : memref<80xi32, #tpu.memory_space<hbm>>) target(%arg11 : memref<80xi32, #tpu.memory_space<vmem>>) target_semaphore(%arg32 : memref<!tpu.dma_semaphore, #tpu.memory_space<semaphore_mem>>)
    %dma_start3A_36 = tpu.memref_slice %arg4[%multiple_of3A_33] : memref<320000xi32, #tpu.memory_space<hbm>> -> memref<80xi32, #tpu.memory_space<hbm>>
    %dma_start3A_37 = tpu.memref_slice %arg4[%multiple_of3A_33] : memref<320000xi32, #tpu.memory_space<hbm>> -> memref<80xi32, #tpu.memory_space<hbm>>
    tpu.enqueue_dma source(%dma_start3A_37 : memref<80xi32, #tpu.memory_space<hbm>>) target(%arg19 : memref<80xi32, #tpu.memory_space<vmem>>) target_semaphore(%arg40 : memref<!tpu.dma_semaphore, #tpu.memory_space<semaphore_mem>>)
    %add3A_38 = arith.constant 0 : i32
    %add3A_39 = arith.addi %mul3A_2, %add3A_38 : i32
    %multiple_of3A_40 = tpu.assume_multiple %add3A_39, 8 : i32
    %dma_wait3A = tpu.memref_slice %arg3[%multiple_of3A_40] : memref<320000xi32, #tpu.memory_space<hbm>> -> memref<80xi32, #tpu.memory_space<hbm>>
    %dma_wait3A_41 = tpu.memref_slice %arg3[%multiple_of3A_40] : memref<320000xi32, #tpu.memory_space<hbm>> -> memref<80xi32, #tpu.memory_space<hbm>>
    tpu.wait_dma2 semaphore(%arg28 : memref<!tpu.dma_semaphore, #tpu.memory_space<semaphore_mem>>) src(%dma_wait3A_41 : memref<80xi32, #tpu.memory_space<hbm>>) dst(%arg7 : memref<80xi32, #tpu.memory_space<vmem>>)
    %dma_wait3A_42 = tpu.memref_slice %arg4[%multiple_of3A_40] : memref<320000xi32, #tpu.memory_space<hbm>> -> memref<80xi32, #tpu.memory_space<hbm>>
    %dma_wait3A_43 = tpu.memref_slice %arg4[%multiple_of3A_40] : memref<320000xi32, #tpu.memory_space<hbm>> -> memref<80xi32, #tpu.memory_space<hbm>>
    tpu.wait_dma2 semaphore(%arg36 : memref<!tpu.dma_semaphore, #tpu.memory_space<semaphore_mem>>) src(%dma_wait3A_43 : memref<80xi32, #tpu.memory_space<hbm>>) dst(%arg15 : memref<80xi32, #tpu.memory_space<vmem>>)
    %dma_start3A_44 = arith.constant 0 : i32
    %dma_start3A_45 = arith.constant 0 : i32
    %dma_start3A_46 = tpu.memref_slice %arg2[%dma_start3A_44, %dma_start3A_45] : memref<10000x128xf32, #tpu.memory_space<hbm>> -> memref<10000x128xf32, #tpu.memory_space<hbm>>
    tpu.enqueue_indirect_dma source(%dma_start3A_46 : memref<10000x128xf32, #tpu.memory_space<hbm>>) target(%arg23 : memref<80x128xf32, #tpu.memory_space<vmem>>) offsets(%arg7 : memref<80xi32, #tpu.memory_space<vmem>>) semaphore(%arg44 : memref<!tpu.dma_semaphore, #tpu.memory_space<semaphore_mem>>)
    %add3A_47 = arith.constant 80 : i32
    %add3A_48 = arith.addi %mul3A_2, %add3A_47 : i32
    %multiple_of3A_49 = tpu.assume_multiple %add3A_48, 8 : i32
    %dma_wait3A_50 = tpu.memref_slice %arg3[%multiple_of3A_49] : memref<320000xi32, #tpu.memory_space<hbm>> -> memref<80xi32, #tpu.memory_space<hbm>>
    %dma_wait3A_51 = tpu.memref_slice %arg3[%multiple_of3A_49] : memref<320000xi32, #tpu.memory_space<hbm>> -> memref<80xi32, #tpu.memory_space<hbm>>
    tpu.wait_dma2 semaphore(%arg29 : memref<!tpu.dma_semaphore, #tpu.memory_space<semaphore_mem>>) src(%dma_wait3A_51 : memref<80xi32, #tpu.memory_space<hbm>>) dst(%arg8 : memref<80xi32, #tpu.memory_space<vmem>>)
    %dma_wait3A_52 = tpu.memref_slice %arg4[%multiple_of3A_49] : memref<320000xi32, #tpu.memory_space<hbm>> -> memref<80xi32, #tpu.memory_space<hbm>>
    %dma_wait3A_53 = tpu.memref_slice %arg4[%multiple_of3A_49] : memref<320000xi32, #tpu.memory_space<hbm>> -> memref<80xi32, #tpu.memory_space<hbm>>
    tpu.wait_dma2 semaphore(%arg37 : memref<!tpu.dma_semaphore, #tpu.memory_space<semaphore_mem>>) src(%dma_wait3A_53 : memref<80xi32, #tpu.memory_space<hbm>>) dst(%arg16 : memref<80xi32, #tpu.memory_space<vmem>>)
    %dma_start3A_54 = arith.constant 0 : i32
    %dma_start3A_55 = arith.constant 0 : i32
    %dma_start3A_56 = tpu.memref_slice %arg2[%dma_start3A_54, %dma_start3A_55] : memref<10000x128xf32, #tpu.memory_space<hbm>> -> memref<10000x128xf32, #tpu.memory_space<hbm>>
    tpu.enqueue_indirect_dma source(%dma_start3A_56 : memref<10000x128xf32, #tpu.memory_space<hbm>>) target(%arg24 : memref<80x128xf32, #tpu.memory_space<vmem>>) offsets(%arg8 : memref<80xi32, #tpu.memory_space<vmem>>) semaphore(%arg45 : memref<!tpu.dma_semaphore, #tpu.memory_space<semaphore_mem>>)
    %add3A_57 = arith.constant 160 : i32
    %add3A_58 = arith.addi %mul3A_2, %add3A_57 : i32
    %multiple_of3A_59 = tpu.assume_multiple %add3A_58, 8 : i32
    %dma_wait3A_60 = tpu.memref_slice %arg3[%multiple_of3A_59] : memref<320000xi32, #tpu.memory_space<hbm>> -> memref<80xi32, #tpu.memory_space<hbm>>
    %dma_wait3A_61 = tpu.memref_slice %arg3[%multiple_of3A_59] : memref<320000xi32, #tpu.memory_space<hbm>> -> memref<80xi32, #tpu.memory_space<hbm>>
    tpu.wait_dma2 semaphore(%arg30 : memref<!tpu.dma_semaphore, #tpu.memory_space<semaphore_mem>>) src(%dma_wait3A_61 : memref<80xi32, #tpu.memory_space<hbm>>) dst(%arg9 : memref<80xi32, #tpu.memory_space<vmem>>)
    %dma_wait3A_62 = tpu.memref_slice %arg4[%multiple_of3A_59] : memref<320000xi32, #tpu.memory_space<hbm>> -> memref<80xi32, #tpu.memory_space<hbm>>
    %dma_wait3A_63 = tpu.memref_slice %arg4[%multiple_of3A_59] : memref<320000xi32, #tpu.memory_space<hbm>> -> memref<80xi32, #tpu.memory_space<hbm>>
    tpu.wait_dma2 semaphore(%arg38 : memref<!tpu.dma_semaphore, #tpu.memory_space<semaphore_mem>>) src(%dma_wait3A_63 : memref<80xi32, #tpu.memory_space<hbm>>) dst(%arg17 : memref<80xi32, #tpu.memory_space<vmem>>)
    %dma_start3A_64 = arith.constant 0 : i32
    %dma_start3A_65 = arith.constant 0 : i32
    %dma_start3A_66 = tpu.memref_slice %arg2[%dma_start3A_64, %dma_start3A_65] : memref<10000x128xf32, #tpu.memory_space<hbm>> -> memref<10000x128xf32, #tpu.memory_space<hbm>>
    tpu.enqueue_indirect_dma source(%dma_start3A_66 : memref<10000x128xf32, #tpu.memory_space<hbm>>) target(%arg25 : memref<80x128xf32, #tpu.memory_space<vmem>>) offsets(%arg9 : memref<80xi32, #tpu.memory_space<vmem>>) semaphore(%arg46 : memref<!tpu.dma_semaphore, #tpu.memory_space<semaphore_mem>>)
    %scan3A = arith.constant 0 : i32
    %scan3A_67 = arith.constant 0 : i32
    %scan3A_68 = arith.constant 15 : i32
    %scan3A_69 = arith.addi %scan3A_67, %scan3A_68 : i32
    %scan3A_70 = arith.constant 1 : i32
    scf.for %scan3A_112 = %scan3A_67 to %scan3A_69 step %scan3A_70  : i32 {
      %mul3A_113 = arith.constant 8 : i32
      %mul3A_114 = arith.muli %scan3A_112, %mul3A_113 : i32
      %add3A_115 = arith.constant 0 : i32
      %add3A_116 = arith.addi %mul3A_114, %add3A_115 : i32
      %dma_wait3A_117 = arith.constant 0 : i32
      %dma_wait3A_118 = arith.constant 0 : i32
      %dma_wait3A_119 = tpu.memref_slice %arg2[%dma_wait3A_117, %dma_wait3A_118] : memref<10000x128xf32, #tpu.memory_space<hbm>> -> memref<10000x128xf32, #tpu.memory_space<hbm>>
      tpu.wait_indirect_dma semaphore(%arg44 : memref<!tpu.dma_semaphore, #tpu.memory_space<semaphore_mem>>) src(%dma_wait3A_119 : memref<10000x128xf32, #tpu.memory_space<hbm>>) dst(%arg23 : memref<80x128xf32, #tpu.memory_space<vmem>>)
      %add3A_120 = arith.constant 3 : i32
      %add3A_121 = arith.addi %add3A_116, %add3A_120 : i32
      %mul3A_122 = arith.constant 80 : i32
      %mul3A_123 = arith.muli %add3A_121, %mul3A_122 : i32
      %add3A_124 = arith.addi %mul3A_2, %mul3A_123 : i32
      %multiple_of3A_125 = tpu.assume_multiple %add3A_124, 8 : i32
      %dma_wait3A_126 = tpu.memref_slice %arg3[%multiple_of3A_125] : memref<320000xi32, #tpu.memory_space<hbm>> -> memref<80xi32, #tpu.memory_space<hbm>>
      %dma_wait3A_127 = tpu.memref_slice %arg3[%multiple_of3A_125] : memref<320000xi32, #tpu.memory_space<hbm>> -> memref<80xi32, #tpu.memory_space<hbm>>
      tpu.wait_dma2 semaphore(%arg31 : memref<!tpu.dma_semaphore, #tpu.memory_space<semaphore_mem>>) src(%dma_wait3A_127 : memref<80xi32, #tpu.memory_space<hbm>>) dst(%arg10 : memref<80xi32, #tpu.memory_space<vmem>>)
      %dma_wait3A_128 = tpu.memref_slice %arg4[%multiple_of3A_125] : memref<320000xi32, #tpu.memory_space<hbm>> -> memref<80xi32, #tpu.memory_space<hbm>>
      %dma_wait3A_129 = tpu.memref_slice %arg4[%multiple_of3A_125] : memref<320000xi32, #tpu.memory_space<hbm>> -> memref<80xi32, #tpu.memory_space<hbm>>
      tpu.wait_dma2 semaphore(%arg39 : memref<!tpu.dma_semaphore, #tpu.memory_space<semaphore_mem>>) src(%dma_wait3A_129 : memref<80xi32, #tpu.memory_space<hbm>>) dst(%arg18 : memref<80xi32, #tpu.memory_space<vmem>>)
      %dma_start3A_130 = arith.constant 0 : i32
      %dma_start3A_131 = arith.constant 0 : i32
      %dma_start3A_132 = tpu.memref_slice %arg2[%dma_start3A_130, %dma_start3A_131] : memref<10000x128xf32, #tpu.memory_space<hbm>> -> memref<10000x128xf32, #tpu.memory_space<hbm>>
      tpu.enqueue_indirect_dma source(%dma_start3A_132 : memref<10000x128xf32, #tpu.memory_space<hbm>>) target(%arg26 : memref<80x128xf32, #tpu.memory_space<vmem>>) offsets(%arg10 : memref<80xi32, #tpu.memory_space<vmem>>) semaphore(%arg47 : memref<!tpu.dma_semaphore, #tpu.memory_space<semaphore_mem>>)
      "tpu.region"() ({
        %run_scoped3A = tpu.sem_alloc : memref<!tpu.dma_semaphore, #tpu.memory_space<semaphore_mem>>
        %dma_start3A_353 = arith.constant 0 : i32
        %dma_start3A_354 = arith.constant 0 : i32
        %dma_start3A_355 = tpu.memref_slice %arg27[%dma_start3A_353, %dma_start3A_354] : memref<10240x128xf32, #tpu.memory_space<vmem_shared>> -> memref<10240x128xf32, #tpu.memory_space<vmem_shared>>
        tpu.enqueue_indirect_dma source(%arg23 : memref<80x128xf32, #tpu.memory_space<vmem>>) target(%dma_start3A_355 : memref<10240x128xf32, #tpu.memory_space<vmem_shared>>) offsets(%arg15 : memref<80xi32, #tpu.memory_space<vmem>>) semaphore(%run_scoped3A : memref<!tpu.dma_semaphore, #tpu.memory_space<semaphore_mem>>) {add = true}
        %dma_wait3A_356 = arith.constant 0 : i32
        %dma_wait3A_357 = arith.constant 0 : i32
        %dma_wait3A_358 = tpu.memref_slice %arg27[%dma_wait3A_356, %dma_wait3A_357] : memref<10240x128xf32, #tpu.memory_space<vmem_shared>> -> memref<10240x128xf32, #tpu.memory_space<vmem_shared>>
        tpu.wait_indirect_dma semaphore(%run_scoped3A : memref<!tpu.dma_semaphore, #tpu.memory_space<semaphore_mem>>) src(%arg23 : memref<80x128xf32, #tpu.memory_space<vmem>>) dst(%dma_wait3A_358 : memref<10240x128xf32, #tpu.memory_space<vmem_shared>>)
        tpu.yield
      }) : () -> ()
      %add3A_133 = arith.constant 5 : i32
      %add3A_134 = arith.addi %add3A_116, %add3A_133 : i32
      %mul3A_135 = arith.constant 80 : i32
      %mul3A_136 = arith.muli %add3A_134, %mul3A_135 : i32
      %add3A_137 = arith.addi %mul3A_2, %mul3A_136 : i32
      %multiple_of3A_138 = tpu.assume_multiple %add3A_137, 8 : i32
      %dma_start3A_139 = tpu.memref_slice %arg3[%multiple_of3A_138] : memref<320000xi32, #tpu.memory_space<hbm>> -> memref<80xi32, #tpu.memory_space<hbm>>
      %dma_start3A_140 = tpu.memref_slice %arg3[%multiple_of3A_138] : memref<320000xi32, #tpu.memory_space<hbm>> -> memref<80xi32, #tpu.memory_space<hbm>>
      tpu.enqueue_dma source(%dma_start3A_140 : memref<80xi32, #tpu.memory_space<hbm>>) target(%arg12 : memref<80xi32, #tpu.memory_space<vmem>>) target_semaphore(%arg33 : memref<!tpu.dma_semaphore, #tpu.memory_space<semaphore_mem>>)
      %dma_start3A_141 = tpu.memref_slice %arg4[%multiple_of3A_138] : memref<320000xi32, #tpu.memory_space<hbm>> -> memref<80xi32, #tpu.memory_space<hbm>>
      %dma_start3A_142 = tpu.memref_slice %arg4[%multiple_of3A_138] : memref<320000xi32, #tpu.memory_space<hbm>> -> memref<80xi32, #tpu.memory_space<hbm>>
      tpu.enqueue_dma source(%dma_start3A_142 : memref<80xi32, #tpu.memory_space<hbm>>) target(%arg20 : memref<80xi32, #tpu.memory_space<vmem>>) target_semaphore(%arg41 : memref<!tpu.dma_semaphore, #tpu.memory_space<semaphore_mem>>)
      %mul3A_143 = arith.constant 8 : i32
      %mul3A_144 = arith.muli %scan3A_112, %mul3A_143 : i32
      %add3A_145 = arith.constant 1 : i32
      %add3A_146 = arith.addi %mul3A_144, %add3A_145 : i32
      %dma_wait3A_147 = arith.constant 0 : i32
      %dma_wait3A_148 = arith.constant 0 : i32
      %dma_wait3A_149 = tpu.memref_slice %arg2[%dma_wait3A_147, %dma_wait3A_148] : memref<10000x128xf32, #tpu.memory_space<hbm>> -> memref<10000x128xf32, #tpu.memory_space<hbm>>
      tpu.wait_indirect_dma semaphore(%arg45 : memref<!tpu.dma_semaphore, #tpu.memory_space<semaphore_mem>>) src(%dma_wait3A_149 : memref<10000x128xf32, #tpu.memory_space<hbm>>) dst(%arg24 : memref<80x128xf32, #tpu.memory_space<vmem>>)
      %add3A_150 = arith.constant 3 : i32
      %add3A_151 = arith.addi %add3A_146, %add3A_150 : i32
      %mul3A_152 = arith.constant 80 : i32
      %mul3A_153 = arith.muli %add3A_151, %mul3A_152 : i32
      %add3A_154 = arith.addi %mul3A_2, %mul3A_153 : i32
      %multiple_of3A_155 = tpu.assume_multiple %add3A_154, 8 : i32
      %dma_wait3A_156 = tpu.memref_slice %arg3[%multiple_of3A_155] : memref<320000xi32, #tpu.memory_space<hbm>> -> memref<80xi32, #tpu.memory_space<hbm>>
      %dma_wait3A_157 = tpu.memref_slice %arg3[%multiple_of3A_155] : memref<320000xi32, #tpu.memory_space<hbm>> -> memref<80xi32, #tpu.memory_space<hbm>>
      tpu.wait_dma2 semaphore(%arg32 : memref<!tpu.dma_semaphore, #tpu.memory_space<semaphore_mem>>) src(%dma_wait3A_157 : memref<80xi32, #tpu.memory_space<hbm>>) dst(%arg11 : memref<80xi32, #tpu.memory_space<vmem>>)
      %dma_wait3A_158 = tpu.memref_slice %arg4[%multiple_of3A_155] : memref<320000xi32, #tpu.memory_space<hbm>> -> memref<80xi32, #tpu.memory_space<hbm>>
      %dma_wait3A_159 = tpu.memref_slice %arg4[%multiple_of3A_155] : memref<320000xi32, #tpu.memory_space<hbm>> -> memref<80xi32, #tpu.memory_space<hbm>>
      tpu.wait_dma2 semaphore(%arg40 : memref<!tpu.dma_semaphore, #tpu.memory_space<semaphore_mem>>) src(%dma_wait3A_159 : memref<80xi32, #tpu.memory_space<hbm>>) dst(%arg19 : memref<80xi32, #tpu.memory_space<vmem>>)
      %dma_start3A_160 = arith.constant 0 : i32
      %dma_start3A_161 = arith.constant 0 : i32
      %dma_start3A_162 = tpu.memref_slice %arg2[%dma_start3A_160, %dma_start3A_161] : memref<10000x128xf32, #tpu.memory_space<hbm>> -> memref<10000x128xf32, #tpu.memory_space<hbm>>
      tpu.enqueue_indirect_dma source(%dma_start3A_162 : memref<10000x128xf32, #tpu.memory_space<hbm>>) target(%arg23 : memref<80x128xf32, #tpu.memory_space<vmem>>) offsets(%arg11 : memref<80xi32, #tpu.memory_space<vmem>>) semaphore(%arg44 : memref<!tpu.dma_semaphore, #tpu.memory_space<semaphore_mem>>)
      "tpu.region"() ({
        %run_scoped3A = tpu.sem_alloc : memref<!tpu.dma_semaphore, #tpu.memory_space<semaphore_mem>>
        %dma_start3A_353 = arith.constant 0 : i32
        %dma_start3A_354 = arith.constant 0 : i32
        %dma_start3A_355 = tpu.memref_slice %arg27[%dma_start3A_353, %dma_start3A_354] : memref<10240x128xf32, #tpu.memory_space<vmem_shared>> -> memref<10240x128xf32, #tpu.memory_space<vmem_shared>>
        tpu.enqueue_indirect_dma source(%arg24 : memref<80x128xf32, #tpu.memory_space<vmem>>) target(%dma_start3A_355 : memref<10240x128xf32, #tpu.memory_space<vmem_shared>>) offsets(%arg16 : memref<80xi32, #tpu.memory_space<vmem>>) semaphore(%run_scoped3A : memref<!tpu.dma_semaphore, #tpu.memory_space<semaphore_mem>>) {add = true}
        %dma_wait3A_356 = arith.constant 0 : i32
        %dma_wait3A_357 = arith.constant 0 : i32
        %dma_wait3A_358 = tpu.memref_slice %arg27[%dma_wait3A_356, %dma_wait3A_357] : memref<10240x128xf32, #tpu.memory_space<vmem_shared>> -> memref<10240x128xf32, #tpu.memory_space<vmem_shared>>
        tpu.wait_indirect_dma semaphore(%run_scoped3A : memref<!tpu.dma_semaphore, #tpu.memory_space<semaphore_mem>>) src(%arg24 : memref<80x128xf32, #tpu.memory_space<vmem>>) dst(%dma_wait3A_358 : memref<10240x128xf32, #tpu.memory_space<vmem_shared>>)
        tpu.yield
      }) : () -> ()
      %add3A_163 = arith.constant 5 : i32
      %add3A_164 = arith.addi %add3A_146, %add3A_163 : i32
      %mul3A_165 = arith.constant 80 : i32
      %mul3A_166 = arith.muli %add3A_164, %mul3A_165 : i32
      %add3A_167 = arith.addi %mul3A_2, %mul3A_166 : i32
      %multiple_of3A_168 = tpu.assume_multiple %add3A_167, 8 : i32
      %dma_start3A_169 = tpu.memref_slice %arg3[%multiple_of3A_168] : memref<320000xi32, #tpu.memory_space<hbm>> -> memref<80xi32, #tpu.memory_space<hbm>>
      %dma_start3A_170 = tpu.memref_slice %arg3[%multiple_of3A_168] : memref<320000xi32, #tpu.memory_space<hbm>> -> memref<80xi32, #tpu.memory_space<hbm>>
      tpu.enqueue_dma source(%dma_start3A_170 : memref<80xi32, #tpu.memory_space<hbm>>) target(%arg13 : memref<80xi32, #tpu.memory_space<vmem>>) target_semaphore(%arg34 : memref<!tpu.dma_semaphore, #tpu.memory_space<semaphore_mem>>)
      %dma_start3A_171 = tpu.memref_slice %arg4[%multiple_of3A_168] : memref<320000xi32, #tpu.memory_space<hbm>> -> memref<80xi32, #tpu.memory_space<hbm>>
      %dma_start3A_172 = tpu.memref_slice %arg4[%multiple_of3A_168] : memref<320000xi32, #tpu.memory_space<hbm>> -> memref<80xi32, #tpu.memory_space<hbm>>
      tpu.enqueue_dma source(%dma_start3A_172 : memref<80xi32, #tpu.memory_space<hbm>>) target(%arg21 : memref<80xi32, #tpu.memory_space<vmem>>) target_semaphore(%arg42 : memref<!tpu.dma_semaphore, #tpu.memory_space<semaphore_mem>>)
      %mul3A_173 = arith.constant 8 : i32
      %mul3A_174 = arith.muli %scan3A_112, %mul3A_173 : i32
      %add3A_175 = arith.constant 2 : i32
      %add3A_176 = arith.addi %mul3A_174, %add3A_175 : i32
      %dma_wait3A_177 = arith.constant 0 : i32
      %dma_wait3A_178 = arith.constant 0 : i32
      %dma_wait3A_179 = tpu.memref_slice %arg2[%dma_wait3A_177, %dma_wait3A_178] : memref<10000x128xf32, #tpu.memory_space<hbm>> -> memref<10000x128xf32, #tpu.memory_space<hbm>>
      tpu.wait_indirect_dma semaphore(%arg46 : memref<!tpu.dma_semaphore, #tpu.memory_space<semaphore_mem>>) src(%dma_wait3A_179 : memref<10000x128xf32, #tpu.memory_space<hbm>>) dst(%arg25 : memref<80x128xf32, #tpu.memory_space<vmem>>)
      %add3A_180 = arith.constant 3 : i32
      %add3A_181 = arith.addi %add3A_176, %add3A_180 : i32
      %mul3A_182 = arith.constant 80 : i32
      %mul3A_183 = arith.muli %add3A_181, %mul3A_182 : i32
      %add3A_184 = arith.addi %mul3A_2, %mul3A_183 : i32
      %multiple_of3A_185 = tpu.assume_multiple %add3A_184, 8 : i32
      %dma_wait3A_186 = tpu.memref_slice %arg3[%multiple_of3A_185] : memref<320000xi32, #tpu.memory_space<hbm>> -> memref<80xi32, #tpu.memory_space<hbm>>
      %dma_wait3A_187 = tpu.memref_slice %arg3[%multiple_of3A_185] : memref<320000xi32, #tpu.memory_space<hbm>> -> memref<80xi32, #tpu.memory_space<hbm>>
      tpu.wait_dma2 semaphore(%arg33 : memref<!tpu.dma_semaphore, #tpu.memory_space<semaphore_mem>>) src(%dma_wait3A_187 : memref<80xi32, #tpu.memory_space<hbm>>) dst(%arg12 : memref<80xi32, #tpu.memory_space<vmem>>)
      %dma_wait3A_188 = tpu.memref_slice %arg4[%multiple_of3A_185] : memref<320000xi32, #tpu.memory_space<hbm>> -> memref<80xi32, #tpu.memory_space<hbm>>
      %dma_wait3A_189 = tpu.memref_slice %arg4[%multiple_of3A_185] : memref<320000xi32, #tpu.memory_space<hbm>> -> memref<80xi32, #tpu.memory_space<hbm>>
      tpu.wait_dma2 semaphore(%arg41 : memref<!tpu.dma_semaphore, #tpu.memory_space<semaphore_mem>>) src(%dma_wait3A_189 : memref<80xi32, #tpu.memory_space<hbm>>) dst(%arg20 : memref<80xi32, #tpu.memory_space<vmem>>)
      %dma_start3A_190 = arith.constant 0 : i32
      %dma_start3A_191 = arith.constant 0 : i32
      %dma_start3A_192 = tpu.memref_slice %arg2[%dma_start3A_190, %dma_start3A_191] : memref<10000x128xf32, #tpu.memory_space<hbm>> -> memref<10000x128xf32, #tpu.memory_space<hbm>>
      tpu.enqueue_indirect_dma source(%dma_start3A_192 : memref<10000x128xf32, #tpu.memory_space<hbm>>) target(%arg24 : memref<80x128xf32, #tpu.memory_space<vmem>>) offsets(%arg12 : memref<80xi32, #tpu.memory_space<vmem>>) semaphore(%arg45 : memref<!tpu.dma_semaphore, #tpu.memory_space<semaphore_mem>>)
      "tpu.region"() ({
        %run_scoped3A = tpu.sem_alloc : memref<!tpu.dma_semaphore, #tpu.memory_space<semaphore_mem>>
        %dma_start3A_353 = arith.constant 0 : i32
        %dma_start3A_354 = arith.constant 0 : i32
        %dma_start3A_355 = tpu.memref_slice %arg27[%dma_start3A_353, %dma_start3A_354] : memref<10240x128xf32, #tpu.memory_space<vmem_shared>> -> memref<10240x128xf32, #tpu.memory_space<vmem_shared>>
        tpu.enqueue_indirect_dma source(%arg25 : memref<80x128xf32, #tpu.memory_space<vmem>>) target(%dma_start3A_355 : memref<10240x128xf32, #tpu.memory_space<vmem_shared>>) offsets(%arg17 : memref<80xi32, #tpu.memory_space<vmem>>) semaphore(%run_scoped3A : memref<!tpu.dma_semaphore, #tpu.memory_space<semaphore_mem>>) {add = true}
        %dma_wait3A_356 = arith.constant 0 : i32
        %dma_wait3A_357 = arith.constant 0 : i32
        %dma_wait3A_358 = tpu.memref_slice %arg27[%dma_wait3A_356, %dma_wait3A_357] : memref<10240x128xf32, #tpu.memory_space<vmem_shared>> -> memref<10240x128xf32, #tpu.memory_space<vmem_shared>>
        tpu.wait_indirect_dma semaphore(%run_scoped3A : memref<!tpu.dma_semaphore, #tpu.memory_space<semaphore_mem>>) src(%arg25 : memref<80x128xf32, #tpu.memory_space<vmem>>) dst(%dma_wait3A_358 : memref<10240x128xf32, #tpu.memory_space<vmem_shared>>)
        tpu.yield
      }) : () -> ()
      %add3A_193 = arith.constant 5 : i32
      %add3A_194 = arith.addi %add3A_176, %add3A_193 : i32
      %mul3A_195 = arith.constant 80 : i32
      %mul3A_196 = arith.muli %add3A_194, %mul3A_195 : i32
      %add3A_197 = arith.addi %mul3A_2, %mul3A_196 : i32
      %multiple_of3A_198 = tpu.assume_multiple %add3A_197, 8 : i32
      %dma_start3A_199 = tpu.memref_slice %arg3[%multiple_of3A_198] : memref<320000xi32, #tpu.memory_space<hbm>> -> memref<80xi32, #tpu.memory_space<hbm>>
      %dma_start3A_200 = tpu.memref_slice %arg3[%multiple_of3A_198] : memref<320000xi32, #tpu.memory_space<hbm>> -> memref<80xi32, #tpu.memory_space<hbm>>
      tpu.enqueue_dma source(%dma_start3A_200 : memref<80xi32, #tpu.memory_space<hbm>>) target(%arg14 : memref<80xi32, #tpu.memory_space<vmem>>) target_semaphore(%arg35 : memref<!tpu.dma_semaphore, #tpu.memory_space<semaphore_mem>>)
      %dma_start3A_201 = tpu.memref_slice %arg4[%multiple_of3A_198] : memref<320000xi32, #tpu.memory_space<hbm>> -> memref<80xi32, #tpu.memory_space<hbm>>
      %dma_start3A_202 = tpu.memref_slice %arg4[%multiple_of3A_198] : memref<320000xi32, #tpu.memory_space<hbm>> -> memref<80xi32, #tpu.memory_space<hbm>>
      tpu.enqueue_dma source(%dma_start3A_202 : memref<80xi32, #tpu.memory_space<hbm>>) target(%arg22 : memref<80xi32, #tpu.memory_space<vmem>>) target_semaphore(%arg43 : memref<!tpu.dma_semaphore, #tpu.memory_space<semaphore_mem>>)
      %mul3A_203 = arith.constant 8 : i32
      %mul3A_204 = arith.muli %scan3A_112, %mul3A_203 : i32
      %add3A_205 = arith.constant 3 : i32
      %add3A_206 = arith.addi %mul3A_204, %add3A_205 : i32
      %dma_wait3A_207 = arith.constant 0 : i32
      %dma_wait3A_208 = arith.constant 0 : i32
      %dma_wait3A_209 = tpu.memref_slice %arg2[%dma_wait3A_207, %dma_wait3A_208] : memref<10000x128xf32, #tpu.memory_space<hbm>> -> memref<10000x128xf32, #tpu.memory_space<hbm>>
      tpu.wait_indirect_dma semaphore(%arg47 : memref<!tpu.dma_semaphore, #tpu.memory_space<semaphore_mem>>) src(%dma_wait3A_209 : memref<10000x128xf32, #tpu.memory_space<hbm>>) dst(%arg26 : memref<80x128xf32, #tpu.memory_space<vmem>>)
      %add3A_210 = arith.constant 3 : i32
      %add3A_211 = arith.addi %add3A_206, %add3A_210 : i32
      %mul3A_212 = arith.constant 80 : i32
      %mul3A_213 = arith.muli %add3A_211, %mul3A_212 : i32
      %add3A_214 = arith.addi %mul3A_2, %mul3A_213 : i32
      %multiple_of3A_215 = tpu.assume_multiple %add3A_214, 8 : i32
      %dma_wait3A_216 = tpu.memref_slice %arg3[%multiple_of3A_215] : memref<320000xi32, #tpu.memory_space<hbm>> -> memref<80xi32, #tpu.memory_space<hbm>>
      %dma_wait3A_217 = tpu.memref_slice %arg3[%multiple_of3A_215] : memref<320000xi32, #tpu.memory_space<hbm>> -> memref<80xi32, #tpu.memory_space<hbm>>
      tpu.wait_dma2 semaphore(%arg34 : memref<!tpu.dma_semaphore, #tpu.memory_space<semaphore_mem>>) src(%dma_wait3A_217 : memref<80xi32, #tpu.memory_space<hbm>>) dst(%arg13 : memref<80xi32, #tpu.memory_space<vmem>>)
      %dma_wait3A_218 = tpu.memref_slice %arg4[%multiple_of3A_215] : memref<320000xi32, #tpu.memory_space<hbm>> -> memref<80xi32, #tpu.memory_space<hbm>>
      %dma_wait3A_219 = tpu.memref_slice %arg4[%multiple_of3A_215] : memref<320000xi32, #tpu.memory_space<hbm>> -> memref<80xi32, #tpu.memory_space<hbm>>
      tpu.wait_dma2 semaphore(%arg42 : memref<!tpu.dma_semaphore, #tpu.memory_space<semaphore_mem>>) src(%dma_wait3A_219 : memref<80xi32, #tpu.memory_space<hbm>>) dst(%arg21 : memref<80xi32, #tpu.memory_space<vmem>>)
      %dma_start3A_220 = arith.constant 0 : i32
      %dma_start3A_221 = arith.constant 0 : i32
      %dma_start3A_222 = tpu.memref_slice %arg2[%dma_start3A_220, %dma_start3A_221] : memref<10000x128xf32, #tpu.memory_space<hbm>> -> memref<10000x128xf32, #tpu.memory_space<hbm>>
      tpu.enqueue_indirect_dma source(%dma_start3A_222 : memref<10000x128xf32, #tpu.memory_space<hbm>>) target(%arg25 : memref<80x128xf32, #tpu.memory_space<vmem>>) offsets(%arg13 : memref<80xi32, #tpu.memory_space<vmem>>) semaphore(%arg46 : memref<!tpu.dma_semaphore, #tpu.memory_space<semaphore_mem>>)
      "tpu.region"() ({
        %run_scoped3A = tpu.sem_alloc : memref<!tpu.dma_semaphore, #tpu.memory_space<semaphore_mem>>
        %dma_start3A_353 = arith.constant 0 : i32
        %dma_start3A_354 = arith.constant 0 : i32
        %dma_start3A_355 = tpu.memref_slice %arg27[%dma_start3A_353, %dma_start3A_354] : memref<10240x128xf32, #tpu.memory_space<vmem_shared>> -> memref<10240x128xf32, #tpu.memory_space<vmem_shared>>
        tpu.enqueue_indirect_dma source(%arg26 : memref<80x128xf32, #tpu.memory_space<vmem>>) target(%dma_start3A_355 : memref<10240x128xf32, #tpu.memory_space<vmem_shared>>) offsets(%arg18 : memref<80xi32, #tpu.memory_space<vmem>>) semaphore(%run_scoped3A : memref<!tpu.dma_semaphore, #tpu.memory_space<semaphore_mem>>) {add = true}
        %dma_wait3A_356 = arith.constant 0 : i32
        %dma_wait3A_357 = arith.constant 0 : i32
        %dma_wait3A_358 = tpu.memref_slice %arg27[%dma_wait3A_356, %dma_wait3A_357] : memref<10240x128xf32, #tpu.memory_space<vmem_shared>> -> memref<10240x128xf32, #tpu.memory_space<vmem_shared>>
        tpu.wait_indirect_dma semaphore(%run_scoped3A : memref<!tpu.dma_semaphore, #tpu.memory_space<semaphore_mem>>) src(%arg26 : memref<80x128xf32, #tpu.memory_space<vmem>>) dst(%dma_wait3A_358 : memref<10240x128xf32, #tpu.memory_space<vmem_shared>>)
        tpu.yield
      }) : () -> ()
      %add3A_223 = arith.constant 5 : i32
      %add3A_224 = arith.addi %add3A_206, %add3A_223 : i32
      %mul3A_225 = arith.constant 80 : i32
      %mul3A_226 = arith.muli %add3A_224, %mul3A_225 : i32
      %add3A_227 = arith.addi %mul3A_2, %mul3A_226 : i32
      %multiple_of3A_228 = tpu.assume_multiple %add3A_227, 8 : i32
      %dma_start3A_229 = tpu.memref_slice %arg3[%multiple_of3A_228] : memref<320000xi32, #tpu.memory_space<hbm>> -> memref<80xi32, #tpu.memory_space<hbm>>
      %dma_start3A_230 = tpu.memref_slice %arg3[%multiple_of3A_228] : memref<320000xi32, #tpu.memory_space<hbm>> -> memref<80xi32, #tpu.memory_space<hbm>>
      tpu.enqueue_dma source(%dma_start3A_230 : memref<80xi32, #tpu.memory_space<hbm>>) target(%arg7 : memref<80xi32, #tpu.memory_space<vmem>>) target_semaphore(%arg28 : memref<!tpu.dma_semaphore, #tpu.memory_space<semaphore_mem>>)
      %dma_start3A_231 = tpu.memref_slice %arg4[%multiple_of3A_228] : memref<320000xi32, #tpu.memory_space<hbm>> -> memref<80xi32, #tpu.memory_space<hbm>>
      %dma_start3A_232 = tpu.memref_slice %arg4[%multiple_of3A_228] : memref<320000xi32, #tpu.memory_space<hbm>> -> memref<80xi32, #tpu.memory_space<hbm>>
      tpu.enqueue_dma source(%dma_start3A_232 : memref<80xi32, #tpu.memory_space<hbm>>) target(%arg15 : memref<80xi32, #tpu.memory_space<vmem>>) target_semaphore(%arg36 : memref<!tpu.dma_semaphore, #tpu.memory_space<semaphore_mem>>)
      %mul3A_233 = arith.constant 8 : i32
      %mul3A_234 = arith.muli %scan3A_112, %mul3A_233 : i32
      %add3A_235 = arith.constant 4 : i32
      %add3A_236 = arith.addi %mul3A_234, %add3A_235 : i32
      %dma_wait3A_237 = arith.constant 0 : i32
      %dma_wait3A_238 = arith.constant 0 : i32
      %dma_wait3A_239 = tpu.memref_slice %arg2[%dma_wait3A_237, %dma_wait3A_238] : memref<10000x128xf32, #tpu.memory_space<hbm>> -> memref<10000x128xf32, #tpu.memory_space<hbm>>
      tpu.wait_indirect_dma semaphore(%arg44 : memref<!tpu.dma_semaphore, #tpu.memory_space<semaphore_mem>>) src(%dma_wait3A_239 : memref<10000x128xf32, #tpu.memory_space<hbm>>) dst(%arg23 : memref<80x128xf32, #tpu.memory_space<vmem>>)
      %add3A_240 = arith.constant 3 : i32
      %add3A_241 = arith.addi %add3A_236, %add3A_240 : i32
      %mul3A_242 = arith.constant 80 : i32
      %mul3A_243 = arith.muli %add3A_241, %mul3A_242 : i32
      %add3A_244 = arith.addi %mul3A_2, %mul3A_243 : i32
      %multiple_of3A_245 = tpu.assume_multiple %add3A_244, 8 : i32
      %dma_wait3A_246 = tpu.memref_slice %arg3[%multiple_of3A_245] : memref<320000xi32, #tpu.memory_space<hbm>> -> memref<80xi32, #tpu.memory_space<hbm>>
      %dma_wait3A_247 = tpu.memref_slice %arg3[%multiple_of3A_245] : memref<320000xi32, #tpu.memory_space<hbm>> -> memref<80xi32, #tpu.memory_space<hbm>>
      tpu.wait_dma2 semaphore(%arg35 : memref<!tpu.dma_semaphore, #tpu.memory_space<semaphore_mem>>) src(%dma_wait3A_247 : memref<80xi32, #tpu.memory_space<hbm>>) dst(%arg14 : memref<80xi32, #tpu.memory_space<vmem>>)
      %dma_wait3A_248 = tpu.memref_slice %arg4[%multiple_of3A_245] : memref<320000xi32, #tpu.memory_space<hbm>> -> memref<80xi32, #tpu.memory_space<hbm>>
      %dma_wait3A_249 = tpu.memref_slice %arg4[%multiple_of3A_245] : memref<320000xi32, #tpu.memory_space<hbm>> -> memref<80xi32, #tpu.memory_space<hbm>>
      tpu.wait_dma2 semaphore(%arg43 : memref<!tpu.dma_semaphore, #tpu.memory_space<semaphore_mem>>) src(%dma_wait3A_249 : memref<80xi32, #tpu.memory_space<hbm>>) dst(%arg22 : memref<80xi32, #tpu.memory_space<vmem>>)
      %dma_start3A_250 = arith.constant 0 : i32
      %dma_start3A_251 = arith.constant 0 : i32
      %dma_start3A_252 = tpu.memref_slice %arg2[%dma_start3A_250, %dma_start3A_251] : memref<10000x128xf32, #tpu.memory_space<hbm>> -> memref<10000x128xf32, #tpu.memory_space<hbm>>
      tpu.enqueue_indirect_dma source(%dma_start3A_252 : memref<10000x128xf32, #tpu.memory_space<hbm>>) target(%arg26 : memref<80x128xf32, #tpu.memory_space<vmem>>) offsets(%arg14 : memref<80xi32, #tpu.memory_space<vmem>>) semaphore(%arg47 : memref<!tpu.dma_semaphore, #tpu.memory_space<semaphore_mem>>)
      "tpu.region"() ({
        %run_scoped3A = tpu.sem_alloc : memref<!tpu.dma_semaphore, #tpu.memory_space<semaphore_mem>>
        %dma_start3A_353 = arith.constant 0 : i32
        %dma_start3A_354 = arith.constant 0 : i32
        %dma_start3A_355 = tpu.memref_slice %arg27[%dma_start3A_353, %dma_start3A_354] : memref<10240x128xf32, #tpu.memory_space<vmem_shared>> -> memref<10240x128xf32, #tpu.memory_space<vmem_shared>>
        tpu.enqueue_indirect_dma source(%arg23 : memref<80x128xf32, #tpu.memory_space<vmem>>) target(%dma_start3A_355 : memref<10240x128xf32, #tpu.memory_space<vmem_shared>>) offsets(%arg19 : memref<80xi32, #tpu.memory_space<vmem>>) semaphore(%run_scoped3A : memref<!tpu.dma_semaphore, #tpu.memory_space<semaphore_mem>>) {add = true}
        %dma_wait3A_356 = arith.constant 0 : i32
        %dma_wait3A_357 = arith.constant 0 : i32
        %dma_wait3A_358 = tpu.memref_slice %arg27[%dma_wait3A_356, %dma_wait3A_357] : memref<10240x128xf32, #tpu.memory_space<vmem_shared>> -> memref<10240x128xf32, #tpu.memory_space<vmem_shared>>
        tpu.wait_indirect_dma semaphore(%run_scoped3A : memref<!tpu.dma_semaphore, #tpu.memory_space<semaphore_mem>>) src(%arg23 : memref<80x128xf32, #tpu.memory_space<vmem>>) dst(%dma_wait3A_358 : memref<10240x128xf32, #tpu.memory_space<vmem_shared>>)
        tpu.yield
      }) : () -> ()
      %add3A_253 = arith.constant 5 : i32
      %add3A_254 = arith.addi %add3A_236, %add3A_253 : i32
      %mul3A_255 = arith.constant 80 : i32
      %mul3A_256 = arith.muli %add3A_254, %mul3A_255 : i32
      %add3A_257 = arith.addi %mul3A_2, %mul3A_256 : i32
      %multiple_of3A_258 = tpu.assume_multiple %add3A_257, 8 : i32
      %dma_start3A_259 = tpu.memref_slice %arg3[%multiple_of3A_258] : memref<320000xi32, #tpu.memory_space<hbm>> -> memref<80xi32, #tpu.memory_space<hbm>>
      %dma_start3A_260 = tpu.memref_slice %arg3[%multiple_of3A_258] : memref<320000xi32, #tpu.memory_space<hbm>> -> memref<80xi32, #tpu.memory_space<hbm>>
      tpu.enqueue_dma source(%dma_start3A_260 : memref<80xi32, #tpu.memory_space<hbm>>) target(%arg8 : memref<80xi32, #tpu.memory_space<vmem>>) target_semaphore(%arg29 : memref<!tpu.dma_semaphore, #tpu.memory_space<semaphore_mem>>)
      %dma_start3A_261 = tpu.memref_slice %arg4[%multiple_of3A_258] : memref<320000xi32, #tpu.memory_space<hbm>> -> memref<80xi32, #tpu.memory_space<hbm>>
      %dma_start3A_262 = tpu.memref_slice %arg4[%multiple_of3A_258] : memref<320000xi32, #tpu.memory_space<hbm>> -> memref<80xi32, #tpu.memory_space<hbm>>
      tpu.enqueue_dma source(%dma_start3A_262 : memref<80xi32, #tpu.memory_space<hbm>>) target(%arg16 : memref<80xi32, #tpu.memory_space<vmem>>) target_semaphore(%arg37 : memref<!tpu.dma_semaphore, #tpu.memory_space<semaphore_mem>>)
      %mul3A_263 = arith.constant 8 : i32
      %mul3A_264 = arith.muli %scan3A_112, %mul3A_263 : i32
      %add3A_265 = arith.constant 5 : i32
      %add3A_266 = arith.addi %mul3A_264, %add3A_265 : i32
      %dma_wait3A_267 = arith.constant 0 : i32
      %dma_wait3A_268 = arith.constant 0 : i32
      %dma_wait3A_269 = tpu.memref_slice %arg2[%dma_wait3A_267, %dma_wait3A_268] : memref<10000x128xf32, #tpu.memory_space<hbm>> -> memref<10000x128xf32, #tpu.memory_space<hbm>>
      tpu.wait_indirect_dma semaphore(%arg45 : memref<!tpu.dma_semaphore, #tpu.memory_space<semaphore_mem>>) src(%dma_wait3A_269 : memref<10000x128xf32, #tpu.memory_space<hbm>>) dst(%arg24 : memref<80x128xf32, #tpu.memory_space<vmem>>)
      %add3A_270 = arith.constant 3 : i32
      %add3A_271 = arith.addi %add3A_266, %add3A_270 : i32
      %mul3A_272 = arith.constant 80 : i32
      %mul3A_273 = arith.muli %add3A_271, %mul3A_272 : i32
      %add3A_274 = arith.addi %mul3A_2, %mul3A_273 : i32
      %multiple_of3A_275 = tpu.assume_multiple %add3A_274, 8 : i32
      %dma_wait3A_276 = tpu.memref_slice %arg3[%multiple_of3A_275] : memref<320000xi32, #tpu.memory_space<hbm>> -> memref<80xi32, #tpu.memory_space<hbm>>
      %dma_wait3A_277 = tpu.memref_slice %arg3[%multiple_of3A_275] : memref<320000xi32, #tpu.memory_space<hbm>> -> memref<80xi32, #tpu.memory_space<hbm>>
      tpu.wait_dma2 semaphore(%arg28 : memref<!tpu.dma_semaphore, #tpu.memory_space<semaphore_mem>>) src(%dma_wait3A_277 : memref<80xi32, #tpu.memory_space<hbm>>) dst(%arg7 : memref<80xi32, #tpu.memory_space<vmem>>)
      %dma_wait3A_278 = tpu.memref_slice %arg4[%multiple_of3A_275] : memref<320000xi32, #tpu.memory_space<hbm>> -> memref<80xi32, #tpu.memory_space<hbm>>
      %dma_wait3A_279 = tpu.memref_slice %arg4[%multiple_of3A_275] : memref<320000xi32, #tpu.memory_space<hbm>> -> memref<80xi32, #tpu.memory_space<hbm>>
      tpu.wait_dma2 semaphore(%arg36 : memref<!tpu.dma_semaphore, #tpu.memory_space<semaphore_mem>>) src(%dma_wait3A_279 : memref<80xi32, #tpu.memory_space<hbm>>) dst(%arg15 : memref<80xi32, #tpu.memory_space<vmem>>)
      %dma_start3A_280 = arith.constant 0 : i32
      %dma_start3A_281 = arith.constant 0 : i32
      %dma_start3A_282 = tpu.memref_slice %arg2[%dma_start3A_280, %dma_start3A_281] : memref<10000x128xf32, #tpu.memory_space<hbm>> -> memref<10000x128xf32, #tpu.memory_space<hbm>>
      tpu.enqueue_indirect_dma source(%dma_start3A_282 : memref<10000x128xf32, #tpu.memory_space<hbm>>) target(%arg23 : memref<80x128xf32, #tpu.memory_space<vmem>>) offsets(%arg7 : memref<80xi32, #tpu.memory_space<vmem>>) semaphore(%arg44 : memref<!tpu.dma_semaphore, #tpu.memory_space<semaphore_mem>>)
      "tpu.region"() ({
        %run_scoped3A = tpu.sem_alloc : memref<!tpu.dma_semaphore, #tpu.memory_space<semaphore_mem>>
        %dma_start3A_353 = arith.constant 0 : i32
        %dma_start3A_354 = arith.constant 0 : i32
        %dma_start3A_355 = tpu.memref_slice %arg27[%dma_start3A_353, %dma_start3A_354] : memref<10240x128xf32, #tpu.memory_space<vmem_shared>> -> memref<10240x128xf32, #tpu.memory_space<vmem_shared>>
        tpu.enqueue_indirect_dma source(%arg24 : memref<80x128xf32, #tpu.memory_space<vmem>>) target(%dma_start3A_355 : memref<10240x128xf32, #tpu.memory_space<vmem_shared>>) offsets(%arg20 : memref<80xi32, #tpu.memory_space<vmem>>) semaphore(%run_scoped3A : memref<!tpu.dma_semaphore, #tpu.memory_space<semaphore_mem>>) {add = true}
        %dma_wait3A_356 = arith.constant 0 : i32
        %dma_wait3A_357 = arith.constant 0 : i32
        %dma_wait3A_358 = tpu.memref_slice %arg27[%dma_wait3A_356, %dma_wait3A_357] : memref<10240x128xf32, #tpu.memory_space<vmem_shared>> -> memref<10240x128xf32, #tpu.memory_space<vmem_shared>>
        tpu.wait_indirect_dma semaphore(%run_scoped3A : memref<!tpu.dma_semaphore, #tpu.memory_space<semaphore_mem>>) src(%arg24 : memref<80x128xf32, #tpu.memory_space<vmem>>) dst(%dma_wait3A_358 : memref<10240x128xf32, #tpu.memory_space<vmem_shared>>)
        tpu.yield
      }) : () -> ()
      %add3A_283 = arith.constant 5 : i32
      %add3A_284 = arith.addi %add3A_266, %add3A_283 : i32
      %mul3A_285 = arith.constant 80 : i32
      %mul3A_286 = arith.muli %add3A_284, %mul3A_285 : i32
      %add3A_287 = arith.addi %mul3A_2, %mul3A_286 : i32
      %multiple_of3A_288 = tpu.assume_multiple %add3A_287, 8 : i32
      %dma_start3A_289 = tpu.memref_slice %arg3[%multiple_of3A_288] : memref<320000xi32, #tpu.memory_space<hbm>> -> memref<80xi32, #tpu.memory_space<hbm>>
      %dma_start3A_290 = tpu.memref_slice %arg3[%multiple_of3A_288] : memref<320000xi32, #tpu.memory_space<hbm>> -> memref<80xi32, #tpu.memory_space<hbm>>
      tpu.enqueue_dma source(%dma_start3A_290 : memref<80xi32, #tpu.memory_space<hbm>>) target(%arg9 : memref<80xi32, #tpu.memory_space<vmem>>) target_semaphore(%arg30 : memref<!tpu.dma_semaphore, #tpu.memory_space<semaphore_mem>>)
      %dma_start3A_291 = tpu.memref_slice %arg4[%multiple_of3A_288] : memref<320000xi32, #tpu.memory_space<hbm>> -> memref<80xi32, #tpu.memory_space<hbm>>
      %dma_start3A_292 = tpu.memref_slice %arg4[%multiple_of3A_288] : memref<320000xi32, #tpu.memory_space<hbm>> -> memref<80xi32, #tpu.memory_space<hbm>>
      tpu.enqueue_dma source(%dma_start3A_292 : memref<80xi32, #tpu.memory_space<hbm>>) target(%arg17 : memref<80xi32, #tpu.memory_space<vmem>>) target_semaphore(%arg38 : memref<!tpu.dma_semaphore, #tpu.memory_space<semaphore_mem>>)
      %mul3A_293 = arith.constant 8 : i32
      %mul3A_294 = arith.muli %scan3A_112, %mul3A_293 : i32
      %add3A_295 = arith.constant 6 : i32
      %add3A_296 = arith.addi %mul3A_294, %add3A_295 : i32
      %dma_wait3A_297 = arith.constant 0 : i32
      %dma_wait3A_298 = arith.constant 0 : i32
      %dma_wait3A_299 = tpu.memref_slice %arg2[%dma_wait3A_297, %dma_wait3A_298] : memref<10000x128xf32, #tpu.memory_space<hbm>> -> memref<10000x128xf32, #tpu.memory_space<hbm>>
      tpu.wait_indirect_dma semaphore(%arg46 : memref<!tpu.dma_semaphore, #tpu.memory_space<semaphore_mem>>) src(%dma_wait3A_299 : memref<10000x128xf32, #tpu.memory_space<hbm>>) dst(%arg25 : memref<80x128xf32, #tpu.memory_space<vmem>>)
      %add3A_300 = arith.constant 3 : i32
      %add3A_301 = arith.addi %add3A_296, %add3A_300 : i32
      %mul3A_302 = arith.constant 80 : i32
      %mul3A_303 = arith.muli %add3A_301, %mul3A_302 : i32
      %add3A_304 = arith.addi %mul3A_2, %mul3A_303 : i32
      %multiple_of3A_305 = tpu.assume_multiple %add3A_304, 8 : i32
      %dma_wait3A_306 = tpu.memref_slice %arg3[%multiple_of3A_305] : memref<320000xi32, #tpu.memory_space<hbm>> -> memref<80xi32, #tpu.memory_space<hbm>>
      %dma_wait3A_307 = tpu.memref_slice %arg3[%multiple_of3A_305] : memref<320000xi32, #tpu.memory_space<hbm>> -> memref<80xi32, #tpu.memory_space<hbm>>
      tpu.wait_dma2 semaphore(%arg29 : memref<!tpu.dma_semaphore, #tpu.memory_space<semaphore_mem>>) src(%dma_wait3A_307 : memref<80xi32, #tpu.memory_space<hbm>>) dst(%arg8 : memref<80xi32, #tpu.memory_space<vmem>>)
      %dma_wait3A_308 = tpu.memref_slice %arg4[%multiple_of3A_305] : memref<320000xi32, #tpu.memory_space<hbm>> -> memref<80xi32, #tpu.memory_space<hbm>>
      %dma_wait3A_309 = tpu.memref_slice %arg4[%multiple_of3A_305] : memref<320000xi32, #tpu.memory_space<hbm>> -> memref<80xi32, #tpu.memory_space<hbm>>
      tpu.wait_dma2 semaphore(%arg37 : memref<!tpu.dma_semaphore, #tpu.memory_space<semaphore_mem>>) src(%dma_wait3A_309 : memref<80xi32, #tpu.memory_space<hbm>>) dst(%arg16 : memref<80xi32, #tpu.memory_space<vmem>>)
      %dma_start3A_310 = arith.constant 0 : i32
      %dma_start3A_311 = arith.constant 0 : i32
      %dma_start3A_312 = tpu.memref_slice %arg2[%dma_start3A_310, %dma_start3A_311] : memref<10000x128xf32, #tpu.memory_space<hbm>> -> memref<10000x128xf32, #tpu.memory_space<hbm>>
      tpu.enqueue_indirect_dma source(%dma_start3A_312 : memref<10000x128xf32, #tpu.memory_space<hbm>>) target(%arg24 : memref<80x128xf32, #tpu.memory_space<vmem>>) offsets(%arg8 : memref<80xi32, #tpu.memory_space<vmem>>) semaphore(%arg45 : memref<!tpu.dma_semaphore, #tpu.memory_space<semaphore_mem>>)
      "tpu.region"() ({
        %run_scoped3A = tpu.sem_alloc : memref<!tpu.dma_semaphore, #tpu.memory_space<semaphore_mem>>
        %dma_start3A_353 = arith.constant 0 : i32
        %dma_start3A_354 = arith.constant 0 : i32
        %dma_start3A_355 = tpu.memref_slice %arg27[%dma_start3A_353, %dma_start3A_354] : memref<10240x128xf32, #tpu.memory_space<vmem_shared>> -> memref<10240x128xf32, #tpu.memory_space<vmem_shared>>
        tpu.enqueue_indirect_dma source(%arg25 : memref<80x128xf32, #tpu.memory_space<vmem>>) target(%dma_start3A_355 : memref<10240x128xf32, #tpu.memory_space<vmem_shared>>) offsets(%arg21 : memref<80xi32, #tpu.memory_space<vmem>>) semaphore(%run_scoped3A : memref<!tpu.dma_semaphore, #tpu.memory_space<semaphore_mem>>) {add = true}
        %dma_wait3A_356 = arith.constant 0 : i32
        %dma_wait3A_357 = arith.constant 0 : i32
        %dma_wait3A_358 = tpu.memref_slice %arg27[%dma_wait3A_356, %dma_wait3A_357] : memref<10240x128xf32, #tpu.memory_space<vmem_shared>> -> memref<10240x128xf32, #tpu.memory_space<vmem_shared>>
        tpu.wait_indirect_dma semaphore(%run_scoped3A : memref<!tpu.dma_semaphore, #tpu.memory_space<semaphore_mem>>) src(%arg25 : memref<80x128xf32, #tpu.memory_space<vmem>>) dst(%dma_wait3A_358 : memref<10240x128xf32, #tpu.memory_space<vmem_shared>>)
        tpu.yield
      }) : () -> ()
      %add3A_313 = arith.constant 5 : i32
      %add3A_314 = arith.addi %add3A_296, %add3A_313 : i32
      %mul3A_315 = arith.constant 80 : i32
      %mul3A_316 = arith.muli %add3A_314, %mul3A_315 : i32
      %add3A_317 = arith.addi %mul3A_2, %mul3A_316 : i32
      %multiple_of3A_318 = tpu.assume_multiple %add3A_317, 8 : i32
      %dma_start3A_319 = tpu.memref_slice %arg3[%multiple_of3A_318] : memref<320000xi32, #tpu.memory_space<hbm>> -> memref<80xi32, #tpu.memory_space<hbm>>
      %dma_start3A_320 = tpu.memref_slice %arg3[%multiple_of3A_318] : memref<320000xi32, #tpu.memory_space<hbm>> -> memref<80xi32, #tpu.memory_space<hbm>>
      tpu.enqueue_dma source(%dma_start3A_320 : memref<80xi32, #tpu.memory_space<hbm>>) target(%arg10 : memref<80xi32, #tpu.memory_space<vmem>>) target_semaphore(%arg31 : memref<!tpu.dma_semaphore, #tpu.memory_space<semaphore_mem>>)
      %dma_start3A_321 = tpu.memref_slice %arg4[%multiple_of3A_318] : memref<320000xi32, #tpu.memory_space<hbm>> -> memref<80xi32, #tpu.memory_space<hbm>>
      %dma_start3A_322 = tpu.memref_slice %arg4[%multiple_of3A_318] : memref<320000xi32, #tpu.memory_space<hbm>> -> memref<80xi32, #tpu.memory_space<hbm>>
      tpu.enqueue_dma source(%dma_start3A_322 : memref<80xi32, #tpu.memory_space<hbm>>) target(%arg18 : memref<80xi32, #tpu.memory_space<vmem>>) target_semaphore(%arg39 : memref<!tpu.dma_semaphore, #tpu.memory_space<semaphore_mem>>)
      %mul3A_323 = arith.constant 8 : i32
      %mul3A_324 = arith.muli %scan3A_112, %mul3A_323 : i32
      %add3A_325 = arith.constant 7 : i32
      %add3A_326 = arith.addi %mul3A_324, %add3A_325 : i32
      %dma_wait3A_327 = arith.constant 0 : i32
      %dma_wait3A_328 = arith.constant 0 : i32
      %dma_wait3A_329 = tpu.memref_slice %arg2[%dma_wait3A_327, %dma_wait3A_328] : memref<10000x128xf32, #tpu.memory_space<hbm>> -> memref<10000x128xf32, #tpu.memory_space<hbm>>
      tpu.wait_indirect_dma semaphore(%arg47 : memref<!tpu.dma_semaphore, #tpu.memory_space<semaphore_mem>>) src(%dma_wait3A_329 : memref<10000x128xf32, #tpu.memory_space<hbm>>) dst(%arg26 : memref<80x128xf32, #tpu.memory_space<vmem>>)
      %add3A_330 = arith.constant 3 : i32
      %add3A_331 = arith.addi %add3A_326, %add3A_330 : i32
      %mul3A_332 = arith.constant 80 : i32
      %mul3A_333 = arith.muli %add3A_331, %mul3A_332 : i32
      %add3A_334 = arith.addi %mul3A_2, %mul3A_333 : i32
      %multiple_of3A_335 = tpu.assume_multiple %add3A_334, 8 : i32
      %dma_wait3A_336 = tpu.memref_slice %arg3[%multiple_of3A_335] : memref<320000xi32, #tpu.memory_space<hbm>> -> memref<80xi32, #tpu.memory_space<hbm>>
      %dma_wait3A_337 = tpu.memref_slice %arg3[%multiple_of3A_335] : memref<320000xi32, #tpu.memory_space<hbm>> -> memref<80xi32, #tpu.memory_space<hbm>>
      tpu.wait_dma2 semaphore(%arg30 : memref<!tpu.dma_semaphore, #tpu.memory_space<semaphore_mem>>) src(%dma_wait3A_337 : memref<80xi32, #tpu.memory_space<hbm>>) dst(%arg9 : memref<80xi32, #tpu.memory_space<vmem>>)
      %dma_wait3A_338 = tpu.memref_slice %arg4[%multiple_of3A_335] : memref<320000xi32, #tpu.memory_space<hbm>> -> memref<80xi32, #tpu.memory_space<hbm>>
      %dma_wait3A_339 = tpu.memref_slice %arg4[%multiple_of3A_335] : memref<320000xi32, #tpu.memory_space<hbm>> -> memref<80xi32, #tpu.memory_space<hbm>>
      tpu.wait_dma2 semaphore(%arg38 : memref<!tpu.dma_semaphore, #tpu.memory_space<semaphore_mem>>) src(%dma_wait3A_339 : memref<80xi32, #tpu.memory_space<hbm>>) dst(%arg17 : memref<80xi32, #tpu.memory_space<vmem>>)
      %dma_start3A_340 = arith.constant 0 : i32
      %dma_start3A_341 = arith.constant 0 : i32
      %dma_start3A_342 = tpu.memref_slice %arg2[%dma_start3A_340, %dma_start3A_341] : memref<10000x128xf32, #tpu.memory_space<hbm>> -> memref<10000x128xf32, #tpu.memory_space<hbm>>
      tpu.enqueue_indirect_dma source(%dma_start3A_342 : memref<10000x128xf32, #tpu.memory_space<hbm>>) target(%arg25 : memref<80x128xf32, #tpu.memory_space<vmem>>) offsets(%arg9 : memref<80xi32, #tpu.memory_space<vmem>>) semaphore(%arg46 : memref<!tpu.dma_semaphore, #tpu.memory_space<semaphore_mem>>)
      "tpu.region"() ({
        %run_scoped3A = tpu.sem_alloc : memref<!tpu.dma_semaphore, #tpu.memory_space<semaphore_mem>>
        %dma_start3A_353 = arith.constant 0 : i32
        %dma_start3A_354 = arith.constant 0 : i32
        %dma_start3A_355 = tpu.memref_slice %arg27[%dma_start3A_353, %dma_start3A_354] : memref<10240x128xf32, #tpu.memory_space<vmem_shared>> -> memref<10240x128xf32, #tpu.memory_space<vmem_shared>>
        tpu.enqueue_indirect_dma source(%arg26 : memref<80x128xf32, #tpu.memory_space<vmem>>) target(%dma_start3A_355 : memref<10240x128xf32, #tpu.memory_space<vmem_shared>>) offsets(%arg22 : memref<80xi32, #tpu.memory_space<vmem>>) semaphore(%run_scoped3A : memref<!tpu.dma_semaphore, #tpu.memory_space<semaphore_mem>>) {add = true}
        %dma_wait3A_356 = arith.constant 0 : i32
        %dma_wait3A_357 = arith.constant 0 : i32
        %dma_wait3A_358 = tpu.memref_slice %arg27[%dma_wait3A_356, %dma_wait3A_357] : memref<10240x128xf32, #tpu.memory_space<vmem_shared>> -> memref<10240x128xf32, #tpu.memory_space<vmem_shared>>
        tpu.wait_indirect_dma semaphore(%run_scoped3A : memref<!tpu.dma_semaphore, #tpu.memory_space<semaphore_mem>>) src(%arg26 : memref<80x128xf32, #tpu.memory_space<vmem>>) dst(%dma_wait3A_358 : memref<10240x128xf32, #tpu.memory_space<vmem_shared>>)
        tpu.yield
      }) : () -> ()
      %add3A_343 = arith.constant 5 : i32
      %add3A_344 = arith.addi %add3A_326, %add3A_343 : i32
      %mul3A_345 = arith.constant 80 : i32
      %mul3A_346 = arith.muli %add3A_344, %mul3A_345 : i32
      %add3A_347 = arith.addi %mul3A_2, %mul3A_346 : i32
      %multiple_of3A_348 = tpu.assume_multiple %add3A_347, 8 : i32
      %dma_start3A_349 = tpu.memref_slice %arg3[%multiple_of3A_348] : memref<320000xi32, #tpu.memory_space<hbm>> -> memref<80xi32, #tpu.memory_space<hbm>>
      %dma_start3A_350 = tpu.memref_slice %arg3[%multiple_of3A_348] : memref<320000xi32, #tpu.memory_space<hbm>> -> memref<80xi32, #tpu.memory_space<hbm>>
      tpu.enqueue_dma source(%dma_start3A_350 : memref<80xi32, #tpu.memory_space<hbm>>) target(%arg11 : memref<80xi32, #tpu.memory_space<vmem>>) target_semaphore(%arg32 : memref<!tpu.dma_semaphore, #tpu.memory_space<semaphore_mem>>)
      %dma_start3A_351 = tpu.memref_slice %arg4[%multiple_of3A_348] : memref<320000xi32, #tpu.memory_space<hbm>> -> memref<80xi32, #tpu.memory_space<hbm>>
      %dma_start3A_352 = tpu.memref_slice %arg4[%multiple_of3A_348] : memref<320000xi32, #tpu.memory_space<hbm>> -> memref<80xi32, #tpu.memory_space<hbm>>
      tpu.enqueue_dma source(%dma_start3A_352 : memref<80xi32, #tpu.memory_space<hbm>>) target(%arg19 : memref<80xi32, #tpu.memory_space<vmem>>) target_semaphore(%arg40 : memref<!tpu.dma_semaphore, #tpu.memory_space<semaphore_mem>>)
    }
    %scan3A_71 = arith.constant 15 : i32
    %dma_wait3A_72 = arith.constant 0 : i32
    %dma_wait3A_73 = arith.constant 0 : i32
    %dma_wait3A_74 = tpu.memref_slice %arg2[%dma_wait3A_72, %dma_wait3A_73] : memref<10000x128xf32, #tpu.memory_space<hbm>> -> memref<10000x128xf32, #tpu.memory_space<hbm>>
    tpu.wait_indirect_dma semaphore(%arg44 : memref<!tpu.dma_semaphore, #tpu.memory_space<semaphore_mem>>) src(%dma_wait3A_74 : memref<10000x128xf32, #tpu.memory_space<hbm>>) dst(%arg23 : memref<80x128xf32, #tpu.memory_space<vmem>>)
    %add3A_75 = arith.constant 9840 : i32
    %add3A_76 = arith.addi %mul3A_2, %add3A_75 : i32
    %multiple_of3A_77 = tpu.assume_multiple %add3A_76, 8 : i32
    %dma_wait3A_78 = tpu.memref_slice %arg3[%multiple_of3A_77] : memref<320000xi32, #tpu.memory_space<hbm>> -> memref<80xi32, #tpu.memory_space<hbm>>
    %dma_wait3A_79 = tpu.memref_slice %arg3[%multiple_of3A_77] : memref<320000xi32, #tpu.memory_space<hbm>> -> memref<80xi32, #tpu.memory_space<hbm>>
    tpu.wait_dma2 semaphore(%arg31 : memref<!tpu.dma_semaphore, #tpu.memory_space<semaphore_mem>>) src(%dma_wait3A_79 : memref<80xi32, #tpu.memory_space<hbm>>) dst(%arg10 : memref<80xi32, #tpu.memory_space<vmem>>)
    %dma_wait3A_80 = tpu.memref_slice %arg4[%multiple_of3A_77] : memref<320000xi32, #tpu.memory_space<hbm>> -> memref<80xi32, #tpu.memory_space<hbm>>
    %dma_wait3A_81 = tpu.memref_slice %arg4[%multiple_of3A_77] : memref<320000xi32, #tpu.memory_space<hbm>> -> memref<80xi32, #tpu.memory_space<hbm>>
    tpu.wait_dma2 semaphore(%arg39 : memref<!tpu.dma_semaphore, #tpu.memory_space<semaphore_mem>>) src(%dma_wait3A_81 : memref<80xi32, #tpu.memory_space<hbm>>) dst(%arg18 : memref<80xi32, #tpu.memory_space<vmem>>)
    %dma_start3A_82 = arith.constant 0 : i32
    %dma_start3A_83 = arith.constant 0 : i32
    %dma_start3A_84 = tpu.memref_slice %arg2[%dma_start3A_82, %dma_start3A_83] : memref<10000x128xf32, #tpu.memory_space<hbm>> -> memref<10000x128xf32, #tpu.memory_space<hbm>>
    tpu.enqueue_indirect_dma source(%dma_start3A_84 : memref<10000x128xf32, #tpu.memory_space<hbm>>) target(%arg26 : memref<80x128xf32, #tpu.memory_space<vmem>>) offsets(%arg10 : memref<80xi32, #tpu.memory_space<vmem>>) semaphore(%arg47 : memref<!tpu.dma_semaphore, #tpu.memory_space<semaphore_mem>>)
    "tpu.region"() ({
      %run_scoped3A = tpu.sem_alloc : memref<!tpu.dma_semaphore, #tpu.memory_space<semaphore_mem>>
      %dma_start3A_112 = arith.constant 0 : i32
      %dma_start3A_113 = arith.constant 0 : i32
      %dma_start3A_114 = tpu.memref_slice %arg27[%dma_start3A_112, %dma_start3A_113] : memref<10240x128xf32, #tpu.memory_space<vmem_shared>> -> memref<10240x128xf32, #tpu.memory_space<vmem_shared>>
      tpu.enqueue_indirect_dma source(%arg23 : memref<80x128xf32, #tpu.memory_space<vmem>>) target(%dma_start3A_114 : memref<10240x128xf32, #tpu.memory_space<vmem_shared>>) offsets(%arg15 : memref<80xi32, #tpu.memory_space<vmem>>) semaphore(%run_scoped3A : memref<!tpu.dma_semaphore, #tpu.memory_space<semaphore_mem>>) {add = true}
      %dma_wait3A_115 = arith.constant 0 : i32
      %dma_wait3A_116 = arith.constant 0 : i32
      %dma_wait3A_117 = tpu.memref_slice %arg27[%dma_wait3A_115, %dma_wait3A_116] : memref<10240x128xf32, #tpu.memory_space<vmem_shared>> -> memref<10240x128xf32, #tpu.memory_space<vmem_shared>>
      tpu.wait_indirect_dma semaphore(%run_scoped3A : memref<!tpu.dma_semaphore, #tpu.memory_space<semaphore_mem>>) src(%arg23 : memref<80x128xf32, #tpu.memory_space<vmem>>) dst(%dma_wait3A_117 : memref<10240x128xf32, #tpu.memory_space<vmem_shared>>)
      tpu.yield
    }) : () -> ()
    %dma_wait3A_85 = arith.constant 0 : i32
    %dma_wait3A_86 = arith.constant 0 : i32
    %dma_wait3A_87 = tpu.memref_slice %arg2[%dma_wait3A_85, %dma_wait3A_86] : memref<10000x128xf32, #tpu.memory_space<hbm>> -> memref<10000x128xf32, #tpu.memory_space<hbm>>
    tpu.wait_indirect_dma semaphore(%arg45 : memref<!tpu.dma_semaphore, #tpu.memory_space<semaphore_mem>>) src(%dma_wait3A_87 : memref<10000x128xf32, #tpu.memory_space<hbm>>) dst(%arg24 : memref<80x128xf32, #tpu.memory_space<vmem>>)
    %add3A_88 = arith.constant 9920 : i32
    %add3A_89 = arith.addi %mul3A_2, %add3A_88 : i32
    %multiple_of3A_90 = tpu.assume_multiple %add3A_89, 8 : i32
    %dma_wait3A_91 = tpu.memref_slice %arg3[%multiple_of3A_90] : memref<320000xi32, #tpu.memory_space<hbm>> -> memref<80xi32, #tpu.memory_space<hbm>>
    %dma_wait3A_92 = tpu.memref_slice %arg3[%multiple_of3A_90] : memref<320000xi32, #tpu.memory_space<hbm>> -> memref<80xi32, #tpu.memory_space<hbm>>
    tpu.wait_dma2 semaphore(%arg32 : memref<!tpu.dma_semaphore, #tpu.memory_space<semaphore_mem>>) src(%dma_wait3A_92 : memref<80xi32, #tpu.memory_space<hbm>>) dst(%arg11 : memref<80xi32, #tpu.memory_space<vmem>>)
    %dma_wait3A_93 = tpu.memref_slice %arg4[%multiple_of3A_90] : memref<320000xi32, #tpu.memory_space<hbm>> -> memref<80xi32, #tpu.memory_space<hbm>>
    %dma_wait3A_94 = tpu.memref_slice %arg4[%multiple_of3A_90] : memref<320000xi32, #tpu.memory_space<hbm>> -> memref<80xi32, #tpu.memory_space<hbm>>
    tpu.wait_dma2 semaphore(%arg40 : memref<!tpu.dma_semaphore, #tpu.memory_space<semaphore_mem>>) src(%dma_wait3A_94 : memref<80xi32, #tpu.memory_space<hbm>>) dst(%arg19 : memref<80xi32, #tpu.memory_space<vmem>>)
    %dma_start3A_95 = arith.constant 0 : i32
    %dma_start3A_96 = arith.constant 0 : i32
    %dma_start3A_97 = tpu.memref_slice %arg2[%dma_start3A_95, %dma_start3A_96] : memref<10000x128xf32, #tpu.memory_space<hbm>> -> memref<10000x128xf32, #tpu.memory_space<hbm>>
    tpu.enqueue_indirect_dma source(%dma_start3A_97 : memref<10000x128xf32, #tpu.memory_space<hbm>>) target(%arg23 : memref<80x128xf32, #tpu.memory_space<vmem>>) offsets(%arg11 : memref<80xi32, #tpu.memory_space<vmem>>) semaphore(%arg44 : memref<!tpu.dma_semaphore, #tpu.memory_space<semaphore_mem>>)
    "tpu.region"() ({
      %run_scoped3A = tpu.sem_alloc : memref<!tpu.dma_semaphore, #tpu.memory_space<semaphore_mem>>
      %dma_start3A_112 = arith.constant 0 : i32
      %dma_start3A_113 = arith.constant 0 : i32
      %dma_start3A_114 = tpu.memref_slice %arg27[%dma_start3A_112, %dma_start3A_113] : memref<10240x128xf32, #tpu.memory_space<vmem_shared>> -> memref<10240x128xf32, #tpu.memory_space<vmem_shared>>
      tpu.enqueue_indirect_dma source(%arg24 : memref<80x128xf32, #tpu.memory_space<vmem>>) target(%dma_start3A_114 : memref<10240x128xf32, #tpu.memory_space<vmem_shared>>) offsets(%arg16 : memref<80xi32, #tpu.memory_space<vmem>>) semaphore(%run_scoped3A : memref<!tpu.dma_semaphore, #tpu.memory_space<semaphore_mem>>) {add = true}
      %dma_wait3A_115 = arith.constant 0 : i32
      %dma_wait3A_116 = arith.constant 0 : i32
      %dma_wait3A_117 = tpu.memref_slice %arg27[%dma_wait3A_115, %dma_wait3A_116] : memref<10240x128xf32, #tpu.memory_space<vmem_shared>> -> memref<10240x128xf32, #tpu.memory_space<vmem_shared>>
      tpu.wait_indirect_dma semaphore(%run_scoped3A : memref<!tpu.dma_semaphore, #tpu.memory_space<semaphore_mem>>) src(%arg24 : memref<80x128xf32, #tpu.memory_space<vmem>>) dst(%dma_wait3A_117 : memref<10240x128xf32, #tpu.memory_space<vmem_shared>>)
      tpu.yield
    }) : () -> ()
    %dma_wait3A_98 = arith.constant 0 : i32
    %dma_wait3A_99 = arith.constant 0 : i32
    %dma_wait3A_100 = tpu.memref_slice %arg2[%dma_wait3A_98, %dma_wait3A_99] : memref<10000x128xf32, #tpu.memory_space<hbm>> -> memref<10000x128xf32, #tpu.memory_space<hbm>>
    tpu.wait_indirect_dma semaphore(%arg46 : memref<!tpu.dma_semaphore, #tpu.memory_space<semaphore_mem>>) src(%dma_wait3A_100 : memref<10000x128xf32, #tpu.memory_space<hbm>>) dst(%arg25 : memref<80x128xf32, #tpu.memory_space<vmem>>)
    "tpu.region"() ({
      %run_scoped3A = tpu.sem_alloc : memref<!tpu.dma_semaphore, #tpu.memory_space<semaphore_mem>>
      %dma_start3A_112 = arith.constant 0 : i32
      %dma_start3A_113 = arith.constant 0 : i32
      %dma_start3A_114 = tpu.memref_slice %arg27[%dma_start3A_112, %dma_start3A_113] : memref<10240x128xf32, #tpu.memory_space<vmem_shared>> -> memref<10240x128xf32, #tpu.memory_space<vmem_shared>>
      tpu.enqueue_indirect_dma source(%arg25 : memref<80x128xf32, #tpu.memory_space<vmem>>) target(%dma_start3A_114 : memref<10240x128xf32, #tpu.memory_space<vmem_shared>>) offsets(%arg17 : memref<80xi32, #tpu.memory_space<vmem>>) semaphore(%run_scoped3A : memref<!tpu.dma_semaphore, #tpu.memory_space<semaphore_mem>>) {add = true}
      %dma_wait3A_115 = arith.constant 0 : i32
      %dma_wait3A_116 = arith.constant 0 : i32
      %dma_wait3A_117 = tpu.memref_slice %arg27[%dma_wait3A_115, %dma_wait3A_116] : memref<10240x128xf32, #tpu.memory_space<vmem_shared>> -> memref<10240x128xf32, #tpu.memory_space<vmem_shared>>
      tpu.wait_indirect_dma semaphore(%run_scoped3A : memref<!tpu.dma_semaphore, #tpu.memory_space<semaphore_mem>>) src(%arg25 : memref<80x128xf32, #tpu.memory_space<vmem>>) dst(%dma_wait3A_117 : memref<10240x128xf32, #tpu.memory_space<vmem_shared>>)
      tpu.yield
    }) : () -> ()
    %dma_wait3A_101 = arith.constant 0 : i32
    %dma_wait3A_102 = arith.constant 0 : i32
    %dma_wait3A_103 = tpu.memref_slice %arg2[%dma_wait3A_101, %dma_wait3A_102] : memref<10000x128xf32, #tpu.memory_space<hbm>> -> memref<10000x128xf32, #tpu.memory_space<hbm>>
    tpu.wait_indirect_dma semaphore(%arg47 : memref<!tpu.dma_semaphore, #tpu.memory_space<semaphore_mem>>) src(%dma_wait3A_103 : memref<10000x128xf32, #tpu.memory_space<hbm>>) dst(%arg26 : memref<80x128xf32, #tpu.memory_space<vmem>>)
    "tpu.region"() ({
      %run_scoped3A = tpu.sem_alloc : memref<!tpu.dma_semaphore, #tpu.memory_space<semaphore_mem>>
      %dma_start3A_112 = arith.constant 0 : i32
      %dma_start3A_113 = arith.constant 0 : i32
      %dma_start3A_114 = tpu.memref_slice %arg27[%dma_start3A_112, %dma_start3A_113] : memref<10240x128xf32, #tpu.memory_space<vmem_shared>> -> memref<10240x128xf32, #tpu.memory_space<vmem_shared>>
      tpu.enqueue_indirect_dma source(%arg26 : memref<80x128xf32, #tpu.memory_space<vmem>>) target(%dma_start3A_114 : memref<10240x128xf32, #tpu.memory_space<vmem_shared>>) offsets(%arg18 : memref<80xi32, #tpu.memory_space<vmem>>) semaphore(%run_scoped3A : memref<!tpu.dma_semaphore, #tpu.memory_space<semaphore_mem>>) {add = true}
      %dma_wait3A_115 = arith.constant 0 : i32
      %dma_wait3A_116 = arith.constant 0 : i32
      %dma_wait3A_117 = tpu.memref_slice %arg27[%dma_wait3A_115, %dma_wait3A_116] : memref<10240x128xf32, #tpu.memory_space<vmem_shared>> -> memref<10240x128xf32, #tpu.memory_space<vmem_shared>>
      tpu.wait_indirect_dma semaphore(%run_scoped3A : memref<!tpu.dma_semaphore, #tpu.memory_space<semaphore_mem>>) src(%arg26 : memref<80x128xf32, #tpu.memory_space<vmem>>) dst(%dma_wait3A_117 : memref<10240x128xf32, #tpu.memory_space<vmem_shared>>)
      tpu.yield
    }) : () -> ()
    %dma_wait3A_104 = arith.constant 0 : i32
    %dma_wait3A_105 = arith.constant 0 : i32
    %dma_wait3A_106 = tpu.memref_slice %arg2[%dma_wait3A_104, %dma_wait3A_105] : memref<10000x128xf32, #tpu.memory_space<hbm>> -> memref<10000x128xf32, #tpu.memory_space<hbm>>
    tpu.wait_indirect_dma semaphore(%arg44 : memref<!tpu.dma_semaphore, #tpu.memory_space<semaphore_mem>>) src(%dma_wait3A_106 : memref<10000x128xf32, #tpu.memory_space<hbm>>) dst(%arg23 : memref<80x128xf32, #tpu.memory_space<vmem>>)
    "tpu.region"() ({
      %run_scoped3A = tpu.sem_alloc : memref<!tpu.dma_semaphore, #tpu.memory_space<semaphore_mem>>
      %dma_start3A_112 = arith.constant 0 : i32
      %dma_start3A_113 = arith.constant 0 : i32
      %dma_start3A_114 = tpu.memref_slice %arg27[%dma_start3A_112, %dma_start3A_113] : memref<10240x128xf32, #tpu.memory_space<vmem_shared>> -> memref<10240x128xf32, #tpu.memory_space<vmem_shared>>
      tpu.enqueue_indirect_dma source(%arg23 : memref<80x128xf32, #tpu.memory_space<vmem>>) target(%dma_start3A_114 : memref<10240x128xf32, #tpu.memory_space<vmem_shared>>) offsets(%arg19 : memref<80xi32, #tpu.memory_space<vmem>>) semaphore(%run_scoped3A : memref<!tpu.dma_semaphore, #tpu.memory_space<semaphore_mem>>) {add = true}
      %dma_wait3A_115 = arith.constant 0 : i32
      %dma_wait3A_116 = arith.constant 0 : i32
      %dma_wait3A_117 = tpu.memref_slice %arg27[%dma_wait3A_115, %dma_wait3A_116] : memref<10240x128xf32, #tpu.memory_space<vmem_shared>> -> memref<10240x128xf32, #tpu.memory_space<vmem_shared>>
      tpu.wait_indirect_dma semaphore(%run_scoped3A : memref<!tpu.dma_semaphore, #tpu.memory_space<semaphore_mem>>) src(%arg23 : memref<80x128xf32, #tpu.memory_space<vmem>>) dst(%dma_wait3A_117 : memref<10240x128xf32, #tpu.memory_space<vmem_shared>>)
      tpu.yield
    }) : () -> ()
    %barrier3A_107 = arith.constant 0 : index
    tpu.barrier barrier_id(%barrier3A_107)
    %mul3A_108 = arith.constant 640 : i32
    %mul3A_109 = arith.muli %arg1, %mul3A_108 : i32
    %mul3A_110 = arith.constant 640 : i32
    %mul3A_111 = arith.muli %arg1, %mul3A_110 : i32
    "tpu.region"() ({
      %run_scoped3A = tpu.sem_alloc : memref<!tpu.dma_semaphore, #tpu.memory_space<semaphore_mem>>
      %dma_start3A_112 = arith.constant 0 : i32
      %dma_start3A_113 = tpu.memref_slice %arg6[%arg0, %mul3A_111, %dma_start3A_112] : memref<2x10240x128xf32, #tpu.memory_space<hbm>> -> memref<1x640x128xf32, #tpu.memory_space<hbm>>
      %dma_start3A_114 = tpu.memref_squeeze %dma_start3A_113 : memref<1x640x128xf32, #tpu.memory_space<hbm>> -> memref<640x128xf32, #tpu.memory_space<hbm>>
      %dma_start3A_115 = arith.constant 0 : i32
      %dma_start3A_116 = tpu.memref_slice %arg27[%mul3A_109, %dma_start3A_115] : memref<10240x128xf32, #tpu.memory_space<vmem_shared>> -> memref<640x128xf32, #tpu.memory_space<vmem_shared>>
      tpu.enqueue_dma source(%dma_start3A_116 : memref<640x128xf32, #tpu.memory_space<vmem_shared>>) target(%dma_start3A_114 : memref<640x128xf32, #tpu.memory_space<hbm>>) target_semaphore(%run_scoped3A : memref<!tpu.dma_semaphore, #tpu.memory_space<semaphore_mem>>)
      %dma_wait3A_117 = arith.constant 0 : i32
      %dma_wait3A_118 = tpu.memref_slice %arg6[%arg0, %mul3A_111, %dma_wait3A_117] : memref<2x10240x128xf32, #tpu.memory_space<hbm>> -> memref<1x640x128xf32, #tpu.memory_space<hbm>>
      %dma_wait3A_119 = tpu.memref_squeeze %dma_wait3A_118 : memref<1x640x128xf32, #tpu.memory_space<hbm>> -> memref<640x128xf32, #tpu.memory_space<hbm>>
      %dma_wait3A_120 = arith.constant 0 : i32
      %dma_wait3A_121 = tpu.memref_slice %arg27[%mul3A_109, %dma_wait3A_120] : memref<10240x128xf32, #tpu.memory_space<vmem_shared>> -> memref<640x128xf32, #tpu.memory_space<vmem_shared>>
      tpu.wait_dma2 semaphore(%run_scoped3A : memref<!tpu.dma_semaphore, #tpu.memory_space<semaphore_mem>>) src(%dma_wait3A_121 : memref<640x128xf32, #tpu.memory_space<vmem_shared>>) dst(%dma_wait3A_119 : memref<640x128xf32, #tpu.memory_space<hbm>>)
      tpu.yield
    }) : () -> ()
    return
  }
}

#map = affine_map<(d0, d1) -> (0, 0)>
#map1 = affine_map<(d0, d1) -> (0)>
#map2 = affine_map<(d0, d1) -> (0, 0, 0)>
module attributes {stable_mosaic.version = 14 : i64} {
  func.func @_agg_kernel(%arg0: i32, %arg1: i32, %arg2: memref<10000x128xf32, #tpu.memory_space<hbm>>, %arg3: memref<320000xi32, #tpu.memory_space<hbm>>, %arg4: memref<320000xi32, #tpu.memory_space<hbm>>, %arg5: memref<640x128xf32, #tpu.memory_space<hbm>>, %arg6: memref<2x10240x128xf32, #tpu.memory_space<hbm>>, %arg7: memref<80xi32, #tpu.memory_space<vmem>>, %arg8: memref<80xi32, #tpu.memory_space<vmem>>, %arg9: memref<80xi32, #tpu.memory_space<vmem>>, %arg10: memref<80xi32, #tpu.memory_space<vmem>>, %arg11: memref<80xi32, #tpu.memory_space<vmem>>, %arg12: memref<80xi32, #tpu.memory_space<vmem>>, %arg13: memref<80xi32, #tpu.memory_space<vmem>>, %arg14: memref<80xi32, #tpu.memory_space<vmem>>, %arg15: memref<80xi32, #tpu.memory_space<vmem>>, %arg16: memref<80xi32, #tpu.memory_space<vmem>>, %arg17: memref<80xi32, #tpu.memory_space<vmem>>, %arg18: memref<80xi32, #tpu.memory_space<vmem>>, %arg19: memref<80xi32, #tpu.memory_space<vmem>>, %arg20: memref<80xi32, #tpu.memory_space<vmem>>, %arg21: memref<80xi32, #tpu.memory_space<vmem>>, %arg22: memref<80xi32, #tpu.memory_space<vmem>>, %arg23: memref<80x128xf32, #tpu.memory_space<vmem>>, %arg24: memref<80x128xf32, #tpu.memory_space<vmem>>, %arg25: memref<80x128xf32, #tpu.memory_space<vmem>>, %arg26: memref<80x128xf32, #tpu.memory_space<vmem>>, %arg27: memref<10240x128xf32, #tpu.memory_space<vmem_shared>>, %arg28: memref<!tpu.dma_semaphore, #tpu.memory_space<semaphore_mem>>, %arg29: memref<!tpu.dma_semaphore, #tpu.memory_space<semaphore_mem>>, %arg30: memref<!tpu.dma_semaphore, #tpu.memory_space<semaphore_mem>>, %arg31: memref<!tpu.dma_semaphore, #tpu.memory_space<semaphore_mem>>, %arg32: memref<!tpu.dma_semaphore, #tpu.memory_space<semaphore_mem>>, %arg33: memref<!tpu.dma_semaphore, #tpu.memory_space<semaphore_mem>>, %arg34: memref<!tpu.dma_semaphore, #tpu.memory_space<semaphore_mem>>, %arg35: memref<!tpu.dma_semaphore, #tpu.memory_space<semaphore_mem>>, %arg36: memref<!tpu.dma_semaphore, #tpu.memory_space<semaphore_mem>>, %arg37: memref<!tpu.dma_semaphore, #tpu.memory_space<semaphore_mem>>, %arg38: memref<!tpu.dma_semaphore, #tpu.memory_space<semaphore_mem>>, %arg39: memref<!tpu.dma_semaphore, #tpu.memory_space<semaphore_mem>>, %arg40: memref<!tpu.dma_semaphore, #tpu.memory_space<semaphore_mem>>, %arg41: memref<!tpu.dma_semaphore, #tpu.memory_space<semaphore_mem>>, %arg42: memref<!tpu.dma_semaphore, #tpu.memory_space<semaphore_mem>>, %arg43: memref<!tpu.dma_semaphore, #tpu.memory_space<semaphore_mem>>, %arg44: memref<!tpu.dma_semaphore, #tpu.memory_space<semaphore_mem>>, %arg45: memref<!tpu.dma_semaphore, #tpu.memory_space<semaphore_mem>>, %arg46: memref<!tpu.dma_semaphore, #tpu.memory_space<semaphore_mem>>, %arg47: memref<!tpu.dma_semaphore, #tpu.memory_space<semaphore_mem>>) attributes {dimension_semantics = [#tpu.dimension_semantics<core_parallel>, #tpu.dimension_semantics<subcore_parallel>], iteration_bounds = array<i64: 2, 16>, scalar_prefetch = 0 : i64, scratch_operands = 41 : i64, tpu.core_type = #tpu.core_type<sc_vector_subcore>, window_params = [{transform_indices = #map}, {transform_indices = #map1}, {transform_indices = #map1}, {transform_indices = #map}, {transform_indices = #map2}]} {
    %mul3A = arith.constant 2 : i32
    %mul3A_0 = arith.muli %arg1, %mul3A : i32
    %add3A = arith.addi %mul3A_0, %arg0 : i32
    %mul3A_1 = arith.constant 10000 : i32
    %mul3A_2 = arith.muli %add3A, %mul3A_1 : i32
    %mul3A_3 = arith.constant 640 : i32
    %mul3A_4 = arith.muli %arg1, %mul3A_3 : i32
    "tpu.region"() ({
      %run_scoped3A = tpu.sem_alloc : memref<!tpu.dma_semaphore, #tpu.memory_space<semaphore_mem>>
      %dma_start3A_112 = arith.constant 0 : i32
      %dma_start3A_113 = tpu.memref_slice %arg27[%mul3A_4, %dma_start3A_112] : memref<10240x128xf32, #tpu.memory_space<vmem_shared>> -> memref<640x128xf32, #tpu.memory_space<vmem_shared>>
      tpu.enqueue_dma source(%arg5 : memref<640x128xf32, #tpu.memory_space<hbm>>) target(%dma_start3A_113 : memref<640x128xf32, #tpu.memory_space<vmem_shared>>) target_semaphore(%run_scoped3A : memref<!tpu.dma_semaphore, #tpu.memory_space<semaphore_mem>>)
      %dma_wait3A_114 = arith.constant 0 : i32
      %dma_wait3A_115 = tpu.memref_slice %arg27[%mul3A_4, %dma_wait3A_114] : memref<10240x128xf32, #tpu.memory_space<vmem_shared>> -> memref<640x128xf32, #tpu.memory_space<vmem_shared>>
      tpu.wait_dma2 semaphore(%run_scoped3A : memref<!tpu.dma_semaphore, #tpu.memory_space<semaphore_mem>>) src(%arg5 : memref<640x128xf32, #tpu.memory_space<hbm>>) dst(%dma_wait3A_115 : memref<640x128xf32, #tpu.memory_space<vmem_shared>>)
      tpu.yield
    }) : () -> ()
    %barrier3A = arith.constant 0 : index
    tpu.barrier barrier_id(%barrier3A)
    %add3A_5 = arith.constant 0 : i32
    %add3A_6 = arith.addi %mul3A_2, %add3A_5 : i32
    %multiple_of3A = tpu.assume_multiple %add3A_6, 8 : i32
    %dma_start3A = tpu.memref_slice %arg3[%multiple_of3A] : memref<320000xi32, #tpu.memory_space<hbm>> -> memref<80xi32, #tpu.memory_space<hbm>>
    %dma_start3A_7 = tpu.memref_slice %arg3[%multiple_of3A] : memref<320000xi32, #tpu.memory_space<hbm>> -> memref<80xi32, #tpu.memory_space<hbm>>
    tpu.enqueue_dma source(%dma_start3A_7 : memref<80xi32, #tpu.memory_space<hbm>>) target(%arg7 : memref<80xi32, #tpu.memory_space<vmem>>) target_semaphore(%arg28 : memref<!tpu.dma_semaphore, #tpu.memory_space<semaphore_mem>>)
    %dma_start3A_8 = tpu.memref_slice %arg4[%multiple_of3A] : memref<320000xi32, #tpu.memory_space<hbm>> -> memref<80xi32, #tpu.memory_space<hbm>>
    %dma_start3A_9 = tpu.memref_slice %arg4[%multiple_of3A] : memref<320000xi32, #tpu.memory_space<hbm>> -> memref<80xi32, #tpu.memory_space<hbm>>
    tpu.enqueue_dma source(%dma_start3A_9 : memref<80xi32, #tpu.memory_space<hbm>>) target(%arg15 : memref<80xi32, #tpu.memory_space<vmem>>) target_semaphore(%arg36 : memref<!tpu.dma_semaphore, #tpu.memory_space<semaphore_mem>>)
    %add3A_10 = arith.constant 80 : i32
    %add3A_11 = arith.addi %mul3A_2, %add3A_10 : i32
    %multiple_of3A_12 = tpu.assume_multiple %add3A_11, 8 : i32
    %dma_start3A_13 = tpu.memref_slice %arg3[%multiple_of3A_12] : memref<320000xi32, #tpu.memory_space<hbm>> -> memref<80xi32, #tpu.memory_space<hbm>>
    %dma_start3A_14 = tpu.memref_slice %arg3[%multiple_of3A_12] : memref<320000xi32, #tpu.memory_space<hbm>> -> memref<80xi32, #tpu.memory_space<hbm>>
    tpu.enqueue_dma source(%dma_start3A_14 : memref<80xi32, #tpu.memory_space<hbm>>) target(%arg8 : memref<80xi32, #tpu.memory_space<vmem>>) target_semaphore(%arg29 : memref<!tpu.dma_semaphore, #tpu.memory_space<semaphore_mem>>)
    %dma_start3A_15 = tpu.memref_slice %arg4[%multiple_of3A_12] : memref<320000xi32, #tpu.memory_space<hbm>> -> memref<80xi32, #tpu.memory_space<hbm>>
    %dma_start3A_16 = tpu.memref_slice %arg4[%multiple_of3A_12] : memref<320000xi32, #tpu.memory_space<hbm>> -> memref<80xi32, #tpu.memory_space<hbm>>
    tpu.enqueue_dma source(%dma_start3A_16 : memref<80xi32, #tpu.memory_space<hbm>>) target(%arg16 : memref<80xi32, #tpu.memory_space<vmem>>) target_semaphore(%arg37 : memref<!tpu.dma_semaphore, #tpu.memory_space<semaphore_mem>>)
    %add3A_17 = arith.constant 160 : i32
    %add3A_18 = arith.addi %mul3A_2, %add3A_17 : i32
    %multiple_of3A_19 = tpu.assume_multiple %add3A_18, 8 : i32
    %dma_start3A_20 = tpu.memref_slice %arg3[%multiple_of3A_19] : memref<320000xi32, #tpu.memory_space<hbm>> -> memref<80xi32, #tpu.memory_space<hbm>>
    %dma_start3A_21 = tpu.memref_slice %arg3[%multiple_of3A_19] : memref<320000xi32, #tpu.memory_space<hbm>> -> memref<80xi32, #tpu.memory_space<hbm>>
    tpu.enqueue_dma source(%dma_start3A_21 : memref<80xi32, #tpu.memory_space<hbm>>) target(%arg9 : memref<80xi32, #tpu.memory_space<vmem>>) target_semaphore(%arg30 : memref<!tpu.dma_semaphore, #tpu.memory_space<semaphore_mem>>)
    %dma_start3A_22 = tpu.memref_slice %arg4[%multiple_of3A_19] : memref<320000xi32, #tpu.memory_space<hbm>> -> memref<80xi32, #tpu.memory_space<hbm>>
    %dma_start3A_23 = tpu.memref_slice %arg4[%multiple_of3A_19] : memref<320000xi32, #tpu.memory_space<hbm>> -> memref<80xi32, #tpu.memory_space<hbm>>
    tpu.enqueue_dma source(%dma_start3A_23 : memref<80xi32, #tpu.memory_space<hbm>>) target(%arg17 : memref<80xi32, #tpu.memory_space<vmem>>) target_semaphore(%arg38 : memref<!tpu.dma_semaphore, #tpu.memory_space<semaphore_mem>>)
    %add3A_24 = arith.constant 240 : i32
    %add3A_25 = arith.addi %mul3A_2, %add3A_24 : i32
    %multiple_of3A_26 = tpu.assume_multiple %add3A_25, 8 : i32
    %dma_start3A_27 = tpu.memref_slice %arg3[%multiple_of3A_26] : memref<320000xi32, #tpu.memory_space<hbm>> -> memref<80xi32, #tpu.memory_space<hbm>>
    %dma_start3A_28 = tpu.memref_slice %arg3[%multiple_of3A_26] : memref<320000xi32, #tpu.memory_space<hbm>> -> memref<80xi32, #tpu.memory_space<hbm>>
    tpu.enqueue_dma source(%dma_start3A_28 : memref<80xi32, #tpu.memory_space<hbm>>) target(%arg10 : memref<80xi32, #tpu.memory_space<vmem>>) target_semaphore(%arg31 : memref<!tpu.dma_semaphore, #tpu.memory_space<semaphore_mem>>)
    %dma_start3A_29 = tpu.memref_slice %arg4[%multiple_of3A_26] : memref<320000xi32, #tpu.memory_space<hbm>> -> memref<80xi32, #tpu.memory_space<hbm>>
    %dma_start3A_30 = tpu.memref_slice %arg4[%multiple_of3A_26] : memref<320000xi32, #tpu.memory_space<hbm>> -> memref<80xi32, #tpu.memory_space<hbm>>
    tpu.enqueue_dma source(%dma_start3A_30 : memref<80xi32, #tpu.memory_space<hbm>>) target(%arg18 : memref<80xi32, #tpu.memory_space<vmem>>) target_semaphore(%arg39 : memref<!tpu.dma_semaphore, #tpu.memory_space<semaphore_mem>>)
    %add3A_31 = arith.constant 320 : i32
    %add3A_32 = arith.addi %mul3A_2, %add3A_31 : i32
    %multiple_of3A_33 = tpu.assume_multiple %add3A_32, 8 : i32
    %dma_start3A_34 = tpu.memref_slice %arg3[%multiple_of3A_33] : memref<320000xi32, #tpu.memory_space<hbm>> -> memref<80xi32, #tpu.memory_space<hbm>>
    %dma_start3A_35 = tpu.memref_slice %arg3[%multiple_of3A_33] : memref<320000xi32, #tpu.memory_space<hbm>> -> memref<80xi32, #tpu.memory_space<hbm>>
    tpu.enqueue_dma source(%dma_start3A_35 : memref<80xi32, #tpu.memory_space<hbm>>) target(%arg11 : memref<80xi32, #tpu.memory_space<vmem>>) target_semaphore(%arg32 : memref<!tpu.dma_semaphore, #tpu.memory_space<semaphore_mem>>)
    %dma_start3A_36 = tpu.memref_slice %arg4[%multiple_of3A_33] : memref<320000xi32, #tpu.memory_space<hbm>> -> memref<80xi32, #tpu.memory_space<hbm>>
    %dma_start3A_37 = tpu.memref_slice %arg4[%multiple_of3A_33] : memref<320000xi32, #tpu.memory_space<hbm>> -> memref<80xi32, #tpu.memory_space<hbm>>
    tpu.enqueue_dma source(%dma_start3A_37 : memref<80xi32, #tpu.memory_space<hbm>>) target(%arg19 : memref<80xi32, #tpu.memory_space<vmem>>) target_semaphore(%arg40 : memref<!tpu.dma_semaphore, #tpu.memory_space<semaphore_mem>>)
    %add3A_38 = arith.constant 0 : i32
    %add3A_39 = arith.addi %mul3A_2, %add3A_38 : i32
    %multiple_of3A_40 = tpu.assume_multiple %add3A_39, 8 : i32
    %dma_wait3A = tpu.memref_slice %arg3[%multiple_of3A_40] : memref<320000xi32, #tpu.memory_space<hbm>> -> memref<80xi32, #tpu.memory_space<hbm>>
    %dma_wait3A_41 = tpu.memref_slice %arg3[%multiple_of3A_40] : memref<320000xi32, #tpu.memory_space<hbm>> -> memref<80xi32, #tpu.memory_space<hbm>>
    tpu.wait_dma2 semaphore(%arg28 : memref<!tpu.dma_semaphore, #tpu.memory_space<semaphore_mem>>) src(%dma_wait3A_41 : memref<80xi32, #tpu.memory_space<hbm>>) dst(%arg7 : memref<80xi32, #tpu.memory_space<vmem>>)
    %dma_wait3A_42 = tpu.memref_slice %arg4[%multiple_of3A_40] : memref<320000xi32, #tpu.memory_space<hbm>> -> memref<80xi32, #tpu.memory_space<hbm>>
    %dma_wait3A_43 = tpu.memref_slice %arg4[%multiple_of3A_40] : memref<320000xi32, #tpu.memory_space<hbm>> -> memref<80xi32, #tpu.memory_space<hbm>>
    tpu.wait_dma2 semaphore(%arg36 : memref<!tpu.dma_semaphore, #tpu.memory_space<semaphore_mem>>) src(%dma_wait3A_43 : memref<80xi32, #tpu.memory_space<hbm>>) dst(%arg15 : memref<80xi32, #tpu.memory_space<vmem>>)
    %dma_start3A_44 = arith.constant 0 : i32
    %dma_start3A_45 = arith.constant 0 : i32
    %dma_start3A_46 = tpu.memref_slice %arg2[%dma_start3A_44, %dma_start3A_45] : memref<10000x128xf32, #tpu.memory_space<hbm>> -> memref<10000x128xf32, #tpu.memory_space<hbm>>
    tpu.enqueue_indirect_dma source(%dma_start3A_46 : memref<10000x128xf32, #tpu.memory_space<hbm>>) target(%arg23 : memref<80x128xf32, #tpu.memory_space<vmem>>) offsets(%arg7 : memref<80xi32, #tpu.memory_space<vmem>>) semaphore(%arg44 : memref<!tpu.dma_semaphore, #tpu.memory_space<semaphore_mem>>)
    %add3A_47 = arith.constant 80 : i32
    %add3A_48 = arith.addi %mul3A_2, %add3A_47 : i32
    %multiple_of3A_49 = tpu.assume_multiple %add3A_48, 8 : i32
    %dma_wait3A_50 = tpu.memref_slice %arg3[%multiple_of3A_49] : memref<320000xi32, #tpu.memory_space<hbm>> -> memref<80xi32, #tpu.memory_space<hbm>>
    %dma_wait3A_51 = tpu.memref_slice %arg3[%multiple_of3A_49] : memref<320000xi32, #tpu.memory_space<hbm>> -> memref<80xi32, #tpu.memory_space<hbm>>
    tpu.wait_dma2 semaphore(%arg29 : memref<!tpu.dma_semaphore, #tpu.memory_space<semaphore_mem>>) src(%dma_wait3A_51 : memref<80xi32, #tpu.memory_space<hbm>>) dst(%arg8 : memref<80xi32, #tpu.memory_space<vmem>>)
    %dma_wait3A_52 = tpu.memref_slice %arg4[%multiple_of3A_49] : memref<320000xi32, #tpu.memory_space<hbm>> -> memref<80xi32, #tpu.memory_space<hbm>>
    %dma_wait3A_53 = tpu.memref_slice %arg4[%multiple_of3A_49] : memref<320000xi32, #tpu.memory_space<hbm>> -> memref<80xi32, #tpu.memory_space<hbm>>
    tpu.wait_dma2 semaphore(%arg37 : memref<!tpu.dma_semaphore, #tpu.memory_space<semaphore_mem>>) src(%dma_wait3A_53 : memref<80xi32, #tpu.memory_space<hbm>>) dst(%arg16 : memref<80xi32, #tpu.memory_space<vmem>>)
    %dma_start3A_54 = arith.constant 0 : i32
    %dma_start3A_55 = arith.constant 0 : i32
    %dma_start3A_56 = tpu.memref_slice %arg2[%dma_start3A_54, %dma_start3A_55] : memref<10000x128xf32, #tpu.memory_space<hbm>> -> memref<10000x128xf32, #tpu.memory_space<hbm>>
    tpu.enqueue_indirect_dma source(%dma_start3A_56 : memref<10000x128xf32, #tpu.memory_space<hbm>>) target(%arg24 : memref<80x128xf32, #tpu.memory_space<vmem>>) offsets(%arg8 : memref<80xi32, #tpu.memory_space<vmem>>) semaphore(%arg45 : memref<!tpu.dma_semaphore, #tpu.memory_space<semaphore_mem>>)
    %add3A_57 = arith.constant 160 : i32
    %add3A_58 = arith.addi %mul3A_2, %add3A_57 : i32
    %multiple_of3A_59 = tpu.assume_multiple %add3A_58, 8 : i32
    %dma_wait3A_60 = tpu.memref_slice %arg3[%multiple_of3A_59] : memref<320000xi32, #tpu.memory_space<hbm>> -> memref<80xi32, #tpu.memory_space<hbm>>
    %dma_wait3A_61 = tpu.memref_slice %arg3[%multiple_of3A_59] : memref<320000xi32, #tpu.memory_space<hbm>> -> memref<80xi32, #tpu.memory_space<hbm>>
    tpu.wait_dma2 semaphore(%arg30 : memref<!tpu.dma_semaphore, #tpu.memory_space<semaphore_mem>>) src(%dma_wait3A_61 : memref<80xi32, #tpu.memory_space<hbm>>) dst(%arg9 : memref<80xi32, #tpu.memory_space<vmem>>)
    %dma_wait3A_62 = tpu.memref_slice %arg4[%multiple_of3A_59] : memref<320000xi32, #tpu.memory_space<hbm>> -> memref<80xi32, #tpu.memory_space<hbm>>
    %dma_wait3A_63 = tpu.memref_slice %arg4[%multiple_of3A_59] : memref<320000xi32, #tpu.memory_space<hbm>> -> memref<80xi32, #tpu.memory_space<hbm>>
    tpu.wait_dma2 semaphore(%arg38 : memref<!tpu.dma_semaphore, #tpu.memory_space<semaphore_mem>>) src(%dma_wait3A_63 : memref<80xi32, #tpu.memory_space<hbm>>) dst(%arg17 : memref<80xi32, #tpu.memory_space<vmem>>)
    %dma_start3A_64 = arith.constant 0 : i32
    %dma_start3A_65 = arith.constant 0 : i32
    %dma_start3A_66 = tpu.memref_slice %arg2[%dma_start3A_64, %dma_start3A_65] : memref<10000x128xf32, #tpu.memory_space<hbm>> -> memref<10000x128xf32, #tpu.memory_space<hbm>>
    tpu.enqueue_indirect_dma source(%dma_start3A_66 : memref<10000x128xf32, #tpu.memory_space<hbm>>) target(%arg25 : memref<80x128xf32, #tpu.memory_space<vmem>>) offsets(%arg9 : memref<80xi32, #tpu.memory_space<vmem>>) semaphore(%arg46 : memref<!tpu.dma_semaphore, #tpu.memory_space<semaphore_mem>>)
    %scan3A = arith.constant 0 : i32
    %scan3A_67 = arith.constant 0 : i32
    %scan3A_68 = arith.constant 15 : i32
    %scan3A_69 = arith.addi %scan3A_67, %scan3A_68 : i32
    %scan3A_70 = arith.constant 1 : i32
    scf.for %scan3A_112 = %scan3A_67 to %scan3A_69 step %scan3A_70  : i32 {
      %mul3A_113 = arith.constant 8 : i32
      %mul3A_114 = arith.muli %scan3A_112, %mul3A_113 : i32
      %add3A_115 = arith.constant 0 : i32
      %add3A_116 = arith.addi %mul3A_114, %add3A_115 : i32
      %dma_wait3A_117 = arith.constant 0 : i32
      %dma_wait3A_118 = arith.constant 0 : i32
      %dma_wait3A_119 = tpu.memref_slice %arg2[%dma_wait3A_117, %dma_wait3A_118] : memref<10000x128xf32, #tpu.memory_space<hbm>> -> memref<10000x128xf32, #tpu.memory_space<hbm>>
      tpu.wait_indirect_dma semaphore(%arg44 : memref<!tpu.dma_semaphore, #tpu.memory_space<semaphore_mem>>) src(%dma_wait3A_119 : memref<10000x128xf32, #tpu.memory_space<hbm>>) dst(%arg23 : memref<80x128xf32, #tpu.memory_space<vmem>>)
      %add3A_120 = arith.constant 3 : i32
      %add3A_121 = arith.addi %add3A_116, %add3A_120 : i32
      %mul3A_122 = arith.constant 80 : i32
      %mul3A_123 = arith.muli %add3A_121, %mul3A_122 : i32
      %add3A_124 = arith.addi %mul3A_2, %mul3A_123 : i32
      %multiple_of3A_125 = tpu.assume_multiple %add3A_124, 8 : i32
      %dma_wait3A_126 = tpu.memref_slice %arg3[%multiple_of3A_125] : memref<320000xi32, #tpu.memory_space<hbm>> -> memref<80xi32, #tpu.memory_space<hbm>>
      %dma_wait3A_127 = tpu.memref_slice %arg3[%multiple_of3A_125] : memref<320000xi32, #tpu.memory_space<hbm>> -> memref<80xi32, #tpu.memory_space<hbm>>
      tpu.wait_dma2 semaphore(%arg31 : memref<!tpu.dma_semaphore, #tpu.memory_space<semaphore_mem>>) src(%dma_wait3A_127 : memref<80xi32, #tpu.memory_space<hbm>>) dst(%arg10 : memref<80xi32, #tpu.memory_space<vmem>>)
      %dma_wait3A_128 = tpu.memref_slice %arg4[%multiple_of3A_125] : memref<320000xi32, #tpu.memory_space<hbm>> -> memref<80xi32, #tpu.memory_space<hbm>>
      %dma_wait3A_129 = tpu.memref_slice %arg4[%multiple_of3A_125] : memref<320000xi32, #tpu.memory_space<hbm>> -> memref<80xi32, #tpu.memory_space<hbm>>
      tpu.wait_dma2 semaphore(%arg39 : memref<!tpu.dma_semaphore, #tpu.memory_space<semaphore_mem>>) src(%dma_wait3A_129 : memref<80xi32, #tpu.memory_space<hbm>>) dst(%arg18 : memref<80xi32, #tpu.memory_space<vmem>>)
      %dma_start3A_130 = arith.constant 0 : i32
      %dma_start3A_131 = arith.constant 0 : i32
      %dma_start3A_132 = tpu.memref_slice %arg2[%dma_start3A_130, %dma_start3A_131] : memref<10000x128xf32, #tpu.memory_space<hbm>> -> memref<10000x128xf32, #tpu.memory_space<hbm>>
      tpu.enqueue_indirect_dma source(%dma_start3A_132 : memref<10000x128xf32, #tpu.memory_space<hbm>>) target(%arg26 : memref<80x128xf32, #tpu.memory_space<vmem>>) offsets(%arg10 : memref<80xi32, #tpu.memory_space<vmem>>) semaphore(%arg47 : memref<!tpu.dma_semaphore, #tpu.memory_space<semaphore_mem>>)
      "tpu.region"() ({
        %run_scoped3A = tpu.sem_alloc : memref<!tpu.dma_semaphore, #tpu.memory_space<semaphore_mem>>
        %dma_start3A_353 = arith.constant 0 : i32
        %dma_start3A_354 = arith.constant 0 : i32
        %dma_start3A_355 = tpu.memref_slice %arg27[%dma_start3A_353, %dma_start3A_354] : memref<10240x128xf32, #tpu.memory_space<vmem_shared>> -> memref<10240x128xf32, #tpu.memory_space<vmem_shared>>
        tpu.enqueue_indirect_dma source(%arg23 : memref<80x128xf32, #tpu.memory_space<vmem>>) target(%dma_start3A_355 : memref<10240x128xf32, #tpu.memory_space<vmem_shared>>) offsets(%arg15 : memref<80xi32, #tpu.memory_space<vmem>>) semaphore(%run_scoped3A : memref<!tpu.dma_semaphore, #tpu.memory_space<semaphore_mem>>) {add = true}
        %dma_wait3A_356 = arith.constant 0 : i32
        %dma_wait3A_357 = arith.constant 0 : i32
        %dma_wait3A_358 = tpu.memref_slice %arg27[%dma_wait3A_356, %dma_wait3A_357] : memref<10240x128xf32, #tpu.memory_space<vmem_shared>> -> memref<10240x128xf32, #tpu.memory_space<vmem_shared>>
        tpu.wait_indirect_dma semaphore(%run_scoped3A : memref<!tpu.dma_semaphore, #tpu.memory_space<semaphore_mem>>) src(%arg23 : memref<80x128xf32, #tpu.memory_space<vmem>>) dst(%dma_wait3A_358 : memref<10240x128xf32, #tpu.memory_space<vmem_shared>>)
        tpu.yield
      }) : () -> ()
      %add3A_133 = arith.constant 5 : i32
      %add3A_134 = arith.addi %add3A_116, %add3A_133 : i32
      %mul3A_135 = arith.constant 80 : i32
      %mul3A_136 = arith.muli %add3A_134, %mul3A_135 : i32
      %add3A_137 = arith.addi %mul3A_2, %mul3A_136 : i32
      %multiple_of3A_138 = tpu.assume_multiple %add3A_137, 8 : i32
      %dma_start3A_139 = tpu.memref_slice %arg3[%multiple_of3A_138] : memref<320000xi32, #tpu.memory_space<hbm>> -> memref<80xi32, #tpu.memory_space<hbm>>
      %dma_start3A_140 = tpu.memref_slice %arg3[%multiple_of3A_138] : memref<320000xi32, #tpu.memory_space<hbm>> -> memref<80xi32, #tpu.memory_space<hbm>>
      tpu.enqueue_dma source(%dma_start3A_140 : memref<80xi32, #tpu.memory_space<hbm>>) target(%arg12 : memref<80xi32, #tpu.memory_space<vmem>>) target_semaphore(%arg33 : memref<!tpu.dma_semaphore, #tpu.memory_space<semaphore_mem>>)
      %dma_start3A_141 = tpu.memref_slice %arg4[%multiple_of3A_138] : memref<320000xi32, #tpu.memory_space<hbm>> -> memref<80xi32, #tpu.memory_space<hbm>>
      %dma_start3A_142 = tpu.memref_slice %arg4[%multiple_of3A_138] : memref<320000xi32, #tpu.memory_space<hbm>> -> memref<80xi32, #tpu.memory_space<hbm>>
      tpu.enqueue_dma source(%dma_start3A_142 : memref<80xi32, #tpu.memory_space<hbm>>) target(%arg20 : memref<80xi32, #tpu.memory_space<vmem>>) target_semaphore(%arg41 : memref<!tpu.dma_semaphore, #tpu.memory_space<semaphore_mem>>)
      %mul3A_143 = arith.constant 8 : i32
      %mul3A_144 = arith.muli %scan3A_112, %mul3A_143 : i32
      %add3A_145 = arith.constant 1 : i32
      %add3A_146 = arith.addi %mul3A_144, %add3A_145 : i32
      %dma_wait3A_147 = arith.constant 0 : i32
      %dma_wait3A_148 = arith.constant 0 : i32
      %dma_wait3A_149 = tpu.memref_slice %arg2[%dma_wait3A_147, %dma_wait3A_148] : memref<10000x128xf32, #tpu.memory_space<hbm>> -> memref<10000x128xf32, #tpu.memory_space<hbm>>
      tpu.wait_indirect_dma semaphore(%arg45 : memref<!tpu.dma_semaphore, #tpu.memory_space<semaphore_mem>>) src(%dma_wait3A_149 : memref<10000x128xf32, #tpu.memory_space<hbm>>) dst(%arg24 : memref<80x128xf32, #tpu.memory_space<vmem>>)
      %add3A_150 = arith.constant 3 : i32
      %add3A_151 = arith.addi %add3A_146, %add3A_150 : i32
      %mul3A_152 = arith.constant 80 : i32
      %mul3A_153 = arith.muli %add3A_151, %mul3A_152 : i32
      %add3A_154 = arith.addi %mul3A_2, %mul3A_153 : i32
      %multiple_of3A_155 = tpu.assume_multiple %add3A_154, 8 : i32
      %dma_wait3A_156 = tpu.memref_slice %arg3[%multiple_of3A_155] : memref<320000xi32, #tpu.memory_space<hbm>> -> memref<80xi32, #tpu.memory_space<hbm>>
      %dma_wait3A_157 = tpu.memref_slice %arg3[%multiple_of3A_155] : memref<320000xi32, #tpu.memory_space<hbm>> -> memref<80xi32, #tpu.memory_space<hbm>>
      tpu.wait_dma2 semaphore(%arg32 : memref<!tpu.dma_semaphore, #tpu.memory_space<semaphore_mem>>) src(%dma_wait3A_157 : memref<80xi32, #tpu.memory_space<hbm>>) dst(%arg11 : memref<80xi32, #tpu.memory_space<vmem>>)
      %dma_wait3A_158 = tpu.memref_slice %arg4[%multiple_of3A_155] : memref<320000xi32, #tpu.memory_space<hbm>> -> memref<80xi32, #tpu.memory_space<hbm>>
      %dma_wait3A_159 = tpu.memref_slice %arg4[%multiple_of3A_155] : memref<320000xi32, #tpu.memory_space<hbm>> -> memref<80xi32, #tpu.memory_space<hbm>>
      tpu.wait_dma2 semaphore(%arg40 : memref<!tpu.dma_semaphore, #tpu.memory_space<semaphore_mem>>) src(%dma_wait3A_159 : memref<80xi32, #tpu.memory_space<hbm>>) dst(%arg19 : memref<80xi32, #tpu.memory_space<vmem>>)
      %dma_start3A_160 = arith.constant 0 : i32
      %dma_start3A_161 = arith.constant 0 : i32
      %dma_start3A_162 = tpu.memref_slice %arg2[%dma_start3A_160, %dma_start3A_161] : memref<10000x128xf32, #tpu.memory_space<hbm>> -> memref<10000x128xf32, #tpu.memory_space<hbm>>
      tpu.enqueue_indirect_dma source(%dma_start3A_162 : memref<10000x128xf32, #tpu.memory_space<hbm>>) target(%arg23 : memref<80x128xf32, #tpu.memory_space<vmem>>) offsets(%arg11 : memref<80xi32, #tpu.memory_space<vmem>>) semaphore(%arg44 : memref<!tpu.dma_semaphore, #tpu.memory_space<semaphore_mem>>)
      "tpu.region"() ({
        %run_scoped3A = tpu.sem_alloc : memref<!tpu.dma_semaphore, #tpu.memory_space<semaphore_mem>>
        %dma_start3A_353 = arith.constant 0 : i32
        %dma_start3A_354 = arith.constant 0 : i32
        %dma_start3A_355 = tpu.memref_slice %arg27[%dma_start3A_353, %dma_start3A_354] : memref<10240x128xf32, #tpu.memory_space<vmem_shared>> -> memref<10240x128xf32, #tpu.memory_space<vmem_shared>>
        tpu.enqueue_indirect_dma source(%arg24 : memref<80x128xf32, #tpu.memory_space<vmem>>) target(%dma_start3A_355 : memref<10240x128xf32, #tpu.memory_space<vmem_shared>>) offsets(%arg16 : memref<80xi32, #tpu.memory_space<vmem>>) semaphore(%run_scoped3A : memref<!tpu.dma_semaphore, #tpu.memory_space<semaphore_mem>>) {add = true}
        %dma_wait3A_356 = arith.constant 0 : i32
        %dma_wait3A_357 = arith.constant 0 : i32
        %dma_wait3A_358 = tpu.memref_slice %arg27[%dma_wait3A_356, %dma_wait3A_357] : memref<10240x128xf32, #tpu.memory_space<vmem_shared>> -> memref<10240x128xf32, #tpu.memory_space<vmem_shared>>
        tpu.wait_indirect_dma semaphore(%run_scoped3A : memref<!tpu.dma_semaphore, #tpu.memory_space<semaphore_mem>>) src(%arg24 : memref<80x128xf32, #tpu.memory_space<vmem>>) dst(%dma_wait3A_358 : memref<10240x128xf32, #tpu.memory_space<vmem_shared>>)
        tpu.yield
      }) : () -> ()
      %add3A_163 = arith.constant 5 : i32
      %add3A_164 = arith.addi %add3A_146, %add3A_163 : i32
      %mul3A_165 = arith.constant 80 : i32
      %mul3A_166 = arith.muli %add3A_164, %mul3A_165 : i32
      %add3A_167 = arith.addi %mul3A_2, %mul3A_166 : i32
      %multiple_of3A_168 = tpu.assume_multiple %add3A_167, 8 : i32
      %dma_start3A_169 = tpu.memref_slice %arg3[%multiple_of3A_168] : memref<320000xi32, #tpu.memory_space<hbm>> -> memref<80xi32, #tpu.memory_space<hbm>>
      %dma_start3A_170 = tpu.memref_slice %arg3[%multiple_of3A_168] : memref<320000xi32, #tpu.memory_space<hbm>> -> memref<80xi32, #tpu.memory_space<hbm>>
      tpu.enqueue_dma source(%dma_start3A_170 : memref<80xi32, #tpu.memory_space<hbm>>) target(%arg13 : memref<80xi32, #tpu.memory_space<vmem>>) target_semaphore(%arg34 : memref<!tpu.dma_semaphore, #tpu.memory_space<semaphore_mem>>)
      %dma_start3A_171 = tpu.memref_slice %arg4[%multiple_of3A_168] : memref<320000xi32, #tpu.memory_space<hbm>> -> memref<80xi32, #tpu.memory_space<hbm>>
      %dma_start3A_172 = tpu.memref_slice %arg4[%multiple_of3A_168] : memref<320000xi32, #tpu.memory_space<hbm>> -> memref<80xi32, #tpu.memory_space<hbm>>
      tpu.enqueue_dma source(%dma_start3A_172 : memref<80xi32, #tpu.memory_space<hbm>>) target(%arg21 : memref<80xi32, #tpu.memory_space<vmem>>) target_semaphore(%arg42 : memref<!tpu.dma_semaphore, #tpu.memory_space<semaphore_mem>>)
      %mul3A_173 = arith.constant 8 : i32
      %mul3A_174 = arith.muli %scan3A_112, %mul3A_173 : i32
      %add3A_175 = arith.constant 2 : i32
      %add3A_176 = arith.addi %mul3A_174, %add3A_175 : i32
      %dma_wait3A_177 = arith.constant 0 : i32
      %dma_wait3A_178 = arith.constant 0 : i32
      %dma_wait3A_179 = tpu.memref_slice %arg2[%dma_wait3A_177, %dma_wait3A_178] : memref<10000x128xf32, #tpu.memory_space<hbm>> -> memref<10000x128xf32, #tpu.memory_space<hbm>>
      tpu.wait_indirect_dma semaphore(%arg46 : memref<!tpu.dma_semaphore, #tpu.memory_space<semaphore_mem>>) src(%dma_wait3A_179 : memref<10000x128xf32, #tpu.memory_space<hbm>>) dst(%arg25 : memref<80x128xf32, #tpu.memory_space<vmem>>)
      %add3A_180 = arith.constant 3 : i32
      %add3A_181 = arith.addi %add3A_176, %add3A_180 : i32
      %mul3A_182 = arith.constant 80 : i32
      %mul3A_183 = arith.muli %add3A_181, %mul3A_182 : i32
      %add3A_184 = arith.addi %mul3A_2, %mul3A_183 : i32
      %multiple_of3A_185 = tpu.assume_multiple %add3A_184, 8 : i32
      %dma_wait3A_186 = tpu.memref_slice %arg3[%multiple_of3A_185] : memref<320000xi32, #tpu.memory_space<hbm>> -> memref<80xi32, #tpu.memory_space<hbm>>
      %dma_wait3A_187 = tpu.memref_slice %arg3[%multiple_of3A_185] : memref<320000xi32, #tpu.memory_space<hbm>> -> memref<80xi32, #tpu.memory_space<hbm>>
      tpu.wait_dma2 semaphore(%arg33 : memref<!tpu.dma_semaphore, #tpu.memory_space<semaphore_mem>>) src(%dma_wait3A_187 : memref<80xi32, #tpu.memory_space<hbm>>) dst(%arg12 : memref<80xi32, #tpu.memory_space<vmem>>)
      %dma_wait3A_188 = tpu.memref_slice %arg4[%multiple_of3A_185] : memref<320000xi32, #tpu.memory_space<hbm>> -> memref<80xi32, #tpu.memory_space<hbm>>
      %dma_wait3A_189 = tpu.memref_slice %arg4[%multiple_of3A_185] : memref<320000xi32, #tpu.memory_space<hbm>> -> memref<80xi32, #tpu.memory_space<hbm>>
      tpu.wait_dma2 semaphore(%arg41 : memref<!tpu.dma_semaphore, #tpu.memory_space<semaphore_mem>>) src(%dma_wait3A_189 : memref<80xi32, #tpu.memory_space<hbm>>) dst(%arg20 : memref<80xi32, #tpu.memory_space<vmem>>)
      %dma_start3A_190 = arith.constant 0 : i32
      %dma_start3A_191 = arith.constant 0 : i32
      %dma_start3A_192 = tpu.memref_slice %arg2[%dma_start3A_190, %dma_start3A_191] : memref<10000x128xf32, #tpu.memory_space<hbm>> -> memref<10000x128xf32, #tpu.memory_space<hbm>>
      tpu.enqueue_indirect_dma source(%dma_start3A_192 : memref<10000x128xf32, #tpu.memory_space<hbm>>) target(%arg24 : memref<80x128xf32, #tpu.memory_space<vmem>>) offsets(%arg12 : memref<80xi32, #tpu.memory_space<vmem>>) semaphore(%arg45 : memref<!tpu.dma_semaphore, #tpu.memory_space<semaphore_mem>>)
      "tpu.region"() ({
        %run_scoped3A = tpu.sem_alloc : memref<!tpu.dma_semaphore, #tpu.memory_space<semaphore_mem>>
        %dma_start3A_353 = arith.constant 0 : i32
        %dma_start3A_354 = arith.constant 0 : i32
        %dma_start3A_355 = tpu.memref_slice %arg27[%dma_start3A_353, %dma_start3A_354] : memref<10240x128xf32, #tpu.memory_space<vmem_shared>> -> memref<10240x128xf32, #tpu.memory_space<vmem_shared>>
        tpu.enqueue_indirect_dma source(%arg25 : memref<80x128xf32, #tpu.memory_space<vmem>>) target(%dma_start3A_355 : memref<10240x128xf32, #tpu.memory_space<vmem_shared>>) offsets(%arg17 : memref<80xi32, #tpu.memory_space<vmem>>) semaphore(%run_scoped3A : memref<!tpu.dma_semaphore, #tpu.memory_space<semaphore_mem>>) {add = true}
        %dma_wait3A_356 = arith.constant 0 : i32
        %dma_wait3A_357 = arith.constant 0 : i32
        %dma_wait3A_358 = tpu.memref_slice %arg27[%dma_wait3A_356, %dma_wait3A_357] : memref<10240x128xf32, #tpu.memory_space<vmem_shared>> -> memref<10240x128xf32, #tpu.memory_space<vmem_shared>>
        tpu.wait_indirect_dma semaphore(%run_scoped3A : memref<!tpu.dma_semaphore, #tpu.memory_space<semaphore_mem>>) src(%arg25 : memref<80x128xf32, #tpu.memory_space<vmem>>) dst(%dma_wait3A_358 : memref<10240x128xf32, #tpu.memory_space<vmem_shared>>)
        tpu.yield
      }) : () -> ()
      %add3A_193 = arith.constant 5 : i32
      %add3A_194 = arith.addi %add3A_176, %add3A_193 : i32
      %mul3A_195 = arith.constant 80 : i32
      %mul3A_196 = arith.muli %add3A_194, %mul3A_195 : i32
      %add3A_197 = arith.addi %mul3A_2, %mul3A_196 : i32
      %multiple_of3A_198 = tpu.assume_multiple %add3A_197, 8 : i32
      %dma_start3A_199 = tpu.memref_slice %arg3[%multiple_of3A_198] : memref<320000xi32, #tpu.memory_space<hbm>> -> memref<80xi32, #tpu.memory_space<hbm>>
      %dma_start3A_200 = tpu.memref_slice %arg3[%multiple_of3A_198] : memref<320000xi32, #tpu.memory_space<hbm>> -> memref<80xi32, #tpu.memory_space<hbm>>
      tpu.enqueue_dma source(%dma_start3A_200 : memref<80xi32, #tpu.memory_space<hbm>>) target(%arg14 : memref<80xi32, #tpu.memory_space<vmem>>) target_semaphore(%arg35 : memref<!tpu.dma_semaphore, #tpu.memory_space<semaphore_mem>>)
      %dma_start3A_201 = tpu.memref_slice %arg4[%multiple_of3A_198] : memref<320000xi32, #tpu.memory_space<hbm>> -> memref<80xi32, #tpu.memory_space<hbm>>
      %dma_start3A_202 = tpu.memref_slice %arg4[%multiple_of3A_198] : memref<320000xi32, #tpu.memory_space<hbm>> -> memref<80xi32, #tpu.memory_space<hbm>>
      tpu.enqueue_dma source(%dma_start3A_202 : memref<80xi32, #tpu.memory_space<hbm>>) target(%arg22 : memref<80xi32, #tpu.memory_space<vmem>>) target_semaphore(%arg43 : memref<!tpu.dma_semaphore, #tpu.memory_space<semaphore_mem>>)
      %mul3A_203 = arith.constant 8 : i32
      %mul3A_204 = arith.muli %scan3A_112, %mul3A_203 : i32
      %add3A_205 = arith.constant 3 : i32
      %add3A_206 = arith.addi %mul3A_204, %add3A_205 : i32
      %dma_wait3A_207 = arith.constant 0 : i32
      %dma_wait3A_208 = arith.constant 0 : i32
      %dma_wait3A_209 = tpu.memref_slice %arg2[%dma_wait3A_207, %dma_wait3A_208] : memref<10000x128xf32, #tpu.memory_space<hbm>> -> memref<10000x128xf32, #tpu.memory_space<hbm>>
      tpu.wait_indirect_dma semaphore(%arg47 : memref<!tpu.dma_semaphore, #tpu.memory_space<semaphore_mem>>) src(%dma_wait3A_209 : memref<10000x128xf32, #tpu.memory_space<hbm>>) dst(%arg26 : memref<80x128xf32, #tpu.memory_space<vmem>>)
      %add3A_210 = arith.constant 3 : i32
      %add3A_211 = arith.addi %add3A_206, %add3A_210 : i32
      %mul3A_212 = arith.constant 80 : i32
      %mul3A_213 = arith.muli %add3A_211, %mul3A_212 : i32
      %add3A_214 = arith.addi %mul3A_2, %mul3A_213 : i32
      %multiple_of3A_215 = tpu.assume_multiple %add3A_214, 8 : i32
      %dma_wait3A_216 = tpu.memref_slice %arg3[%multiple_of3A_215] : memref<320000xi32, #tpu.memory_space<hbm>> -> memref<80xi32, #tpu.memory_space<hbm>>
      %dma_wait3A_217 = tpu.memref_slice %arg3[%multiple_of3A_215] : memref<320000xi32, #tpu.memory_space<hbm>> -> memref<80xi32, #tpu.memory_space<hbm>>
      tpu.wait_dma2 semaphore(%arg34 : memref<!tpu.dma_semaphore, #tpu.memory_space<semaphore_mem>>) src(%dma_wait3A_217 : memref<80xi32, #tpu.memory_space<hbm>>) dst(%arg13 : memref<80xi32, #tpu.memory_space<vmem>>)
      %dma_wait3A_218 = tpu.memref_slice %arg4[%multiple_of3A_215] : memref<320000xi32, #tpu.memory_space<hbm>> -> memref<80xi32, #tpu.memory_space<hbm>>
      %dma_wait3A_219 = tpu.memref_slice %arg4[%multiple_of3A_215] : memref<320000xi32, #tpu.memory_space<hbm>> -> memref<80xi32, #tpu.memory_space<hbm>>
      tpu.wait_dma2 semaphore(%arg42 : memref<!tpu.dma_semaphore, #tpu.memory_space<semaphore_mem>>) src(%dma_wait3A_219 : memref<80xi32, #tpu.memory_space<hbm>>) dst(%arg21 : memref<80xi32, #tpu.memory_space<vmem>>)
      %dma_start3A_220 = arith.constant 0 : i32
      %dma_start3A_221 = arith.constant 0 : i32
      %dma_start3A_222 = tpu.memref_slice %arg2[%dma_start3A_220, %dma_start3A_221] : memref<10000x128xf32, #tpu.memory_space<hbm>> -> memref<10000x128xf32, #tpu.memory_space<hbm>>
      tpu.enqueue_indirect_dma source(%dma_start3A_222 : memref<10000x128xf32, #tpu.memory_space<hbm>>) target(%arg25 : memref<80x128xf32, #tpu.memory_space<vmem>>) offsets(%arg13 : memref<80xi32, #tpu.memory_space<vmem>>) semaphore(%arg46 : memref<!tpu.dma_semaphore, #tpu.memory_space<semaphore_mem>>)
      "tpu.region"() ({
        %run_scoped3A = tpu.sem_alloc : memref<!tpu.dma_semaphore, #tpu.memory_space<semaphore_mem>>
        %dma_start3A_353 = arith.constant 0 : i32
        %dma_start3A_354 = arith.constant 0 : i32
        %dma_start3A_355 = tpu.memref_slice %arg27[%dma_start3A_353, %dma_start3A_354] : memref<10240x128xf32, #tpu.memory_space<vmem_shared>> -> memref<10240x128xf32, #tpu.memory_space<vmem_shared>>
        tpu.enqueue_indirect_dma source(%arg26 : memref<80x128xf32, #tpu.memory_space<vmem>>) target(%dma_start3A_355 : memref<10240x128xf32, #tpu.memory_space<vmem_shared>>) offsets(%arg18 : memref<80xi32, #tpu.memory_space<vmem>>) semaphore(%run_scoped3A : memref<!tpu.dma_semaphore, #tpu.memory_space<semaphore_mem>>) {add = true}
        %dma_wait3A_356 = arith.constant 0 : i32
        %dma_wait3A_357 = arith.constant 0 : i32
        %dma_wait3A_358 = tpu.memref_slice %arg27[%dma_wait3A_356, %dma_wait3A_357] : memref<10240x128xf32, #tpu.memory_space<vmem_shared>> -> memref<10240x128xf32, #tpu.memory_space<vmem_shared>>
        tpu.wait_indirect_dma semaphore(%run_scoped3A : memref<!tpu.dma_semaphore, #tpu.memory_space<semaphore_mem>>) src(%arg26 : memref<80x128xf32, #tpu.memory_space<vmem>>) dst(%dma_wait3A_358 : memref<10240x128xf32, #tpu.memory_space<vmem_shared>>)
        tpu.yield
      }) : () -> ()
      %add3A_223 = arith.constant 5 : i32
      %add3A_224 = arith.addi %add3A_206, %add3A_223 : i32
      %mul3A_225 = arith.constant 80 : i32
      %mul3A_226 = arith.muli %add3A_224, %mul3A_225 : i32
      %add3A_227 = arith.addi %mul3A_2, %mul3A_226 : i32
      %multiple_of3A_228 = tpu.assume_multiple %add3A_227, 8 : i32
      %dma_start3A_229 = tpu.memref_slice %arg3[%multiple_of3A_228] : memref<320000xi32, #tpu.memory_space<hbm>> -> memref<80xi32, #tpu.memory_space<hbm>>
      %dma_start3A_230 = tpu.memref_slice %arg3[%multiple_of3A_228] : memref<320000xi32, #tpu.memory_space<hbm>> -> memref<80xi32, #tpu.memory_space<hbm>>
      tpu.enqueue_dma source(%dma_start3A_230 : memref<80xi32, #tpu.memory_space<hbm>>) target(%arg7 : memref<80xi32, #tpu.memory_space<vmem>>) target_semaphore(%arg28 : memref<!tpu.dma_semaphore, #tpu.memory_space<semaphore_mem>>)
      %dma_start3A_231 = tpu.memref_slice %arg4[%multiple_of3A_228] : memref<320000xi32, #tpu.memory_space<hbm>> -> memref<80xi32, #tpu.memory_space<hbm>>
      %dma_start3A_232 = tpu.memref_slice %arg4[%multiple_of3A_228] : memref<320000xi32, #tpu.memory_space<hbm>> -> memref<80xi32, #tpu.memory_space<hbm>>
      tpu.enqueue_dma source(%dma_start3A_232 : memref<80xi32, #tpu.memory_space<hbm>>) target(%arg15 : memref<80xi32, #tpu.memory_space<vmem>>) target_semaphore(%arg36 : memref<!tpu.dma_semaphore, #tpu.memory_space<semaphore_mem>>)
      %mul3A_233 = arith.constant 8 : i32
      %mul3A_234 = arith.muli %scan3A_112, %mul3A_233 : i32
      %add3A_235 = arith.constant 4 : i32
      %add3A_236 = arith.addi %mul3A_234, %add3A_235 : i32
      %dma_wait3A_237 = arith.constant 0 : i32
      %dma_wait3A_238 = arith.constant 0 : i32
      %dma_wait3A_239 = tpu.memref_slice %arg2[%dma_wait3A_237, %dma_wait3A_238] : memref<10000x128xf32, #tpu.memory_space<hbm>> -> memref<10000x128xf32, #tpu.memory_space<hbm>>
      tpu.wait_indirect_dma semaphore(%arg44 : memref<!tpu.dma_semaphore, #tpu.memory_space<semaphore_mem>>) src(%dma_wait3A_239 : memref<10000x128xf32, #tpu.memory_space<hbm>>) dst(%arg23 : memref<80x128xf32, #tpu.memory_space<vmem>>)
      %add3A_240 = arith.constant 3 : i32
      %add3A_241 = arith.addi %add3A_236, %add3A_240 : i32
      %mul3A_242 = arith.constant 80 : i32
      %mul3A_243 = arith.muli %add3A_241, %mul3A_242 : i32
      %add3A_244 = arith.addi %mul3A_2, %mul3A_243 : i32
      %multiple_of3A_245 = tpu.assume_multiple %add3A_244, 8 : i32
      %dma_wait3A_246 = tpu.memref_slice %arg3[%multiple_of3A_245] : memref<320000xi32, #tpu.memory_space<hbm>> -> memref<80xi32, #tpu.memory_space<hbm>>
      %dma_wait3A_247 = tpu.memref_slice %arg3[%multiple_of3A_245] : memref<320000xi32, #tpu.memory_space<hbm>> -> memref<80xi32, #tpu.memory_space<hbm>>
      tpu.wait_dma2 semaphore(%arg35 : memref<!tpu.dma_semaphore, #tpu.memory_space<semaphore_mem>>) src(%dma_wait3A_247 : memref<80xi32, #tpu.memory_space<hbm>>) dst(%arg14 : memref<80xi32, #tpu.memory_space<vmem>>)
      %dma_wait3A_248 = tpu.memref_slice %arg4[%multiple_of3A_245] : memref<320000xi32, #tpu.memory_space<hbm>> -> memref<80xi32, #tpu.memory_space<hbm>>
      %dma_wait3A_249 = tpu.memref_slice %arg4[%multiple_of3A_245] : memref<320000xi32, #tpu.memory_space<hbm>> -> memref<80xi32, #tpu.memory_space<hbm>>
      tpu.wait_dma2 semaphore(%arg43 : memref<!tpu.dma_semaphore, #tpu.memory_space<semaphore_mem>>) src(%dma_wait3A_249 : memref<80xi32, #tpu.memory_space<hbm>>) dst(%arg22 : memref<80xi32, #tpu.memory_space<vmem>>)
      %dma_start3A_250 = arith.constant 0 : i32
      %dma_start3A_251 = arith.constant 0 : i32
      %dma_start3A_252 = tpu.memref_slice %arg2[%dma_start3A_250, %dma_start3A_251] : memref<10000x128xf32, #tpu.memory_space<hbm>> -> memref<10000x128xf32, #tpu.memory_space<hbm>>
      tpu.enqueue_indirect_dma source(%dma_start3A_252 : memref<10000x128xf32, #tpu.memory_space<hbm>>) target(%arg26 : memref<80x128xf32, #tpu.memory_space<vmem>>) offsets(%arg14 : memref<80xi32, #tpu.memory_space<vmem>>) semaphore(%arg47 : memref<!tpu.dma_semaphore, #tpu.memory_space<semaphore_mem>>)
      "tpu.region"() ({
        %run_scoped3A = tpu.sem_alloc : memref<!tpu.dma_semaphore, #tpu.memory_space<semaphore_mem>>
        %dma_start3A_353 = arith.constant 0 : i32
        %dma_start3A_354 = arith.constant 0 : i32
        %dma_start3A_355 = tpu.memref_slice %arg27[%dma_start3A_353, %dma_start3A_354] : memref<10240x128xf32, #tpu.memory_space<vmem_shared>> -> memref<10240x128xf32, #tpu.memory_space<vmem_shared>>
        tpu.enqueue_indirect_dma source(%arg23 : memref<80x128xf32, #tpu.memory_space<vmem>>) target(%dma_start3A_355 : memref<10240x128xf32, #tpu.memory_space<vmem_shared>>) offsets(%arg19 : memref<80xi32, #tpu.memory_space<vmem>>) semaphore(%run_scoped3A : memref<!tpu.dma_semaphore, #tpu.memory_space<semaphore_mem>>) {add = true}
        %dma_wait3A_356 = arith.constant 0 : i32
        %dma_wait3A_357 = arith.constant 0 : i32
        %dma_wait3A_358 = tpu.memref_slice %arg27[%dma_wait3A_356, %dma_wait3A_357] : memref<10240x128xf32, #tpu.memory_space<vmem_shared>> -> memref<10240x128xf32, #tpu.memory_space<vmem_shared>>
        tpu.wait_indirect_dma semaphore(%run_scoped3A : memref<!tpu.dma_semaphore, #tpu.memory_space<semaphore_mem>>) src(%arg23 : memref<80x128xf32, #tpu.memory_space<vmem>>) dst(%dma_wait3A_358 : memref<10240x128xf32, #tpu.memory_space<vmem_shared>>)
        tpu.yield
      }) : () -> ()
      %add3A_253 = arith.constant 5 : i32
      %add3A_254 = arith.addi %add3A_236, %add3A_253 : i32
      %mul3A_255 = arith.constant 80 : i32
      %mul3A_256 = arith.muli %add3A_254, %mul3A_255 : i32
      %add3A_257 = arith.addi %mul3A_2, %mul3A_256 : i32
      %multiple_of3A_258 = tpu.assume_multiple %add3A_257, 8 : i32
      %dma_start3A_259 = tpu.memref_slice %arg3[%multiple_of3A_258] : memref<320000xi32, #tpu.memory_space<hbm>> -> memref<80xi32, #tpu.memory_space<hbm>>
      %dma_start3A_260 = tpu.memref_slice %arg3[%multiple_of3A_258] : memref<320000xi32, #tpu.memory_space<hbm>> -> memref<80xi32, #tpu.memory_space<hbm>>
      tpu.enqueue_dma source(%dma_start3A_260 : memref<80xi32, #tpu.memory_space<hbm>>) target(%arg8 : memref<80xi32, #tpu.memory_space<vmem>>) target_semaphore(%arg29 : memref<!tpu.dma_semaphore, #tpu.memory_space<semaphore_mem>>)
      %dma_start3A_261 = tpu.memref_slice %arg4[%multiple_of3A_258] : memref<320000xi32, #tpu.memory_space<hbm>> -> memref<80xi32, #tpu.memory_space<hbm>>
      %dma_start3A_262 = tpu.memref_slice %arg4[%multiple_of3A_258] : memref<320000xi32, #tpu.memory_space<hbm>> -> memref<80xi32, #tpu.memory_space<hbm>>
      tpu.enqueue_dma source(%dma_start3A_262 : memref<80xi32, #tpu.memory_space<hbm>>) target(%arg16 : memref<80xi32, #tpu.memory_space<vmem>>) target_semaphore(%arg37 : memref<!tpu.dma_semaphore, #tpu.memory_space<semaphore_mem>>)
      %mul3A_263 = arith.constant 8 : i32
      %mul3A_264 = arith.muli %scan3A_112, %mul3A_263 : i32
      %add3A_265 = arith.constant 5 : i32
      %add3A_266 = arith.addi %mul3A_264, %add3A_265 : i32
      %dma_wait3A_267 = arith.constant 0 : i32
      %dma_wait3A_268 = arith.constant 0 : i32
      %dma_wait3A_269 = tpu.memref_slice %arg2[%dma_wait3A_267, %dma_wait3A_268] : memref<10000x128xf32, #tpu.memory_space<hbm>> -> memref<10000x128xf32, #tpu.memory_space<hbm>>
      tpu.wait_indirect_dma semaphore(%arg45 : memref<!tpu.dma_semaphore, #tpu.memory_space<semaphore_mem>>) src(%dma_wait3A_269 : memref<10000x128xf32, #tpu.memory_space<hbm>>) dst(%arg24 : memref<80x128xf32, #tpu.memory_space<vmem>>)
      %add3A_270 = arith.constant 3 : i32
      %add3A_271 = arith.addi %add3A_266, %add3A_270 : i32
      %mul3A_272 = arith.constant 80 : i32
      %mul3A_273 = arith.muli %add3A_271, %mul3A_272 : i32
      %add3A_274 = arith.addi %mul3A_2, %mul3A_273 : i32
      %multiple_of3A_275 = tpu.assume_multiple %add3A_274, 8 : i32
      %dma_wait3A_276 = tpu.memref_slice %arg3[%multiple_of3A_275] : memref<320000xi32, #tpu.memory_space<hbm>> -> memref<80xi32, #tpu.memory_space<hbm>>
      %dma_wait3A_277 = tpu.memref_slice %arg3[%multiple_of3A_275] : memref<320000xi32, #tpu.memory_space<hbm>> -> memref<80xi32, #tpu.memory_space<hbm>>
      tpu.wait_dma2 semaphore(%arg28 : memref<!tpu.dma_semaphore, #tpu.memory_space<semaphore_mem>>) src(%dma_wait3A_277 : memref<80xi32, #tpu.memory_space<hbm>>) dst(%arg7 : memref<80xi32, #tpu.memory_space<vmem>>)
      %dma_wait3A_278 = tpu.memref_slice %arg4[%multiple_of3A_275] : memref<320000xi32, #tpu.memory_space<hbm>> -> memref<80xi32, #tpu.memory_space<hbm>>
      %dma_wait3A_279 = tpu.memref_slice %arg4[%multiple_of3A_275] : memref<320000xi32, #tpu.memory_space<hbm>> -> memref<80xi32, #tpu.memory_space<hbm>>
      tpu.wait_dma2 semaphore(%arg36 : memref<!tpu.dma_semaphore, #tpu.memory_space<semaphore_mem>>) src(%dma_wait3A_279 : memref<80xi32, #tpu.memory_space<hbm>>) dst(%arg15 : memref<80xi32, #tpu.memory_space<vmem>>)
      %dma_start3A_280 = arith.constant 0 : i32
      %dma_start3A_281 = arith.constant 0 : i32
      %dma_start3A_282 = tpu.memref_slice %arg2[%dma_start3A_280, %dma_start3A_281] : memref<10000x128xf32, #tpu.memory_space<hbm>> -> memref<10000x128xf32, #tpu.memory_space<hbm>>
      tpu.enqueue_indirect_dma source(%dma_start3A_282 : memref<10000x128xf32, #tpu.memory_space<hbm>>) target(%arg23 : memref<80x128xf32, #tpu.memory_space<vmem>>) offsets(%arg7 : memref<80xi32, #tpu.memory_space<vmem>>) semaphore(%arg44 : memref<!tpu.dma_semaphore, #tpu.memory_space<semaphore_mem>>)
      "tpu.region"() ({
        %run_scoped3A = tpu.sem_alloc : memref<!tpu.dma_semaphore, #tpu.memory_space<semaphore_mem>>
        %dma_start3A_353 = arith.constant 0 : i32
        %dma_start3A_354 = arith.constant 0 : i32
        %dma_start3A_355 = tpu.memref_slice %arg27[%dma_start3A_353, %dma_start3A_354] : memref<10240x128xf32, #tpu.memory_space<vmem_shared>> -> memref<10240x128xf32, #tpu.memory_space<vmem_shared>>
        tpu.enqueue_indirect_dma source(%arg24 : memref<80x128xf32, #tpu.memory_space<vmem>>) target(%dma_start3A_355 : memref<10240x128xf32, #tpu.memory_space<vmem_shared>>) offsets(%arg20 : memref<80xi32, #tpu.memory_space<vmem>>) semaphore(%run_scoped3A : memref<!tpu.dma_semaphore, #tpu.memory_space<semaphore_mem>>) {add = true}
        %dma_wait3A_356 = arith.constant 0 : i32
        %dma_wait3A_357 = arith.constant 0 : i32
        %dma_wait3A_358 = tpu.memref_slice %arg27[%dma_wait3A_356, %dma_wait3A_357] : memref<10240x128xf32, #tpu.memory_space<vmem_shared>> -> memref<10240x128xf32, #tpu.memory_space<vmem_shared>>
        tpu.wait_indirect_dma semaphore(%run_scoped3A : memref<!tpu.dma_semaphore, #tpu.memory_space<semaphore_mem>>) src(%arg24 : memref<80x128xf32, #tpu.memory_space<vmem>>) dst(%dma_wait3A_358 : memref<10240x128xf32, #tpu.memory_space<vmem_shared>>)
        tpu.yield
      }) : () -> ()
      %add3A_283 = arith.constant 5 : i32
      %add3A_284 = arith.addi %add3A_266, %add3A_283 : i32
      %mul3A_285 = arith.constant 80 : i32
      %mul3A_286 = arith.muli %add3A_284, %mul3A_285 : i32
      %add3A_287 = arith.addi %mul3A_2, %mul3A_286 : i32
      %multiple_of3A_288 = tpu.assume_multiple %add3A_287, 8 : i32
      %dma_start3A_289 = tpu.memref_slice %arg3[%multiple_of3A_288] : memref<320000xi32, #tpu.memory_space<hbm>> -> memref<80xi32, #tpu.memory_space<hbm>>
      %dma_start3A_290 = tpu.memref_slice %arg3[%multiple_of3A_288] : memref<320000xi32, #tpu.memory_space<hbm>> -> memref<80xi32, #tpu.memory_space<hbm>>
      tpu.enqueue_dma source(%dma_start3A_290 : memref<80xi32, #tpu.memory_space<hbm>>) target(%arg9 : memref<80xi32, #tpu.memory_space<vmem>>) target_semaphore(%arg30 : memref<!tpu.dma_semaphore, #tpu.memory_space<semaphore_mem>>)
      %dma_start3A_291 = tpu.memref_slice %arg4[%multiple_of3A_288] : memref<320000xi32, #tpu.memory_space<hbm>> -> memref<80xi32, #tpu.memory_space<hbm>>
      %dma_start3A_292 = tpu.memref_slice %arg4[%multiple_of3A_288] : memref<320000xi32, #tpu.memory_space<hbm>> -> memref<80xi32, #tpu.memory_space<hbm>>
      tpu.enqueue_dma source(%dma_start3A_292 : memref<80xi32, #tpu.memory_space<hbm>>) target(%arg17 : memref<80xi32, #tpu.memory_space<vmem>>) target_semaphore(%arg38 : memref<!tpu.dma_semaphore, #tpu.memory_space<semaphore_mem>>)
      %mul3A_293 = arith.constant 8 : i32
      %mul3A_294 = arith.muli %scan3A_112, %mul3A_293 : i32
      %add3A_295 = arith.constant 6 : i32
      %add3A_296 = arith.addi %mul3A_294, %add3A_295 : i32
      %dma_wait3A_297 = arith.constant 0 : i32
      %dma_wait3A_298 = arith.constant 0 : i32
      %dma_wait3A_299 = tpu.memref_slice %arg2[%dma_wait3A_297, %dma_wait3A_298] : memref<10000x128xf32, #tpu.memory_space<hbm>> -> memref<10000x128xf32, #tpu.memory_space<hbm>>
      tpu.wait_indirect_dma semaphore(%arg46 : memref<!tpu.dma_semaphore, #tpu.memory_space<semaphore_mem>>) src(%dma_wait3A_299 : memref<10000x128xf32, #tpu.memory_space<hbm>>) dst(%arg25 : memref<80x128xf32, #tpu.memory_space<vmem>>)
      %add3A_300 = arith.constant 3 : i32
      %add3A_301 = arith.addi %add3A_296, %add3A_300 : i32
      %mul3A_302 = arith.constant 80 : i32
      %mul3A_303 = arith.muli %add3A_301, %mul3A_302 : i32
      %add3A_304 = arith.addi %mul3A_2, %mul3A_303 : i32
      %multiple_of3A_305 = tpu.assume_multiple %add3A_304, 8 : i32
      %dma_wait3A_306 = tpu.memref_slice %arg3[%multiple_of3A_305] : memref<320000xi32, #tpu.memory_space<hbm>> -> memref<80xi32, #tpu.memory_space<hbm>>
      %dma_wait3A_307 = tpu.memref_slice %arg3[%multiple_of3A_305] : memref<320000xi32, #tpu.memory_space<hbm>> -> memref<80xi32, #tpu.memory_space<hbm>>
      tpu.wait_dma2 semaphore(%arg29 : memref<!tpu.dma_semaphore, #tpu.memory_space<semaphore_mem>>) src(%dma_wait3A_307 : memref<80xi32, #tpu.memory_space<hbm>>) dst(%arg8 : memref<80xi32, #tpu.memory_space<vmem>>)
      %dma_wait3A_308 = tpu.memref_slice %arg4[%multiple_of3A_305] : memref<320000xi32, #tpu.memory_space<hbm>> -> memref<80xi32, #tpu.memory_space<hbm>>
      %dma_wait3A_309 = tpu.memref_slice %arg4[%multiple_of3A_305] : memref<320000xi32, #tpu.memory_space<hbm>> -> memref<80xi32, #tpu.memory_space<hbm>>
      tpu.wait_dma2 semaphore(%arg37 : memref<!tpu.dma_semaphore, #tpu.memory_space<semaphore_mem>>) src(%dma_wait3A_309 : memref<80xi32, #tpu.memory_space<hbm>>) dst(%arg16 : memref<80xi32, #tpu.memory_space<vmem>>)
      %dma_start3A_310 = arith.constant 0 : i32
      %dma_start3A_311 = arith.constant 0 : i32
      %dma_start3A_312 = tpu.memref_slice %arg2[%dma_start3A_310, %dma_start3A_311] : memref<10000x128xf32, #tpu.memory_space<hbm>> -> memref<10000x128xf32, #tpu.memory_space<hbm>>
      tpu.enqueue_indirect_dma source(%dma_start3A_312 : memref<10000x128xf32, #tpu.memory_space<hbm>>) target(%arg24 : memref<80x128xf32, #tpu.memory_space<vmem>>) offsets(%arg8 : memref<80xi32, #tpu.memory_space<vmem>>) semaphore(%arg45 : memref<!tpu.dma_semaphore, #tpu.memory_space<semaphore_mem>>)
      "tpu.region"() ({
        %run_scoped3A = tpu.sem_alloc : memref<!tpu.dma_semaphore, #tpu.memory_space<semaphore_mem>>
        %dma_start3A_353 = arith.constant 0 : i32
        %dma_start3A_354 = arith.constant 0 : i32
        %dma_start3A_355 = tpu.memref_slice %arg27[%dma_start3A_353, %dma_start3A_354] : memref<10240x128xf32, #tpu.memory_space<vmem_shared>> -> memref<10240x128xf32, #tpu.memory_space<vmem_shared>>
        tpu.enqueue_indirect_dma source(%arg25 : memref<80x128xf32, #tpu.memory_space<vmem>>) target(%dma_start3A_355 : memref<10240x128xf32, #tpu.memory_space<vmem_shared>>) offsets(%arg21 : memref<80xi32, #tpu.memory_space<vmem>>) semaphore(%run_scoped3A : memref<!tpu.dma_semaphore, #tpu.memory_space<semaphore_mem>>) {add = true}
        %dma_wait3A_356 = arith.constant 0 : i32
        %dma_wait3A_357 = arith.constant 0 : i32
        %dma_wait3A_358 = tpu.memref_slice %arg27[%dma_wait3A_356, %dma_wait3A_357] : memref<10240x128xf32, #tpu.memory_space<vmem_shared>> -> memref<10240x128xf32, #tpu.memory_space<vmem_shared>>
        tpu.wait_indirect_dma semaphore(%run_scoped3A : memref<!tpu.dma_semaphore, #tpu.memory_space<semaphore_mem>>) src(%arg25 : memref<80x128xf32, #tpu.memory_space<vmem>>) dst(%dma_wait3A_358 : memref<10240x128xf32, #tpu.memory_space<vmem_shared>>)
        tpu.yield
      }) : () -> ()
      %add3A_313 = arith.constant 5 : i32
      %add3A_314 = arith.addi %add3A_296, %add3A_313 : i32
      %mul3A_315 = arith.constant 80 : i32
      %mul3A_316 = arith.muli %add3A_314, %mul3A_315 : i32
      %add3A_317 = arith.addi %mul3A_2, %mul3A_316 : i32
      %multiple_of3A_318 = tpu.assume_multiple %add3A_317, 8 : i32
      %dma_start3A_319 = tpu.memref_slice %arg3[%multiple_of3A_318] : memref<320000xi32, #tpu.memory_space<hbm>> -> memref<80xi32, #tpu.memory_space<hbm>>
      %dma_start3A_320 = tpu.memref_slice %arg3[%multiple_of3A_318] : memref<320000xi32, #tpu.memory_space<hbm>> -> memref<80xi32, #tpu.memory_space<hbm>>
      tpu.enqueue_dma source(%dma_start3A_320 : memref<80xi32, #tpu.memory_space<hbm>>) target(%arg10 : memref<80xi32, #tpu.memory_space<vmem>>) target_semaphore(%arg31 : memref<!tpu.dma_semaphore, #tpu.memory_space<semaphore_mem>>)
      %dma_start3A_321 = tpu.memref_slice %arg4[%multiple_of3A_318] : memref<320000xi32, #tpu.memory_space<hbm>> -> memref<80xi32, #tpu.memory_space<hbm>>
      %dma_start3A_322 = tpu.memref_slice %arg4[%multiple_of3A_318] : memref<320000xi32, #tpu.memory_space<hbm>> -> memref<80xi32, #tpu.memory_space<hbm>>
      tpu.enqueue_dma source(%dma_start3A_322 : memref<80xi32, #tpu.memory_space<hbm>>) target(%arg18 : memref<80xi32, #tpu.memory_space<vmem>>) target_semaphore(%arg39 : memref<!tpu.dma_semaphore, #tpu.memory_space<semaphore_mem>>)
      %mul3A_323 = arith.constant 8 : i32
      %mul3A_324 = arith.muli %scan3A_112, %mul3A_323 : i32
      %add3A_325 = arith.constant 7 : i32
      %add3A_326 = arith.addi %mul3A_324, %add3A_325 : i32
      %dma_wait3A_327 = arith.constant 0 : i32
      %dma_wait3A_328 = arith.constant 0 : i32
      %dma_wait3A_329 = tpu.memref_slice %arg2[%dma_wait3A_327, %dma_wait3A_328] : memref<10000x128xf32, #tpu.memory_space<hbm>> -> memref<10000x128xf32, #tpu.memory_space<hbm>>
      tpu.wait_indirect_dma semaphore(%arg47 : memref<!tpu.dma_semaphore, #tpu.memory_space<semaphore_mem>>) src(%dma_wait3A_329 : memref<10000x128xf32, #tpu.memory_space<hbm>>) dst(%arg26 : memref<80x128xf32, #tpu.memory_space<vmem>>)
      %add3A_330 = arith.constant 3 : i32
      %add3A_331 = arith.addi %add3A_326, %add3A_330 : i32
      %mul3A_332 = arith.constant 80 : i32
      %mul3A_333 = arith.muli %add3A_331, %mul3A_332 : i32
      %add3A_334 = arith.addi %mul3A_2, %mul3A_333 : i32
      %multiple_of3A_335 = tpu.assume_multiple %add3A_334, 8 : i32
      %dma_wait3A_336 = tpu.memref_slice %arg3[%multiple_of3A_335] : memref<320000xi32, #tpu.memory_space<hbm>> -> memref<80xi32, #tpu.memory_space<hbm>>
      %dma_wait3A_337 = tpu.memref_slice %arg3[%multiple_of3A_335] : memref<320000xi32, #tpu.memory_space<hbm>> -> memref<80xi32, #tpu.memory_space<hbm>>
      tpu.wait_dma2 semaphore(%arg30 : memref<!tpu.dma_semaphore, #tpu.memory_space<semaphore_mem>>) src(%dma_wait3A_337 : memref<80xi32, #tpu.memory_space<hbm>>) dst(%arg9 : memref<80xi32, #tpu.memory_space<vmem>>)
      %dma_wait3A_338 = tpu.memref_slice %arg4[%multiple_of3A_335] : memref<320000xi32, #tpu.memory_space<hbm>> -> memref<80xi32, #tpu.memory_space<hbm>>
      %dma_wait3A_339 = tpu.memref_slice %arg4[%multiple_of3A_335] : memref<320000xi32, #tpu.memory_space<hbm>> -> memref<80xi32, #tpu.memory_space<hbm>>
      tpu.wait_dma2 semaphore(%arg38 : memref<!tpu.dma_semaphore, #tpu.memory_space<semaphore_mem>>) src(%dma_wait3A_339 : memref<80xi32, #tpu.memory_space<hbm>>) dst(%arg17 : memref<80xi32, #tpu.memory_space<vmem>>)
      %dma_start3A_340 = arith.constant 0 : i32
      %dma_start3A_341 = arith.constant 0 : i32
      %dma_start3A_342 = tpu.memref_slice %arg2[%dma_start3A_340, %dma_start3A_341] : memref<10000x128xf32, #tpu.memory_space<hbm>> -> memref<10000x128xf32, #tpu.memory_space<hbm>>
      tpu.enqueue_indirect_dma source(%dma_start3A_342 : memref<10000x128xf32, #tpu.memory_space<hbm>>) target(%arg25 : memref<80x128xf32, #tpu.memory_space<vmem>>) offsets(%arg9 : memref<80xi32, #tpu.memory_space<vmem>>) semaphore(%arg46 : memref<!tpu.dma_semaphore, #tpu.memory_space<semaphore_mem>>)
      "tpu.region"() ({
        %run_scoped3A = tpu.sem_alloc : memref<!tpu.dma_semaphore, #tpu.memory_space<semaphore_mem>>
        %dma_start3A_353 = arith.constant 0 : i32
        %dma_start3A_354 = arith.constant 0 : i32
        %dma_start3A_355 = tpu.memref_slice %arg27[%dma_start3A_353, %dma_start3A_354] : memref<10240x128xf32, #tpu.memory_space<vmem_shared>> -> memref<10240x128xf32, #tpu.memory_space<vmem_shared>>
        tpu.enqueue_indirect_dma source(%arg26 : memref<80x128xf32, #tpu.memory_space<vmem>>) target(%dma_start3A_355 : memref<10240x128xf32, #tpu.memory_space<vmem_shared>>) offsets(%arg22 : memref<80xi32, #tpu.memory_space<vmem>>) semaphore(%run_scoped3A : memref<!tpu.dma_semaphore, #tpu.memory_space<semaphore_mem>>) {add = true}
        %dma_wait3A_356 = arith.constant 0 : i32
        %dma_wait3A_357 = arith.constant 0 : i32
        %dma_wait3A_358 = tpu.memref_slice %arg27[%dma_wait3A_356, %dma_wait3A_357] : memref<10240x128xf32, #tpu.memory_space<vmem_shared>> -> memref<10240x128xf32, #tpu.memory_space<vmem_shared>>
        tpu.wait_indirect_dma semaphore(%run_scoped3A : memref<!tpu.dma_semaphore, #tpu.memory_space<semaphore_mem>>) src(%arg26 : memref<80x128xf32, #tpu.memory_space<vmem>>) dst(%dma_wait3A_358 : memref<10240x128xf32, #tpu.memory_space<vmem_shared>>)
        tpu.yield
      }) : () -> ()
      %add3A_343 = arith.constant 5 : i32
      %add3A_344 = arith.addi %add3A_326, %add3A_343 : i32
      %mul3A_345 = arith.constant 80 : i32
      %mul3A_346 = arith.muli %add3A_344, %mul3A_345 : i32
      %add3A_347 = arith.addi %mul3A_2, %mul3A_346 : i32
      %multiple_of3A_348 = tpu.assume_multiple %add3A_347, 8 : i32
      %dma_start3A_349 = tpu.memref_slice %arg3[%multiple_of3A_348] : memref<320000xi32, #tpu.memory_space<hbm>> -> memref<80xi32, #tpu.memory_space<hbm>>
      %dma_start3A_350 = tpu.memref_slice %arg3[%multiple_of3A_348] : memref<320000xi32, #tpu.memory_space<hbm>> -> memref<80xi32, #tpu.memory_space<hbm>>
      tpu.enqueue_dma source(%dma_start3A_350 : memref<80xi32, #tpu.memory_space<hbm>>) target(%arg11 : memref<80xi32, #tpu.memory_space<vmem>>) target_semaphore(%arg32 : memref<!tpu.dma_semaphore, #tpu.memory_space<semaphore_mem>>)
      %dma_start3A_351 = tpu.memref_slice %arg4[%multiple_of3A_348] : memref<320000xi32, #tpu.memory_space<hbm>> -> memref<80xi32, #tpu.memory_space<hbm>>
      %dma_start3A_352 = tpu.memref_slice %arg4[%multiple_of3A_348] : memref<320000xi32, #tpu.memory_space<hbm>> -> memref<80xi32, #tpu.memory_space<hbm>>
      tpu.enqueue_dma source(%dma_start3A_352 : memref<80xi32, #tpu.memory_space<hbm>>) target(%arg19 : memref<80xi32, #tpu.memory_space<vmem>>) target_semaphore(%arg40 : memref<!tpu.dma_semaphore, #tpu.memory_space<semaphore_mem>>)
    }
    %scan3A_71 = arith.constant 15 : i32
    %dma_wait3A_72 = arith.constant 0 : i32
    %dma_wait3A_73 = arith.constant 0 : i32
    %dma_wait3A_74 = tpu.memref_slice %arg2[%dma_wait3A_72, %dma_wait3A_73] : memref<10000x128xf32, #tpu.memory_space<hbm>> -> memref<10000x128xf32, #tpu.memory_space<hbm>>
    tpu.wait_indirect_dma semaphore(%arg44 : memref<!tpu.dma_semaphore, #tpu.memory_space<semaphore_mem>>) src(%dma_wait3A_74 : memref<10000x128xf32, #tpu.memory_space<hbm>>) dst(%arg23 : memref<80x128xf32, #tpu.memory_space<vmem>>)
    %add3A_75 = arith.constant 9840 : i32
    %add3A_76 = arith.addi %mul3A_2, %add3A_75 : i32
    %multiple_of3A_77 = tpu.assume_multiple %add3A_76, 8 : i32
    %dma_wait3A_78 = tpu.memref_slice %arg3[%multiple_of3A_77] : memref<320000xi32, #tpu.memory_space<hbm>> -> memref<80xi32, #tpu.memory_space<hbm>>
    %dma_wait3A_79 = tpu.memref_slice %arg3[%multiple_of3A_77] : memref<320000xi32, #tpu.memory_space<hbm>> -> memref<80xi32, #tpu.memory_space<hbm>>
    tpu.wait_dma2 semaphore(%arg31 : memref<!tpu.dma_semaphore, #tpu.memory_space<semaphore_mem>>) src(%dma_wait3A_79 : memref<80xi32, #tpu.memory_space<hbm>>) dst(%arg10 : memref<80xi32, #tpu.memory_space<vmem>>)
    %dma_wait3A_80 = tpu.memref_slice %arg4[%multiple_of3A_77] : memref<320000xi32, #tpu.memory_space<hbm>> -> memref<80xi32, #tpu.memory_space<hbm>>
    %dma_wait3A_81 = tpu.memref_slice %arg4[%multiple_of3A_77] : memref<320000xi32, #tpu.memory_space<hbm>> -> memref<80xi32, #tpu.memory_space<hbm>>
    tpu.wait_dma2 semaphore(%arg39 : memref<!tpu.dma_semaphore, #tpu.memory_space<semaphore_mem>>) src(%dma_wait3A_81 : memref<80xi32, #tpu.memory_space<hbm>>) dst(%arg18 : memref<80xi32, #tpu.memory_space<vmem>>)
    %dma_start3A_82 = arith.constant 0 : i32
    %dma_start3A_83 = arith.constant 0 : i32
    %dma_start3A_84 = tpu.memref_slice %arg2[%dma_start3A_82, %dma_start3A_83] : memref<10000x128xf32, #tpu.memory_space<hbm>> -> memref<10000x128xf32, #tpu.memory_space<hbm>>
    tpu.enqueue_indirect_dma source(%dma_start3A_84 : memref<10000x128xf32, #tpu.memory_space<hbm>>) target(%arg26 : memref<80x128xf32, #tpu.memory_space<vmem>>) offsets(%arg10 : memref<80xi32, #tpu.memory_space<vmem>>) semaphore(%arg47 : memref<!tpu.dma_semaphore, #tpu.memory_space<semaphore_mem>>)
    "tpu.region"() ({
      %run_scoped3A = tpu.sem_alloc : memref<!tpu.dma_semaphore, #tpu.memory_space<semaphore_mem>>
      %dma_start3A_112 = arith.constant 0 : i32
      %dma_start3A_113 = arith.constant 0 : i32
      %dma_start3A_114 = tpu.memref_slice %arg27[%dma_start3A_112, %dma_start3A_113] : memref<10240x128xf32, #tpu.memory_space<vmem_shared>> -> memref<10240x128xf32, #tpu.memory_space<vmem_shared>>
      tpu.enqueue_indirect_dma source(%arg23 : memref<80x128xf32, #tpu.memory_space<vmem>>) target(%dma_start3A_114 : memref<10240x128xf32, #tpu.memory_space<vmem_shared>>) offsets(%arg15 : memref<80xi32, #tpu.memory_space<vmem>>) semaphore(%run_scoped3A : memref<!tpu.dma_semaphore, #tpu.memory_space<semaphore_mem>>) {add = true}
      %dma_wait3A_115 = arith.constant 0 : i32
      %dma_wait3A_116 = arith.constant 0 : i32
      %dma_wait3A_117 = tpu.memref_slice %arg27[%dma_wait3A_115, %dma_wait3A_116] : memref<10240x128xf32, #tpu.memory_space<vmem_shared>> -> memref<10240x128xf32, #tpu.memory_space<vmem_shared>>
      tpu.wait_indirect_dma semaphore(%run_scoped3A : memref<!tpu.dma_semaphore, #tpu.memory_space<semaphore_mem>>) src(%arg23 : memref<80x128xf32, #tpu.memory_space<vmem>>) dst(%dma_wait3A_117 : memref<10240x128xf32, #tpu.memory_space<vmem_shared>>)
      tpu.yield
    }) : () -> ()
    %dma_wait3A_85 = arith.constant 0 : i32
    %dma_wait3A_86 = arith.constant 0 : i32
    %dma_wait3A_87 = tpu.memref_slice %arg2[%dma_wait3A_85, %dma_wait3A_86] : memref<10000x128xf32, #tpu.memory_space<hbm>> -> memref<10000x128xf32, #tpu.memory_space<hbm>>
    tpu.wait_indirect_dma semaphore(%arg45 : memref<!tpu.dma_semaphore, #tpu.memory_space<semaphore_mem>>) src(%dma_wait3A_87 : memref<10000x128xf32, #tpu.memory_space<hbm>>) dst(%arg24 : memref<80x128xf32, #tpu.memory_space<vmem>>)
    %add3A_88 = arith.constant 9920 : i32
    %add3A_89 = arith.addi %mul3A_2, %add3A_88 : i32
    %multiple_of3A_90 = tpu.assume_multiple %add3A_89, 8 : i32
    %dma_wait3A_91 = tpu.memref_slice %arg3[%multiple_of3A_90] : memref<320000xi32, #tpu.memory_space<hbm>> -> memref<80xi32, #tpu.memory_space<hbm>>
    %dma_wait3A_92 = tpu.memref_slice %arg3[%multiple_of3A_90] : memref<320000xi32, #tpu.memory_space<hbm>> -> memref<80xi32, #tpu.memory_space<hbm>>
    tpu.wait_dma2 semaphore(%arg32 : memref<!tpu.dma_semaphore, #tpu.memory_space<semaphore_mem>>) src(%dma_wait3A_92 : memref<80xi32, #tpu.memory_space<hbm>>) dst(%arg11 : memref<80xi32, #tpu.memory_space<vmem>>)
    %dma_wait3A_93 = tpu.memref_slice %arg4[%multiple_of3A_90] : memref<320000xi32, #tpu.memory_space<hbm>> -> memref<80xi32, #tpu.memory_space<hbm>>
    %dma_wait3A_94 = tpu.memref_slice %arg4[%multiple_of3A_90] : memref<320000xi32, #tpu.memory_space<hbm>> -> memref<80xi32, #tpu.memory_space<hbm>>
    tpu.wait_dma2 semaphore(%arg40 : memref<!tpu.dma_semaphore, #tpu.memory_space<semaphore_mem>>) src(%dma_wait3A_94 : memref<80xi32, #tpu.memory_space<hbm>>) dst(%arg19 : memref<80xi32, #tpu.memory_space<vmem>>)
    %dma_start3A_95 = arith.constant 0 : i32
    %dma_start3A_96 = arith.constant 0 : i32
    %dma_start3A_97 = tpu.memref_slice %arg2[%dma_start3A_95, %dma_start3A_96] : memref<10000x128xf32, #tpu.memory_space<hbm>> -> memref<10000x128xf32, #tpu.memory_space<hbm>>
    tpu.enqueue_indirect_dma source(%dma_start3A_97 : memref<10000x128xf32, #tpu.memory_space<hbm>>) target(%arg23 : memref<80x128xf32, #tpu.memory_space<vmem>>) offsets(%arg11 : memref<80xi32, #tpu.memory_space<vmem>>) semaphore(%arg44 : memref<!tpu.dma_semaphore, #tpu.memory_space<semaphore_mem>>)
    "tpu.region"() ({
      %run_scoped3A = tpu.sem_alloc : memref<!tpu.dma_semaphore, #tpu.memory_space<semaphore_mem>>
      %dma_start3A_112 = arith.constant 0 : i32
      %dma_start3A_113 = arith.constant 0 : i32
      %dma_start3A_114 = tpu.memref_slice %arg27[%dma_start3A_112, %dma_start3A_113] : memref<10240x128xf32, #tpu.memory_space<vmem_shared>> -> memref<10240x128xf32, #tpu.memory_space<vmem_shared>>
      tpu.enqueue_indirect_dma source(%arg24 : memref<80x128xf32, #tpu.memory_space<vmem>>) target(%dma_start3A_114 : memref<10240x128xf32, #tpu.memory_space<vmem_shared>>) offsets(%arg16 : memref<80xi32, #tpu.memory_space<vmem>>) semaphore(%run_scoped3A : memref<!tpu.dma_semaphore, #tpu.memory_space<semaphore_mem>>) {add = true}
      %dma_wait3A_115 = arith.constant 0 : i32
      %dma_wait3A_116 = arith.constant 0 : i32
      %dma_wait3A_117 = tpu.memref_slice %arg27[%dma_wait3A_115, %dma_wait3A_116] : memref<10240x128xf32, #tpu.memory_space<vmem_shared>> -> memref<10240x128xf32, #tpu.memory_space<vmem_shared>>
      tpu.wait_indirect_dma semaphore(%run_scoped3A : memref<!tpu.dma_semaphore, #tpu.memory_space<semaphore_mem>>) src(%arg24 : memref<80x128xf32, #tpu.memory_space<vmem>>) dst(%dma_wait3A_117 : memref<10240x128xf32, #tpu.memory_space<vmem_shared>>)
      tpu.yield
    }) : () -> ()
    %dma_wait3A_98 = arith.constant 0 : i32
    %dma_wait3A_99 = arith.constant 0 : i32
    %dma_wait3A_100 = tpu.memref_slice %arg2[%dma_wait3A_98, %dma_wait3A_99] : memref<10000x128xf32, #tpu.memory_space<hbm>> -> memref<10000x128xf32, #tpu.memory_space<hbm>>
    tpu.wait_indirect_dma semaphore(%arg46 : memref<!tpu.dma_semaphore, #tpu.memory_space<semaphore_mem>>) src(%dma_wait3A_100 : memref<10000x128xf32, #tpu.memory_space<hbm>>) dst(%arg25 : memref<80x128xf32, #tpu.memory_space<vmem>>)
    "tpu.region"() ({
      %run_scoped3A = tpu.sem_alloc : memref<!tpu.dma_semaphore, #tpu.memory_space<semaphore_mem>>
      %dma_start3A_112 = arith.constant 0 : i32
      %dma_start3A_113 = arith.constant 0 : i32
      %dma_start3A_114 = tpu.memref_slice %arg27[%dma_start3A_112, %dma_start3A_113] : memref<10240x128xf32, #tpu.memory_space<vmem_shared>> -> memref<10240x128xf32, #tpu.memory_space<vmem_shared>>
      tpu.enqueue_indirect_dma source(%arg25 : memref<80x128xf32, #tpu.memory_space<vmem>>) target(%dma_start3A_114 : memref<10240x128xf32, #tpu.memory_space<vmem_shared>>) offsets(%arg17 : memref<80xi32, #tpu.memory_space<vmem>>) semaphore(%run_scoped3A : memref<!tpu.dma_semaphore, #tpu.memory_space<semaphore_mem>>) {add = true}
      %dma_wait3A_115 = arith.constant 0 : i32
      %dma_wait3A_116 = arith.constant 0 : i32
      %dma_wait3A_117 = tpu.memref_slice %arg27[%dma_wait3A_115, %dma_wait3A_116] : memref<10240x128xf32, #tpu.memory_space<vmem_shared>> -> memref<10240x128xf32, #tpu.memory_space<vmem_shared>>
      tpu.wait_indirect_dma semaphore(%run_scoped3A : memref<!tpu.dma_semaphore, #tpu.memory_space<semaphore_mem>>) src(%arg25 : memref<80x128xf32, #tpu.memory_space<vmem>>) dst(%dma_wait3A_117 : memref<10240x128xf32, #tpu.memory_space<vmem_shared>>)
      tpu.yield
    }) : () -> ()
    %dma_wait3A_101 = arith.constant 0 : i32
    %dma_wait3A_102 = arith.constant 0 : i32
    %dma_wait3A_103 = tpu.memref_slice %arg2[%dma_wait3A_101, %dma_wait3A_102] : memref<10000x128xf32, #tpu.memory_space<hbm>> -> memref<10000x128xf32, #tpu.memory_space<hbm>>
    tpu.wait_indirect_dma semaphore(%arg47 : memref<!tpu.dma_semaphore, #tpu.memory_space<semaphore_mem>>) src(%dma_wait3A_103 : memref<10000x128xf32, #tpu.memory_space<hbm>>) dst(%arg26 : memref<80x128xf32, #tpu.memory_space<vmem>>)
    "tpu.region"() ({
      %run_scoped3A = tpu.sem_alloc : memref<!tpu.dma_semaphore, #tpu.memory_space<semaphore_mem>>
      %dma_start3A_112 = arith.constant 0 : i32
      %dma_start3A_113 = arith.constant 0 : i32
      %dma_start3A_114 = tpu.memref_slice %arg27[%dma_start3A_112, %dma_start3A_113] : memref<10240x128xf32, #tpu.memory_space<vmem_shared>> -> memref<10240x128xf32, #tpu.memory_space<vmem_shared>>
      tpu.enqueue_indirect_dma source(%arg26 : memref<80x128xf32, #tpu.memory_space<vmem>>) target(%dma_start3A_114 : memref<10240x128xf32, #tpu.memory_space<vmem_shared>>) offsets(%arg18 : memref<80xi32, #tpu.memory_space<vmem>>) semaphore(%run_scoped3A : memref<!tpu.dma_semaphore, #tpu.memory_space<semaphore_mem>>) {add = true}
      %dma_wait3A_115 = arith.constant 0 : i32
      %dma_wait3A_116 = arith.constant 0 : i32
      %dma_wait3A_117 = tpu.memref_slice %arg27[%dma_wait3A_115, %dma_wait3A_116] : memref<10240x128xf32, #tpu.memory_space<vmem_shared>> -> memref<10240x128xf32, #tpu.memory_space<vmem_shared>>
      tpu.wait_indirect_dma semaphore(%run_scoped3A : memref<!tpu.dma_semaphore, #tpu.memory_space<semaphore_mem>>) src(%arg26 : memref<80x128xf32, #tpu.memory_space<vmem>>) dst(%dma_wait3A_117 : memref<10240x128xf32, #tpu.memory_space<vmem_shared>>)
      tpu.yield
    }) : () -> ()
    %dma_wait3A_104 = arith.constant 0 : i32
    %dma_wait3A_105 = arith.constant 0 : i32
    %dma_wait3A_106 = tpu.memref_slice %arg2[%dma_wait3A_104, %dma_wait3A_105] : memref<10000x128xf32, #tpu.memory_space<hbm>> -> memref<10000x128xf32, #tpu.memory_space<hbm>>
    tpu.wait_indirect_dma semaphore(%arg44 : memref<!tpu.dma_semaphore, #tpu.memory_space<semaphore_mem>>) src(%dma_wait3A_106 : memref<10000x128xf32, #tpu.memory_space<hbm>>) dst(%arg23 : memref<80x128xf32, #tpu.memory_space<vmem>>)
    "tpu.region"() ({
      %run_scoped3A = tpu.sem_alloc : memref<!tpu.dma_semaphore, #tpu.memory_space<semaphore_mem>>
      %dma_start3A_112 = arith.constant 0 : i32
      %dma_start3A_113 = arith.constant 0 : i32
      %dma_start3A_114 = tpu.memref_slice %arg27[%dma_start3A_112, %dma_start3A_113] : memref<10240x128xf32, #tpu.memory_space<vmem_shared>> -> memref<10240x128xf32, #tpu.memory_space<vmem_shared>>
      tpu.enqueue_indirect_dma source(%arg23 : memref<80x128xf32, #tpu.memory_space<vmem>>) target(%dma_start3A_114 : memref<10240x128xf32, #tpu.memory_space<vmem_shared>>) offsets(%arg19 : memref<80xi32, #tpu.memory_space<vmem>>) semaphore(%run_scoped3A : memref<!tpu.dma_semaphore, #tpu.memory_space<semaphore_mem>>) {add = true}
      %dma_wait3A_115 = arith.constant 0 : i32
      %dma_wait3A_116 = arith.constant 0 : i32
      %dma_wait3A_117 = tpu.memref_slice %arg27[%dma_wait3A_115, %dma_wait3A_116] : memref<10240x128xf32, #tpu.memory_space<vmem_shared>> -> memref<10240x128xf32, #tpu.memory_space<vmem_shared>>
      tpu.wait_indirect_dma semaphore(%run_scoped3A : memref<!tpu.dma_semaphore, #tpu.memory_space<semaphore_mem>>) src(%arg23 : memref<80x128xf32, #tpu.memory_space<vmem>>) dst(%dma_wait3A_117 : memref<10240x128xf32, #tpu.memory_space<vmem_shared>>)
      tpu.yield
    }) : () -> ()
    %barrier3A_107 = arith.constant 0 : index
    tpu.barrier barrier_id(%barrier3A_107)
    %mul3A_108 = arith.constant 640 : i32
    %mul3A_109 = arith.muli %arg1, %mul3A_108 : i32
    %mul3A_110 = arith.constant 640 : i32
    %mul3A_111 = arith.muli %arg1, %mul3A_110 : i32
    "tpu.region"() ({
      %run_scoped3A = tpu.sem_alloc : memref<!tpu.dma_semaphore, #tpu.memory_space<semaphore_mem>>
      %dma_start3A_112 = arith.constant 0 : i32
      %dma_start3A_113 = tpu.memref_slice %arg6[%arg0, %mul3A_111, %dma_start3A_112] : memref<2x10240x128xf32, #tpu.memory_space<hbm>> -> memref<1x640x128xf32, #tpu.memory_space<hbm>>
      %dma_start3A_114 = tpu.memref_squeeze %dma_start3A_113 : memref<1x640x128xf32, #tpu.memory_space<hbm>> -> memref<640x128xf32, #tpu.memory_space<hbm>>
      %dma_start3A_115 = arith.constant 0 : i32
      %dma_start3A_116 = tpu.memref_slice %arg27[%mul3A_109, %dma_start3A_115] : memref<10240x128xf32, #tpu.memory_space<vmem_shared>> -> memref<640x128xf32, #tpu.memory_space<vmem_shared>>
      tpu.enqueue_dma source(%dma_start3A_116 : memref<640x128xf32, #tpu.memory_space<vmem_shared>>) target(%dma_start3A_114 : memref<640x128xf32, #tpu.memory_space<hbm>>) target_semaphore(%run_scoped3A : memref<!tpu.dma_semaphore, #tpu.memory_space<semaphore_mem>>)
      %dma_wait3A_117 = arith.constant 0 : i32
      %dma_wait3A_118 = tpu.memref_slice %arg6[%arg0, %mul3A_111, %dma_wait3A_117] : memref<2x10240x128xf32, #tpu.memory_space<hbm>> -> memref<1x640x128xf32, #tpu.memory_space<hbm>>
      %dma_wait3A_119 = tpu.memref_squeeze %dma_wait3A_118 : memref<1x640x128xf32, #tpu.memory_space<hbm>> -> memref<640x128xf32, #tpu.memory_space<hbm>>
      %dma_wait3A_120 = arith.constant 0 : i32
      %dma_wait3A_121 = tpu.memref_slice %arg27[%mul3A_109, %dma_wait3A_120] : memref<10240x128xf32, #tpu.memory_space<vmem_shared>> -> memref<640x128xf32, #tpu.memory_space<vmem_shared>>
      tpu.wait_dma2 semaphore(%run_scoped3A : memref<!tpu.dma_semaphore, #tpu.memory_space<semaphore_mem>>) src(%dma_wait3A_121 : memref<640x128xf32, #tpu.memory_space<vmem_shared>>) dst(%dma_wait3A_119 : memref<640x128xf32, #tpu.memory_space<hbm>>)
      tpu.yield
    }) : () -> ()
    return
  }
}

module attributes {stable_mosaic.version = 14 : i64} {
  func.func @_tc1_body(%arg0: i32, %arg1: memref<400x128xf32, #tpu.memory_space<vmem>>, %arg2: memref<128x128xf32, #tpu.memory_space<vmem>>, %arg3: memref<2x400x128xf32, #tpu.memory_space<vmem>>, %arg4: memref<400x128xf32, #tpu.memory_space<vmem>>) attributes {dimension_semantics = [#tpu.dimension_semantics<arbitrary>], iteration_bounds = array<i64: 25>, scalar_prefetch = 0 : i64, scratch_operands = 0 : i64, tpu.core_type = #tpu.core_type<tc>, window_params = [{transform_indices = @transform_0, window_bounds = array<i64: 400, 128>}, {pipeline_mode = #tpu.pipeline_mode<synchronous>, transform_indices = @transform_1, window_bounds = array<i64: 128, 128>}, {transform_indices = @transform_2, window_bounds = array<i64: 2, 400, 128>}, {transform_indices = @transform_3, window_bounds = array<i64: 400, 128>}]} {
    %get3A = arith.constant 0 : index
    %get3A_0 = arith.constant 0 : index
    %get3A_1 = arith.constant 0 : index
    %get3A_2 = vector.load %arg3[%get3A, %get3A_0, %get3A_1] : memref<2x400x128xf32, #tpu.memory_space<vmem>>, vector<2x400x128xf32>
    %slice3A = vector.extract_strided_slice %get3A_2 {offsets = [0, 0, 0], sizes = [1, 400, 1], strides = [1, 1, 1]} : vector<2x400x128xf32> to vector<1x400x1xf32>
    %squeeze3A = vector.shape_cast %slice3A : vector<1x400x1xf32> to vector<400xf32>
    %slice3A_3 = vector.extract_strided_slice %get3A_2 {offsets = [1, 0, 0], sizes = [1, 400, 1], strides = [1, 1, 1]} : vector<2x400x128xf32> to vector<1x400x1xf32>
    %squeeze3A_4 = vector.shape_cast %slice3A_3 : vector<1x400x1xf32> to vector<400xf32>
    %add3A = arith.addf %squeeze3A, %squeeze3A_4 : vector<400xf32>
    %add3A_5 = arith.constant 1.000000e+00 : f32
    %add3A_6 = vector.broadcast %add3A_5 : f32 to vector<400xf32>
    %add3A_7 = arith.addf %add3A, %add3A_6 : vector<400xf32>
    %rsqrt3A = math.rsqrt %add3A_7 : vector<400xf32>
    %broadcast_in_dim3A = vector.shape_cast %rsqrt3A : vector<400xf32> to vector<400x1xf32>
    %get3A_8 = arith.constant 0 : index
    %get3A_9 = arith.constant 0 : index
    %get3A_10 = vector.load %arg1[%get3A_8, %get3A_9] : memref<400x128xf32, #tpu.memory_space<vmem>>, vector<400x128xf32>
    %get3A_11 = arith.constant 0 : index
    %get3A_12 = arith.constant 0 : index
    %get3A_13 = vector.load %arg2[%get3A_11, %get3A_12] : memref<128x128xf32, #tpu.memory_space<vmem>>, vector<128x128xf32>
    %dot_general3A = arith.constant dense<0.000000e+00> : vector<400x128xf32>
    %dot_general3A_14 = tpu.matmul %get3A_10, %get3A_13, %dot_general3A {dimension_numbers = #tpu.dot_dimension_numbers<[1], [0], [0], [1], [0, 0, 1, 1], [], []>, transpose_lhs_hint = false} : vector<400x128xf32>, vector<128x128xf32>, vector<400x128xf32> -> vector<400x128xf32>
    %mul3A = vector.broadcast %broadcast_in_dim3A : vector<400x1xf32> to vector<400x128xf32>
    %mul3A_15 = arith.mulf %dot_general3A_14, %mul3A : vector<400x128xf32>
    %swap3A = arith.constant 0 : index
    %swap3A_16 = arith.constant 0 : index
    %swap3A_17 = vector.load %arg4[%swap3A, %swap3A_16] : memref<400x128xf32, #tpu.memory_space<vmem>>, vector<400x128xf32>
    tpu.vector_store %arg4[%swap3A, %swap3A_16], %mul3A_15 {strides = array<i32>} : memref<400x128xf32, #tpu.memory_space<vmem>>, vector<400x128xf32>,
    return
  }
  func.func @transform_0(%arg0: i32) -> (i32, i32) {
    %c0_i32 = arith.constant 0 : i32
    %c0_i32_0 = arith.constant 0 : i32
    return %arg0, %c0_i32 : i32, i32
  }
  func.func @transform_1(%arg0: i32) -> (i32, i32) {
    %c0_i32 = arith.constant 0 : i32
    %c0_i32_0 = arith.constant 0 : i32
    %c0_i32_1 = arith.constant 0 : i32
    return %c0_i32, %c0_i32_0 : i32, i32
  }
  func.func @transform_2(%arg0: i32) -> (i32, i32, i32) {
    %c0_i32 = arith.constant 0 : i32
    %c0_i32_0 = arith.constant 0 : i32
    %c0_i32_1 = arith.constant 0 : i32
    return %c0_i32, %arg0, %c0_i32_0 : i32, i32, i32
  }
  func.func @transform_3(%arg0: i32) -> (i32, i32) {
    %c0_i32 = arith.constant 0 : i32
    %c0_i32_0 = arith.constant 0 : i32
    return %arg0, %c0_i32 : i32, i32
  }
}

module attributes {stable_mosaic.version = 14 : i64} {
  func.func @_tc2_body(%arg0: i32, %arg1: memref<2x400x128xf32, #tpu.memory_space<vmem>>, %arg2: memref<400x128xf32, #tpu.memory_space<vmem>>, %arg3: memref<2x400x128xf32, #tpu.memory_space<vmem>>, %arg4: memref<1x128xf32, #tpu.memory_space<vmem>>, %arg5: memref<128x128xf32, #tpu.memory_space<vmem>>, %arg6: memref<400x128xf32, #tpu.memory_space<vmem>>) attributes {dimension_semantics = [#tpu.dimension_semantics<arbitrary>], iteration_bounds = array<i64: 25>, scalar_prefetch = 0 : i64, scratch_operands = 0 : i64, tpu.core_type = #tpu.core_type<tc>, window_params = [{transform_indices = @transform_0, window_bounds = array<i64: 2, 400, 128>}, {transform_indices = @transform_1, window_bounds = array<i64: 400, 128>}, {transform_indices = @transform_2, window_bounds = array<i64: 2, 400, 128>}, {pipeline_mode = #tpu.pipeline_mode<synchronous>, transform_indices = @transform_3, window_bounds = array<i64: 1, 128>}, {pipeline_mode = #tpu.pipeline_mode<synchronous>, transform_indices = @transform_4, window_bounds = array<i64: 128, 128>}, {transform_indices = @transform_5, window_bounds = array<i64: 400, 128>}]} {
    %get3A = arith.constant 0 : index
    %get3A_0 = arith.constant 0 : index
    %get3A_1 = arith.constant 0 : index
    %get3A_2 = vector.load %arg3[%get3A, %get3A_0, %get3A_1] : memref<2x400x128xf32, #tpu.memory_space<vmem>>, vector<2x400x128xf32>
    %slice3A = vector.extract_strided_slice %get3A_2 {offsets = [0, 0, 0], sizes = [1, 400, 1], strides = [1, 1, 1]} : vector<2x400x128xf32> to vector<1x400x1xf32>
    %squeeze3A = vector.shape_cast %slice3A : vector<1x400x1xf32> to vector<400xf32>
    %slice3A_3 = vector.extract_strided_slice %get3A_2 {offsets = [1, 0, 0], sizes = [1, 400, 1], strides = [1, 1, 1]} : vector<2x400x128xf32> to vector<1x400x1xf32>
    %squeeze3A_4 = vector.shape_cast %slice3A_3 : vector<1x400x1xf32> to vector<400xf32>
    %add3A = arith.addf %squeeze3A, %squeeze3A_4 : vector<400xf32>
    %add3A_5 = arith.constant 1.000000e+00 : f32
    %add3A_6 = vector.broadcast %add3A_5 : f32 to vector<400xf32>
    %add3A_7 = arith.addf %add3A, %add3A_6 : vector<400xf32>
    %rsqrt3A = math.rsqrt %add3A_7 : vector<400xf32>
    %broadcast_in_dim3A = vector.shape_cast %rsqrt3A : vector<400xf32> to vector<400x1xf32>
    %get3A_8 = arith.constant 0 : index
    %get3A_9 = arith.constant 0 : index
    %get3A_10 = arith.constant 0 : index
    %get3A_11 = vector.load %arg1[%get3A_8, %get3A_9, %get3A_10] : memref<2x400x128xf32, #tpu.memory_space<vmem>>, vector<1x400x128xf32>
    %get3A_12 = vector.shape_cast %get3A_11 : vector<1x400x128xf32> to vector<400x128xf32>
    %get3A_13 = arith.constant 1 : index
    %get3A_14 = arith.constant 0 : index
    %get3A_15 = arith.constant 0 : index
    %get3A_16 = vector.load %arg1[%get3A_13, %get3A_14, %get3A_15] : memref<2x400x128xf32, #tpu.memory_space<vmem>>, vector<1x400x128xf32>
    %get3A_17 = vector.shape_cast %get3A_16 : vector<1x400x128xf32> to vector<400x128xf32>
    %add3A_18 = arith.addf %get3A_12, %get3A_17 : vector<400x128xf32>
    %get3A_19 = arith.constant 0 : index
    %get3A_20 = arith.constant 0 : index
    %get3A_21 = vector.load %arg2[%get3A_19, %get3A_20] : memref<400x128xf32, #tpu.memory_space<vmem>>, vector<400x128xf32>
    %add3A_22 = arith.addf %add3A_18, %get3A_21 : vector<400x128xf32>
    %mul3A = vector.broadcast %broadcast_in_dim3A : vector<400x1xf32> to vector<400x128xf32>
    %mul3A_23 = arith.mulf %mul3A, %add3A_22 : vector<400x128xf32>
    %get3A_24 = arith.constant 0 : index
    %get3A_25 = arith.constant 0 : index
    %get3A_26 = vector.load %arg4[%get3A_24, %get3A_25] : memref<1x128xf32, #tpu.memory_space<vmem>>, vector<1x128xf32>
    %add3A_27 = vector.broadcast %get3A_26 : vector<1x128xf32> to vector<400x128xf32>
    %add3A_28 = arith.addf %mul3A_23, %add3A_27 : vector<400x128xf32>
    %tanh3A = math.tanh %add3A_28 : vector<400x128xf32>
    %get3A_29 = arith.constant 0 : index
    %get3A_30 = arith.constant 0 : index
    %get3A_31 = vector.load %arg5[%get3A_29, %get3A_30] : memref<128x128xf32, #tpu.memory_space<vmem>>, vector<128x128xf32>
    %dot_general3A = arith.constant dense<0.000000e+00> : vector<400x128xf32>
    %dot_general3A_32 = tpu.matmul %tanh3A, %get3A_31, %dot_general3A {dimension_numbers = #tpu.dot_dimension_numbers<[1], [0], [0], [1], [0, 0, 1, 1], [], []>, transpose_lhs_hint = false} : vector<400x128xf32>, vector<128x128xf32>, vector<400x128xf32> -> vector<400x128xf32>
    %mul3A_33 = vector.broadcast %broadcast_in_dim3A : vector<400x1xf32> to vector<400x128xf32>
    %mul3A_34 = arith.mulf %mul3A_33, %dot_general3A_32 : vector<400x128xf32>
    %swap3A = arith.constant 0 : index
    %swap3A_35 = arith.constant 0 : index
    %swap3A_36 = vector.load %arg6[%swap3A, %swap3A_35] : memref<400x128xf32, #tpu.memory_space<vmem>>, vector<400x128xf32>
    tpu.vector_store %arg6[%swap3A, %swap3A_35], %mul3A_34 {strides = array<i32>} : memref<400x128xf32, #tpu.memory_space<vmem>>, vector<400x128xf32>,
    return
  }
  func.func @transform_0(%arg0: i32) -> (i32, i32, i32) {
    %c0_i32 = arith.constant 0 : i32
    %c0_i32_0 = arith.constant 0 : i32
    %c0_i32_1 = arith.constant 0 : i32
    return %c0_i32, %arg0, %c0_i32_0 : i32, i32, i32
  }
  func.func @transform_1(%arg0: i32) -> (i32, i32) {
    %c0_i32 = arith.constant 0 : i32
    %c0_i32_0 = arith.constant 0 : i32
    return %arg0, %c0_i32 : i32, i32
  }
  func.func @transform_2(%arg0: i32) -> (i32, i32, i32) {
    %c0_i32 = arith.constant 0 : i32
    %c0_i32_0 = arith.constant 0 : i32
    %c0_i32_1 = arith.constant 0 : i32
    return %c0_i32, %arg0, %c0_i32_0 : i32, i32, i32
  }
  func.func @transform_3(%arg0: i32) -> (i32, i32) {
    %c0_i32 = arith.constant 0 : i32
    %c0_i32_0 = arith.constant 0 : i32
    %c0_i32_1 = arith.constant 0 : i32
    return %c0_i32, %c0_i32_0 : i32, i32
  }
  func.func @transform_4(%arg0: i32) -> (i32, i32) {
    %c0_i32 = arith.constant 0 : i32
    %c0_i32_0 = arith.constant 0 : i32
    %c0_i32_1 = arith.constant 0 : i32
    return %c0_i32, %c0_i32_0 : i32, i32
  }
  func.func @transform_5(%arg0: i32) -> (i32, i32) {
    %c0_i32 = arith.constant 0 : i32
    %c0_i32_0 = arith.constant 0 : i32
    return %arg0, %c0_i32 : i32, i32
  }
}

module attributes {stable_mosaic.version = 14 : i64} {
  func.func @_tc3_body(%arg0: i32, %arg1: memref<2x400x128xf32, #tpu.memory_space<vmem>>, %arg2: memref<400x128xf32, #tpu.memory_space<vmem>>, %arg3: memref<2x400x128xf32, #tpu.memory_space<vmem>>, %arg4: memref<1x128xf32, #tpu.memory_space<vmem>>, %arg5: memref<128x64xf32, #tpu.memory_space<vmem>>, %arg6: memref<1x64xf32, #tpu.memory_space<vmem>>, %arg7: memref<64x1xf32, #tpu.memory_space<vmem>>, %arg8: memref<1x1xf32, #tpu.memory_space<vmem>>, %arg9: memref<400x1xf32, #tpu.memory_space<vmem>>) attributes {dimension_semantics = [#tpu.dimension_semantics<arbitrary>], iteration_bounds = array<i64: 25>, scalar_prefetch = 0 : i64, scratch_operands = 0 : i64, tpu.core_type = #tpu.core_type<tc>, window_params = [{transform_indices = @transform_0, window_bounds = array<i64: 2, 400, 128>}, {transform_indices = @transform_1, window_bounds = array<i64: 400, 128>}, {transform_indices = @transform_2, window_bounds = array<i64: 2, 400, 128>}, {pipeline_mode = #tpu.pipeline_mode<synchronous>, transform_indices = @transform_3, window_bounds = array<i64: 1, 128>}, {pipeline_mode = #tpu.pipeline_mode<synchronous>, transform_indices = @transform_4, window_bounds = array<i64: 128, 64>}, {pipeline_mode = #tpu.pipeline_mode<synchronous>, transform_indices = @transform_5, window_bounds = array<i64: 1, 64>}, {pipeline_mode = #tpu.pipeline_mode<synchronous>, transform_indices = @transform_6, window_bounds = array<i64: 64, 1>}, {pipeline_mode = #tpu.pipeline_mode<synchronous>, transform_indices = @transform_7, window_bounds = array<i64: 1, 1>}, {transform_indices = @transform_8, window_bounds = array<i64: 400, 1>}]} {
    %get3A = arith.constant 0 : index
    %get3A_0 = arith.constant 0 : index
    %get3A_1 = arith.constant 0 : index
    %get3A_2 = vector.load %arg3[%get3A, %get3A_0, %get3A_1] : memref<2x400x128xf32, #tpu.memory_space<vmem>>, vector<2x400x128xf32>
    %slice3A = vector.extract_strided_slice %get3A_2 {offsets = [0, 0, 0], sizes = [1, 400, 1], strides = [1, 1, 1]} : vector<2x400x128xf32> to vector<1x400x1xf32>
    %squeeze3A = vector.shape_cast %slice3A : vector<1x400x1xf32> to vector<400xf32>
    %slice3A_3 = vector.extract_strided_slice %get3A_2 {offsets = [1, 0, 0], sizes = [1, 400, 1], strides = [1, 1, 1]} : vector<2x400x128xf32> to vector<1x400x1xf32>
    %squeeze3A_4 = vector.shape_cast %slice3A_3 : vector<1x400x1xf32> to vector<400xf32>
    %add3A = arith.addf %squeeze3A, %squeeze3A_4 : vector<400xf32>
    %add3A_5 = arith.constant 1.000000e+00 : f32
    %add3A_6 = vector.broadcast %add3A_5 : f32 to vector<400xf32>
    %add3A_7 = arith.addf %add3A, %add3A_6 : vector<400xf32>
    %rsqrt3A = math.rsqrt %add3A_7 : vector<400xf32>
    %broadcast_in_dim3A = vector.shape_cast %rsqrt3A : vector<400xf32> to vector<400x1xf32>
    %get3A_8 = arith.constant 0 : index
    %get3A_9 = arith.constant 0 : index
    %get3A_10 = arith.constant 0 : index
    %get3A_11 = vector.load %arg1[%get3A_8, %get3A_9, %get3A_10] : memref<2x400x128xf32, #tpu.memory_space<vmem>>, vector<1x400x128xf32>
    %get3A_12 = vector.shape_cast %get3A_11 : vector<1x400x128xf32> to vector<400x128xf32>
    %get3A_13 = arith.constant 1 : index
    %get3A_14 = arith.constant 0 : index
    %get3A_15 = arith.constant 0 : index
    %get3A_16 = vector.load %arg1[%get3A_13, %get3A_14, %get3A_15] : memref<2x400x128xf32, #tpu.memory_space<vmem>>, vector<1x400x128xf32>
    %get3A_17 = vector.shape_cast %get3A_16 : vector<1x400x128xf32> to vector<400x128xf32>
    %add3A_18 = arith.addf %get3A_12, %get3A_17 : vector<400x128xf32>
    %get3A_19 = arith.constant 0 : index
    %get3A_20 = arith.constant 0 : index
    %get3A_21 = vector.load %arg2[%get3A_19, %get3A_20] : memref<400x128xf32, #tpu.memory_space<vmem>>, vector<400x128xf32>
    %add3A_22 = arith.addf %add3A_18, %get3A_21 : vector<400x128xf32>
    %mul3A = vector.broadcast %broadcast_in_dim3A : vector<400x1xf32> to vector<400x128xf32>
    %mul3A_23 = arith.mulf %mul3A, %add3A_22 : vector<400x128xf32>
    %get3A_24 = arith.constant 0 : index
    %get3A_25 = arith.constant 0 : index
    %get3A_26 = vector.load %arg4[%get3A_24, %get3A_25] : memref<1x128xf32, #tpu.memory_space<vmem>>, vector<1x128xf32>
    %add3A_27 = vector.broadcast %get3A_26 : vector<1x128xf32> to vector<400x128xf32>
    %add3A_28 = arith.addf %mul3A_23, %add3A_27 : vector<400x128xf32>
    %tanh3A = math.tanh %add3A_28 : vector<400x128xf32>
    %get3A_29 = arith.constant 0 : index
    %get3A_30 = arith.constant 0 : index
    %get3A_31 = vector.load %arg5[%get3A_29, %get3A_30] : memref<128x64xf32, #tpu.memory_space<vmem>>, vector<128x64xf32>
    %dot_general3A = arith.constant dense<0.000000e+00> : vector<400x64xf32>
    %dot_general3A_32 = tpu.matmul %tanh3A, %get3A_31, %dot_general3A {dimension_numbers = #tpu.dot_dimension_numbers<[1], [0], [0], [1], [0, 0, 1, 1], [], []>, transpose_lhs_hint = false} : vector<400x128xf32>, vector<128x64xf32>, vector<400x64xf32> -> vector<400x64xf32>
    %get3A_33 = arith.constant 0 : index
    %get3A_34 = arith.constant 0 : index
    %get3A_35 = vector.load %arg6[%get3A_33, %get3A_34] : memref<1x64xf32, #tpu.memory_space<vmem>>, vector<1x64xf32>
    %add3A_36 = vector.broadcast %get3A_35 : vector<1x64xf32> to vector<400x64xf32>
    %add3A_37 = arith.addf %dot_general3A_32, %add3A_36 : vector<400x64xf32>
    %tanh3A_38 = math.tanh %add3A_37 : vector<400x64xf32>
    %get3A_39 = arith.constant 0 : index
    %get3A_40 = arith.constant 0 : index
    %get3A_41 = vector.load %arg7[%get3A_39, %get3A_40] : memref<64x1xf32, #tpu.memory_space<vmem>>, vector<64x1xf32>
    %dot_general3A_42 = arith.constant dense<0.000000e+00> : vector<400x1xf32>
    %dot_general3A_43 = tpu.matmul %tanh3A_38, %get3A_41, %dot_general3A_42 {dimension_numbers = #tpu.dot_dimension_numbers<[1], [0], [0], [1], [0, 0, 1, 1], [], []>, transpose_lhs_hint = false} : vector<400x64xf32>, vector<64x1xf32>, vector<400x1xf32> -> vector<400x1xf32>
    %get3A_44 = arith.constant 0 : index
    %get3A_45 = arith.constant 0 : index
    %get3A_46 = vector.load %arg8[%get3A_44, %get3A_45] : memref<1x1xf32, #tpu.memory_space<vmem>>, vector<1x1xf32>
    %add3A_47 = vector.broadcast %get3A_46 : vector<1x1xf32> to vector<400x1xf32>
    %add3A_48 = arith.addf %dot_general3A_43, %add3A_47 : vector<400x1xf32>
    %swap3A = arith.constant 0 : index
    %swap3A_49 = arith.constant 0 : index
    %swap3A_50 = vector.load %arg9[%swap3A, %swap3A_49] : memref<400x1xf32, #tpu.memory_space<vmem>>, vector<400x1xf32>
    tpu.vector_store %arg9[%swap3A, %swap3A_49], %add3A_48 {strides = array<i32>} : memref<400x1xf32, #tpu.memory_space<vmem>>, vector<400x1xf32>,
    return
  }
  func.func @transform_0(%arg0: i32) -> (i32, i32, i32) {
    %c0_i32 = arith.constant 0 : i32
    %c0_i32_0 = arith.constant 0 : i32
    %c0_i32_1 = arith.constant 0 : i32
    return %c0_i32, %arg0, %c0_i32_0 : i32, i32, i32
  }
  func.func @transform_1(%arg0: i32) -> (i32, i32) {
    %c0_i32 = arith.constant 0 : i32
    %c0_i32_0 = arith.constant 0 : i32
    return %arg0, %c0_i32 : i32, i32
  }
  func.func @transform_2(%arg0: i32) -> (i32, i32, i32) {
    %c0_i32 = arith.constant 0 : i32
    %c0_i32_0 = arith.constant 0 : i32
    %c0_i32_1 = arith.constant 0 : i32
    return %c0_i32, %arg0, %c0_i32_0 : i32, i32, i32
  }
  func.func @transform_3(%arg0: i32) -> (i32, i32) {
    %c0_i32 = arith.constant 0 : i32
    %c0_i32_0 = arith.constant 0 : i32
    %c0_i32_1 = arith.constant 0 : i32
    return %c0_i32, %c0_i32_0 : i32, i32
  }
  func.func @transform_4(%arg0: i32) -> (i32, i32) {
    %c0_i32 = arith.constant 0 : i32
    %c0_i32_0 = arith.constant 0 : i32
    %c0_i32_1 = arith.constant 0 : i32
    return %c0_i32, %c0_i32_0 : i32, i32
  }
  func.func @transform_5(%arg0: i32) -> (i32, i32) {
    %c0_i32 = arith.constant 0 : i32
    %c0_i32_0 = arith.constant 0 : i32
    %c0_i32_1 = arith.constant 0 : i32
    return %c0_i32, %c0_i32_0 : i32, i32
  }
  func.func @transform_6(%arg0: i32) -> (i32, i32) {
    %c0_i32 = arith.constant 0 : i32
    %c0_i32_0 = arith.constant 0 : i32
    %c0_i32_1 = arith.constant 0 : i32
    return %c0_i32, %c0_i32_0 : i32, i32
  }
  func.func @transform_7(%arg0: i32) -> (i32, i32) {
    %c0_i32 = arith.constant 0 : i32
    %c0_i32_0 = arith.constant 0 : i32
    %c0_i32_1 = arith.constant 0 : i32
    return %c0_i32, %c0_i32_0 : i32, i32
  }
  func.func @transform_8(%arg0: i32) -> (i32, i32) {
    %c0_i32 = arith.constant 0 : i32
    %c0_i32_0 = arith.constant 0 : i32
    return %arg0, %c0_i32 : i32, i32
  }
}

</mosaic_0001>

<sc_bundles>
// kernel: kernel.11.cloned.1.call-start
scs
__scs_entry_jumppad:
0x0: {  	(pc) =	sbr.rel $0x88, $3  }
0x1: {  	(tag) =	ssettag $0x0;
	lr =	simm.s32 $0x1  }
0x2: {  	[smem:$0x3F97] =	sst lr;
	_ =	strace $0xD0000000  }
0x3: {  	_ = 	snop  }
0x4: {  	_ = 	snop  }
0x5: {  	_ = 	snop  }
0x6: {  	_ = 	snop  }
0x7: {  	_ = 	snop  }
__scs_overlays_trampoline_lowered:
0x8: {  	[smem:$0x3FA6] =	sst s0  }
0x9: {  	[smem:$0x3FA7] =	sst s1  }
0xa: {  	[smem:$0x3FA8] =	sst s2  }
0xb: {  	[smem:$0x3FA9] =	sst s3  }
0xc: {  	[smem:$0x3FAA] =	sst s4  }
0xd: {  	[smem:$0x3FAB] =	sst s5  }
0xe: {  	[smem:$0x3FAC] =	sst s6  }
0xf: {  	[smem:$0x3FAD] =	sst s7  }
0x10: {  	[smem:$0x3FAE] =	sst s8  }
0x11: {  	[smem:$0x3FAF] =	sst s9;
	s0 =	simm.s32 @!p0 $0x0  }
0x12: {  	s1 =	sld [smem:$0x3F95];
	s0 =	simm.s32 @p0 $0x1  }
0x13: {  	[smem:$0x3FB0] =	sst s0;
	s0 =	simm.s32 @!p1 $0x0  }
0x14: {  	s2 =	sld [smem:$0x3F94];
	s0 =	simm.s32 @p1 $0x1  }
0x15: {  	[smem:$0x3FB1] =	sst s0;
	s0 =	simm.s32 @!p2 $0x0  }
0x16: {  	s3 =	sld [smem:$0x3FDB];
	s0 =	simm.s32 @p2 $0x1  }
0x17: {  	s4 =	simm.s32 $0x1BF5;
	[smem:$0x3FB3] =	sst s0  }
0x18: {  	s0 =	sld [smem:$0x3F96];
	_ =	swait.ge [sflag:s4], $0x0  }
0x19: {  	s7 =	sld [smem:$0x3F97]  }
0x1a: {  	s8 =	sadd.s32 $0xFFFFE003, lr  }
0x1b: {  	s9 =	sadd.s32 $0xFFFFFEF7, lr;
	s5 =	simm.s32 $0xFFFFFFFF;
	p2 =	slt.u32 s8, $0xFFFFF086  }
0x1c: {  	p1 =	slt.u32 s9, $0xF7A;
	s5 =	simm.s32 @!p2 $0x0  }
0x1d: {  	s5 =	simm.s32 @p1 $0x1;
	p0 =	seq.s32 s7, s2  }
0x1e: {  	s7 =	smul.u32 @!p0 $0xF7A, s2;
	p2 =	seq.s32 @!p0 s5, $0x0  }
0x1f: {  	s9 =	smul.u32 $0xF7A, s1;
	s8 =	simm.s32 @!p0 $0x1BF5;
	p2 =	por !p2, p0  }
0x20: {  	[sflag:s8] =	ssyncset.s32 @!p0 $0xFFFFF086;
	s6 =	sadd.s32 @!p0 s3, s7;
	s7 =	simm.s32 @!p0 $0x108  }
0x21: {  	s3 =	sadd.s32 s3, s9;
	s6 =	sadd.s32 @!p0 $0x88, s6;
	s7 =	simm.s32 @p2 $0x1082  }
0x22: {  	[simem:s7], [sflag:s8] =	dma.local @!p0 [hbm:s6], $0xF7A  }
0x23: {  	s9 =	sor.u32 $0xD0000000, s2;
	s6 =	simm.s32 $0x108;
	_ =	swait.ge @!p0 [sflag:s8], $0x0  }
0x24: {  	s3 =	sadd.s32 $0x88, s3;
	s6 =	simm.s32 @!p1 $0x1082;
	[sflag:s4] =	ssyncset.s32 $0xFFFFF086  }
0x25: {  	[simem:s6], [sflag:s4] =	dma.local [hbm:s3], $0xF7A  }
0x26: {  	[smem:$0x3F97] =	sst s1;
	(tag) =	ssettag s2;
	_ =	strace s9  }
0x27: {  	s1 =	sld [smem:$0x3FA7]  }
0x28: {  	s2 =	sld [smem:$0x3FA8]  }
0x29: {  	s4 =	sld [smem:$0x3FAA]  }
0x2a: {  	p0 =	seq.s32 s5, $0x0;
	s5 =	sld [smem:$0x3FAB]  }
0x2b: {  	s6 =	sld [smem:$0x3FAC]  }
0x2c: {  	s7 =	sld [smem:$0x3FAD]  }
0x2d: {  	s3 =	simm.s32 $0x108;
	s8 =	sld [smem:$0x3FAE]  }
0x2e: {  	s3 =	simm.s32 @!p0 $0x1082;
	s9 =	sld [smem:$0x3FAF]  }
0x2f: {  	lr =	sadd.s32 s0, s3;
	s0 =	sld [smem:$0x3FA6]  }
0x30: {  	s3 =	sld [smem:$0x3FA9]  }
0x31: {  	[smem:$0x3FB2] =	sst s10  }
0x32: {  	s10 =	sld [smem:$0x3FB0];
	_ =	sdelay $0x3  }
0x33: {  	p0 =	seq.s32 s10, $0x1;
	s10 =	sld [smem:$0x3FB2];
	_ =	sdelay $0x3  }
0x34: {  	[smem:$0x3FB2] =	sst s10  }
0x35: {  	s10 =	sld [smem:$0x3FB1];
	_ =	sdelay $0x3  }
0x36: {  	p1 =	seq.s32 s10, $0x1;
	s10 =	sld [smem:$0x3FB2];
	_ =	sdelay $0x3  }
0x37: {  	[smem:$0x3FB2] =	sst s10  }
0x38: {  	s10 =	sld [smem:$0x3FB3]  }
0x39: {  	_ = 	snop;
	(pc) =	sbr.ind lr, $3  }
0x3a: {  	_ = 	snop  }
0x3b: {  	_ = 	snop  }
0x3c: {  	p2 =	seq.s32 s10, $0x1;
	s10 =	sld [smem:$0x3FB2]  }
0x3d: {  	_ =	shalt  }
0x3e: {  	_ =	shalt  }
0x3f: {  	_ =	shalt  }
0x40: {  	_ =	shalt  }
0x41: {  	_ =	shalt  }
0x42: {  	_ =	shalt  }
0x43: {  	_ =	shalt  }
0x44: {  	_ =	shalt  }
0x45: {  	_ =	shalt  }
0x46: {  	_ =	shalt  }
0x47: {  	_ =	shalt  }
0x48: {  	_ =	shalt  }
0x49: {  	_ =	shalt  }
0x4a: {  	_ =	shalt  }
0x4b: {  	_ =	shalt  }
0x4c: {  	_ =	shalt  }
0x4d: {  	_ =	shalt  }
0x4e: {  	_ =	shalt  }
0x4f: {  	_ =	shalt  }
0x50: {  	_ =	shalt  }
0x51: {  	_ =	shalt  }
0x52: {  	_ =	shalt  }
0x53: {  	_ =	shalt  }
0x54: {  	_ =	shalt  }
0x55: {  	_ =	shalt  }
0x56: {  	_ =	shalt  }
0x57: {  	_ =	shalt  }
0x58: {  	_ =	shalt  }
0x59: {  	_ =	shalt  }
0x5a: {  	_ =	shalt  }
0x5b: {  	_ =	shalt  }
0x5c: {  	_ =	shalt  }
0x5d: {  	_ =	shalt  }
0x5e: {  	_ =	shalt  }
0x5f: {  	_ =	shalt  }
0x60: {  	_ =	shalt  }
0x61: {  	_ =	shalt  }
0x62: {  	_ =	shalt  }
0x63: {  	_ =	shalt  }
0x64: {  	_ =	shalt  }
0x65: {  	_ =	shalt  }
0x66: {  	_ =	shalt  }
0x67: {  	_ =	shalt  }
0x68: {  	_ =	shalt  }
0x69: {  	_ =	shalt  }
0x6a: {  	_ =	shalt  }
0x6b: {  	_ =	shalt  }
0x6c: {  	_ =	shalt  }
0x6d: {  	_ =	shalt  }
0x6e: {  	_ =	shalt  }
0x6f: {  	_ =	shalt  }
0x70: {  	_ =	shalt  }
0x71: {  	_ =	shalt  }
0x72: {  	_ =	shalt  }
0x73: {  	_ =	shalt  }
0x74: {  	_ =	shalt  }
0x75: {  	_ =	shalt  }
0x76: {  	_ =	shalt  }
0x77: {  	_ =	shalt  }
0x78: {  	_ =	shalt  }
0x79: {  	_ =	shalt  }
0x7a: {  	_ =	shalt  }
0x7b: {  	_ =	shalt  }
0x7c: {  	_ =	shalt  }
0x7d: {  	_ =	shalt  }
0x7e: {  	_ =	shalt  }
0x7f: {  	_ =	shalt  }
0x80: {  	_ =	shalt  }
0x81: {  	_ =	shalt  }
0x82: {  	_ =	shalt  }
0x83: {  	_ =	shalt  }
0x84: {  	_ =	shalt  }
0x85: {  	_ =	shalt  }
0x86: {  	_ =	shalt  }
0x87: {  	_ =	shalt  }
.Lfunc_end0:
.L_simem_size_0:
called_computation.1_lowered:
.L_overlay_start_0:
0x88: {  	s2 =	sld [smem:$0x3FD9]  }
0x89: {  	s3 =	sld [smem:$0x3FFE];
	_ =	sdelay $0x1  }
0x8a: {  	s1 =	srdreg.scid  }
0x8b: {  	s0 =	sand.u32 $0x1, s1  }
0x8c: {  	s16 =	sshll.u32 s0, $0xA;
	s2 =	sadd.s32 s3, s2  }
0x8d: {  	s2 =	sadd.s32 s2, s16  }
0x8e: {  	[smem:$0x3FBE] =	sst s2  }
0x8f: {  	_ = 	snop  }
0x90: {  	(tm) =	ssettm $0x1  }
0x91: {  	s17 =	sld [smem:$0x3FFB];
	_ =	sdelay $0x3  }
0x92: {  	_ =	strace s17  }
0x93: {  	s2 =	sld [smem:$0x3FFC];
	_ =	sdelay $0x3  }
0x94: {  	_ =	strace s2  }
0x95: {  	s2 =	sld [smem:$0x3FFD];
	_ =	sdelay $0x3  }
0x96: {  	_ =	strace s2  }
0x97: {  	_ =	strace $0x8FFFFFFF  }
0x98: {  	s18 =	sld [smem:$0x3FDB];
	_ =	sdelay $0x1  }
0x99: {  	s19 =	simm.s32 $_scs_section_size  }
0x9a: {  	s4 =	simm.s32 $_size__tile_overlayer_lowered;
	s5 =	simm.s32 $_tile_overlayer_lowered  }
0x9b: {  	s22 =	simm.s32 $0x1BFF;
	s21 =	sshll.u32 s5, $0x1;
	s2 =	sadd.s32 s19, s18  }
0x9c: {  	s6 =	simm.s32 $0x0;
	s20 =	sshll.u32 s4, $0x1;
	s4 =	sadd.s32 s21, s2  }
0x9d: {  	[timem:s6], [sflag:s22] =	dma.local [hbm:s4], s20  }
0x9e: {  	_ =	swait.ge [sflag:s22], s20  }
0x9f: {  	s3 =	ssub.s32 $0x0, s20;
	[sflag:s22] =	ssyncset.done $0x0  }
0xa0: {  	[sflag:s22] =	ssyncadd.s32 s3;
	_ =	sdelay $0x1  }
0xa1: {  	s23 =	simm.s32 $0x1B8B  }
0xa2: {  	_ =	swait.ge [sflag:s23], $0x1  }
0xa3: {  	[sflag:s23] =	ssyncset.done $0x0  }
0xa4: {  	s25 =	simm.s32 $0x1B8E;
	s24 =	sld [smem:$0x3FFE];
	[sflag:s23] =	ssyncadd.s32 $0xFFFFFFFF  }
0xa5: {  	s26 =	simm.s32 $execute0_lowered;
	[smem:$0x3FD2] =	sst s25  }
0xa6: {  	s4 =	sshll.u32 s26, $0x1;
	_ =	strace $0x80000049;
	[dreg:$0x1] =	wrdreg $0xFFFFFFFF  }
0xa7: {  	s28 =	simm.s32 $_size_execute0_lowered;
	s2 =	sadd.s32 s2, s4;
	[dreg:$0x0] =	wrdreg $0x0  }
0xa8: {  	s4 =	sshll.u32 s28, $0x1;
	[dreg:$0x2] =	wrdreg s2  }
0xa9: {  	[dreg:$0x3] =	wrdreg s4  }
0xaa: {  	[dreg:$0x4] =	wrdreg $0xC0  }
0xab: {  	_ =	task [dreg:s6], $0x5FFFF  }
0xac: {  	[dreg:$0x1] =	wrdreg $0xFFFFFFFF  }
0xad: {  	[dreg:$0x0] =	wrdreg $0x60  }
0xae: {  	[dreg:$0x2] =	wrdreg s24  }
0xaf: {  	[dreg:$0x3] =	wrdreg $0xA8000  }
0xb0: {  	[dreg:$0x4] =	wrdreg $0x9  }
0xb1: {  	_ =	task.clear_ibuf [dreg:s6], $0x5FFFF;
	_ =	strace $0x90000049  }
0xb2: {  	s29 =	simm.s32 $0x9;
	_ =	strace $0x8000004B  }
0xb3: {  	_ =	swait.ge [sflag:s29], $0x1  }
0xb4: {  	[sflag:s29] =	ssyncadd.s32 $0xFFFFFFFF  }
0xb5: {  	_ =	strace $0x9000004B  }
0xb6: {  	_ =	sfence  }
0xb7: {  	s30 =	sld [smem:$0x0];
	_ =	sdelay $0x2  }
0xb8: {  	s31 =	sshll.u32 s1, $0xD;
	s1 =	sshrl.u32 s1, $0x2  }
0xb9: {  	s3 =	sand.u32 $0x4000, s31;
	s1 =	sadd.s32 s1, s30  }
0xba: {  	s0 =	sor.u32 s3, s0;
	s1 =	sshll.u32 s1, $0x11  }
0xbb: {  	s0 =	sor.u32 s1, s0  }
0xbc: {  	s0 =	sadd.s32 $0x8F2B, s0  }
0xbd: {  	[sflag:s0] =	ssyncadd.remote.s32 $0x1  }
0xbe: {  	_ =	sfence.sel $0xFFFF  }
0xbf: {  	[dreg:$0x0] =	wrdreg $0xFFFFFFFF;
	(pc) =	sbr.abs _section_cstart, $3  }
0xc0: {  	[dreg:$0x1] =	wrdreg $0xFFFFFFFF  }
0xc1: {  	_ =	task.clear_ibuf [dreg:s6], $0x2FFFF;
	_ =	strace $0x9FFFFFFF  }
0xc2: {  	(tm) =	ssettm $0x7FFFFFFF  }
0xc3: {  	_ =	shalt  }
tec
execute0_lowered:
.L_overlay_start_1:
0x0: {  	(tag) =	ssettag $0x1  }
0x1: {  	s0 =	rddreg [dreg:$0x0]  }
0x2: {  	s1 =	rddreg [dreg:$0x1]  }
0x3: {  	s3 =	simm.s32 $0x0;
	s2 =	srdreg.scid;
	s10 =	stileid.u32  }
0x4: {  	s30 =	simm.s32 $0x2;
	s28 =	simm.s32 $0x13;
	[smem:$0x7FF] =	sst s3  }
0x5: {  	s5 =	sand.u32 $0x1, s2;
	s6 =	smul.u32 $0x14000, s10;
	s4 =	sadd.s32 $0x69800, s0  }
0x6: {  	s29 =	sadd.s32 $0x2E00, s0;
	s24 =	sadd.s32 $0xCC00, s0;
	s7 =	sadd.s32 $0x16A00, s0  }
0x7: {  	s17 =	sshll.u32 s10, $0x1;
	s8 =	smul.u32 $0x50000, s10;
	s20 =	sshll.u32 s10, $0x6  }
0x8: {  	s22 =	smul.u32 $0x4E20, s10;
	_ =	strace $0x8000004A;
	[dreg:$0x13] =	wrdreg s7  }
0x9: {  	s2 =	smul.u32 $0x140000, s5;
	s18 =	ssub.s32 $0x2, s5;
	[dreg:$0x11] =	wrdreg s29  }
0xa: {  	s12 =	sor.u32 $0x1C15, s20;
	[dreg:$0x12] =	wrdreg s24;
	s9 =	sshrl.u32 s18, $0x1  }
0xb: {  	s19 =	sshrl.u32 s8, $0x2;
	[dreg:$0x15] =	wrdreg s12;
	s2 =	sadd.s32 s6, s2  }
0xc: {  	s6 =	sor.u32 s5, s17;
	s5 =	smul.u32 $0x2710, s5;
	s2 =	sshrl.u32 s2, $0x3  }
0xd: {  	s7 =	sadd.s32 s19, s1;
	s6 =	smul.u32 $0x2710, s6;
	s2 =	sadd.s32 s2, s0  }
0xe: {  	[dreg:$0x14] =	wrdreg s7;
	s0 =	ssub.s32 s18, s9;
	s2 =	sadd.s32 $0x90A00, s2  }
0xf: {  	s6 =	sshrl.u32 s6, $0x3;
	s0 =	smax.u32 s0, $0x1;
	[smem:$0x7FB] =	sst s2  }
0x10: {  	s5 =	sadd.s32 s5, s22;
	s21 =	sadd.s32 s29, s6;
	[smem:$0x7FC] =	sst s0  }
0x11: {  	s23 =	sadd.s32 s24, s6;
	s25 =	sadd.s32 $0xA, s6;
	[dreg:$0x16] =	wrdreg s21  }
0x12: {  	s15 =	sadd.s32 $0x3C0, s5;
	[dreg:$0x17] =	wrdreg s23;
	s26 =	sadd.s32 s29, s25  }
0x13: {  	s31 =	sadd.s32 $0x14, s6;
	s8 =	sadd.s32 s24, s25;
	[dreg:$0x18] =	wrdreg s26  }
0x14: {  	s19 =	sadd.s32 $0x370, s5;
	s10 =	sadd.s32 s29, s31;
	[dreg:$0x19] =	wrdreg s8  }
0x15: {  	s11 =	sadd.s32 $0x1E, s6;
	s13 =	sadd.s32 s24, s31;
	[dreg:$0x1a] =	wrdreg s10  }
0x16: {  	s22 =	sadd.s32 $0x320, s5;
	s14 =	sadd.s32 s29, s11;
	[dreg:$0x1b] =	wrdreg s13  }
0x17: {  	s6 =	sadd.s32 $0x28, s6;
	s16 =	sadd.s32 s24, s11;
	[dreg:$0x1c] =	wrdreg s14  }
0x18: {  	s7 =	sshrl.u32 s15, $0x3;
	s17 =	sadd.s32 s29, s6;
	[dreg:$0x1d] =	wrdreg s16  }
0x19: {  	s20 =	sshrl.u32 s19, $0x3;
	s18 =	sadd.s32 s7, s24;
	[dreg:$0x1e] =	wrdreg s17  }
0x1a: {  	s2 =	simm.s32 $0x14;
	s7 =	sadd.s32 s7, s29;
	[dreg:$0x3] =	wrdreg s18  }
0x1b: {  	s21 =	sadd.s32 s20, s24;
	s23 =	sadd.s32 s20, s29;
	[dreg:$0x4] =	wrdreg s7  }
0x1c: {  	s25 =	sshrl.u32 s22, $0x3;
	s31 =	sadd.s32 $0x2D0, s5;
	[dreg:$0x5] =	wrdreg s21  }
0x1d: {  	s6 =	sadd.s32 s24, s6;
	[dreg:$0x6] =	wrdreg s23;
	s26 =	sadd.s32 s25, s24  }
0x1e: {  	s8 =	sadd.s32 s25, s29;
	s10 =	sshrl.u32 s31, $0x3;
	s13 =	sadd.s32 $0x230, s5  }
0x1f: {  	s17 =	sadd.s32 $0x1E0, s5;
	s21 =	sadd.s32 $0x190, s5;
	[dreg:$0x1f] =	wrdreg s6  }
0x20: {  	s31 =	sadd.s32 $0x280, s5;
	s7 =	simm.s32 $0x3;
	[dreg:$0x7] =	wrdreg s26  }
0x21: {  	s5 =	simm.s32 $0x12;
	s6 =	simm.s32 $0x0;
	[dreg:$0x8] =	wrdreg s8  }
0x22: {  	s11 =	sadd.s32 s10, s24;
	s14 =	sadd.s32 s10, s29;
	[smem:$0x7FD] =	sst s31  }
0x23: {  	s15 =	sshrl.u32 s13, $0x3;
	s19 =	sshrl.u32 s17, $0x3;
	[dreg:$0x9] =	wrdreg s11  }
0x24: {  	s23 =	sshrl.u32 s21, $0x3;
	[dreg:$0xa] =	wrdreg s14;
	s16 =	sadd.s32 s15, s24  }
0x25: {  	s10 =	simm.s32 $0x50;
	s18 =	sadd.s32 s15, s29;
	[dreg:$0xb] =	wrdreg s16  }
0x26: {  	s13 =	simm.s32 $0xA;
	s20 =	sadd.s32 s19, s24;
	[dreg:$0xc] =	wrdreg s18  }
0x27: {  	s8 =	simm.s32 $0xB;
	s22 =	sadd.s32 s19, s29;
	[dreg:$0xd] =	wrdreg s20  }
0x28: {  	s25 =	sadd.s32 s23, s24;
	s26 =	sadd.s32 s23, s29;
	[dreg:$0xe] =	wrdreg s22  }
0x29: {  	s23 =	simm.s32 $0x15;
	s19 =	simm.s32 $0x80;
	[dreg:$0xf] =	wrdreg s25  }
0x2a: {  	s15 =	simm.s32 $0x280;
	[dreg:$0x10] =	wrdreg s26;
	s16 =	simm.s32 $0x100  }
0x2b: {  	s25 =	simm.s32 $0x1;
	s26 =	simm.s32 $0x9;
	s18 =	simm.s32 $0x11  }
.LBB2_1:
0x2c: {  	[smem:$0x7F9] =	sst s6  }
0x2d: {  	s0 =	rddreg [dreg:$0x14]  }
0x2e: {  	s17 =	rddreg [dreg:$0x13];
	s14 =	sshrl.u32 s0, $0x3  }
0x2f: {  	[smem:$0x7FA] =	sst s14  }
0x30: {  	[spmem:s14], [sflag:s12] =	dma.local [hbm:s17], $0x2800  }
0x31: {  	_ =	swait.ge [sflag:s23], $0x2800  }
0x32: {  	[sflag:s23] =	ssyncset.done $0x0  }
0x33: {  	[sflag:s23] =	ssyncadd.s32 $0xFFFFD800  }
0x34: {  	[bflag:$0x0] =	sbarrier.arrive $0xFFFF  }
0x35: {  	s20 =	rddreg [dreg:$0x16]  }
0x36: {  	[tilespmem:s3], [sflag:$0x1] =	stream.linear.gather [hbm4b:s20+s3], $0x50, $0x38;
	[tilespmem:$0x1E800] =	vst v63  }
0x37: {  	s12 =	simm.s32 $0x400;
	s21 =	rddreg [dreg:$0x17]  }
0x38: {  	[tilespmem:s12], [sflag:$0x9] =	stream.linear.gather [hbm4b:s21+s3], $0x50, $0x38;
	[tilespmem:$0x1E800] =	vst v63  }
0x39: {  	s22 =	rddreg [dreg:$0x18]  }
0x3a: {  	[tilespmem:s19], [sflag:$0x2] =	stream.linear.gather [hbm4b:s22+s3], $0x50, $0x38;
	[tilespmem:$0x1E800] =	vst v63  }
0x3b: {  	s9 =	simm.s32 $0x480;
	s6 =	rddreg [dreg:$0x19]  }
0x3c: {  	[tilespmem:s9], [sflag:$0xA] =	stream.linear.gather [hbm4b:s6+s3], $0x50, $0x38;
	[tilespmem:$0x1E800] =	vst v63  }
0x3d: {  	s11 =	rddreg [dreg:$0x1a]  }
0x3e: {  	[tilespmem:s16], [sflag:$0x3] =	stream.linear.gather [hbm4b:s11+s3], $0x50, $0x38;
	[tilespmem:$0x1E800] =	vst v63  }
0x3f: {  	s17 =	simm.s32 $0x500;
	s14 =	rddreg [dreg:$0x1b]  }
0x40: {  	[tilespmem:s17], [sflag:$0xB] =	stream.linear.gather [hbm4b:s14+s3], $0x50, $0x38;
	[tilespmem:$0x1E800] =	vst v63  }
0x41: {  	s20 =	rddreg [dreg:$0x1c];
	s21 =	simm.s32 $0x180  }
0x42: {  	[tilespmem:s21], [sflag:$0x4] =	stream.linear.gather [hbm4b:s20+s3], $0x50, $0x38;
	[tilespmem:$0x1E800] =	vst v63  }
0x43: {  	s6 =	rddreg [dreg:$0x1d];
	s11 =	simm.s32 $0x580  }
0x44: {  	[tilespmem:s11], [sflag:$0xC] =	stream.linear.gather [hbm4b:s6+s3], $0x50, $0x38;
	[tilespmem:$0x1E800] =	vst v63  }
0x45: {  	s14 =	rddreg [dreg:$0x1e];
	s17 =	simm.s32 $0x200  }
0x46: {  	[tilespmem:s17], [sflag:$0x5] =	stream.linear.gather [hbm4b:s14+s3], $0x50, $0x38;
	[tilespmem:$0x1E800] =	vst v63  }
0x47: {  	s21 =	rddreg [dreg:$0x1f];
	s11 =	simm.s32 $0x600  }
0x48: {  	[tilespmem:s11], [sflag:$0xD] =	stream.linear.gather [hbm4b:s21+s3], $0x50, $0x38;
	[tilespmem:$0x1E800] =	vst v63  }
0x49: {  	_ =	swait.ge [sflag:s25], $0x50  }
0x4a: {  	[sflag:s25] =	ssyncset.done $0x0  }
0x4b: {  	[sflag:s25] =	ssyncadd.s32 $0xFFFFFFB0  }
0x4c: {  	_ =	swait.ge [sflag:s26], $0x50  }
0x4d: {  	[sflag:s26] =	ssyncset.done $0x0  }
0x4e: {  	s14 =	simm.s32 $0x800;
	[sflag:s26] =	ssyncadd.s32 $0xFFFFFFB0  }
0x4f: {  	[tilespmem:s14], [sflag:$0x11] =	stream.indirect.gather [hbm4b:s4+s10], $0x80, s3, s10, $0xb8;
	[tilespmem:$0x1E800] =	vst v63  }
0x50: {  	_ =	swait.ge [sflag:s30], $0x50  }
0x51: {  	[sflag:s30] =	ssyncset.done $0x0  }
0x52: {  	[sflag:s30] =	ssyncadd.s32 $0xFFFFFFB0  }
0x53: {  	_ =	swait.ge [sflag:s13], $0x50  }
0x54: {  	[sflag:s13] =	ssyncset.done $0x0  }
0x55: {  	s17 =	simm.s32 $0x3000;
	[sflag:s13] =	ssyncadd.s32 $0xFFFFFFB0  }
0x56: {  	[tilespmem:s17], [sflag:$0x12] =	stream.indirect.gather [hbm4b:s4+s10], $0x80, s19, s10, $0xb8;
	[tilespmem:$0x1E800] =	vst v63  }
0x57: {  	_ =	swait.ge [sflag:s7], $0x50  }
0x58: {  	[sflag:s7] =	ssyncset.done $0x0  }
0x59: {  	[sflag:s7] =	ssyncadd.s32 $0xFFFFFFB0  }
0x5a: {  	_ =	swait.ge [sflag:s8], $0x50  }
0x5b: {  	[sflag:s8] =	ssyncset.done $0x0  }
0x5c: {  	s21 =	simm.s32 $0x5800;
	[sflag:s8] =	ssyncadd.s32 $0xFFFFFFB0  }
0x5d: {  	[tilespmem:s21], [sflag:$0x13] =	stream.indirect.gather [hbm4b:s4+s10], $0x80, s16, s10, $0xb8;
	[tilespmem:$0x1E800] =	vst v63  }
0x5e: {  	_ =	swait.ge [sflag:s18], $0x2800  }
0x5f: {  	[sflag:s18] =	ssyncset.done $0x0  }
0x60: {  	s8 =	simm.s32 $0x4;
	[sflag:s18] =	ssyncadd.s32 $0xFFFFD800  }
0x61: {  	_ =	swait.ge [sflag:s8], $0x50  }
0x62: {  	[sflag:s8] =	ssyncset.done $0x0  }
0x63: {  	s11 =	simm.s32 $0xC;
	[sflag:s8] =	ssyncadd.s32 $0xFFFFFFB0  }
0x64: {  	_ =	swait.ge [sflag:s11], $0x50  }
0x65: {  	[sflag:s11] =	ssyncset.done $0x0  }
0x66: {  	s20 =	simm.s32 $0x180;
	[sflag:s11] =	ssyncadd.s32 $0xFFFFFFB0;
	s11 =	simm.s32 $0x8000  }
0x67: {  	[tilespmem:s11], [sflag:$0x14] =	stream.indirect.gather [hbm4b:s4+s10], $0x80, s20, s10, $0xb8;
	[tilespmem:$0x1E800] =	vst v63  }
0x68: {  	_ = 	snop  }
0x69: {  	[spmem:s1] =	stream.indirect.scatter.add.f32 [tilespmem:s14], [sflag:$0x15], $0x80, s12, s10, $0xb8;
	[tilespmem:$0x1E800] =	vst v63  }
0x6a: {  	_ =	swait.ge [sflag:s23], $0x2800  }
0x6b: {  	s7 =	rddreg [dreg:$0x10];
	[sflag:s23] =	ssyncset.done $0x0  }
0x6c: {  	s8 =	rddreg [dreg:$0xf];
	[sflag:s23] =	ssyncadd.s32 $0xFFFFD800;
	s0 =	sadd.s32 $0x0, s7  }
0x6d: {  	[tilespmem:s15], [sflag:$0x6] =	stream.linear.gather [hbm4b:s0+s3], $0x50, $0x38;
	[tilespmem:$0x1E800] =	vst v63  }
0x6e: {  	s31 =	simm.s32 $0x680;
	s20 =	sadd.s32 $0x0, s8  }
0x6f: {  	[tilespmem:s31], [sflag:$0xE] =	stream.linear.gather [hbm4b:s20+s3], $0x50, $0x38;
	[tilespmem:$0x1E800] =	vst v63  }
0x70: {  	_ =	swait.ge [sflag:s5], $0x2800  }
0x71: {  	[sflag:s5] =	ssyncset.done $0x0  }
0x72: {  	s7 =	simm.s32 $0x5;
	[sflag:s5] =	ssyncadd.s32 $0xFFFFD800  }
0x73: {  	_ =	swait.ge [sflag:s7], $0x50  }
0x74: {  	[sflag:s7] =	ssyncset.done $0x0  }
0x75: {  	s8 =	simm.s32 $0xD;
	[sflag:s7] =	ssyncadd.s32 $0xFFFFFFB0  }
0x76: {  	_ =	swait.ge [sflag:s8], $0x50  }
0x77: {  	[sflag:s8] =	ssyncset.done $0x0  }
0x78: {  	s6 =	simm.s32 $0x200;
	[sflag:s8] =	ssyncadd.s32 $0xFFFFFFB0  }
0x79: {  	[tilespmem:s14], [sflag:$0x11] =	stream.indirect.gather [hbm4b:s4+s10], $0x80, s6, s10, $0xb8;
	[tilespmem:$0x1E800] =	vst v63  }
0x7a: {  	_ = 	snop  }
0x7b: {  	[spmem:s1] =	stream.indirect.scatter.add.f32 [tilespmem:s17], [sflag:$0x15], $0x80, s9, s10, $0xb8;
	[tilespmem:$0x1E800] =	vst v63  }
0x7c: {  	_ =	swait.ge [sflag:s23], $0x2800  }
0x7d: {  	s8 =	simm.s32 $0x300;
	s20 =	rddreg [dreg:$0xe];
	[sflag:s23] =	ssyncset.done $0x0  }
0x7e: {  	s6 =	rddreg [dreg:$0xd];
	[sflag:s23] =	ssyncadd.s32 $0xFFFFD800;
	s0 =	sadd.s32 $0x0, s20  }
0x7f: {  	[tilespmem:s8], [sflag:$0x7] =	stream.linear.gather [hbm4b:s0+s3], $0x50, $0x38;
	[tilespmem:$0x1E800] =	vst v63  }
0x80: {  	s7 =	sadd.s32 $0x0, s6;
	s20 =	simm.s32 $0x700  }
0x81: {  	[tilespmem:s20], [sflag:$0xF] =	stream.linear.gather [hbm4b:s7+s3], $0x50, $0x38;
	[tilespmem:$0x1E800] =	vst v63  }
0x82: {  	_ =	swait.ge [sflag:s28], $0x2800  }
0x83: {  	[sflag:s28] =	ssyncset.done $0x0  }
0x84: {  	s6 =	simm.s32 $0x6;
	[sflag:s28] =	ssyncadd.s32 $0xFFFFD800  }
0x85: {  	_ =	swait.ge [sflag:s6], $0x50  }
0x86: {  	[sflag:s6] =	ssyncset.done $0x0  }
0x87: {  	s7 =	simm.s32 $0xE;
	[sflag:s6] =	ssyncadd.s32 $0xFFFFFFB0  }
0x88: {  	_ =	swait.ge [sflag:s7], $0x50  }
0x89: {  	[sflag:s7] =	ssyncset.done $0x0  }
0x8a: {  	[sflag:s7] =	ssyncadd.s32 $0xFFFFFFB0  }
0x8b: {  	[tilespmem:s17], [sflag:$0x12] =	stream.indirect.gather [hbm4b:s4+s10], $0x80, s15, s10, $0xb8;
	[tilespmem:$0x1E800] =	vst v63  }
0x8c: {  	s22 =	simm.s32 $0x500  }
0x8d: {  	[spmem:s1] =	stream.indirect.scatter.add.f32 [tilespmem:s21], [sflag:$0x15], $0x80, s22, s10, $0xb8;
	[tilespmem:$0x1E800] =	vst v63  }
0x8e: {  	_ =	swait.ge [sflag:s23], $0x2800  }
0x8f: {  	s15 =	simm.s32 $0x380;
	s22 =	rddreg [dreg:$0xc];
	[sflag:s23] =	ssyncset.done $0x0  }
0x90: {  	s6 =	rddreg [dreg:$0xb];
	[sflag:s23] =	ssyncadd.s32 $0xFFFFD800;
	s0 =	sadd.s32 $0x0, s22  }
0x91: {  	[tilespmem:s15], [sflag:$0x8] =	stream.linear.gather [hbm4b:s0+s3], $0x50, $0x38;
	[tilespmem:$0x1E800] =	vst v63  }
0x92: {  	s7 =	sadd.s32 $0x0, s6;
	s22 =	simm.s32 $0x780  }
0x93: {  	[tilespmem:s22], [sflag:$0x10] =	stream.linear.gather [hbm4b:s7+s3], $0x50, $0x38;
	[tilespmem:$0x1E800] =	vst v63  }
0x94: {  	_ =	swait.ge [sflag:s2], $0x2800  }
0x95: {  	[sflag:s2] =	ssyncset.done $0x0  }
0x96: {  	s6 =	simm.s32 $0x7;
	[sflag:s2] =	ssyncadd.s32 $0xFFFFD800  }
0x97: {  	_ =	swait.ge [sflag:s6], $0x50  }
0x98: {  	[sflag:s6] =	ssyncset.done $0x0  }
0x99: {  	s7 =	simm.s32 $0xF;
	[sflag:s6] =	ssyncadd.s32 $0xFFFFFFB0  }
0x9a: {  	_ =	swait.ge [sflag:s7], $0x50  }
0x9b: {  	[sflag:s7] =	ssyncset.done $0x0  }
0x9c: {  	[sflag:s7] =	ssyncadd.s32 $0xFFFFFFB0  }
0x9d: {  	[tilespmem:s21], [sflag:$0x13] =	stream.indirect.gather [hbm4b:s4+s10], $0x80, s8, s10, $0xb8;
	[tilespmem:$0x1E800] =	vst v63  }
0x9e: {  	s8 =	simm.s32 $0x580  }
0x9f: {  	[spmem:s1] =	stream.indirect.scatter.add.f32 [tilespmem:s11], [sflag:$0x15], $0x80, s8, s10, $0xb8;
	[tilespmem:$0x1E800] =	vst v63  }
0xa0: {  	_ =	swait.ge [sflag:s23], $0x2800  }
0xa1: {  	s8 =	sld [smem:$0x7FD];
	_ =	sdelay $0x2  }
0xa2: {  	[sflag:s23] =	ssyncset.done $0x0;
	s0 =	sshrl.u32 s8, $0x3  }
0xa3: {  	[sflag:s23] =	ssyncadd.s32 $0xFFFFD800;
	s29 =	sadd.s32 s29, s0  }
0xa4: {  	[tilespmem:s3], [sflag:$0x1] =	stream.linear.gather [hbm4b:s29+s3], $0x50, $0x38;
	[tilespmem:$0x1E800] =	vst v63  }
0xa5: {  	s0 =	sadd.s32 s24, s0  }
0xa6: {  	[tilespmem:s12], [sflag:$0x9] =	stream.linear.gather [hbm4b:s0+s3], $0x50, $0x38;
	[tilespmem:$0x1E800] =	vst v63  }
0xa7: {  	_ =	swait.ge [sflag:s18], $0x2800  }
0xa8: {  	[sflag:s18] =	ssyncset.done $0x0  }
0xa9: {  	s29 =	simm.s32 $0x8;
	[sflag:s18] =	ssyncadd.s32 $0xFFFFD800  }
0xaa: {  	_ =	swait.ge [sflag:s29], $0x50  }
0xab: {  	[sflag:s29] =	ssyncset.done $0x0  }
0xac: {  	s7 =	simm.s32 $0x10;
	[sflag:s29] =	ssyncadd.s32 $0xFFFFFFB0  }
0xad: {  	_ =	swait.ge [sflag:s7], $0x50  }
0xae: {  	[sflag:s7] =	ssyncset.done $0x0  }
0xaf: {  	[sflag:s7] =	ssyncadd.s32 $0xFFFFFFB0  }
0xb0: {  	[tilespmem:s11], [sflag:$0x14] =	stream.indirect.gather [hbm4b:s4+s10], $0x80, s15, s10, $0xb8;
	[tilespmem:$0x1E800] =	vst v63  }
0xb1: {  	s12 =	simm.s32 $0x600  }
0xb2: {  	[spmem:s1] =	stream.indirect.scatter.add.f32 [tilespmem:s14], [sflag:$0x15], $0x80, s12, s10, $0xb8;
	[tilespmem:$0x1E800] =	vst v63  }
0xb3: {  	_ =	swait.ge [sflag:s23], $0x2800  }
0xb4: {  	s15 =	rddreg [dreg:$0xa];
	[sflag:s23] =	ssyncset.done $0x0  }
0xb5: {  	s24 =	rddreg [dreg:$0x9];
	[sflag:s23] =	ssyncadd.s32 $0xFFFFD800;
	s0 =	sadd.s32 $0x0, s15  }
0xb6: {  	[tilespmem:s19], [sflag:$0x2] =	stream.linear.gather [hbm4b:s0+s3], $0x50, $0x38;
	[tilespmem:$0x1E800] =	vst v63  }
0xb7: {  	s29 =	sadd.s32 $0x0, s24  }
0xb8: {  	[tilespmem:s9], [sflag:$0xA] =	stream.linear.gather [hbm4b:s29+s3], $0x50, $0x38;
	[tilespmem:$0x1E800] =	vst v63  }
0xb9: {  	_ =	swait.ge [sflag:s5], $0x2800  }
0xba: {  	[sflag:s5] =	ssyncset.done $0x0  }
0xbb: {  	[sflag:s5] =	ssyncadd.s32 $0xFFFFD800  }
0xbc: {  	_ =	swait.ge [sflag:s25], $0x50  }
0xbd: {  	[sflag:s25] =	ssyncset.done $0x0  }
0xbe: {  	[sflag:s25] =	ssyncadd.s32 $0xFFFFFFB0  }
0xbf: {  	_ =	swait.ge [sflag:s26], $0x50  }
0xc0: {  	[sflag:s26] =	ssyncset.done $0x0  }
0xc1: {  	[sflag:s26] =	ssyncadd.s32 $0xFFFFFFB0  }
0xc2: {  	[tilespmem:s14], [sflag:$0x11] =	stream.indirect.gather [hbm4b:s4+s10], $0x80, s3, s10, $0xb8;
	[tilespmem:$0x1E800] =	vst v63  }
0xc3: {  	_ = 	snop  }
0xc4: {  	[spmem:s1] =	stream.indirect.scatter.add.f32 [tilespmem:s17], [sflag:$0x15], $0x80, s31, s10, $0xb8;
	[tilespmem:$0x1E800] =	vst v63  }
0xc5: {  	_ =	swait.ge [sflag:s23], $0x2800  }
0xc6: {  	s7 =	rddreg [dreg:$0x8];
	[sflag:s23] =	ssyncset.done $0x0  }
0xc7: {  	s9 =	rddreg [dreg:$0x7];
	[sflag:s23] =	ssyncadd.s32 $0xFFFFD800;
	s0 =	sadd.s32 $0x0, s7  }
0xc8: {  	[tilespmem:s16], [sflag:$0x3] =	stream.linear.gather [hbm4b:s0+s3], $0x50, $0x38;
	[tilespmem:$0x1E800] =	vst v63  }
0xc9: {  	s14 =	simm.s32 $0x500;
	s12 =	sadd.s32 $0x0, s9  }
0xca: {  	[tilespmem:s14], [sflag:$0xB] =	stream.linear.gather [hbm4b:s12+s3], $0x50, $0x38;
	[tilespmem:$0x1E800] =	vst v63  }
0xcb: {  	_ =	swait.ge [sflag:s28], $0x2800  }
0xcc: {  	[sflag:s28] =	ssyncset.done $0x0  }
0xcd: {  	[sflag:s28] =	ssyncadd.s32 $0xFFFFD800  }
0xce: {  	_ =	swait.ge [sflag:s30], $0x50  }
0xcf: {  	[sflag:s30] =	ssyncset.done $0x0  }
0xd0: {  	[sflag:s30] =	ssyncadd.s32 $0xFFFFFFB0  }
0xd1: {  	_ =	swait.ge [sflag:s13], $0x50  }
0xd2: {  	[sflag:s13] =	ssyncset.done $0x0  }
0xd3: {  	[sflag:s13] =	ssyncadd.s32 $0xFFFFFFB0  }
0xd4: {  	[tilespmem:s17], [sflag:$0x12] =	stream.indirect.gather [hbm4b:s4+s10], $0x80, s19, s10, $0xb8;
	[tilespmem:$0x1E800] =	vst v63  }
0xd5: {  	_ = 	snop  }
0xd6: {  	[spmem:s1] =	stream.indirect.scatter.add.f32 [tilespmem:s21], [sflag:$0x15], $0x80, s20, s10, $0xb8;
	[tilespmem:$0x1E800] =	vst v63  }
0xd7: {  	_ =	swait.ge [sflag:s23], $0x2800  }
0xd8: {  	s19 =	simm.s32 $0x180;
	s15 =	rddreg [dreg:$0x6];
	[sflag:s23] =	ssyncset.done $0x0  }
0xd9: {  	s17 =	rddreg [dreg:$0x5];
	[sflag:s23] =	ssyncadd.s32 $0xFFFFD800;
	s0 =	sadd.s32 $0x0, s15  }
0xda: {  	[tilespmem:s19], [sflag:$0x4] =	stream.linear.gather [hbm4b:s0+s3], $0x50, $0x38;
	[tilespmem:$0x1E800] =	vst v63  }
0xdb: {  	s24 =	simm.s32 $0x580;
	s20 =	sadd.s32 $0x0, s17  }
0xdc: {  	[tilespmem:s24], [sflag:$0xC] =	stream.linear.gather [hbm4b:s20+s3], $0x50, $0x38;
	[tilespmem:$0x1E800] =	vst v63  }
0xdd: {  	_ =	swait.ge [sflag:s2], $0x2800  }
0xde: {  	[sflag:s2] =	ssyncset.done $0x0  }
0xdf: {  	s25 =	simm.s32 $0x3;
	[sflag:s2] =	ssyncadd.s32 $0xFFFFD800  }
0xe0: {  	_ =	swait.ge [sflag:s25], $0x50  }
0xe1: {  	[sflag:s25] =	ssyncset.done $0x0  }
0xe2: {  	s6 =	simm.s32 $0xB;
	[sflag:s25] =	ssyncadd.s32 $0xFFFFFFB0  }
0xe3: {  	_ =	swait.ge [sflag:s6], $0x50  }
0xe4: {  	[sflag:s6] =	ssyncset.done $0x0  }
0xe5: {  	[sflag:s6] =	ssyncadd.s32 $0xFFFFFFB0  }
0xe6: {  	[tilespmem:s21], [sflag:$0x13] =	stream.indirect.gather [hbm4b:s4+s10], $0x80, s16, s10, $0xb8;
	[tilespmem:$0x1E800] =	vst v63  }
0xe7: {  	_ = 	snop  }
0xe8: {  	[spmem:s1] =	stream.indirect.scatter.add.f32 [tilespmem:s11], [sflag:$0x15], $0x80, s22, s10, $0xb8;
	[tilespmem:$0x1E800] =	vst v63  }
0xe9: {  	s31 =	simm.s32 $0x50;
	_ =	swait.ge [sflag:s23], $0x2800  }
0xea: {  	s30 =	simm.s32 $0x200;
	s26 =	rddreg [dreg:$0x4];
	[sflag:s23] =	ssyncset.done $0x0  }
0xeb: {  	s29 =	rddreg [dreg:$0x3];
	[sflag:s23] =	ssyncadd.s32 $0xFFFFD800;
	s0 =	sadd.s32 $0x0, s26  }
0xec: {  	[tilespmem:s30], [sflag:$0x5] =	stream.linear.gather [hbm4b:s0+s3], $0x50, $0x38;
	[tilespmem:$0x1E800] =	vst v63  }
0xed: {  	s24 =	simm.s32 $0x2;
	s7 =	sadd.s32 $0x0, s29;
	s0 =	sadd.s32 $0x280, s8  }
.LBB2_2:
0xee: {  	s20 =	simm.s32 $0x600  }
0xef: {  	[tilespmem:s20], [sflag:$0xD] =	stream.linear.gather [hbm4b:s7+s3], $0x50, $0x38;
	[tilespmem:$0x1E800] =	vst v63  }
0xf0: {  	_ =	swait.ge [sflag:s18], $0x2800  }
0xf1: {  	[sflag:s18] =	ssyncset.done $0x0  }
0xf2: {  	s6 =	simm.s32 $0x4;
	[sflag:s18] =	ssyncadd.s32 $0xFFFFD800  }
0xf3: {  	_ =	swait.ge [sflag:s6], $0x50  }
0xf4: {  	[sflag:s6] =	ssyncset.done $0x0  }
0xf5: {  	s11 =	simm.s32 $0xC;
	[sflag:s6] =	ssyncadd.s32 $0xFFFFFFB0  }
0xf6: {  	_ =	swait.ge [sflag:s11], $0x50  }
0xf7: {  	[sflag:s11] =	ssyncset.done $0x0  }
0xf8: {  	s30 =	simm.s32 $0x180;
	[sflag:s11] =	ssyncadd.s32 $0xFFFFFFB0;
	s11 =	simm.s32 $0x8000  }
0xf9: {  	[tilespmem:s11], [sflag:$0x14] =	stream.indirect.gather [hbm4b:s4+s10], $0x80, s30, s10, $0xb8;
	[tilespmem:$0x1E800] =	vst v63  }
0xfa: {  	s19 =	simm.s32 $0x400;
	s14 =	simm.s32 $0x800  }
0xfb: {  	[spmem:s1] =	stream.indirect.scatter.add.f32 [tilespmem:s14], [sflag:$0x15], $0x80, s19, s10, $0xb8;
	[tilespmem:$0x1E800] =	vst v63  }
0xfc: {  	s16 =	simm.s32 $0x280;
	_ =	swait.ge [sflag:s23], $0x2800  }
0xfd: {  	s7 =	smov.u32 s31;
	s8 =	rddreg [dreg:$0x10];
	[sflag:s23] =	ssyncset.done $0x0  }
0xfe: {  	s12 =	rddreg [dreg:$0xf];
	[sflag:s23] =	ssyncadd.s32 $0xFFFFD800;
	s8 =	sadd.s32 s7, s8  }
0xff: {  	[tilespmem:s16], [sflag:$0x6] =	stream.linear.gather [hbm4b:s8+s3], $0x50, $0x38;
	[tilespmem:$0x1E800] =	vst v63  }
0x100: {  	s15 =	simm.s32 $0x680;
	s12 =	sadd.s32 s7, s12  }
0x101: {  	[tilespmem:s15], [sflag:$0xE] =	stream.linear.gather [hbm4b:s12+s3], $0x50, $0x38;
	[tilespmem:$0x1E800] =	vst v63  }
0x102: {  	_ =	swait.ge [sflag:s5], $0x2800  }
0x103: {  	[sflag:s5] =	ssyncset.done $0x0  }
0x104: {  	s13 =	simm.s32 $0x5;
	[sflag:s5] =	ssyncadd.s32 $0xFFFFD800  }
0x105: {  	_ =	swait.ge [sflag:s13], $0x50  }
0x106: {  	[sflag:s13] =	ssyncset.done $0x0  }
0x107: {  	s17 =	simm.s32 $0xD;
	[sflag:s13] =	ssyncadd.s32 $0xFFFFFFB0  }
0x108: {  	_ =	swait.ge [sflag:s17], $0x50  }
0x109: {  	[sflag:s17] =	ssyncset.done $0x0  }
0x10a: {  	s22 =	simm.s32 $0x200;
	[sflag:s17] =	ssyncadd.s32 $0xFFFFFFB0  }
0x10b: {  	[tilespmem:s14], [sflag:$0x11] =	stream.indirect.gather [hbm4b:s4+s10], $0x80, s22, s10, $0xb8;
	[tilespmem:$0x1E800] =	vst v63  }
0x10c: {  	s6 =	simm.s32 $0x480;
	s17 =	simm.s32 $0x3000  }
0x10d: {  	[spmem:s1] =	stream.indirect.scatter.add.f32 [tilespmem:s17], [sflag:$0x15], $0x80, s6, s10, $0xb8;
	[tilespmem:$0x1E800] =	vst v63  }
0x10e: {  	_ =	swait.ge [sflag:s23], $0x2800  }
0x10f: {  	s9 =	simm.s32 $0x300;
	s21 =	rddreg [dreg:$0xe];
	[sflag:s23] =	ssyncset.done $0x0  }
0x110: {  	s25 =	rddreg [dreg:$0xd];
	[sflag:s23] =	ssyncadd.s32 $0xFFFFD800;
	s8 =	sadd.s32 s7, s21  }
0x111: {  	[tilespmem:s9], [sflag:$0x7] =	stream.linear.gather [hbm4b:s8+s3], $0x50, $0x38;
	[tilespmem:$0x1E800] =	vst v63  }
0x112: {  	s13 =	simm.s32 $0x700;
	s26 =	sadd.s32 s7, s25  }
0x113: {  	[tilespmem:s13], [sflag:$0xF] =	stream.linear.gather [hbm4b:s26+s3], $0x50, $0x38;
	[tilespmem:$0x1E800] =	vst v63  }
0x114: {  	_ =	swait.ge [sflag:s28], $0x2800  }
0x115: {  	[sflag:s28] =	ssyncset.done $0x0  }
0x116: {  	s12 =	simm.s32 $0x6;
	[sflag:s28] =	ssyncadd.s32 $0xFFFFD800  }
0x117: {  	_ =	swait.ge [sflag:s12], $0x50  }
0x118: {  	[sflag:s12] =	ssyncset.done $0x0  }
0x119: {  	s21 =	simm.s32 $0xE;
	[sflag:s12] =	ssyncadd.s32 $0xFFFFFFB0  }
0x11a: {  	_ =	swait.ge [sflag:s21], $0x50  }
0x11b: {  	[sflag:s21] =	ssyncset.done $0x0  }
0x11c: {  	[sflag:s21] =	ssyncadd.s32 $0xFFFFFFB0  }
0x11d: {  	[tilespmem:s17], [sflag:$0x12] =	stream.indirect.gather [hbm4b:s4+s10], $0x80, s16, s10, $0xb8;
	[tilespmem:$0x1E800] =	vst v63  }
0x11e: {  	s29 =	simm.s32 $0x500;
	s21 =	simm.s32 $0x5800  }
0x11f: {  	[spmem:s1] =	stream.indirect.scatter.add.f32 [tilespmem:s21], [sflag:$0x15], $0x80, s29, s10, $0xb8;
	[tilespmem:$0x1E800] =	vst v63  }
0x120: {  	_ =	swait.ge [sflag:s23], $0x2800  }
0x121: {  	s25 =	rddreg [dreg:$0xc]  }
0x122: {  	[sflag:s23] =	ssyncset.done $0x0;
	s26 =	rddreg [dreg:$0xb]  }
0x123: {  	[sflag:s23] =	ssyncadd.s32 $0xFFFFD800;
	s8 =	sadd.s32 s7, s25;
	s25 =	simm.s32 $0x380  }
0x124: {  	[tilespmem:s25], [sflag:$0x8] =	stream.linear.gather [hbm4b:s8+s3], $0x50, $0x38;
	[tilespmem:$0x1E800] =	vst v63  }
0x125: {  	s12 =	sadd.s32 s7, s26;
	s26 =	simm.s32 $0x780  }
0x126: {  	[tilespmem:s26], [sflag:$0x10] =	stream.linear.gather [hbm4b:s12+s3], $0x50, $0x38;
	[tilespmem:$0x1E800] =	vst v63  }
0x127: {  	_ =	swait.ge [sflag:s2], $0x2800  }
0x128: {  	[sflag:s2] =	ssyncset.done $0x0  }
0x129: {  	s16 =	simm.s32 $0x7;
	[sflag:s2] =	ssyncadd.s32 $0xFFFFD800  }
0x12a: {  	_ =	swait.ge [sflag:s16], $0x50  }
0x12b: {  	[sflag:s16] =	ssyncset.done $0x0  }
0x12c: {  	s12 =	simm.s32 $0xF;
	[sflag:s16] =	ssyncadd.s32 $0xFFFFFFB0  }
0x12d: {  	_ =	swait.ge [sflag:s12], $0x50  }
0x12e: {  	[sflag:s12] =	ssyncset.done $0x0  }
0x12f: {  	[sflag:s12] =	ssyncadd.s32 $0xFFFFFFB0  }
0x130: {  	[tilespmem:s21], [sflag:$0x13] =	stream.indirect.gather [hbm4b:s4+s10], $0x80, s9, s10, $0xb8;
	[tilespmem:$0x1E800] =	vst v63  }
0x131: {  	s9 =	simm.s32 $0x580  }
0x132: {  	[spmem:s1] =	stream.indirect.scatter.add.f32 [tilespmem:s11], [sflag:$0x15], $0x80, s9, s10, $0xb8;
	[tilespmem:$0x1E800] =	vst v63  }
0x133: {  	_ =	swait.ge [sflag:s23], $0x2800  }
0x134: {  	s8 =	sshrl.u32 s0, $0x3;
	[sflag:s23] =	ssyncset.done $0x0;
	s16 =	rddreg [dreg:$0x11]  }
0x135: {  	[sflag:s23] =	ssyncadd.s32 $0xFFFFD800;
	s12 =	sadd.s32 s16, s8;
	s16 =	rddreg [dreg:$0x12]  }
0x136: {  	[tilespmem:s3], [sflag:$0x1] =	stream.linear.gather [hbm4b:s12+s3], $0x50, $0x38;
	[tilespmem:$0x1E800] =	vst v63  }
0x137: {  	s8 =	sadd.s32 s16, s8  }
0x138: {  	[tilespmem:s19], [sflag:$0x9] =	stream.linear.gather [hbm4b:s8+s3], $0x50, $0x38;
	[tilespmem:$0x1E800] =	vst v63  }
0x139: {  	_ =	swait.ge [sflag:s18], $0x2800  }
0x13a: {  	[sflag:s18] =	ssyncset.done $0x0  }
0x13b: {  	s12 =	simm.s32 $0x8;
	[sflag:s18] =	ssyncadd.s32 $0xFFFFD800  }
0x13c: {  	_ =	swait.ge [sflag:s12], $0x50  }
0x13d: {  	[sflag:s12] =	ssyncset.done $0x0  }
0x13e: {  	[sflag:s12] =	ssyncadd.s32 $0xFFFFFFB0;
	s12 =	simm.s32 $0x10  }
0x13f: {  	_ =	swait.ge [sflag:s12], $0x50  }
0x140: {  	[sflag:s12] =	ssyncset.done $0x0  }
0x141: {  	[sflag:s12] =	ssyncadd.s32 $0xFFFFFFB0  }
0x142: {  	[tilespmem:s11], [sflag:$0x14] =	stream.indirect.gather [hbm4b:s4+s10], $0x80, s25, s10, $0xb8;
	[tilespmem:$0x1E800] =	vst v63  }
0x143: {  	_ = 	snop  }
0x144: {  	[spmem:s1] =	stream.indirect.scatter.add.f32 [tilespmem:s14], [sflag:$0x15], $0x80, s20, s10, $0xb8;
	[tilespmem:$0x1E800] =	vst v63  }
0x145: {  	_ =	swait.ge [sflag:s23], $0x2800  }
0x146: {  	s19 =	simm.s32 $0x80;
	s12 =	rddreg [dreg:$0xa];
	[sflag:s23] =	ssyncset.done $0x0  }
0x147: {  	s20 =	rddreg [dreg:$0x9];
	[sflag:s23] =	ssyncadd.s32 $0xFFFFD800;
	s8 =	sadd.s32 s7, s12  }
0x148: {  	[tilespmem:s19], [sflag:$0x2] =	stream.linear.gather [hbm4b:s8+s3], $0x50, $0x38;
	[tilespmem:$0x1E800] =	vst v63  }
0x149: {  	s25 =	sadd.s32 s7, s20  }
0x14a: {  	[tilespmem:s6], [sflag:$0xA] =	stream.linear.gather [hbm4b:s25+s3], $0x50, $0x38;
	[tilespmem:$0x1E800] =	vst v63  }
0x14b: {  	_ =	swait.ge [sflag:s5], $0x2800  }
0x14c: {  	[sflag:s5] =	ssyncset.done $0x0  }
0x14d: {  	s8 =	simm.s32 $0x1;
	[sflag:s5] =	ssyncadd.s32 $0xFFFFD800  }
0x14e: {  	_ =	swait.ge [sflag:s8], $0x50  }
0x14f: {  	[sflag:s8] =	ssyncset.done $0x0  }
0x150: {  	s12 =	simm.s32 $0x9;
	[sflag:s8] =	ssyncadd.s32 $0xFFFFFFB0  }
0x151: {  	_ =	swait.ge [sflag:s12], $0x50  }
0x152: {  	[sflag:s12] =	ssyncset.done $0x0  }
0x153: {  	[sflag:s12] =	ssyncadd.s32 $0xFFFFFFB0  }
0x154: {  	[tilespmem:s14], [sflag:$0x11] =	stream.indirect.gather [hbm4b:s4+s10], $0x80, s3, s10, $0xb8;
	[tilespmem:$0x1E800] =	vst v63  }
0x155: {  	_ = 	snop  }
0x156: {  	[spmem:s1] =	stream.indirect.scatter.add.f32 [tilespmem:s17], [sflag:$0x15], $0x80, s15, s10, $0xb8;
	[tilespmem:$0x1E800] =	vst v63  }
0x157: {  	_ =	swait.ge [sflag:s23], $0x2800  }
0x158: {  	s15 =	simm.s32 $0x100;
	s25 =	rddreg [dreg:$0x8];
	[sflag:s23] =	ssyncset.done $0x0  }
0x159: {  	s6 =	rddreg [dreg:$0x7];
	[sflag:s23] =	ssyncadd.s32 $0xFFFFD800;
	s8 =	sadd.s32 s7, s25  }
0x15a: {  	[tilespmem:s15], [sflag:$0x3] =	stream.linear.gather [hbm4b:s8+s3], $0x50, $0x38;
	[tilespmem:$0x1E800] =	vst v63  }
0x15b: {  	s12 =	sadd.s32 s7, s6  }
0x15c: {  	[tilespmem:s29], [sflag:$0xB] =	stream.linear.gather [hbm4b:s12+s3], $0x50, $0x38;
	[tilespmem:$0x1E800] =	vst v63  }
0x15d: {  	_ =	swait.ge [sflag:s28], $0x2800  }
0x15e: {  	[sflag:s28] =	ssyncset.done $0x0  }
0x15f: {  	[sflag:s28] =	ssyncadd.s32 $0xFFFFD800  }
0x160: {  	_ =	swait.ge [sflag:s24], $0x50  }
0x161: {  	[sflag:s24] =	ssyncset.done $0x0  }
0x162: {  	s14 =	simm.s32 $0xA;
	[sflag:s24] =	ssyncadd.s32 $0xFFFFFFB0  }
0x163: {  	_ =	swait.ge [sflag:s14], $0x50  }
0x164: {  	[sflag:s14] =	ssyncset.done $0x0  }
0x165: {  	[sflag:s14] =	ssyncadd.s32 $0xFFFFFFB0  }
0x166: {  	[tilespmem:s17], [sflag:$0x12] =	stream.indirect.gather [hbm4b:s4+s10], $0x80, s19, s10, $0xb8;
	[tilespmem:$0x1E800] =	vst v63  }
0x167: {  	_ = 	snop  }
0x168: {  	[spmem:s1] =	stream.indirect.scatter.add.f32 [tilespmem:s21], [sflag:$0x15], $0x80, s13, s10, $0xb8;
	[tilespmem:$0x1E800] =	vst v63  }
0x169: {  	_ =	swait.ge [sflag:s23], $0x2800  }
0x16a: {  	s17 =	rddreg [dreg:$0x6];
	[sflag:s23] =	ssyncset.done $0x0  }
0x16b: {  	s25 =	rddreg [dreg:$0x5];
	[sflag:s23] =	ssyncadd.s32 $0xFFFFD800;
	s8 =	sadd.s32 s7, s17  }
0x16c: {  	[tilespmem:s30], [sflag:$0x4] =	stream.linear.gather [hbm4b:s8+s3], $0x50, $0x38;
	[tilespmem:$0x1E800] =	vst v63  }
0x16d: {  	s12 =	sadd.s32 s7, s25  }
0x16e: {  	[tilespmem:s9], [sflag:$0xC] =	stream.linear.gather [hbm4b:s12+s3], $0x50, $0x38;
	[tilespmem:$0x1E800] =	vst v63  }
0x16f: {  	_ =	swait.ge [sflag:s2], $0x2800  }
0x170: {  	[sflag:s2] =	ssyncset.done $0x0  }
0x171: {  	s13 =	simm.s32 $0x3;
	[sflag:s2] =	ssyncadd.s32 $0xFFFFD800  }
0x172: {  	_ =	swait.ge [sflag:s13], $0x50  }
0x173: {  	[sflag:s13] =	ssyncset.done $0x0  }
0x174: {  	s17 =	simm.s32 $0xB;
	[sflag:s13] =	ssyncadd.s32 $0xFFFFFFB0  }
0x175: {  	_ =	swait.ge [sflag:s17], $0x50  }
0x176: {  	p0 =	sne.s32 s31, $0x460;
	s31 =	sadd.s32 $0x50, s31;
	[sflag:s17] =	ssyncset.done $0x0  }
0x177: {  	s0 =	sadd.s32 $0x280, s0;
	s16 =	simm.s32 $0x400;
	[sflag:s17] =	ssyncadd.s32 $0xFFFFFFB0  }
0x178: {  	[tilespmem:s21], [sflag:$0x13] =	stream.indirect.gather [hbm4b:s4+s10], $0x80, s15, s10, $0xb8;
	[tilespmem:$0x1E800] =	vst v63  }
0x179: {  	s20 =	simm.s32 $0x480;
	s6 =	simm.s32 $0x500;
	s29 =	simm.s32 $0x180  }
0x17a: {  	[spmem:s1] =	stream.indirect.scatter.add.f32 [tilespmem:s11], [sflag:$0x15], $0x80, s26, s10, $0xb8;
	[tilespmem:$0x1E800] =	vst v63  }
.Ltmp0:
0x17b: {  	s14 =	simm.s32 $0x3000;
	_ =	swait.ge [sflag:s23], $0x2800;
	(pc) =	sbr.rel @p0 .LBB2_2-.Ltmp0, $4  }
0x17c: {  	s30 =	simm.s32 $0x580;
	s9 =	simm.s32 $0x200;
	s25 =	rddreg [dreg:$0x4]  }
0x17d: {  	s17 =	simm.s32 $0x5800;
	s26 =	rddreg [dreg:$0x3];
	[sflag:s23] =	ssyncset.done $0x0  }
0x17e: {  	[sflag:s23] =	ssyncadd.s32 $0xFFFFD800;
	s8 =	sadd.s32 s7, s25;
	s7 =	sadd.s32 s7, s26  }
0x17f: {  	[tilespmem:s22], [sflag:$0x5] =	stream.linear.gather [hbm4b:s8+s3], $0x50, $0x38;
	[tilespmem:$0x1E800] =	vst v63  }
0x180: {  	s0 =	simm.s32 $0x600  }
0x181: {  	[tilespmem:s0], [sflag:$0xD] =	stream.linear.gather [hbm4b:s7+s3], $0x50, $0x38;
	[tilespmem:$0x1E800] =	vst v63  }
0x182: {  	_ =	swait.ge [sflag:s18], $0x2800  }
0x183: {  	[sflag:s18] =	ssyncset.done $0x0  }
0x184: {  	s13 =	simm.s32 $0x4;
	[sflag:s18] =	ssyncadd.s32 $0xFFFFD800  }
0x185: {  	_ =	swait.ge [sflag:s13], $0x50  }
0x186: {  	[sflag:s13] =	ssyncset.done $0x0  }
0x187: {  	s15 =	simm.s32 $0xC;
	[sflag:s13] =	ssyncadd.s32 $0xFFFFFFB0  }
0x188: {  	_ =	swait.ge [sflag:s15], $0x50  }
0x189: {  	[sflag:s15] =	ssyncset.done $0x0  }
0x18a: {  	s11 =	simm.s32 $0x8000;
	[sflag:s15] =	ssyncadd.s32 $0xFFFFFFB0  }
0x18b: {  	[tilespmem:s11], [sflag:$0x14] =	stream.indirect.gather [hbm4b:s4+s10], $0x80, s29, s10, $0xb8;
	[tilespmem:$0x1E800] =	vst v63  }
0x18c: {  	s8 =	simm.s32 $0x800  }
0x18d: {  	[spmem:s1] =	stream.indirect.scatter.add.f32 [tilespmem:s8], [sflag:$0x15], $0x80, s16, s10, $0xb8;
	[tilespmem:$0x1E800] =	vst v63  }
0x18e: {  	_ =	swait.ge [sflag:s23], $0x2800  }
0x18f: {  	[sflag:s23] =	ssyncset.done $0x0  }
0x190: {  	[sflag:s23] =	ssyncadd.s32 $0xFFFFD800  }
0x191: {  	_ =	swait.ge [sflag:s5], $0x2800  }
0x192: {  	[sflag:s5] =	ssyncset.done $0x0  }
0x193: {  	s21 =	simm.s32 $0x5;
	[sflag:s5] =	ssyncadd.s32 $0xFFFFD800  }
0x194: {  	_ =	swait.ge [sflag:s21], $0x50  }
0x195: {  	[sflag:s21] =	ssyncset.done $0x0  }
0x196: {  	s22 =	simm.s32 $0xD;
	[sflag:s21] =	ssyncadd.s32 $0xFFFFFFB0  }
0x197: {  	_ =	swait.ge [sflag:s22], $0x50  }
0x198: {  	[sflag:s22] =	ssyncset.done $0x0  }
0x199: {  	[sflag:s22] =	ssyncadd.s32 $0xFFFFFFB0  }
0x19a: {  	[tilespmem:s8], [sflag:$0x11] =	stream.indirect.gather [hbm4b:s4+s10], $0x80, s9, s10, $0xb8;
	[tilespmem:$0x1E800] =	vst v63  }
0x19b: {  	_ = 	snop  }
0x19c: {  	[spmem:s1] =	stream.indirect.scatter.add.f32 [tilespmem:s14], [sflag:$0x15], $0x80, s20, s10, $0xb8;
	[tilespmem:$0x1E800] =	vst v63  }
0x19d: {  	_ =	swait.ge [sflag:s23], $0x2800  }
0x19e: {  	[sflag:s23] =	ssyncset.done $0x0  }
0x19f: {  	[sflag:s23] =	ssyncadd.s32 $0xFFFFD800  }
0x1a0: {  	_ =	swait.ge [sflag:s28], $0x2800  }
0x1a1: {  	[sflag:s28] =	ssyncset.done $0x0  }
0x1a2: {  	[sflag:s28] =	ssyncadd.s32 $0xFFFFD800  }
0x1a3: {  	[spmem:s1] =	stream.indirect.scatter.add.f32 [tilespmem:s17], [sflag:$0x15], $0x80, s6, s10, $0xb8;
	[tilespmem:$0x1E800] =	vst v63  }
0x1a4: {  	_ =	swait.ge [sflag:s23], $0x2800  }
0x1a5: {  	[sflag:s23] =	ssyncset.done $0x0  }
0x1a6: {  	[sflag:s23] =	ssyncadd.s32 $0xFFFFD800  }
0x1a7: {  	_ =	swait.ge [sflag:s2], $0x2800  }
0x1a8: {  	[sflag:s2] =	ssyncset.done $0x0  }
0x1a9: {  	[sflag:s2] =	ssyncadd.s32 $0xFFFFD800  }
0x1aa: {  	[spmem:s1] =	stream.indirect.scatter.add.f32 [tilespmem:s11], [sflag:$0x15], $0x80, s30, s10, $0xb8;
	[tilespmem:$0x1E800] =	vst v63  }
0x1ab: {  	_ =	swait.ge [sflag:s23], $0x2800  }
0x1ac: {  	[sflag:s23] =	ssyncset.done $0x0  }
0x1ad: {  	[sflag:s23] =	ssyncadd.s32 $0xFFFFD800  }
0x1ae: {  	_ =	swait.ge [sflag:s18], $0x2800  }
0x1af: {  	[sflag:s18] =	ssyncset.done $0x0  }
0x1b0: {  	[sflag:s18] =	ssyncadd.s32 $0xFFFFD800  }
0x1b1: {  	[spmem:s1] =	stream.indirect.scatter.add.f32 [tilespmem:s8], [sflag:$0x15], $0x80, s0, s10, $0xb8;
	[tilespmem:$0x1E800] =	vst v63  }
0x1b2: {  	_ =	swait.ge [sflag:s23], $0x2800  }
0x1b3: {  	[sflag:s23] =	ssyncset.done $0x0  }
0x1b4: {  	[sflag:s23] =	ssyncadd.s32 $0xFFFFD800  }
0x1b5: {  	[bflag:$0x0] =	sbarrier.arrive $0xFFFF  }
0x1b6: {  	s24 =	sld [smem:$0x7FB]  }
0x1b7: {  	s25 =	sld [smem:$0x7FA];
	_ =	sdelay $0x1  }
0x1b8: {  	s12 =	rddreg [dreg:$0x15]  }
0x1b9: {  	[hbm:s24], [sflag:s12] =	dma.local [spmem:s25], $0x2800  }
0x1ba: {  	_ =	swait.ge [sflag:s23], $0x2800  }
0x1bb: {  	s26 =	sld [smem:$0x7F9]  }
0x1bc: {  	s31 =	sld [smem:$0x7FC];
	_ =	sdelay $0x1  }
0x1bd: {  	s6 =	sadd.s32 $0x1, s26  }
0x1be: {  	p0 =	sne.s32 s6, s31  }
.Ltmp1:
0x1bf: {  	_ = 	snop;
	(pc) =	sbr.rel @p0 .LBB2_1-.Ltmp1, $4  }
0x1c0: {  	s7 =	simm.s32 $0x3;
	s13 =	simm.s32 $0xA;
	s15 =	simm.s32 $0x280  }
0x1c1: {  	s16 =	simm.s32 $0x100;
	s30 =	simm.s32 $0x2;
	s8 =	simm.s32 $0xB  }
0x1c2: {  	s25 =	simm.s32 $0x1;
	[sflag:s23] =	ssyncset.done $0x0;
	s29 =	rddreg [dreg:$0x11]  }
0x1c3: {  	s24 =	rddreg [dreg:$0x12];
	[sflag:s23] =	ssyncadd.s32 $0xFFFFD800;
	s26 =	simm.s32 $0x9  }
0x1c4: {  	_ =	sfence.sel $0x180000  }
0x1c5: {  	[bflag:$0x0] =	sbarrier.arrive $0xFFFF  }
0x1c6: {  	_ =	strace $0x9000004A  }
0x1c7: {  	s0 =	stileid.u32;
	[bflag:$0x2] =	sbarrier.arrive $0xFFFF  }
0x1c8: {  	p0 =	sne.s32 s0, $0x0;
	s0 =	rddreg [dreg:$0x2]  }
0x1c9: {  	s0 =	sadd.s32 @!p0 $0x100000, s0  }
0x1ca: {  	[sflag:s0] =	ssyncadd.tile.s32 @!p0 $0x1;
	_ =	shalt  }
.Lfunc_end2:
_tile_overlayer_lowered:
.L_overlay_start_2:
0x1cb: {  	(tag) =	ssettag $0x2  }
0x1cc: {  	s0 =	rddreg [dreg:$0x0];
	s2 =	stileid.u32  }
0x1cd: {  	s1 =	rddreg [dreg:$0x1];
	p0 =	sne.s32 s2, $0x0  }
0x1ce: {  	s3 =	rddreg [dreg:$0x2];
	[bflag:$0x3] =	sbarrier.arrive $0xFFFF;
	s2 =	simm.s32 @!p0 $0x1C15  }
0x1cf: {  	[timem:s3], [sflag:s2] =	dma.local @!p0 [hbm:s0], s1  }
0x1d0: {  	s0 =	simm.s32 @!p0 $0x15  }
0x1d1: {  	_ =	swait.ge @!p0 [sflag:s0], s1  }
0x1d2: {  	s1 =	ssub.s32 @!p0 $0x0, s1;
	[sflag:s0] =	ssyncset.done @!p0 $0x0  }
0x1d3: {  	[sflag:s0] =	ssyncadd.s32 @!p0 s1  }
0x1d4: {  	[bflag:$0x3] =	sbarrier.arrive $0xFFFF  }
0x1d5: {  	_ =	shalt  }

// kernel: kernel.14.cloned.1.call-start
scs
__scs_entry_jumppad:
0x0: {  	(pc) =	sbr.rel $0x88, $3  }
0x1: {  	(tag) =	ssettag $0x0;
	lr =	simm.s32 $0x1  }
0x2: {  	[smem:$0x3F97] =	sst lr;
	_ =	strace $0xD0000000  }
0x3: {  	_ = 	snop  }
0x4: {  	_ = 	snop  }
0x5: {  	_ = 	snop  }
0x6: {  	_ = 	snop  }
0x7: {  	_ = 	snop  }
__scs_overlays_trampoline_lowered:
0x8: {  	[smem:$0x3FA6] =	sst s0  }
0x9: {  	[smem:$0x3FA7] =	sst s1  }
0xa: {  	[smem:$0x3FA8] =	sst s2  }
0xb: {  	[smem:$0x3FA9] =	sst s3  }
0xc: {  	[smem:$0x3FAA] =	sst s4  }
0xd: {  	[smem:$0x3FAB] =	sst s5  }
0xe: {  	[smem:$0x3FAC] =	sst s6  }
0xf: {  	[smem:$0x3FAD] =	sst s7  }
0x10: {  	[smem:$0x3FAE] =	sst s8  }
0x11: {  	[smem:$0x3FAF] =	sst s9;
	s0 =	simm.s32 @!p0 $0x0  }
0x12: {  	s1 =	sld [smem:$0x3F95];
	s0 =	simm.s32 @p0 $0x1  }
0x13: {  	[smem:$0x3FB0] =	sst s0;
	s0 =	simm.s32 @!p1 $0x0  }
0x14: {  	s2 =	sld [smem:$0x3F94];
	s0 =	simm.s32 @p1 $0x1  }
0x15: {  	[smem:$0x3FB1] =	sst s0;
	s0 =	simm.s32 @!p2 $0x0  }
0x16: {  	s3 =	sld [smem:$0x3FDB];
	s0 =	simm.s32 @p2 $0x1  }
0x17: {  	s4 =	simm.s32 $0x1BF5;
	[smem:$0x3FB3] =	sst s0  }
0x18: {  	s0 =	sld [smem:$0x3F96];
	_ =	swait.ge [sflag:s4], $0x0  }
0x19: {  	s7 =	sld [smem:$0x3F97]  }
0x1a: {  	s8 =	sadd.s32 $0xFFFFE003, lr  }
0x1b: {  	s9 =	sadd.s32 $0xFFFFFEF7, lr;
	s5 =	simm.s32 $0xFFFFFFFF;
	p2 =	slt.u32 s8, $0xFFFFF086  }
0x1c: {  	p1 =	slt.u32 s9, $0xF7A;
	s5 =	simm.s32 @!p2 $0x0  }
0x1d: {  	s5 =	simm.s32 @p1 $0x1;
	p0 =	seq.s32 s7, s2  }
0x1e: {  	s7 =	smul.u32 @!p0 $0xF7A, s2;
	p2 =	seq.s32 @!p0 s5, $0x0  }
0x1f: {  	s9 =	smul.u32 $0xF7A, s1;
	s8 =	simm.s32 @!p0 $0x1BF5;
	p2 =	por !p2, p0  }
0x20: {  	[sflag:s8] =	ssyncset.s32 @!p0 $0xFFFFF086;
	s6 =	sadd.s32 @!p0 s3, s7;
	s7 =	simm.s32 @!p0 $0x108  }
0x21: {  	s3 =	sadd.s32 s3, s9;
	s6 =	sadd.s32 @!p0 $0x88, s6;
	s7 =	simm.s32 @p2 $0x1082  }
0x22: {  	[simem:s7], [sflag:s8] =	dma.local @!p0 [hbm:s6], $0xF7A  }
0x23: {  	s9 =	sor.u32 $0xD0000000, s2;
	s6 =	simm.s32 $0x108;
	_ =	swait.ge @!p0 [sflag:s8], $0x0  }
0x24: {  	s3 =	sadd.s32 $0x88, s3;
	s6 =	simm.s32 @!p1 $0x1082;
	[sflag:s4] =	ssyncset.s32 $0xFFFFF086  }
0x25: {  	[simem:s6], [sflag:s4] =	dma.local [hbm:s3], $0xF7A  }
0x26: {  	[smem:$0x3F97] =	sst s1;
	(tag) =	ssettag s2;
	_ =	strace s9  }
0x27: {  	s1 =	sld [smem:$0x3FA7]  }
0x28: {  	s2 =	sld [smem:$0x3FA8]  }
0x29: {  	s4 =	sld [smem:$0x3FAA]  }
0x2a: {  	p0 =	seq.s32 s5, $0x0;
	s5 =	sld [smem:$0x3FAB]  }
0x2b: {  	s6 =	sld [smem:$0x3FAC]  }
0x2c: {  	s7 =	sld [smem:$0x3FAD]  }
0x2d: {  	s3 =	simm.s32 $0x108;
	s8 =	sld [smem:$0x3FAE]  }
0x2e: {  	s3 =	simm.s32 @!p0 $0x1082;
	s9 =	sld [smem:$0x3FAF]  }
0x2f: {  	lr =	sadd.s32 s0, s3;
	s0 =	sld [smem:$0x3FA6]  }
0x30: {  	s3 =	sld [smem:$0x3FA9]  }
0x31: {  	[smem:$0x3FB2] =	sst s10  }
0x32: {  	s10 =	sld [smem:$0x3FB0];
	_ =	sdelay $0x3  }
0x33: {  	p0 =	seq.s32 s10, $0x1;
	s10 =	sld [smem:$0x3FB2];
	_ =	sdelay $0x3  }
0x34: {  	[smem:$0x3FB2] =	sst s10  }
0x35: {  	s10 =	sld [smem:$0x3FB1];
	_ =	sdelay $0x3  }
0x36: {  	p1 =	seq.s32 s10, $0x1;
	s10 =	sld [smem:$0x3FB2];
	_ =	sdelay $0x3  }
0x37: {  	[smem:$0x3FB2] =	sst s10  }
0x38: {  	s10 =	sld [smem:$0x3FB3]  }
0x39: {  	_ = 	snop;
	(pc) =	sbr.ind lr, $3  }
0x3a: {  	_ = 	snop  }
0x3b: {  	_ = 	snop  }
0x3c: {  	p2 =	seq.s32 s10, $0x1;
	s10 =	sld [smem:$0x3FB2]  }
0x3d: {  	_ =	shalt  }
0x3e: {  	_ =	shalt  }
0x3f: {  	_ =	shalt  }
0x40: {  	_ =	shalt  }
0x41: {  	_ =	shalt  }
0x42: {  	_ =	shalt  }
0x43: {  	_ =	shalt  }
0x44: {  	_ =	shalt  }
0x45: {  	_ =	shalt  }
0x46: {  	_ =	shalt  }
0x47: {  	_ =	shalt  }
0x48: {  	_ =	shalt  }
0x49: {  	_ =	shalt  }
0x4a: {  	_ =	shalt  }
0x4b: {  	_ =	shalt  }
0x4c: {  	_ =	shalt  }
0x4d: {  	_ =	shalt  }
0x4e: {  	_ =	shalt  }
0x4f: {  	_ =	shalt  }
0x50: {  	_ =	shalt  }
0x51: {  	_ =	shalt  }
0x52: {  	_ =	shalt  }
0x53: {  	_ =	shalt  }
0x54: {  	_ =	shalt  }
0x55: {  	_ =	shalt  }
0x56: {  	_ =	shalt  }
0x57: {  	_ =	shalt  }
0x58: {  	_ =	shalt  }
0x59: {  	_ =	shalt  }
0x5a: {  	_ =	shalt  }
0x5b: {  	_ =	shalt  }
0x5c: {  	_ =	shalt  }
0x5d: {  	_ =	shalt  }
0x5e: {  	_ =	shalt  }
0x5f: {  	_ =	shalt  }
0x60: {  	_ =	shalt  }
0x61: {  	_ =	shalt  }
0x62: {  	_ =	shalt  }
0x63: {  	_ =	shalt  }
0x64: {  	_ =	shalt  }
0x65: {  	_ =	shalt  }
0x66: {  	_ =	shalt  }
0x67: {  	_ =	shalt  }
0x68: {  	_ =	shalt  }
0x69: {  	_ =	shalt  }
0x6a: {  	_ =	shalt  }
0x6b: {  	_ =	shalt  }
0x6c: {  	_ =	shalt  }
0x6d: {  	_ =	shalt  }
0x6e: {  	_ =	shalt  }
0x6f: {  	_ =	shalt  }
0x70: {  	_ =	shalt  }
0x71: {  	_ =	shalt  }
0x72: {  	_ =	shalt  }
0x73: {  	_ =	shalt  }
0x74: {  	_ =	shalt  }
0x75: {  	_ =	shalt  }
0x76: {  	_ =	shalt  }
0x77: {  	_ =	shalt  }
0x78: {  	_ =	shalt  }
0x79: {  	_ =	shalt  }
0x7a: {  	_ =	shalt  }
0x7b: {  	_ =	shalt  }
0x7c: {  	_ =	shalt  }
0x7d: {  	_ =	shalt  }
0x7e: {  	_ =	shalt  }
0x7f: {  	_ =	shalt  }
0x80: {  	_ =	shalt  }
0x81: {  	_ =	shalt  }
0x82: {  	_ =	shalt  }
0x83: {  	_ =	shalt  }
0x84: {  	_ =	shalt  }
0x85: {  	_ =	shalt  }
0x86: {  	_ =	shalt  }
0x87: {  	_ =	shalt  }
.Lfunc_end0:
.L_simem_size_0:
called_computation.2_lowered:
.L_overlay_start_0:
0x88: {  	s2 =	sld [smem:$0x3FD9]  }
0x89: {  	s3 =	sld [smem:$0x3FFE];
	_ =	sdelay $0x1  }
0x8a: {  	s1 =	srdreg.scid  }
0x8b: {  	s0 =	sand.u32 $0x1, s1  }
0x8c: {  	s16 =	sshll.u32 s0, $0xA;
	s2 =	sadd.s32 s3, s2  }
0x8d: {  	s2 =	sadd.s32 s2, s16  }
0x8e: {  	[smem:$0x3FBE] =	sst s2  }
0x8f: {  	_ = 	snop  }
0x90: {  	(tm) =	ssettm $0x1  }
0x91: {  	s17 =	sld [smem:$0x3FFB];
	_ =	sdelay $0x3  }
0x92: {  	_ =	strace s17  }
0x93: {  	s2 =	sld [smem:$0x3FFC];
	_ =	sdelay $0x3  }
0x94: {  	_ =	strace s2  }
0x95: {  	s2 =	sld [smem:$0x3FFD];
	_ =	sdelay $0x3  }
0x96: {  	_ =	strace s2  }
0x97: {  	_ =	strace $0x8FFFFFFF  }
0x98: {  	s18 =	sld [smem:$0x3FDB];
	_ =	sdelay $0x1  }
0x99: {  	s19 =	simm.s32 $_scs_section_size  }
0x9a: {  	s4 =	simm.s32 $_size__tile_overlayer_lowered;
	s5 =	simm.s32 $_tile_overlayer_lowered  }
0x9b: {  	s22 =	simm.s32 $0x1BFF;
	s21 =	sshll.u32 s5, $0x1;
	s2 =	sadd.s32 s19, s18  }
0x9c: {  	s6 =	simm.s32 $0x0;
	s20 =	sshll.u32 s4, $0x1;
	s4 =	sadd.s32 s21, s2  }
0x9d: {  	[timem:s6], [sflag:s22] =	dma.local [hbm:s4], s20  }
0x9e: {  	_ =	swait.ge [sflag:s22], s20  }
0x9f: {  	s3 =	ssub.s32 $0x0, s20;
	[sflag:s22] =	ssyncset.done $0x0  }
0xa0: {  	[sflag:s22] =	ssyncadd.s32 s3;
	_ =	sdelay $0x1  }
0xa1: {  	s23 =	simm.s32 $0x1B8B  }
0xa2: {  	_ =	swait.ge [sflag:s23], $0x1  }
0xa3: {  	[sflag:s23] =	ssyncset.done $0x0  }
0xa4: {  	s25 =	simm.s32 $0x1B8E;
	s24 =	sld [smem:$0x3FFE];
	[sflag:s23] =	ssyncadd.s32 $0xFFFFFFFF  }
0xa5: {  	s26 =	simm.s32 $execute0_lowered;
	[smem:$0x3FD2] =	sst s25  }
0xa6: {  	s4 =	sshll.u32 s26, $0x1;
	_ =	strace $0x8000004C;
	[dreg:$0x1] =	wrdreg $0xFFFFFFFF  }
0xa7: {  	s28 =	simm.s32 $_size_execute0_lowered;
	s2 =	sadd.s32 s2, s4;
	[dreg:$0x0] =	wrdreg $0x0  }
0xa8: {  	s4 =	sshll.u32 s28, $0x1;
	[dreg:$0x2] =	wrdreg s2  }
0xa9: {  	[dreg:$0x3] =	wrdreg s4  }
0xaa: {  	[dreg:$0x4] =	wrdreg $0xC0  }
0xab: {  	_ =	task [dreg:s6], $0x5FFFF  }
0xac: {  	[dreg:$0x1] =	wrdreg $0xFFFFFFFF  }
0xad: {  	[dreg:$0x0] =	wrdreg $0x60  }
0xae: {  	[dreg:$0x2] =	wrdreg s24  }
0xaf: {  	[dreg:$0x3] =	wrdreg $0xA8000  }
0xb0: {  	[dreg:$0x4] =	wrdreg $0x9  }
0xb1: {  	_ =	task.clear_ibuf [dreg:s6], $0x5FFFF;
	_ =	strace $0x9000004C  }
0xb2: {  	s29 =	simm.s32 $0x9;
	_ =	strace $0x8000004E  }
0xb3: {  	_ =	swait.ge [sflag:s29], $0x1  }
0xb4: {  	[sflag:s29] =	ssyncadd.s32 $0xFFFFFFFF  }
0xb5: {  	_ =	strace $0x9000004E  }
0xb6: {  	_ =	sfence  }
0xb7: {  	s30 =	sld [smem:$0x0];
	_ =	sdelay $0x2  }
0xb8: {  	s31 =	sshll.u32 s1, $0xD;
	s1 =	sshrl.u32 s1, $0x2  }
0xb9: {  	s3 =	sand.u32 $0x4000, s31;
	s1 =	sadd.s32 s1, s30  }
0xba: {  	s0 =	sor.u32 s3, s0;
	s1 =	sshll.u32 s1, $0x11  }
0xbb: {  	s0 =	sor.u32 s1, s0  }
0xbc: {  	s0 =	sadd.s32 $0x8F2B, s0  }
0xbd: {  	[sflag:s0] =	ssyncadd.remote.s32 $0x1  }
0xbe: {  	_ =	sfence.sel $0xFFFF  }
0xbf: {  	[dreg:$0x0] =	wrdreg $0xFFFFFFFF;
	(pc) =	sbr.abs _section_cstart, $3  }
0xc0: {  	[dreg:$0x1] =	wrdreg $0xFFFFFFFF  }
0xc1: {  	_ =	task.clear_ibuf [dreg:s6], $0x2FFFF;
	_ =	strace $0x9FFFFFFF  }
0xc2: {  	(tm) =	ssettm $0x7FFFFFFF  }
0xc3: {  	_ =	shalt  }
tec
execute0_lowered:
.L_overlay_start_1:
0x0: {  	(tag) =	ssettag $0x1  }
0x1: {  	s0 =	rddreg [dreg:$0x0]  }
0x2: {  	s1 =	rddreg [dreg:$0x1]  }
0x3: {  	s3 =	simm.s32 $0x0;
	s2 =	srdreg.scid;
	s10 =	stileid.u32  }
0x4: {  	s30 =	simm.s32 $0x2;
	s28 =	simm.s32 $0x13;
	[smem:$0x7FF] =	sst s3  }
0x5: {  	s5 =	sand.u32 $0x1, s2;
	s6 =	smul.u32 $0x14000, s10;
	s4 =	sadd.s32 $0x69800, s0  }
0x6: {  	s29 =	sadd.s32 $0x2E00, s0;
	s24 =	sadd.s32 $0xCC00, s0;
	s7 =	sadd.s32 $0x16A00, s0  }
0x7: {  	s17 =	sshll.u32 s10, $0x1;
	s8 =	smul.u32 $0x50000, s10;
	s20 =	sshll.u32 s10, $0x6  }
0x8: {  	s22 =	smul.u32 $0x4E20, s10;
	_ =	strace $0x8000004D;
	[dreg:$0x13] =	wrdreg s7  }
0x9: {  	s2 =	smul.u32 $0x140000, s5;
	s18 =	ssub.s32 $0x2, s5;
	[dreg:$0x11] =	wrdreg s29  }
0xa: {  	s12 =	sor.u32 $0x1C15, s20;
	[dreg:$0x12] =	wrdreg s24;
	s9 =	sshrl.u32 s18, $0x1  }
0xb: {  	s19 =	sshrl.u32 s8, $0x2;
	[dreg:$0x15] =	wrdreg s12;
	s2 =	sadd.s32 s6, s2  }
0xc: {  	s6 =	sor.u32 s5, s17;
	s5 =	smul.u32 $0x2710, s5;
	s2 =	sshrl.u32 s2, $0x3  }
0xd: {  	s7 =	sadd.s32 s19, s1;
	s6 =	smul.u32 $0x2710, s6;
	s2 =	sadd.s32 s2, s0  }
0xe: {  	[dreg:$0x14] =	wrdreg s7;
	s0 =	ssub.s32 s18, s9;
	s2 =	sadd.s32 $0x90A00, s2  }
0xf: {  	s6 =	sshrl.u32 s6, $0x3;
	s0 =	smax.u32 s0, $0x1;
	[smem:$0x7FB] =	sst s2  }
0x10: {  	s5 =	sadd.s32 s5, s22;
	s21 =	sadd.s32 s29, s6;
	[smem:$0x7FC] =	sst s0  }
0x11: {  	s23 =	sadd.s32 s24, s6;
	s25 =	sadd.s32 $0xA, s6;
	[dreg:$0x16] =	wrdreg s21  }
0x12: {  	s15 =	sadd.s32 $0x3C0, s5;
	[dreg:$0x17] =	wrdreg s23;
	s26 =	sadd.s32 s29, s25  }
0x13: {  	s31 =	sadd.s32 $0x14, s6;
	s8 =	sadd.s32 s24, s25;
	[dreg:$0x18] =	wrdreg s26  }
0x14: {  	s19 =	sadd.s32 $0x370, s5;
	s10 =	sadd.s32 s29, s31;
	[dreg:$0x19] =	wrdreg s8  }
0x15: {  	s11 =	sadd.s32 $0x1E, s6;
	s13 =	sadd.s32 s24, s31;
	[dreg:$0x1a] =	wrdreg s10  }
0x16: {  	s22 =	sadd.s32 $0x320, s5;
	s14 =	sadd.s32 s29, s11;
	[dreg:$0x1b] =	wrdreg s13  }
0x17: {  	s6 =	sadd.s32 $0x28, s6;
	s16 =	sadd.s32 s24, s11;
	[dreg:$0x1c] =	wrdreg s14  }
0x18: {  	s7 =	sshrl.u32 s15, $0x3;
	s17 =	sadd.s32 s29, s6;
	[dreg:$0x1d] =	wrdreg s16  }
0x19: {  	s20 =	sshrl.u32 s19, $0x3;
	s18 =	sadd.s32 s7, s24;
	[dreg:$0x1e] =	wrdreg s17  }
0x1a: {  	s2 =	simm.s32 $0x14;
	s7 =	sadd.s32 s7, s29;
	[dreg:$0x3] =	wrdreg s18  }
0x1b: {  	s21 =	sadd.s32 s20, s24;
	s23 =	sadd.s32 s20, s29;
	[dreg:$0x4] =	wrdreg s7  }
0x1c: {  	s25 =	sshrl.u32 s22, $0x3;
	s31 =	sadd.s32 $0x2D0, s5;
	[dreg:$0x5] =	wrdreg s21  }
0x1d: {  	s6 =	sadd.s32 s24, s6;
	[dreg:$0x6] =	wrdreg s23;
	s26 =	sadd.s32 s25, s24  }
0x1e: {  	s8 =	sadd.s32 s25, s29;
	s10 =	sshrl.u32 s31, $0x3;
	s13 =	sadd.s32 $0x230, s5  }
0x1f: {  	s17 =	sadd.s32 $0x1E0, s5;
	s21 =	sadd.s32 $0x190, s5;
	[dreg:$0x1f] =	wrdreg s6  }
0x20: {  	s31 =	sadd.s32 $0x280, s5;
	s7 =	simm.s32 $0x3;
	[dreg:$0x7] =	wrdreg s26  }
0x21: {  	s5 =	simm.s32 $0x12;
	s6 =	simm.s32 $0x0;
	[dreg:$0x8] =	wrdreg s8  }
0x22: {  	s11 =	sadd.s32 s10, s24;
	s14 =	sadd.s32 s10, s29;
	[smem:$0x7FD] =	sst s31  }
0x23: {  	s15 =	sshrl.u32 s13, $0x3;
	s19 =	sshrl.u32 s17, $0x3;
	[dreg:$0x9] =	wrdreg s11  }
0x24: {  	s23 =	sshrl.u32 s21, $0x3;
	[dreg:$0xa] =	wrdreg s14;
	s16 =	sadd.s32 s15, s24  }
0x25: {  	s10 =	simm.s32 $0x50;
	s18 =	sadd.s32 s15, s29;
	[dreg:$0xb] =	wrdreg s16  }
0x26: {  	s13 =	simm.s32 $0xA;
	s20 =	sadd.s32 s19, s24;
	[dreg:$0xc] =	wrdreg s18  }
0x27: {  	s8 =	simm.s32 $0xB;
	s22 =	sadd.s32 s19, s29;
	[dreg:$0xd] =	wrdreg s20  }
0x28: {  	s25 =	sadd.s32 s23, s24;
	s26 =	sadd.s32 s23, s29;
	[dreg:$0xe] =	wrdreg s22  }
0x29: {  	s23 =	simm.s32 $0x15;
	s19 =	simm.s32 $0x80;
	[dreg:$0xf] =	wrdreg s25  }
0x2a: {  	s15 =	simm.s32 $0x280;
	[dreg:$0x10] =	wrdreg s26;
	s16 =	simm.s32 $0x100  }
0x2b: {  	s25 =	simm.s32 $0x1;
	s26 =	simm.s32 $0x9;
	s18 =	simm.s32 $0x11  }
.LBB2_1:
0x2c: {  	[smem:$0x7F9] =	sst s6  }
0x2d: {  	s0 =	rddreg [dreg:$0x14]  }
0x2e: {  	s17 =	rddreg [dreg:$0x13];
	s14 =	sshrl.u32 s0, $0x3  }
0x2f: {  	[smem:$0x7FA] =	sst s14  }
0x30: {  	[spmem:s14], [sflag:s12] =	dma.local [hbm:s17], $0x2800  }
0x31: {  	_ =	swait.ge [sflag:s23], $0x2800  }
0x32: {  	[sflag:s23] =	ssyncset.done $0x0  }
0x33: {  	[sflag:s23] =	ssyncadd.s32 $0xFFFFD800  }
0x34: {  	[bflag:$0x0] =	sbarrier.arrive $0xFFFF  }
0x35: {  	s20 =	rddreg [dreg:$0x16]  }
0x36: {  	[tilespmem:s3], [sflag:$0x1] =	stream.linear.gather [hbm4b:s20+s3], $0x50, $0x38;
	[tilespmem:$0x1E800] =	vst v63  }
0x37: {  	s12 =	simm.s32 $0x400;
	s21 =	rddreg [dreg:$0x17]  }
0x38: {  	[tilespmem:s12], [sflag:$0x9] =	stream.linear.gather [hbm4b:s21+s3], $0x50, $0x38;
	[tilespmem:$0x1E800] =	vst v63  }
0x39: {  	s22 =	rddreg [dreg:$0x18]  }
0x3a: {  	[tilespmem:s19], [sflag:$0x2] =	stream.linear.gather [hbm4b:s22+s3], $0x50, $0x38;
	[tilespmem:$0x1E800] =	vst v63  }
0x3b: {  	s9 =	simm.s32 $0x480;
	s6 =	rddreg [dreg:$0x19]  }
0x3c: {  	[tilespmem:s9], [sflag:$0xA] =	stream.linear.gather [hbm4b:s6+s3], $0x50, $0x38;
	[tilespmem:$0x1E800] =	vst v63  }
0x3d: {  	s11 =	rddreg [dreg:$0x1a]  }
0x3e: {  	[tilespmem:s16], [sflag:$0x3] =	stream.linear.gather [hbm4b:s11+s3], $0x50, $0x38;
	[tilespmem:$0x1E800] =	vst v63  }
0x3f: {  	s17 =	simm.s32 $0x500;
	s14 =	rddreg [dreg:$0x1b]  }
0x40: {  	[tilespmem:s17], [sflag:$0xB] =	stream.linear.gather [hbm4b:s14+s3], $0x50, $0x38;
	[tilespmem:$0x1E800] =	vst v63  }
0x41: {  	s20 =	rddreg [dreg:$0x1c];
	s21 =	simm.s32 $0x180  }
0x42: {  	[tilespmem:s21], [sflag:$0x4] =	stream.linear.gather [hbm4b:s20+s3], $0x50, $0x38;
	[tilespmem:$0x1E800] =	vst v63  }
0x43: {  	s6 =	rddreg [dreg:$0x1d];
	s11 =	simm.s32 $0x580  }
0x44: {  	[tilespmem:s11], [sflag:$0xC] =	stream.linear.gather [hbm4b:s6+s3], $0x50, $0x38;
	[tilespmem:$0x1E800] =	vst v63  }
0x45: {  	s14 =	rddreg [dreg:$0x1e];
	s17 =	simm.s32 $0x200  }
0x46: {  	[tilespmem:s17], [sflag:$0x5] =	stream.linear.gather [hbm4b:s14+s3], $0x50, $0x38;
	[tilespmem:$0x1E800] =	vst v63  }
0x47: {  	s21 =	rddreg [dreg:$0x1f];
	s11 =	simm.s32 $0x600  }
0x48: {  	[tilespmem:s11], [sflag:$0xD] =	stream.linear.gather [hbm4b:s21+s3], $0x50, $0x38;
	[tilespmem:$0x1E800] =	vst v63  }
0x49: {  	_ =	swait.ge [sflag:s25], $0x50  }
0x4a: {  	[sflag:s25] =	ssyncset.done $0x0  }
0x4b: {  	[sflag:s25] =	ssyncadd.s32 $0xFFFFFFB0  }
0x4c: {  	_ =	swait.ge [sflag:s26], $0x50  }
0x4d: {  	[sflag:s26] =	ssyncset.done $0x0  }
0x4e: {  	s14 =	simm.s32 $0x800;
	[sflag:s26] =	ssyncadd.s32 $0xFFFFFFB0  }
0x4f: {  	[tilespmem:s14], [sflag:$0x11] =	stream.indirect.gather [hbm4b:s4+s10], $0x80, s3, s10, $0xb8;
	[tilespmem:$0x1E800] =	vst v63  }
0x50: {  	_ =	swait.ge [sflag:s30], $0x50  }
0x51: {  	[sflag:s30] =	ssyncset.done $0x0  }
0x52: {  	[sflag:s30] =	ssyncadd.s32 $0xFFFFFFB0  }
0x53: {  	_ =	swait.ge [sflag:s13], $0x50  }
0x54: {  	[sflag:s13] =	ssyncset.done $0x0  }
0x55: {  	s17 =	simm.s32 $0x3000;
	[sflag:s13] =	ssyncadd.s32 $0xFFFFFFB0  }
0x56: {  	[tilespmem:s17], [sflag:$0x12] =	stream.indirect.gather [hbm4b:s4+s10], $0x80, s19, s10, $0xb8;
	[tilespmem:$0x1E800] =	vst v63  }
0x57: {  	_ =	swait.ge [sflag:s7], $0x50  }
0x58: {  	[sflag:s7] =	ssyncset.done $0x0  }
0x59: {  	[sflag:s7] =	ssyncadd.s32 $0xFFFFFFB0  }
0x5a: {  	_ =	swait.ge [sflag:s8], $0x50  }
0x5b: {  	[sflag:s8] =	ssyncset.done $0x0  }
0x5c: {  	s21 =	simm.s32 $0x5800;
	[sflag:s8] =	ssyncadd.s32 $0xFFFFFFB0  }
0x5d: {  	[tilespmem:s21], [sflag:$0x13] =	stream.indirect.gather [hbm4b:s4+s10], $0x80, s16, s10, $0xb8;
	[tilespmem:$0x1E800] =	vst v63  }
0x5e: {  	_ =	swait.ge [sflag:s18], $0x2800  }
0x5f: {  	[sflag:s18] =	ssyncset.done $0x0  }
0x60: {  	s8 =	simm.s32 $0x4;
	[sflag:s18] =	ssyncadd.s32 $0xFFFFD800  }
0x61: {  	_ =	swait.ge [sflag:s8], $0x50  }
0x62: {  	[sflag:s8] =	ssyncset.done $0x0  }
0x63: {  	s11 =	simm.s32 $0xC;
	[sflag:s8] =	ssyncadd.s32 $0xFFFFFFB0  }
0x64: {  	_ =	swait.ge [sflag:s11], $0x50  }
0x65: {  	[sflag:s11] =	ssyncset.done $0x0  }
0x66: {  	s20 =	simm.s32 $0x180;
	[sflag:s11] =	ssyncadd.s32 $0xFFFFFFB0;
	s11 =	simm.s32 $0x8000  }
0x67: {  	[tilespmem:s11], [sflag:$0x14] =	stream.indirect.gather [hbm4b:s4+s10], $0x80, s20, s10, $0xb8;
	[tilespmem:$0x1E800] =	vst v63  }
0x68: {  	_ = 	snop  }
0x69: {  	[spmem:s1] =	stream.indirect.scatter.add.f32 [tilespmem:s14], [sflag:$0x15], $0x80, s12, s10, $0xb8;
	[tilespmem:$0x1E800] =	vst v63  }
0x6a: {  	_ =	swait.ge [sflag:s23], $0x2800  }
0x6b: {  	s7 =	rddreg [dreg:$0x10];
	[sflag:s23] =	ssyncset.done $0x0  }
0x6c: {  	s8 =	rddreg [dreg:$0xf];
	[sflag:s23] =	ssyncadd.s32 $0xFFFFD800;
	s0 =	sadd.s32 $0x0, s7  }
0x6d: {  	[tilespmem:s15], [sflag:$0x6] =	stream.linear.gather [hbm4b:s0+s3], $0x50, $0x38;
	[tilespmem:$0x1E800] =	vst v63  }
0x6e: {  	s31 =	simm.s32 $0x680;
	s20 =	sadd.s32 $0x0, s8  }
0x6f: {  	[tilespmem:s31], [sflag:$0xE] =	stream.linear.gather [hbm4b:s20+s3], $0x50, $0x38;
	[tilespmem:$0x1E800] =	vst v63  }
0x70: {  	_ =	swait.ge [sflag:s5], $0x2800  }
0x71: {  	[sflag:s5] =	ssyncset.done $0x0  }
0x72: {  	s7 =	simm.s32 $0x5;
	[sflag:s5] =	ssyncadd.s32 $0xFFFFD800  }
0x73: {  	_ =	swait.ge [sflag:s7], $0x50  }
0x74: {  	[sflag:s7] =	ssyncset.done $0x0  }
0x75: {  	s8 =	simm.s32 $0xD;
	[sflag:s7] =	ssyncadd.s32 $0xFFFFFFB0  }
0x76: {  	_ =	swait.ge [sflag:s8], $0x50  }
0x77: {  	[sflag:s8] =	ssyncset.done $0x0  }
0x78: {  	s6 =	simm.s32 $0x200;
	[sflag:s8] =	ssyncadd.s32 $0xFFFFFFB0  }
0x79: {  	[tilespmem:s14], [sflag:$0x11] =	stream.indirect.gather [hbm4b:s4+s10], $0x80, s6, s10, $0xb8;
	[tilespmem:$0x1E800] =	vst v63  }
0x7a: {  	_ = 	snop  }
0x7b: {  	[spmem:s1] =	stream.indirect.scatter.add.f32 [tilespmem:s17], [sflag:$0x15], $0x80, s9, s10, $0xb8;
	[tilespmem:$0x1E800] =	vst v63  }
0x7c: {  	_ =	swait.ge [sflag:s23], $0x2800  }
0x7d: {  	s8 =	simm.s32 $0x300;
	s20 =	rddreg [dreg:$0xe];
	[sflag:s23] =	ssyncset.done $0x0  }
0x7e: {  	s6 =	rddreg [dreg:$0xd];
	[sflag:s23] =	ssyncadd.s32 $0xFFFFD800;
	s0 =	sadd.s32 $0x0, s20  }
0x7f: {  	[tilespmem:s8], [sflag:$0x7] =	stream.linear.gather [hbm4b:s0+s3], $0x50, $0x38;
	[tilespmem:$0x1E800] =	vst v63  }
0x80: {  	s7 =	sadd.s32 $0x0, s6;
	s20 =	simm.s32 $0x700  }
0x81: {  	[tilespmem:s20], [sflag:$0xF] =	stream.linear.gather [hbm4b:s7+s3], $0x50, $0x38;
	[tilespmem:$0x1E800] =	vst v63  }
0x82: {  	_ =	swait.ge [sflag:s28], $0x2800  }
0x83: {  	[sflag:s28] =	ssyncset.done $0x0  }
0x84: {  	s6 =	simm.s32 $0x6;
	[sflag:s28] =	ssyncadd.s32 $0xFFFFD800  }
0x85: {  	_ =	swait.ge [sflag:s6], $0x50  }
0x86: {  	[sflag:s6] =	ssyncset.done $0x0  }
0x87: {  	s7 =	simm.s32 $0xE;
	[sflag:s6] =	ssyncadd.s32 $0xFFFFFFB0  }
0x88: {  	_ =	swait.ge [sflag:s7], $0x50  }
0x89: {  	[sflag:s7] =	ssyncset.done $0x0  }
0x8a: {  	[sflag:s7] =	ssyncadd.s32 $0xFFFFFFB0  }
0x8b: {  	[tilespmem:s17], [sflag:$0x12] =	stream.indirect.gather [hbm4b:s4+s10], $0x80, s15, s10, $0xb8;
	[tilespmem:$0x1E800] =	vst v63  }
0x8c: {  	s22 =	simm.s32 $0x500  }
0x8d: {  	[spmem:s1] =	stream.indirect.scatter.add.f32 [tilespmem:s21], [sflag:$0x15], $0x80, s22, s10, $0xb8;
	[tilespmem:$0x1E800] =	vst v63  }
0x8e: {  	_ =	swait.ge [sflag:s23], $0x2800  }
0x8f: {  	s15 =	simm.s32 $0x380;
	s22 =	rddreg [dreg:$0xc];
	[sflag:s23] =	ssyncset.done $0x0  }
0x90: {  	s6 =	rddreg [dreg:$0xb];
	[sflag:s23] =	ssyncadd.s32 $0xFFFFD800;
	s0 =	sadd.s32 $0x0, s22  }
0x91: {  	[tilespmem:s15], [sflag:$0x8] =	stream.linear.gather [hbm4b:s0+s3], $0x50, $0x38;
	[tilespmem:$0x1E800] =	vst v63  }
0x92: {  	s7 =	sadd.s32 $0x0, s6;
	s22 =	simm.s32 $0x780  }
0x93: {  	[tilespmem:s22], [sflag:$0x10] =	stream.linear.gather [hbm4b:s7+s3], $0x50, $0x38;
	[tilespmem:$0x1E800] =	vst v63  }
0x94: {  	_ =	swait.ge [sflag:s2], $0x2800  }
0x95: {  	[sflag:s2] =	ssyncset.done $0x0  }
0x96: {  	s6 =	simm.s32 $0x7;
	[sflag:s2] =	ssyncadd.s32 $0xFFFFD800  }
0x97: {  	_ =	swait.ge [sflag:s6], $0x50  }
0x98: {  	[sflag:s6] =	ssyncset.done $0x0  }
0x99: {  	s7 =	simm.s32 $0xF;
	[sflag:s6] =	ssyncadd.s32 $0xFFFFFFB0  }
0x9a: {  	_ =	swait.ge [sflag:s7], $0x50  }
0x9b: {  	[sflag:s7] =	ssyncset.done $0x0  }
0x9c: {  	[sflag:s7] =	ssyncadd.s32 $0xFFFFFFB0  }
0x9d: {  	[tilespmem:s21], [sflag:$0x13] =	stream.indirect.gather [hbm4b:s4+s10], $0x80, s8, s10, $0xb8;
	[tilespmem:$0x1E800] =	vst v63  }
0x9e: {  	s8 =	simm.s32 $0x580  }
0x9f: {  	[spmem:s1] =	stream.indirect.scatter.add.f32 [tilespmem:s11], [sflag:$0x15], $0x80, s8, s10, $0xb8;
	[tilespmem:$0x1E800] =	vst v63  }
0xa0: {  	_ =	swait.ge [sflag:s23], $0x2800  }
0xa1: {  	s8 =	sld [smem:$0x7FD];
	_ =	sdelay $0x2  }
0xa2: {  	[sflag:s23] =	ssyncset.done $0x0;
	s0 =	sshrl.u32 s8, $0x3  }
0xa3: {  	[sflag:s23] =	ssyncadd.s32 $0xFFFFD800;
	s29 =	sadd.s32 s29, s0  }
0xa4: {  	[tilespmem:s3], [sflag:$0x1] =	stream.linear.gather [hbm4b:s29+s3], $0x50, $0x38;
	[tilespmem:$0x1E800] =	vst v63  }
0xa5: {  	s0 =	sadd.s32 s24, s0  }
0xa6: {  	[tilespmem:s12], [sflag:$0x9] =	stream.linear.gather [hbm4b:s0+s3], $0x50, $0x38;
	[tilespmem:$0x1E800] =	vst v63  }
0xa7: {  	_ =	swait.ge [sflag:s18], $0x2800  }
0xa8: {  	[sflag:s18] =	ssyncset.done $0x0  }
0xa9: {  	s29 =	simm.s32 $0x8;
	[sflag:s18] =	ssyncadd.s32 $0xFFFFD800  }
0xaa: {  	_ =	swait.ge [sflag:s29], $0x50  }
0xab: {  	[sflag:s29] =	ssyncset.done $0x0  }
0xac: {  	s7 =	simm.s32 $0x10;
	[sflag:s29] =	ssyncadd.s32 $0xFFFFFFB0  }
0xad: {  	_ =	swait.ge [sflag:s7], $0x50  }
0xae: {  	[sflag:s7] =	ssyncset.done $0x0  }
0xaf: {  	[sflag:s7] =	ssyncadd.s32 $0xFFFFFFB0  }
0xb0: {  	[tilespmem:s11], [sflag:$0x14] =	stream.indirect.gather [hbm4b:s4+s10], $0x80, s15, s10, $0xb8;
	[tilespmem:$0x1E800] =	vst v63  }
0xb1: {  	s12 =	simm.s32 $0x600  }
0xb2: {  	[spmem:s1] =	stream.indirect.scatter.add.f32 [tilespmem:s14], [sflag:$0x15], $0x80, s12, s10, $0xb8;
	[tilespmem:$0x1E800] =	vst v63  }
0xb3: {  	_ =	swait.ge [sflag:s23], $0x2800  }
0xb4: {  	s15 =	rddreg [dreg:$0xa];
	[sflag:s23] =	ssyncset.done $0x0  }
0xb5: {  	s24 =	rddreg [dreg:$0x9];
	[sflag:s23] =	ssyncadd.s32 $0xFFFFD800;
	s0 =	sadd.s32 $0x0, s15  }
0xb6: {  	[tilespmem:s19], [sflag:$0x2] =	stream.linear.gather [hbm4b:s0+s3], $0x50, $0x38;
	[tilespmem:$0x1E800] =	vst v63  }
0xb7: {  	s29 =	sadd.s32 $0x0, s24  }
0xb8: {  	[tilespmem:s9], [sflag:$0xA] =	stream.linear.gather [hbm4b:s29+s3], $0x50, $0x38;
	[tilespmem:$0x1E800] =	vst v63  }
0xb9: {  	_ =	swait.ge [sflag:s5], $0x2800  }
0xba: {  	[sflag:s5] =	ssyncset.done $0x0  }
0xbb: {  	[sflag:s5] =	ssyncadd.s32 $0xFFFFD800  }
0xbc: {  	_ =	swait.ge [sflag:s25], $0x50  }
0xbd: {  	[sflag:s25] =	ssyncset.done $0x0  }
0xbe: {  	[sflag:s25] =	ssyncadd.s32 $0xFFFFFFB0  }
0xbf: {  	_ =	swait.ge [sflag:s26], $0x50  }
0xc0: {  	[sflag:s26] =	ssyncset.done $0x0  }
0xc1: {  	[sflag:s26] =	ssyncadd.s32 $0xFFFFFFB0  }
0xc2: {  	[tilespmem:s14], [sflag:$0x11] =	stream.indirect.gather [hbm4b:s4+s10], $0x80, s3, s10, $0xb8;
	[tilespmem:$0x1E800] =	vst v63  }
0xc3: {  	_ = 	snop  }
0xc4: {  	[spmem:s1] =	stream.indirect.scatter.add.f32 [tilespmem:s17], [sflag:$0x15], $0x80, s31, s10, $0xb8;
	[tilespmem:$0x1E800] =	vst v63  }
0xc5: {  	_ =	swait.ge [sflag:s23], $0x2800  }
0xc6: {  	s7 =	rddreg [dreg:$0x8];
	[sflag:s23] =	ssyncset.done $0x0  }
0xc7: {  	s9 =	rddreg [dreg:$0x7];
	[sflag:s23] =	ssyncadd.s32 $0xFFFFD800;
	s0 =	sadd.s32 $0x0, s7  }
0xc8: {  	[tilespmem:s16], [sflag:$0x3] =	stream.linear.gather [hbm4b:s0+s3], $0x50, $0x38;
	[tilespmem:$0x1E800] =	vst v63  }
0xc9: {  	s14 =	simm.s32 $0x500;
	s12 =	sadd.s32 $0x0, s9  }
0xca: {  	[tilespmem:s14], [sflag:$0xB] =	stream.linear.gather [hbm4b:s12+s3], $0x50, $0x38;
	[tilespmem:$0x1E800] =	vst v63  }
0xcb: {  	_ =	swait.ge [sflag:s28], $0x2800  }
0xcc: {  	[sflag:s28] =	ssyncset.done $0x0  }
0xcd: {  	[sflag:s28] =	ssyncadd.s32 $0xFFFFD800  }
0xce: {  	_ =	swait.ge [sflag:s30], $0x50  }
0xcf: {  	[sflag:s30] =	ssyncset.done $0x0  }
0xd0: {  	[sflag:s30] =	ssyncadd.s32 $0xFFFFFFB0  }
0xd1: {  	_ =	swait.ge [sflag:s13], $0x50  }
0xd2: {  	[sflag:s13] =	ssyncset.done $0x0  }
0xd3: {  	[sflag:s13] =	ssyncadd.s32 $0xFFFFFFB0  }
0xd4: {  	[tilespmem:s17], [sflag:$0x12] =	stream.indirect.gather [hbm4b:s4+s10], $0x80, s19, s10, $0xb8;
	[tilespmem:$0x1E800] =	vst v63  }
0xd5: {  	_ = 	snop  }
0xd6: {  	[spmem:s1] =	stream.indirect.scatter.add.f32 [tilespmem:s21], [sflag:$0x15], $0x80, s20, s10, $0xb8;
	[tilespmem:$0x1E800] =	vst v63  }
0xd7: {  	_ =	swait.ge [sflag:s23], $0x2800  }
0xd8: {  	s19 =	simm.s32 $0x180;
	s15 =	rddreg [dreg:$0x6];
	[sflag:s23] =	ssyncset.done $0x0  }
0xd9: {  	s17 =	rddreg [dreg:$0x5];
	[sflag:s23] =	ssyncadd.s32 $0xFFFFD800;
	s0 =	sadd.s32 $0x0, s15  }
0xda: {  	[tilespmem:s19], [sflag:$0x4] =	stream.linear.gather [hbm4b:s0+s3], $0x50, $0x38;
	[tilespmem:$0x1E800] =	vst v63  }
0xdb: {  	s24 =	simm.s32 $0x580;
	s20 =	sadd.s32 $0x0, s17  }
0xdc: {  	[tilespmem:s24], [sflag:$0xC] =	stream.linear.gather [hbm4b:s20+s3], $0x50, $0x38;
	[tilespmem:$0x1E800] =	vst v63  }
0xdd: {  	_ =	swait.ge [sflag:s2], $0x2800  }
0xde: {  	[sflag:s2] =	ssyncset.done $0x0  }
0xdf: {  	s25 =	simm.s32 $0x3;
	[sflag:s2] =	ssyncadd.s32 $0xFFFFD800  }
0xe0: {  	_ =	swait.ge [sflag:s25], $0x50  }
0xe1: {  	[sflag:s25] =	ssyncset.done $0x0  }
0xe2: {  	s6 =	simm.s32 $0xB;
	[sflag:s25] =	ssyncadd.s32 $0xFFFFFFB0  }
0xe3: {  	_ =	swait.ge [sflag:s6], $0x50  }
0xe4: {  	[sflag:s6] =	ssyncset.done $0x0  }
0xe5: {  	[sflag:s6] =	ssyncadd.s32 $0xFFFFFFB0  }
0xe6: {  	[tilespmem:s21], [sflag:$0x13] =	stream.indirect.gather [hbm4b:s4+s10], $0x80, s16, s10, $0xb8;
	[tilespmem:$0x1E800] =	vst v63  }
0xe7: {  	_ = 	snop  }
0xe8: {  	[spmem:s1] =	stream.indirect.scatter.add.f32 [tilespmem:s11], [sflag:$0x15], $0x80, s22, s10, $0xb8;
	[tilespmem:$0x1E800] =	vst v63  }
0xe9: {  	s31 =	simm.s32 $0x50;
	_ =	swait.ge [sflag:s23], $0x2800  }
0xea: {  	s30 =	simm.s32 $0x200;
	s26 =	rddreg [dreg:$0x4];
	[sflag:s23] =	ssyncset.done $0x0  }
0xeb: {  	s29 =	rddreg [dreg:$0x3];
	[sflag:s23] =	ssyncadd.s32 $0xFFFFD800;
	s0 =	sadd.s32 $0x0, s26  }
0xec: {  	[tilespmem:s30], [sflag:$0x5] =	stream.linear.gather [hbm4b:s0+s3], $0x50, $0x38;
	[tilespmem:$0x1E800] =	vst v63  }
0xed: {  	s24 =	simm.s32 $0x2;
	s7 =	sadd.s32 $0x0, s29;
	s0 =	sadd.s32 $0x280, s8  }
.LBB2_2:
0xee: {  	s20 =	simm.s32 $0x600  }
0xef: {  	[tilespmem:s20], [sflag:$0xD] =	stream.linear.gather [hbm4b:s7+s3], $0x50, $0x38;
	[tilespmem:$0x1E800] =	vst v63  }
0xf0: {  	_ =	swait.ge [sflag:s18], $0x2800  }
0xf1: {  	[sflag:s18] =	ssyncset.done $0x0  }
0xf2: {  	s6 =	simm.s32 $0x4;
	[sflag:s18] =	ssyncadd.s32 $0xFFFFD800  }
0xf3: {  	_ =	swait.ge [sflag:s6], $0x50  }
0xf4: {  	[sflag:s6] =	ssyncset.done $0x0  }
0xf5: {  	s11 =	simm.s32 $0xC;
	[sflag:s6] =	ssyncadd.s32 $0xFFFFFFB0  }
0xf6: {  	_ =	swait.ge [sflag:s11], $0x50  }
0xf7: {  	[sflag:s11] =	ssyncset.done $0x0  }
0xf8: {  	s30 =	simm.s32 $0x180;
	[sflag:s11] =	ssyncadd.s32 $0xFFFFFFB0;
	s11 =	simm.s32 $0x8000  }
0xf9: {  	[tilespmem:s11], [sflag:$0x14] =	stream.indirect.gather [hbm4b:s4+s10], $0x80, s30, s10, $0xb8;
	[tilespmem:$0x1E800] =	vst v63  }
0xfa: {  	s19 =	simm.s32 $0x400;
	s14 =	simm.s32 $0x800  }
0xfb: {  	[spmem:s1] =	stream.indirect.scatter.add.f32 [tilespmem:s14], [sflag:$0x15], $0x80, s19, s10, $0xb8;
	[tilespmem:$0x1E800] =	vst v63  }
0xfc: {  	s16 =	simm.s32 $0x280;
	_ =	swait.ge [sflag:s23], $0x2800  }
0xfd: {  	s7 =	smov.u32 s31;
	s8 =	rddreg [dreg:$0x10];
	[sflag:s23] =	ssyncset.done $0x0  }
0xfe: {  	s12 =	rddreg [dreg:$0xf];
	[sflag:s23] =	ssyncadd.s32 $0xFFFFD800;
	s8 =	sadd.s32 s7, s8  }
0xff: {  	[tilespmem:s16], [sflag:$0x6] =	stream.linear.gather [hbm4b:s8+s3], $0x50, $0x38;
	[tilespmem:$0x1E800] =	vst v63  }
0x100: {  	s15 =	simm.s32 $0x680;
	s12 =	sadd.s32 s7, s12  }
0x101: {  	[tilespmem:s15], [sflag:$0xE] =	stream.linear.gather [hbm4b:s12+s3], $0x50, $0x38;
	[tilespmem:$0x1E800] =	vst v63  }
0x102: {  	_ =	swait.ge [sflag:s5], $0x2800  }
0x103: {  	[sflag:s5] =	ssyncset.done $0x0  }
0x104: {  	s13 =	simm.s32 $0x5;
	[sflag:s5] =	ssyncadd.s32 $0xFFFFD800  }
0x105: {  	_ =	swait.ge [sflag:s13], $0x50  }
0x106: {  	[sflag:s13] =	ssyncset.done $0x0  }
0x107: {  	s17 =	simm.s32 $0xD;
	[sflag:s13] =	ssyncadd.s32 $0xFFFFFFB0  }
0x108: {  	_ =	swait.ge [sflag:s17], $0x50  }
0x109: {  	[sflag:s17] =	ssyncset.done $0x0  }
0x10a: {  	s22 =	simm.s32 $0x200;
	[sflag:s17] =	ssyncadd.s32 $0xFFFFFFB0  }
0x10b: {  	[tilespmem:s14], [sflag:$0x11] =	stream.indirect.gather [hbm4b:s4+s10], $0x80, s22, s10, $0xb8;
	[tilespmem:$0x1E800] =	vst v63  }
0x10c: {  	s6 =	simm.s32 $0x480;
	s17 =	simm.s32 $0x3000  }
0x10d: {  	[spmem:s1] =	stream.indirect.scatter.add.f32 [tilespmem:s17], [sflag:$0x15], $0x80, s6, s10, $0xb8;
	[tilespmem:$0x1E800] =	vst v63  }
0x10e: {  	_ =	swait.ge [sflag:s23], $0x2800  }
0x10f: {  	s9 =	simm.s32 $0x300;
	s21 =	rddreg [dreg:$0xe];
	[sflag:s23] =	ssyncset.done $0x0  }
0x110: {  	s25 =	rddreg [dreg:$0xd];
	[sflag:s23] =	ssyncadd.s32 $0xFFFFD800;
	s8 =	sadd.s32 s7, s21  }
0x111: {  	[tilespmem:s9], [sflag:$0x7] =	stream.linear.gather [hbm4b:s8+s3], $0x50, $0x38;
	[tilespmem:$0x1E800] =	vst v63  }
0x112: {  	s13 =	simm.s32 $0x700;
	s26 =	sadd.s32 s7, s25  }
0x113: {  	[tilespmem:s13], [sflag:$0xF] =	stream.linear.gather [hbm4b:s26+s3], $0x50, $0x38;
	[tilespmem:$0x1E800] =	vst v63  }
0x114: {  	_ =	swait.ge [sflag:s28], $0x2800  }
0x115: {  	[sflag:s28] =	ssyncset.done $0x0  }
0x116: {  	s12 =	simm.s32 $0x6;
	[sflag:s28] =	ssyncadd.s32 $0xFFFFD800  }
0x117: {  	_ =	swait.ge [sflag:s12], $0x50  }
0x118: {  	[sflag:s12] =	ssyncset.done $0x0  }
0x119: {  	s21 =	simm.s32 $0xE;
	[sflag:s12] =	ssyncadd.s32 $0xFFFFFFB0  }
0x11a: {  	_ =	swait.ge [sflag:s21], $0x50  }
0x11b: {  	[sflag:s21] =	ssyncset.done $0x0  }
0x11c: {  	[sflag:s21] =	ssyncadd.s32 $0xFFFFFFB0  }
0x11d: {  	[tilespmem:s17], [sflag:$0x12] =	stream.indirect.gather [hbm4b:s4+s10], $0x80, s16, s10, $0xb8;
	[tilespmem:$0x1E800] =	vst v63  }
0x11e: {  	s29 =	simm.s32 $0x500;
	s21 =	simm.s32 $0x5800  }
0x11f: {  	[spmem:s1] =	stream.indirect.scatter.add.f32 [tilespmem:s21], [sflag:$0x15], $0x80, s29, s10, $0xb8;
	[tilespmem:$0x1E800] =	vst v63  }
0x120: {  	_ =	swait.ge [sflag:s23], $0x2800  }
0x121: {  	s25 =	rddreg [dreg:$0xc]  }
0x122: {  	[sflag:s23] =	ssyncset.done $0x0;
	s26 =	rddreg [dreg:$0xb]  }
0x123: {  	[sflag:s23] =	ssyncadd.s32 $0xFFFFD800;
	s8 =	sadd.s32 s7, s25;
	s25 =	simm.s32 $0x380  }
0x124: {  	[tilespmem:s25], [sflag:$0x8] =	stream.linear.gather [hbm4b:s8+s3], $0x50, $0x38;
	[tilespmem:$0x1E800] =	vst v63  }
0x125: {  	s12 =	sadd.s32 s7, s26;
	s26 =	simm.s32 $0x780  }
0x126: {  	[tilespmem:s26], [sflag:$0x10] =	stream.linear.gather [hbm4b:s12+s3], $0x50, $0x38;
	[tilespmem:$0x1E800] =	vst v63  }
0x127: {  	_ =	swait.ge [sflag:s2], $0x2800  }
0x128: {  	[sflag:s2] =	ssyncset.done $0x0  }
0x129: {  	s16 =	simm.s32 $0x7;
	[sflag:s2] =	ssyncadd.s32 $0xFFFFD800  }
0x12a: {  	_ =	swait.ge [sflag:s16], $0x50  }
0x12b: {  	[sflag:s16] =	ssyncset.done $0x0  }
0x12c: {  	s12 =	simm.s32 $0xF;
	[sflag:s16] =	ssyncadd.s32 $0xFFFFFFB0  }
0x12d: {  	_ =	swait.ge [sflag:s12], $0x50  }
0x12e: {  	[sflag:s12] =	ssyncset.done $0x0  }
0x12f: {  	[sflag:s12] =	ssyncadd.s32 $0xFFFFFFB0  }
0x130: {  	[tilespmem:s21], [sflag:$0x13] =	stream.indirect.gather [hbm4b:s4+s10], $0x80, s9, s10, $0xb8;
	[tilespmem:$0x1E800] =	vst v63  }
0x131: {  	s9 =	simm.s32 $0x580  }
0x132: {  	[spmem:s1] =	stream.indirect.scatter.add.f32 [tilespmem:s11], [sflag:$0x15], $0x80, s9, s10, $0xb8;
	[tilespmem:$0x1E800] =	vst v63  }
0x133: {  	_ =	swait.ge [sflag:s23], $0x2800  }
0x134: {  	s8 =	sshrl.u32 s0, $0x3;
	[sflag:s23] =	ssyncset.done $0x0;
	s16 =	rddreg [dreg:$0x11]  }
0x135: {  	[sflag:s23] =	ssyncadd.s32 $0xFFFFD800;
	s12 =	sadd.s32 s16, s8;
	s16 =	rddreg [dreg:$0x12]  }
0x136: {  	[tilespmem:s3], [sflag:$0x1] =	stream.linear.gather [hbm4b:s12+s3], $0x50, $0x38;
	[tilespmem:$0x1E800] =	vst v63  }
0x137: {  	s8 =	sadd.s32 s16, s8  }
0x138: {  	[tilespmem:s19], [sflag:$0x9] =	stream.linear.gather [hbm4b:s8+s3], $0x50, $0x38;
	[tilespmem:$0x1E800] =	vst v63  }
0x139: {  	_ =	swait.ge [sflag:s18], $0x2800  }
0x13a: {  	[sflag:s18] =	ssyncset.done $0x0  }
0x13b: {  	s12 =	simm.s32 $0x8;
	[sflag:s18] =	ssyncadd.s32 $0xFFFFD800  }
0x13c: {  	_ =	swait.ge [sflag:s12], $0x50  }
0x13d: {  	[sflag:s12] =	ssyncset.done $0x0  }
0x13e: {  	[sflag:s12] =	ssyncadd.s32 $0xFFFFFFB0;
	s12 =	simm.s32 $0x10  }
0x13f: {  	_ =	swait.ge [sflag:s12], $0x50  }
0x140: {  	[sflag:s12] =	ssyncset.done $0x0  }
0x141: {  	[sflag:s12] =	ssyncadd.s32 $0xFFFFFFB0  }
0x142: {  	[tilespmem:s11], [sflag:$0x14] =	stream.indirect.gather [hbm4b:s4+s10], $0x80, s25, s10, $0xb8;
	[tilespmem:$0x1E800] =	vst v63  }
0x143: {  	_ = 	snop  }
0x144: {  	[spmem:s1] =	stream.indirect.scatter.add.f32 [tilespmem:s14], [sflag:$0x15], $0x80, s20, s10, $0xb8;
	[tilespmem:$0x1E800] =	vst v63  }
0x145: {  	_ =	swait.ge [sflag:s23], $0x2800  }
0x146: {  	s19 =	simm.s32 $0x80;
	s12 =	rddreg [dreg:$0xa];
	[sflag:s23] =	ssyncset.done $0x0  }
0x147: {  	s20 =	rddreg [dreg:$0x9];
	[sflag:s23] =	ssyncadd.s32 $0xFFFFD800;
	s8 =	sadd.s32 s7, s12  }
0x148: {  	[tilespmem:s19], [sflag:$0x2] =	stream.linear.gather [hbm4b:s8+s3], $0x50, $0x38;
	[tilespmem:$0x1E800] =	vst v63  }
0x149: {  	s25 =	sadd.s32 s7, s20  }
0x14a: {  	[tilespmem:s6], [sflag:$0xA] =	stream.linear.gather [hbm4b:s25+s3], $0x50, $0x38;
	[tilespmem:$0x1E800] =	vst v63  }
0x14b: {  	_ =	swait.ge [sflag:s5], $0x2800  }
0x14c: {  	[sflag:s5] =	ssyncset.done $0x0  }
0x14d: {  	s8 =	simm.s32 $0x1;
	[sflag:s5] =	ssyncadd.s32 $0xFFFFD800  }
0x14e: {  	_ =	swait.ge [sflag:s8], $0x50  }
0x14f: {  	[sflag:s8] =	ssyncset.done $0x0  }
0x150: {  	s12 =	simm.s32 $0x9;
	[sflag:s8] =	ssyncadd.s32 $0xFFFFFFB0  }
0x151: {  	_ =	swait.ge [sflag:s12], $0x50  }
0x152: {  	[sflag:s12] =	ssyncset.done $0x0  }
0x153: {  	[sflag:s12] =	ssyncadd.s32 $0xFFFFFFB0  }
0x154: {  	[tilespmem:s14], [sflag:$0x11] =	stream.indirect.gather [hbm4b:s4+s10], $0x80, s3, s10, $0xb8;
	[tilespmem:$0x1E800] =	vst v63  }
0x155: {  	_ = 	snop  }
0x156: {  	[spmem:s1] =	stream.indirect.scatter.add.f32 [tilespmem:s17], [sflag:$0x15], $0x80, s15, s10, $0xb8;
	[tilespmem:$0x1E800] =	vst v63  }
0x157: {  	_ =	swait.ge [sflag:s23], $0x2800  }
0x158: {  	s15 =	simm.s32 $0x100;
	s25 =	rddreg [dreg:$0x8];
	[sflag:s23] =	ssyncset.done $0x0  }
0x159: {  	s6 =	rddreg [dreg:$0x7];
	[sflag:s23] =	ssyncadd.s32 $0xFFFFD800;
	s8 =	sadd.s32 s7, s25  }
0x15a: {  	[tilespmem:s15], [sflag:$0x3] =	stream.linear.gather [hbm4b:s8+s3], $0x50, $0x38;
	[tilespmem:$0x1E800] =	vst v63  }
0x15b: {  	s12 =	sadd.s32 s7, s6  }
0x15c: {  	[tilespmem:s29], [sflag:$0xB] =	stream.linear.gather [hbm4b:s12+s3], $0x50, $0x38;
	[tilespmem:$0x1E800] =	vst v63  }
0x15d: {  	_ =	swait.ge [sflag:s28], $0x2800  }
0x15e: {  	[sflag:s28] =	ssyncset.done $0x0  }
0x15f: {  	[sflag:s28] =	ssyncadd.s32 $0xFFFFD800  }
0x160: {  	_ =	swait.ge [sflag:s24], $0x50  }
0x161: {  	[sflag:s24] =	ssyncset.done $0x0  }
0x162: {  	s14 =	simm.s32 $0xA;
	[sflag:s24] =	ssyncadd.s32 $0xFFFFFFB0  }
0x163: {  	_ =	swait.ge [sflag:s14], $0x50  }
0x164: {  	[sflag:s14] =	ssyncset.done $0x0  }
0x165: {  	[sflag:s14] =	ssyncadd.s32 $0xFFFFFFB0  }
0x166: {  	[tilespmem:s17], [sflag:$0x12] =	stream.indirect.gather [hbm4b:s4+s10], $0x80, s19, s10, $0xb8;
	[tilespmem:$0x1E800] =	vst v63  }
0x167: {  	_ = 	snop  }
0x168: {  	[spmem:s1] =	stream.indirect.scatter.add.f32 [tilespmem:s21], [sflag:$0x15], $0x80, s13, s10, $0xb8;
	[tilespmem:$0x1E800] =	vst v63  }
0x169: {  	_ =	swait.ge [sflag:s23], $0x2800  }
0x16a: {  	s17 =	rddreg [dreg:$0x6];
	[sflag:s23] =	ssyncset.done $0x0  }
0x16b: {  	s25 =	rddreg [dreg:$0x5];
	[sflag:s23] =	ssyncadd.s32 $0xFFFFD800;
	s8 =	sadd.s32 s7, s17  }
0x16c: {  	[tilespmem:s30], [sflag:$0x4] =	stream.linear.gather [hbm4b:s8+s3], $0x50, $0x38;
	[tilespmem:$0x1E800] =	vst v63  }
0x16d: {  	s12 =	sadd.s32 s7, s25  }
0x16e: {  	[tilespmem:s9], [sflag:$0xC] =	stream.linear.gather [hbm4b:s12+s3], $0x50, $0x38;
	[tilespmem:$0x1E800] =	vst v63  }
0x16f: {  	_ =	swait.ge [sflag:s2], $0x2800  }
0x170: {  	[sflag:s2] =	ssyncset.done $0x0  }
0x171: {  	s13 =	simm.s32 $0x3;
	[sflag:s2] =	ssyncadd.s32 $0xFFFFD800  }
0x172: {  	_ =	swait.ge [sflag:s13], $0x50  }
0x173: {  	[sflag:s13] =	ssyncset.done $0x0  }
0x174: {  	s17 =	simm.s32 $0xB;
	[sflag:s13] =	ssyncadd.s32 $0xFFFFFFB0  }
0x175: {  	_ =	swait.ge [sflag:s17], $0x50  }
0x176: {  	p0 =	sne.s32 s31, $0x460;
	s31 =	sadd.s32 $0x50, s31;
	[sflag:s17] =	ssyncset.done $0x0  }
0x177: {  	s0 =	sadd.s32 $0x280, s0;
	s16 =	simm.s32 $0x400;
	[sflag:s17] =	ssyncadd.s32 $0xFFFFFFB0  }
0x178: {  	[tilespmem:s21], [sflag:$0x13] =	stream.indirect.gather [hbm4b:s4+s10], $0x80, s15, s10, $0xb8;
	[tilespmem:$0x1E800] =	vst v63  }
0x179: {  	s20 =	simm.s32 $0x480;
	s6 =	simm.s32 $0x500;
	s29 =	simm.s32 $0x180  }
0x17a: {  	[spmem:s1] =	stream.indirect.scatter.add.f32 [tilespmem:s11], [sflag:$0x15], $0x80, s26, s10, $0xb8;
	[tilespmem:$0x1E800] =	vst v63  }
.Ltmp0:
0x17b: {  	s14 =	simm.s32 $0x3000;
	_ =	swait.ge [sflag:s23], $0x2800;
	(pc) =	sbr.rel @p0 .LBB2_2-.Ltmp0, $4  }
0x17c: {  	s30 =	simm.s32 $0x580;
	s9 =	simm.s32 $0x200;
	s25 =	rddreg [dreg:$0x4]  }
0x17d: {  	s17 =	simm.s32 $0x5800;
	s26 =	rddreg [dreg:$0x3];
	[sflag:s23] =	ssyncset.done $0x0  }
0x17e: {  	[sflag:s23] =	ssyncadd.s32 $0xFFFFD800;
	s8 =	sadd.s32 s7, s25;
	s7 =	sadd.s32 s7, s26  }
0x17f: {  	[tilespmem:s22], [sflag:$0x5] =	stream.linear.gather [hbm4b:s8+s3], $0x50, $0x38;
	[tilespmem:$0x1E800] =	vst v63  }
0x180: {  	s0 =	simm.s32 $0x600  }
0x181: {  	[tilespmem:s0], [sflag:$0xD] =	stream.linear.gather [hbm4b:s7+s3], $0x50, $0x38;
	[tilespmem:$0x1E800] =	vst v63  }
0x182: {  	_ =	swait.ge [sflag:s18], $0x2800  }
0x183: {  	[sflag:s18] =	ssyncset.done $0x0  }
0x184: {  	s13 =	simm.s32 $0x4;
	[sflag:s18] =	ssyncadd.s32 $0xFFFFD800  }
0x185: {  	_ =	swait.ge [sflag:s13], $0x50  }
0x186: {  	[sflag:s13] =	ssyncset.done $0x0  }
0x187: {  	s15 =	simm.s32 $0xC;
	[sflag:s13] =	ssyncadd.s32 $0xFFFFFFB0  }
0x188: {  	_ =	swait.ge [sflag:s15], $0x50  }
0x189: {  	[sflag:s15] =	ssyncset.done $0x0  }
0x18a: {  	s11 =	simm.s32 $0x8000;
	[sflag:s15] =	ssyncadd.s32 $0xFFFFFFB0  }
0x18b: {  	[tilespmem:s11], [sflag:$0x14] =	stream.indirect.gather [hbm4b:s4+s10], $0x80, s29, s10, $0xb8;
	[tilespmem:$0x1E800] =	vst v63  }
0x18c: {  	s8 =	simm.s32 $0x800  }
0x18d: {  	[spmem:s1] =	stream.indirect.scatter.add.f32 [tilespmem:s8], [sflag:$0x15], $0x80, s16, s10, $0xb8;
	[tilespmem:$0x1E800] =	vst v63  }
0x18e: {  	_ =	swait.ge [sflag:s23], $0x2800  }
0x18f: {  	[sflag:s23] =	ssyncset.done $0x0  }
0x190: {  	[sflag:s23] =	ssyncadd.s32 $0xFFFFD800  }
0x191: {  	_ =	swait.ge [sflag:s5], $0x2800  }
0x192: {  	[sflag:s5] =	ssyncset.done $0x0  }
0x193: {  	s21 =	simm.s32 $0x5;
	[sflag:s5] =	ssyncadd.s32 $0xFFFFD800  }
0x194: {  	_ =	swait.ge [sflag:s21], $0x50  }
0x195: {  	[sflag:s21] =	ssyncset.done $0x0  }
0x196: {  	s22 =	simm.s32 $0xD;
	[sflag:s21] =	ssyncadd.s32 $0xFFFFFFB0  }
0x197: {  	_ =	swait.ge [sflag:s22], $0x50  }
0x198: {  	[sflag:s22] =	ssyncset.done $0x0  }
0x199: {  	[sflag:s22] =	ssyncadd.s32 $0xFFFFFFB0  }
0x19a: {  	[tilespmem:s8], [sflag:$0x11] =	stream.indirect.gather [hbm4b:s4+s10], $0x80, s9, s10, $0xb8;
	[tilespmem:$0x1E800] =	vst v63  }
0x19b: {  	_ = 	snop  }
0x19c: {  	[spmem:s1] =	stream.indirect.scatter.add.f32 [tilespmem:s14], [sflag:$0x15], $0x80, s20, s10, $0xb8;
	[tilespmem:$0x1E800] =	vst v63  }
0x19d: {  	_ =	swait.ge [sflag:s23], $0x2800  }
0x19e: {  	[sflag:s23] =	ssyncset.done $0x0  }
0x19f: {  	[sflag:s23] =	ssyncadd.s32 $0xFFFFD800  }
0x1a0: {  	_ =	swait.ge [sflag:s28], $0x2800  }
0x1a1: {  	[sflag:s28] =	ssyncset.done $0x0  }
0x1a2: {  	[sflag:s28] =	ssyncadd.s32 $0xFFFFD800  }
0x1a3: {  	[spmem:s1] =	stream.indirect.scatter.add.f32 [tilespmem:s17], [sflag:$0x15], $0x80, s6, s10, $0xb8;
	[tilespmem:$0x1E800] =	vst v63  }
0x1a4: {  	_ =	swait.ge [sflag:s23], $0x2800  }
0x1a5: {  	[sflag:s23] =	ssyncset.done $0x0  }
0x1a6: {  	[sflag:s23] =	ssyncadd.s32 $0xFFFFD800  }
0x1a7: {  	_ =	swait.ge [sflag:s2], $0x2800  }
0x1a8: {  	[sflag:s2] =	ssyncset.done $0x0  }
0x1a9: {  	[sflag:s2] =	ssyncadd.s32 $0xFFFFD800  }
0x1aa: {  	[spmem:s1] =	stream.indirect.scatter.add.f32 [tilespmem:s11], [sflag:$0x15], $0x80, s30, s10, $0xb8;
	[tilespmem:$0x1E800] =	vst v63  }
0x1ab: {  	_ =	swait.ge [sflag:s23], $0x2800  }
0x1ac: {  	[sflag:s23] =	ssyncset.done $0x0  }
0x1ad: {  	[sflag:s23] =	ssyncadd.s32 $0xFFFFD800  }
0x1ae: {  	_ =	swait.ge [sflag:s18], $0x2800  }
0x1af: {  	[sflag:s18] =	ssyncset.done $0x0  }
0x1b0: {  	[sflag:s18] =	ssyncadd.s32 $0xFFFFD800  }
0x1b1: {  	[spmem:s1] =	stream.indirect.scatter.add.f32 [tilespmem:s8], [sflag:$0x15], $0x80, s0, s10, $0xb8;
	[tilespmem:$0x1E800] =	vst v63  }
0x1b2: {  	_ =	swait.ge [sflag:s23], $0x2800  }
0x1b3: {  	[sflag:s23] =	ssyncset.done $0x0  }
0x1b4: {  	[sflag:s23] =	ssyncadd.s32 $0xFFFFD800  }
0x1b5: {  	[bflag:$0x0] =	sbarrier.arrive $0xFFFF  }
0x1b6: {  	s24 =	sld [smem:$0x7FB]  }
0x1b7: {  	s25 =	sld [smem:$0x7FA];
	_ =	sdelay $0x1  }
0x1b8: {  	s12 =	rddreg [dreg:$0x15]  }
0x1b9: {  	[hbm:s24], [sflag:s12] =	dma.local [spmem:s25], $0x2800  }
0x1ba: {  	_ =	swait.ge [sflag:s23], $0x2800  }
0x1bb: {  	s26 =	sld [smem:$0x7F9]  }
0x1bc: {  	s31 =	sld [smem:$0x7FC];
	_ =	sdelay $0x1  }
0x1bd: {  	s6 =	sadd.s32 $0x1, s26  }
0x1be: {  	p0 =	sne.s32 s6, s31  }
.Ltmp1:
0x1bf: {  	_ = 	snop;
	(pc) =	sbr.rel @p0 .LBB2_1-.Ltmp1, $4  }
0x1c0: {  	s7 =	simm.s32 $0x3;
	s13 =	simm.s32 $0xA;
	s15 =	simm.s32 $0x280  }
0x1c1: {  	s16 =	simm.s32 $0x100;
	s30 =	simm.s32 $0x2;
	s8 =	simm.s32 $0xB  }
0x1c2: {  	s25 =	simm.s32 $0x1;
	[sflag:s23] =	ssyncset.done $0x0;
	s29 =	rddreg [dreg:$0x11]  }
0x1c3: {  	s24 =	rddreg [dreg:$0x12];
	[sflag:s23] =	ssyncadd.s32 $0xFFFFD800;
	s26 =	simm.s32 $0x9  }
0x1c4: {  	_ =	sfence.sel $0x180000  }
0x1c5: {  	[bflag:$0x0] =	sbarrier.arrive $0xFFFF  }
0x1c6: {  	_ =	strace $0x9000004D  }
0x1c7: {  	s0 =	stileid.u32;
	[bflag:$0x2] =	sbarrier.arrive $0xFFFF  }
0x1c8: {  	p0 =	sne.s32 s0, $0x0;
	s0 =	rddreg [dreg:$0x2]  }
0x1c9: {  	s0 =	sadd.s32 @!p0 $0x100000, s0  }
0x1ca: {  	[sflag:s0] =	ssyncadd.tile.s32 @!p0 $0x1;
	_ =	shalt  }
.Lfunc_end2:
_tile_overlayer_lowered:
.L_overlay_start_2:
0x1cb: {  	(tag) =	ssettag $0x2  }
0x1cc: {  	s0 =	rddreg [dreg:$0x0];
	s2 =	stileid.u32  }
0x1cd: {  	s1 =	rddreg [dreg:$0x1];
	p0 =	sne.s32 s2, $0x0  }
0x1ce: {  	s3 =	rddreg [dreg:$0x2];
	[bflag:$0x3] =	sbarrier.arrive $0xFFFF;
	s2 =	simm.s32 @!p0 $0x1C15  }
0x1cf: {  	[timem:s3], [sflag:s2] =	dma.local @!p0 [hbm:s0], s1  }
0x1d0: {  	s0 =	simm.s32 @!p0 $0x15  }
0x1d1: {  	_ =	swait.ge @!p0 [sflag:s0], s1  }
0x1d2: {  	s1 =	ssub.s32 @!p0 $0x0, s1;
	[sflag:s0] =	ssyncset.done @!p0 $0x0  }
0x1d3: {  	[sflag:s0] =	ssyncadd.s32 @!p0 s1  }
0x1d4: {  	[bflag:$0x3] =	sbarrier.arrive $0xFFFF  }
0x1d5: {  	_ =	shalt  }

// kernel: kernel.8.cloned.1.call-start
scs
__scs_entry_jumppad:
0x0: {  	(pc) =	sbr.rel $0x88, $3  }
0x1: {  	(tag) =	ssettag $0x0;
	lr =	simm.s32 $0x1  }
0x2: {  	[smem:$0x3F97] =	sst lr;
	_ =	strace $0xD0000000  }
0x3: {  	_ = 	snop  }
0x4: {  	_ = 	snop  }
0x5: {  	_ = 	snop  }
0x6: {  	_ = 	snop  }
0x7: {  	_ = 	snop  }
__scs_overlays_trampoline_lowered:
0x8: {  	[smem:$0x3FA6] =	sst s0  }
0x9: {  	[smem:$0x3FA7] =	sst s1  }
0xa: {  	[smem:$0x3FA8] =	sst s2  }
0xb: {  	[smem:$0x3FA9] =	sst s3  }
0xc: {  	[smem:$0x3FAA] =	sst s4  }
0xd: {  	[smem:$0x3FAB] =	sst s5  }
0xe: {  	[smem:$0x3FAC] =	sst s6  }
0xf: {  	[smem:$0x3FAD] =	sst s7  }
0x10: {  	[smem:$0x3FAE] =	sst s8  }
0x11: {  	[smem:$0x3FAF] =	sst s9;
	s0 =	simm.s32 @!p0 $0x0  }
0x12: {  	s1 =	sld [smem:$0x3F95];
	s0 =	simm.s32 @p0 $0x1  }
0x13: {  	[smem:$0x3FB0] =	sst s0;
	s0 =	simm.s32 @!p1 $0x0  }
0x14: {  	s2 =	sld [smem:$0x3F94];
	s0 =	simm.s32 @p1 $0x1  }
0x15: {  	[smem:$0x3FB1] =	sst s0;
	s0 =	simm.s32 @!p2 $0x0  }
0x16: {  	s3 =	sld [smem:$0x3FDB];
	s0 =	simm.s32 @p2 $0x1  }
0x17: {  	s4 =	simm.s32 $0x1BF5;
	[smem:$0x3FB3] =	sst s0  }
0x18: {  	s0 =	sld [smem:$0x3F96];
	_ =	swait.ge [sflag:s4], $0x0  }
0x19: {  	s7 =	sld [smem:$0x3F97]  }
0x1a: {  	s8 =	sadd.s32 $0xFFFFE003, lr  }
0x1b: {  	s9 =	sadd.s32 $0xFFFFFEF7, lr;
	s5 =	simm.s32 $0xFFFFFFFF;
	p2 =	slt.u32 s8, $0xFFFFF086  }
0x1c: {  	p1 =	slt.u32 s9, $0xF7A;
	s5 =	simm.s32 @!p2 $0x0  }
0x1d: {  	s5 =	simm.s32 @p1 $0x1;
	p0 =	seq.s32 s7, s2  }
0x1e: {  	s7 =	smul.u32 @!p0 $0xF7A, s2;
	p2 =	seq.s32 @!p0 s5, $0x0  }
0x1f: {  	s9 =	smul.u32 $0xF7A, s1;
	s8 =	simm.s32 @!p0 $0x1BF5;
	p2 =	por !p2, p0  }
0x20: {  	[sflag:s8] =	ssyncset.s32 @!p0 $0xFFFFF086;
	s6 =	sadd.s32 @!p0 s3, s7;
	s7 =	simm.s32 @!p0 $0x108  }
0x21: {  	s3 =	sadd.s32 s3, s9;
	s6 =	sadd.s32 @!p0 $0x88, s6;
	s7 =	simm.s32 @p2 $0x1082  }
0x22: {  	[simem:s7], [sflag:s8] =	dma.local @!p0 [hbm:s6], $0xF7A  }
0x23: {  	s9 =	sor.u32 $0xD0000000, s2;
	s6 =	simm.s32 $0x108;
	_ =	swait.ge @!p0 [sflag:s8], $0x0  }
0x24: {  	s3 =	sadd.s32 $0x88, s3;
	s6 =	simm.s32 @!p1 $0x1082;
	[sflag:s4] =	ssyncset.s32 $0xFFFFF086  }
0x25: {  	[simem:s6], [sflag:s4] =	dma.local [hbm:s3], $0xF7A  }
0x26: {  	[smem:$0x3F97] =	sst s1;
	(tag) =	ssettag s2;
	_ =	strace s9  }
0x27: {  	s1 =	sld [smem:$0x3FA7]  }
0x28: {  	s2 =	sld [smem:$0x3FA8]  }
0x29: {  	s4 =	sld [smem:$0x3FAA]  }
0x2a: {  	p0 =	seq.s32 s5, $0x0;
	s5 =	sld [smem:$0x3FAB]  }
0x2b: {  	s6 =	sld [smem:$0x3FAC]  }
0x2c: {  	s7 =	sld [smem:$0x3FAD]  }
0x2d: {  	s3 =	simm.s32 $0x108;
	s8 =	sld [smem:$0x3FAE]  }
0x2e: {  	s3 =	simm.s32 @!p0 $0x1082;
	s9 =	sld [smem:$0x3FAF]  }
0x2f: {  	lr =	sadd.s32 s0, s3;
	s0 =	sld [smem:$0x3FA6]  }
0x30: {  	s3 =	sld [smem:$0x3FA9]  }
0x31: {  	[smem:$0x3FB2] =	sst s10  }
0x32: {  	s10 =	sld [smem:$0x3FB0];
	_ =	sdelay $0x3  }
0x33: {  	p0 =	seq.s32 s10, $0x1;
	s10 =	sld [smem:$0x3FB2];
	_ =	sdelay $0x3  }
0x34: {  	[smem:$0x3FB2] =	sst s10  }
0x35: {  	s10 =	sld [smem:$0x3FB1];
	_ =	sdelay $0x3  }
0x36: {  	p1 =	seq.s32 s10, $0x1;
	s10 =	sld [smem:$0x3FB2];
	_ =	sdelay $0x3  }
0x37: {  	[smem:$0x3FB2] =	sst s10  }
0x38: {  	s10 =	sld [smem:$0x3FB3]  }
0x39: {  	_ = 	snop;
	(pc) =	sbr.ind lr, $3  }
0x3a: {  	_ = 	snop  }
0x3b: {  	_ = 	snop  }
0x3c: {  	p2 =	seq.s32 s10, $0x1;
	s10 =	sld [smem:$0x3FB2]  }
0x3d: {  	_ =	shalt  }
0x3e: {  	_ =	shalt  }
0x3f: {  	_ =	shalt  }
0x40: {  	_ =	shalt  }
0x41: {  	_ =	shalt  }
0x42: {  	_ =	shalt  }
0x43: {  	_ =	shalt  }
0x44: {  	_ =	shalt  }
0x45: {  	_ =	shalt  }
0x46: {  	_ =	shalt  }
0x47: {  	_ =	shalt  }
0x48: {  	_ =	shalt  }
0x49: {  	_ =	shalt  }
0x4a: {  	_ =	shalt  }
0x4b: {  	_ =	shalt  }
0x4c: {  	_ =	shalt  }
0x4d: {  	_ =	shalt  }
0x4e: {  	_ =	shalt  }
0x4f: {  	_ =	shalt  }
0x50: {  	_ =	shalt  }
0x51: {  	_ =	shalt  }
0x52: {  	_ =	shalt  }
0x53: {  	_ =	shalt  }
0x54: {  	_ =	shalt  }
0x55: {  	_ =	shalt  }
0x56: {  	_ =	shalt  }
0x57: {  	_ =	shalt  }
0x58: {  	_ =	shalt  }
0x59: {  	_ =	shalt  }
0x5a: {  	_ =	shalt  }
0x5b: {  	_ =	shalt  }
0x5c: {  	_ =	shalt  }
0x5d: {  	_ =	shalt  }
0x5e: {  	_ =	shalt  }
0x5f: {  	_ =	shalt  }
0x60: {  	_ =	shalt  }
0x61: {  	_ =	shalt  }
0x62: {  	_ =	shalt  }
0x63: {  	_ =	shalt  }
0x64: {  	_ =	shalt  }
0x65: {  	_ =	shalt  }
0x66: {  	_ =	shalt  }
0x67: {  	_ =	shalt  }
0x68: {  	_ =	shalt  }
0x69: {  	_ =	shalt  }
0x6a: {  	_ =	shalt  }
0x6b: {  	_ =	shalt  }
0x6c: {  	_ =	shalt  }
0x6d: {  	_ =	shalt  }
0x6e: {  	_ =	shalt  }
0x6f: {  	_ =	shalt  }
0x70: {  	_ =	shalt  }
0x71: {  	_ =	shalt  }
0x72: {  	_ =	shalt  }
0x73: {  	_ =	shalt  }
0x74: {  	_ =	shalt  }
0x75: {  	_ =	shalt  }
0x76: {  	_ =	shalt  }
0x77: {  	_ =	shalt  }
0x78: {  	_ =	shalt  }
0x79: {  	_ =	shalt  }
0x7a: {  	_ =	shalt  }
0x7b: {  	_ =	shalt  }
0x7c: {  	_ =	shalt  }
0x7d: {  	_ =	shalt  }
0x7e: {  	_ =	shalt  }
0x7f: {  	_ =	shalt  }
0x80: {  	_ =	shalt  }
0x81: {  	_ =	shalt  }
0x82: {  	_ =	shalt  }
0x83: {  	_ =	shalt  }
0x84: {  	_ =	shalt  }
0x85: {  	_ =	shalt  }
0x86: {  	_ =	shalt  }
0x87: {  	_ =	shalt  }
.Lfunc_end0:
.L_simem_size_0:
called_computation_lowered:
.L_overlay_start_0:
0x88: {  	s2 =	sld [smem:$0x3FD9]  }
0x89: {  	s3 =	sld [smem:$0x3FFE];
	_ =	sdelay $0x1  }
0x8a: {  	s1 =	srdreg.scid  }
0x8b: {  	s0 =	sand.u32 $0x1, s1  }
0x8c: {  	s16 =	sshll.u32 s0, $0xA;
	s2 =	sadd.s32 s3, s2  }
0x8d: {  	s2 =	sadd.s32 s2, s16  }
0x8e: {  	[smem:$0x3FBE] =	sst s2  }
0x8f: {  	_ = 	snop  }
0x90: {  	(tm) =	ssettm $0x1  }
0x91: {  	s17 =	sld [smem:$0x3FFB];
	_ =	sdelay $0x3  }
0x92: {  	_ =	strace s17  }
0x93: {  	s2 =	sld [smem:$0x3FFC];
	_ =	sdelay $0x3  }
0x94: {  	_ =	strace s2  }
0x95: {  	s2 =	sld [smem:$0x3FFD];
	_ =	sdelay $0x3  }
0x96: {  	_ =	strace s2  }
0x97: {  	_ =	strace $0x8FFFFFFF  }
0x98: {  	s18 =	sld [smem:$0x3FDB];
	_ =	sdelay $0x1  }
0x99: {  	s19 =	simm.s32 $_scs_section_size  }
0x9a: {  	s4 =	simm.s32 $_size__tile_overlayer_lowered;
	s5 =	simm.s32 $_tile_overlayer_lowered  }
0x9b: {  	s22 =	simm.s32 $0x1BFF;
	s21 =	sshll.u32 s5, $0x1;
	s2 =	sadd.s32 s19, s18  }
0x9c: {  	s6 =	simm.s32 $0x0;
	s20 =	sshll.u32 s4, $0x1;
	s4 =	sadd.s32 s21, s2  }
0x9d: {  	[timem:s6], [sflag:s22] =	dma.local [hbm:s4], s20  }
0x9e: {  	_ =	swait.ge [sflag:s22], s20  }
0x9f: {  	s3 =	ssub.s32 $0x0, s20;
	[sflag:s22] =	ssyncset.done $0x0  }
0xa0: {  	[sflag:s22] =	ssyncadd.s32 s3;
	_ =	sdelay $0x1  }
0xa1: {  	s23 =	simm.s32 $0x1B8B  }
0xa2: {  	_ =	swait.ge [sflag:s23], $0x1  }
0xa3: {  	[sflag:s23] =	ssyncset.done $0x0  }
0xa4: {  	s25 =	simm.s32 $0x1B8E;
	s24 =	sld [smem:$0x3FFE];
	[sflag:s23] =	ssyncadd.s32 $0xFFFFFFFF  }
0xa5: {  	s26 =	simm.s32 $execute0_lowered;
	[smem:$0x3FD2] =	sst s25  }
0xa6: {  	s4 =	sshll.u32 s26, $0x1;
	_ =	strace $0x80000046;
	[dreg:$0x1] =	wrdreg $0xFFFFFFFF  }
0xa7: {  	s28 =	simm.s32 $_size_execute0_lowered;
	s2 =	sadd.s32 s2, s4;
	[dreg:$0x0] =	wrdreg $0x0  }
0xa8: {  	s4 =	sshll.u32 s28, $0x1;
	[dreg:$0x2] =	wrdreg s2  }
0xa9: {  	[dreg:$0x3] =	wrdreg s4  }
0xaa: {  	[dreg:$0x4] =	wrdreg $0xC0  }
0xab: {  	_ =	task [dreg:s6], $0x5FFFF  }
0xac: {  	[dreg:$0x1] =	wrdreg $0xFFFFFFFF  }
0xad: {  	[dreg:$0x0] =	wrdreg $0x60  }
0xae: {  	[dreg:$0x2] =	wrdreg s24  }
0xaf: {  	[dreg:$0x3] =	wrdreg $0x2C000  }
0xb0: {  	[dreg:$0x4] =	wrdreg $0x9  }
0xb1: {  	_ =	task.clear_ibuf [dreg:s6], $0x5FFFF;
	_ =	strace $0x90000046  }
0xb2: {  	s29 =	simm.s32 $0x9;
	_ =	strace $0x80000048  }
0xb3: {  	_ =	swait.ge [sflag:s29], $0x1  }
0xb4: {  	[sflag:s29] =	ssyncadd.s32 $0xFFFFFFFF  }
0xb5: {  	_ =	strace $0x90000048  }
0xb6: {  	_ =	sfence  }
0xb7: {  	s30 =	sld [smem:$0x0];
	_ =	sdelay $0x2  }
0xb8: {  	s31 =	sshll.u32 s1, $0xD;
	s1 =	sshrl.u32 s1, $0x2  }
0xb9: {  	s3 =	sand.u32 $0x4000, s31;
	s1 =	sadd.s32 s1, s30  }
0xba: {  	s0 =	sor.u32 s3, s0;
	s1 =	sshll.u32 s1, $0x11  }
0xbb: {  	s0 =	sor.u32 s1, s0  }
0xbc: {  	s0 =	sadd.s32 $0x8F2B, s0  }
0xbd: {  	[sflag:s0] =	ssyncadd.remote.s32 $0x1  }
0xbe: {  	_ =	sfence.sel $0xFFFF  }
0xbf: {  	[dreg:$0x0] =	wrdreg $0xFFFFFFFF;
	(pc) =	sbr.abs _section_cstart, $3  }
0xc0: {  	[dreg:$0x1] =	wrdreg $0xFFFFFFFF  }
0xc1: {  	_ =	task.clear_ibuf [dreg:s6], $0x2FFFF;
	_ =	strace $0x9FFFFFFF  }
0xc2: {  	(tm) =	ssettm $0x7FFFFFFF  }
0xc3: {  	_ =	shalt  }
tec
execute0_lowered:
.L_overlay_start_1:
0x0: {  	(tag) =	ssettag $0x1  }
0x1: {  	s0 =	rddreg [dreg:$0x0]  }
0x2: {  	s1 =	rddreg [dreg:$0x1];
	s2 =	srdreg.scid;
	s3 =	simm.s32 $0x0  }
0x3: {  	s4 =	stileid.u32;
	s30 =	simm.s32 $0x1;
	s31 =	simm.s32 $0x50  }
0x4: {  	s29 =	simm.s32 $0x2900;
	s2 =	sand.u32 $0x1, s2;
	s6 =	smul.u32 $0x14000, s4  }
0x5: {  	[smem:$0x7FF] =	sst s3;
	s7 =	sshll.u32 s4, $0x1;
	s16 =	smul.u32 $0x50000, s4  }
0x6: {  	s8 =	sadd.s32 $0x19200, s0;
	s9 =	sadd.s32 $0x16A00, s0;
	s19 =	smul.u32 $0x4E20, s4  }
0x7: {  	s5 =	smul.u32 $0x140000, s2;
	_ =	strace $0x80000047;
	s7 =	sor.u32 s2, s7  }
0x8: {  	[dreg:$0xa] =	wrdreg s8;
	s15 =	ssub.s32 $0x2, s2;
	s2 =	smul.u32 $0x2710, s2  }
0x9: {  	s25 =	sadd.s32 $0xCC00, s0;
	[dreg:$0xb] =	wrdreg s9;
	s14 =	smul.u32 $0x2710, s7  }
0xa: {  	s17 =	sshrl.u32 s15, $0x1;
	s18 =	sshrl.u32 s16, $0x2;
	s5 =	sadd.s32 s6, s5  }
0xb: {  	s7 =	sadd.s32 s18, s1;
	s2 =	sadd.s32 s2, s19;
	s5 =	sshrl.u32 s5, $0x3  }
0xc: {  	s6 =	sshrl.u32 s14, $0x3;
	[dreg:$0xc] =	wrdreg s7;
	s10 =	sadd.s32 $0x460, s2  }
0xd: {  	s13 =	sadd.s32 $0x410, s2;
	s16 =	sadd.s32 $0x370, s2;
	s9 =	sadd.s32 s25, s6  }
0xe: {  	s0 =	sadd.s32 s5, s0;
	s20 =	sadd.s32 $0xA, s9;
	[dreg:$0xd] =	wrdreg s9  }
0xf: {  	s5 =	ssub.s32 s15, s17;
	s21 =	sadd.s32 $0x14, s9;
	[dreg:$0xe] =	wrdreg s20  }
0x10: {  	s14 =	sshrl.u32 s13, $0x3;
	s22 =	sadd.s32 $0x1E, s9;
	[dreg:$0xf] =	wrdreg s21  }
0x11: {  	s15 =	sadd.s32 $0x3C0, s2;
	s23 =	sadd.s32 $0x28, s9;
	[dreg:$0x10] =	wrdreg s22  }
0x12: {  	s18 =	sshrl.u32 s16, $0x3;
	s24 =	sadd.s32 $0x32, s9;
	[dreg:$0x11] =	wrdreg s23  }
0x13: {  	s13 =	simm.s32 $0x6;
	s26 =	sadd.s32 $0x3C, s9;
	[dreg:$0x12] =	wrdreg s24  }
0x14: {  	s16 =	simm.s32 $0xB;
	s28 =	sadd.s32 $0x46, s9;
	[dreg:$0x13] =	wrdreg s26  }
0x15: {  	s6 =	sadd.s32 $0x4B0, s9;
	s7 =	sadd.s32 $0x4BA, s9;
	[dreg:$0x14] =	wrdreg s28  }
0x16: {  	s8 =	sadd.s32 $0x4C4, s9;
	s11 =	sadd.s32 $0x4CE, s9;
	[dreg:$0x15] =	wrdreg s6  }
0x17: {  	s19 =	sadd.s32 s18, s25;
	s0 =	sadd.s32 $0x19800, s0;
	[dreg:$0x16] =	wrdreg s7  }
0x18: {  	s18 =	simm.s32 $0xC;
	s6 =	sadd.s32 $0x4B0, s2;
	[dreg:$0x17] =	wrdreg s8  }
0x19: {  	[dreg:$0x18] =	wrdreg s11;
	s7 =	sshrl.u32 s10, $0x3;
	s20 =	sadd.s32 $0x320, s2  }
0x1a: {  	[dreg:$0x7] =	wrdreg s19;
	s22 =	sadd.s32 $0x2D0, s2;
	s23 =	sadd.s32 $0x4D8, s9  }
0x1b: {  	[dreg:$0x1a] =	wrdreg s0;
	s26 =	smax.u32 s5, $0x1;
	s28 =	sadd.s32 $0x280, s2  }
0x1c: {  	s2 =	simm.s32 $0x2;
	s9 =	simm.s32 $0x4;
	s11 =	simm.s32 $0x5  }
0x1d: {  	s19 =	simm.s32 $0xD;
	s0 =	simm.s32 $0x0;
	[dreg:$0x19] =	wrdreg s23  }
0x1e: {  	s6 =	sshrl.u32 s6, $0x3;
	s12 =	sadd.s32 s7, s25;
	[dreg:$0x1b] =	wrdreg s26  }
0x1f: {  	s7 =	sshrl.u32 s15, $0x3;
	s21 =	sshrl.u32 s20, $0x3;
	[dreg:$0x1c] =	wrdreg s28  }
0x20: {  	s23 =	simm.s32 $0x11;
	s15 =	simm.s32 $0x7;
	s20 =	simm.s32 $0xE  }
0x21: {  	s6 =	sadd.s32 s6, s25;
	[dreg:$0x4] =	wrdreg s12;
	s17 =	sadd.s32 s7, s25  }
0x22: {  	s7 =	sshrl.u32 s22, $0x3;
	s12 =	simm.s32 $0x9;
	[dreg:$0x3] =	wrdreg s6  }
0x23: {  	s22 =	simm.s32 $0x10;
	s6 =	sadd.s32 s14, s25;
	[dreg:$0x6] =	wrdreg s17  }
0x24: {  	s24 =	sadd.s32 s7, s25;
	s14 =	simm.s32 $0xA;
	[dreg:$0x5] =	wrdreg s6  }
0x25: {  	s17 =	simm.s32 $0x8;
	s6 =	sadd.s32 s21, s25;
	[dreg:$0x9] =	wrdreg s24  }
0x26: {  	s21 =	simm.s32 $0xF;
	[dreg:$0x8] =	wrdreg s6;
	s6 =	simm.s32 $0x3  }
.LBB2_1:
0x27: {  	[dreg:$0x1d] =	wrdreg s0  }
0x28: {  	s4 =	rddreg [dreg:$0xa]  }
0x29: {  	[tilespmem:s3], [sflag:$0x11] =	stream.linear.gather [hbm4b:s4+s3], $0x2800, $0x38;
	[tilespmem:$0x16C00] =	vst v63  }
0x2a: {  	s7 =	stileid.u32;
	_ =	swait.ge [sflag:s23], $0x2800  }
0x2b: {  	s8 =	sshll.u32 s7, $0x6;
	s10 =	rddreg [dreg:$0xc]  }
0x2c: {  	s8 =	sor.u32 $0x1C11, s8;
	s24 =	rddreg [dreg:$0xb]  }
0x2d: {  	[sflag:s23] =	ssyncset.done $0x0;
	[dreg:$0x1e] =	wrdreg s8;
	s5 =	sshrl.u32 s10, $0x3  }
0x2e: {  	[sflag:s23] =	ssyncadd.s32 $0xFFFFD800;
	[dreg:$0x1f] =	wrdreg s5  }
0x2f: {  	[spmem:s5], [sflag:s8] =	dma.local [hbm:s24], $0x2800  }
0x30: {  	_ =	swait.ge [sflag:s23], $0x2800  }
0x31: {  	[sflag:s23] =	ssyncset.done $0x0  }
0x32: {  	[sflag:s23] =	ssyncadd.s32 $0xFFFFD800  }
0x33: {  	[bflag:$0x0] =	sbarrier.arrive $0xFFFF  }
0x34: {  	s23 =	simm.s32 $0x2800;
	s26 =	rddreg [dreg:$0xd]  }
0x35: {  	[tilespmem:s23], [sflag:$0x1] =	stream.linear.gather [hbm4b:s26+s3], $0x50, $0x38;
	[tilespmem:$0x16C00] =	vst v63  }
0x36: {  	s24 =	simm.s32 $0x2880;
	s28 =	rddreg [dreg:$0xe]  }
0x37: {  	[tilespmem:s24], [sflag:$0x2] =	stream.linear.gather [hbm4b:s28+s3], $0x50, $0x38;
	[tilespmem:$0x16C00] =	vst v63  }
0x38: {  	s0 =	rddreg [dreg:$0xf];
	s26 =	simm.s32 $0x2900  }
0x39: {  	[tilespmem:s26], [sflag:$0x3] =	stream.linear.gather [hbm4b:s0+s3], $0x50, $0x38;
	[tilespmem:$0x16C00] =	vst v63  }
0x3a: {  	s5 =	rddreg [dreg:$0x10];
	s28 =	simm.s32 $0x2980  }
0x3b: {  	[tilespmem:s28], [sflag:$0x4] =	stream.linear.gather [hbm4b:s5+s3], $0x50, $0x38;
	[tilespmem:$0x16C00] =	vst v63  }
0x3c: {  	_ =	swait.ge [sflag:s30], $0x50  }
0x3d: {  	[sflag:s30] =	ssyncset.done $0x0  }
0x3e: {  	[sflag:s30] =	ssyncadd.s32 $0xFFFFFFB0  }
0x3f: {  	[spmem:s1] =	stream.indirect.scatter.add.f32 [tilespmem:s3], [sflag:$0x9], $0x80, s23, s31, $0xb8;
	[tilespmem:$0x16C00] =	vst v63  }
0x40: {  	s0 =	simm.s32 $0x2A00;
	s7 =	rddreg [dreg:$0x11]  }
0x41: {  	[tilespmem:s0], [sflag:$0x5] =	stream.linear.gather [hbm4b:s7+s3], $0x50, $0x38;
	[tilespmem:$0x16C00] =	vst v63  }
0x42: {  	_ =	swait.ge [sflag:s2], $0x50  }
0x43: {  	[sflag:s2] =	ssyncset.done $0x0  }
0x44: {  	[sflag:s2] =	ssyncadd.s32 $0xFFFFFFB0  }
0x45: {  	[spmem:s1] =	stream.indirect.scatter.add.f32 [tilespmem:s3], [sflag:$0xA], $0x80, s24, s31, $0xb8;
	[tilespmem:$0x16C00] =	vst v63  }
0x46: {  	s5 =	simm.s32 $0x2A80;
	s8 =	rddreg [dreg:$0x12]  }
0x47: {  	[tilespmem:s5], [sflag:$0x6] =	stream.linear.gather [hbm4b:s8+s3], $0x50, $0x38;
	[tilespmem:$0x16C00] =	vst v63  }
0x48: {  	_ =	swait.ge [sflag:s6], $0x50  }
0x49: {  	[sflag:s6] =	ssyncset.done $0x0  }
0x4a: {  	[sflag:s6] =	ssyncadd.s32 $0xFFFFFFB0  }
0x4b: {  	[spmem:s1] =	stream.indirect.scatter.add.f32 [tilespmem:s3], [sflag:$0xB], $0x80, s26, s31, $0xb8;
	[tilespmem:$0x16C00] =	vst v63  }
0x4c: {  	s7 =	simm.s32 $0x2B00;
	s10 =	rddreg [dreg:$0x13]  }
0x4d: {  	[tilespmem:s7], [sflag:$0x7] =	stream.linear.gather [hbm4b:s10+s3], $0x50, $0x38;
	[tilespmem:$0x16C00] =	vst v63  }
0x4e: {  	_ =	swait.ge [sflag:s9], $0x50  }
0x4f: {  	[sflag:s9] =	ssyncset.done $0x0  }
0x50: {  	[sflag:s9] =	ssyncadd.s32 $0xFFFFFFB0  }
0x51: {  	[spmem:s1] =	stream.indirect.scatter.add.f32 [tilespmem:s3], [sflag:$0xC], $0x80, s28, s31, $0xb8;
	[tilespmem:$0x16C00] =	vst v63  }
0x52: {  	s10 =	simm.s32 $0x2B80;
	s8 =	rddreg [dreg:$0x14]  }
0x53: {  	[tilespmem:s10], [sflag:$0x8] =	stream.linear.gather [hbm4b:s8+s3], $0x50, $0x38;
	[tilespmem:$0x16C00] =	vst v63  }
0x54: {  	_ =	swait.ge [sflag:s11], $0x50  }
0x55: {  	[sflag:s11] =	ssyncset.done $0x0  }
0x56: {  	[sflag:s11] =	ssyncadd.s32 $0xFFFFFFB0  }
0x57: {  	[spmem:s1] =	stream.indirect.scatter.add.f32 [tilespmem:s3], [sflag:$0xD], $0x80, s0, s31, $0xb8;
	[tilespmem:$0x16C00] =	vst v63  }
0x58: {  	_ =	swait.ge [sflag:s12], $0x2800  }
0x59: {  	s4 =	rddreg [dreg:$0x1c]  }
0x5a: {  	[sflag:s12] =	ssyncset.done $0x0;
	s8 =	sshrl.u32 s4, $0x3  }
0x5b: {  	[sflag:s12] =	ssyncadd.s32 $0xFFFFD800;
	s8 =	sadd.s32 s25, s8  }
0x5c: {  	[tilespmem:s23], [sflag:$0x1] =	stream.linear.gather [hbm4b:s8+s3], $0x50, $0x38;
	[tilespmem:$0x16C00] =	vst v63  }
0x5d: {  	_ =	swait.ge [sflag:s13], $0x50  }
0x5e: {  	[sflag:s13] =	ssyncset.done $0x0  }
0x5f: {  	[sflag:s13] =	ssyncadd.s32 $0xFFFFFFB0  }
0x60: {  	[spmem:s1] =	stream.indirect.scatter.add.f32 [tilespmem:s3], [sflag:$0xE], $0x80, s5, s31, $0xb8;
	[tilespmem:$0x16C00] =	vst v63  }
0x61: {  	_ =	swait.ge [sflag:s14], $0x2800  }
0x62: {  	s8 =	rddreg [dreg:$0x9];
	[sflag:s14] =	ssyncset.done $0x0  }
0x63: {  	[sflag:s14] =	ssyncadd.s32 $0xFFFFD800;
	s8 =	sadd.s32 $0x0, s8  }
0x64: {  	[tilespmem:s24], [sflag:$0x2] =	stream.linear.gather [hbm4b:s8+s3], $0x50, $0x38;
	[tilespmem:$0x16C00] =	vst v63  }
0x65: {  	_ =	swait.ge [sflag:s15], $0x50  }
0x66: {  	[sflag:s15] =	ssyncset.done $0x0  }
0x67: {  	[sflag:s15] =	ssyncadd.s32 $0xFFFFFFB0  }
0x68: {  	[spmem:s1] =	stream.indirect.scatter.add.f32 [tilespmem:s3], [sflag:$0xF], $0x80, s7, s31, $0xb8;
	[tilespmem:$0x16C00] =	vst v63  }
0x69: {  	_ =	swait.ge [sflag:s16], $0x2800  }
0x6a: {  	s8 =	rddreg [dreg:$0x8];
	[sflag:s16] =	ssyncset.done $0x0  }
0x6b: {  	[sflag:s16] =	ssyncadd.s32 $0xFFFFD800;
	s8 =	sadd.s32 $0x0, s8  }
0x6c: {  	[tilespmem:s26], [sflag:$0x3] =	stream.linear.gather [hbm4b:s8+s3], $0x50, $0x38;
	[tilespmem:$0x16C00] =	vst v63  }
0x6d: {  	_ =	swait.ge [sflag:s17], $0x50  }
0x6e: {  	[sflag:s17] =	ssyncset.done $0x0  }
0x6f: {  	[sflag:s17] =	ssyncadd.s32 $0xFFFFFFB0  }
0x70: {  	[spmem:s1] =	stream.indirect.scatter.add.f32 [tilespmem:s3], [sflag:$0x10], $0x80, s10, s31, $0xb8;
	[tilespmem:$0x16C00] =	vst v63  }
0x71: {  	_ =	swait.ge [sflag:s18], $0x2800  }
0x72: {  	s10 =	rddreg [dreg:$0x7];
	[sflag:s18] =	ssyncset.done $0x0  }
0x73: {  	[sflag:s18] =	ssyncadd.s32 $0xFFFFD800;
	s8 =	sadd.s32 $0x0, s10  }
0x74: {  	[tilespmem:s28], [sflag:$0x4] =	stream.linear.gather [hbm4b:s8+s3], $0x50, $0x38;
	[tilespmem:$0x16C00] =	vst v63  }
0x75: {  	_ =	swait.ge [sflag:s30], $0x50  }
0x76: {  	[sflag:s30] =	ssyncset.done $0x0  }
0x77: {  	[sflag:s30] =	ssyncadd.s32 $0xFFFFFFB0  }
0x78: {  	[spmem:s1] =	stream.indirect.scatter.add.f32 [tilespmem:s3], [sflag:$0x9], $0x80, s23, s31, $0xb8;
	[tilespmem:$0x16C00] =	vst v63  }
0x79: {  	_ =	swait.ge [sflag:s19], $0x2800  }
0x7a: {  	s23 =	rddreg [dreg:$0x6];
	[sflag:s19] =	ssyncset.done $0x0  }
0x7b: {  	[sflag:s19] =	ssyncadd.s32 $0xFFFFD800;
	s8 =	sadd.s32 $0x0, s23  }
0x7c: {  	[tilespmem:s0], [sflag:$0x5] =	stream.linear.gather [hbm4b:s8+s3], $0x50, $0x38;
	[tilespmem:$0x16C00] =	vst v63  }
0x7d: {  	_ =	swait.ge [sflag:s2], $0x50  }
0x7e: {  	[sflag:s2] =	ssyncset.done $0x0  }
0x7f: {  	[sflag:s2] =	ssyncadd.s32 $0xFFFFFFB0  }
0x80: {  	[spmem:s1] =	stream.indirect.scatter.add.f32 [tilespmem:s3], [sflag:$0xA], $0x80, s24, s31, $0xb8;
	[tilespmem:$0x16C00] =	vst v63  }
0x81: {  	_ =	swait.ge [sflag:s20], $0x2800  }
0x82: {  	s24 =	rddreg [dreg:$0x5];
	[sflag:s20] =	ssyncset.done $0x0  }
0x83: {  	[sflag:s20] =	ssyncadd.s32 $0xFFFFD800;
	s8 =	sadd.s32 $0x0, s24  }
0x84: {  	[tilespmem:s5], [sflag:$0x6] =	stream.linear.gather [hbm4b:s8+s3], $0x50, $0x38;
	[tilespmem:$0x16C00] =	vst v63  }
0x85: {  	_ =	swait.ge [sflag:s6], $0x50  }
0x86: {  	[sflag:s6] =	ssyncset.done $0x0  }
0x87: {  	[sflag:s6] =	ssyncadd.s32 $0xFFFFFFB0  }
0x88: {  	[spmem:s1] =	stream.indirect.scatter.add.f32 [tilespmem:s3], [sflag:$0xB], $0x80, s26, s31, $0xb8;
	[tilespmem:$0x16C00] =	vst v63  }
0x89: {  	_ =	swait.ge [sflag:s21], $0x2800  }
0x8a: {  	s26 =	rddreg [dreg:$0x4];
	[sflag:s21] =	ssyncset.done $0x0  }
0x8b: {  	[sflag:s21] =	ssyncadd.s32 $0xFFFFD800;
	s8 =	sadd.s32 $0x0, s26  }
0x8c: {  	[tilespmem:s7], [sflag:$0x7] =	stream.linear.gather [hbm4b:s8+s3], $0x50, $0x38;
	[tilespmem:$0x16C00] =	vst v63  }
0x8d: {  	_ =	swait.ge [sflag:s9], $0x50  }
0x8e: {  	[sflag:s9] =	ssyncset.done $0x0  }
0x8f: {  	[sflag:s9] =	ssyncadd.s32 $0xFFFFFFB0  }
0x90: {  	[spmem:s1] =	stream.indirect.scatter.add.f32 [tilespmem:s3], [sflag:$0xC], $0x80, s28, s31, $0xb8;
	[tilespmem:$0x16C00] =	vst v63  }
0x91: {  	_ =	swait.ge [sflag:s22], $0x2800  }
0x92: {  	s23 =	simm.s32 $0x50;
	s28 =	rddreg [dreg:$0x3];
	[sflag:s22] =	ssyncset.done $0x0  }
0x93: {  	s24 =	sadd.s32 $0x280, s4;
	[sflag:s22] =	ssyncadd.s32 $0xFFFFD800;
	s8 =	sadd.s32 $0x0, s28  }
.LBB2_2:
0x94: {  	s0 =	simm.s32 $0x2B80  }
0x95: {  	[tilespmem:s0], [sflag:$0x8] =	stream.linear.gather [hbm4b:s8+s3], $0x50, $0x38;
	[tilespmem:$0x16C00] =	vst v63  }
0x96: {  	_ =	swait.ge [sflag:s11], $0x50  }
0x97: {  	[sflag:s11] =	ssyncset.done $0x0  }
0x98: {  	s5 =	simm.s32 $0x2A00;
	[sflag:s11] =	ssyncadd.s32 $0xFFFFFFB0  }
0x99: {  	[spmem:s1] =	stream.indirect.scatter.add.f32 [tilespmem:s3], [sflag:$0xD], $0x80, s5, s31, $0xb8;
	[tilespmem:$0x16C00] =	vst v63  }
0x9a: {  	_ =	swait.ge [sflag:s12], $0x2800  }
0x9b: {  	s4 =	sshrl.u32 s24, $0x3;
	[sflag:s12] =	ssyncset.done $0x0  }
0x9c: {  	s26 =	simm.s32 $0x2800;
	s4 =	sadd.s32 s25, s4;
	[sflag:s12] =	ssyncadd.s32 $0xFFFFD800  }
0x9d: {  	[tilespmem:s26], [sflag:$0x1] =	stream.linear.gather [hbm4b:s4+s3], $0x50, $0x38;
	[tilespmem:$0x16C00] =	vst v63  }
0x9e: {  	_ =	swait.ge [sflag:s13], $0x50  }
0x9f: {  	[sflag:s13] =	ssyncset.done $0x0  }
0xa0: {  	s7 =	simm.s32 $0x2A80;
	[sflag:s13] =	ssyncadd.s32 $0xFFFFFFB0  }
0xa1: {  	[spmem:s1] =	stream.indirect.scatter.add.f32 [tilespmem:s3], [sflag:$0xE], $0x80, s7, s31, $0xb8;
	[tilespmem:$0x16C00] =	vst v63  }
0xa2: {  	_ =	swait.ge [sflag:s14], $0x2800  }
0xa3: {  	s8 =	smov.u32 s23;
	s28 =	rddreg [dreg:$0x9];
	[sflag:s14] =	ssyncset.done $0x0  }
0xa4: {  	[sflag:s14] =	ssyncadd.s32 $0xFFFFD800;
	s4 =	sadd.s32 s8, s28;
	s28 =	simm.s32 $0x2880  }
0xa5: {  	[tilespmem:s28], [sflag:$0x2] =	stream.linear.gather [hbm4b:s4+s3], $0x50, $0x38;
	[tilespmem:$0x16C00] =	vst v63  }
0xa6: {  	_ =	swait.ge [sflag:s15], $0x50  }
0xa7: {  	[sflag:s15] =	ssyncset.done $0x0  }
0xa8: {  	s10 =	simm.s32 $0x2B00;
	[sflag:s15] =	ssyncadd.s32 $0xFFFFFFB0  }
0xa9: {  	[spmem:s1] =	stream.indirect.scatter.add.f32 [tilespmem:s3], [sflag:$0xF], $0x80, s10, s31, $0xb8;
	[tilespmem:$0x16C00] =	vst v63  }
0xaa: {  	_ =	swait.ge [sflag:s16], $0x2800  }
0xab: {  	s4 =	rddreg [dreg:$0x8];
	[sflag:s16] =	ssyncset.done $0x0  }
0xac: {  	[sflag:s16] =	ssyncadd.s32 $0xFFFFD800;
	s4 =	sadd.s32 s8, s4  }
0xad: {  	[tilespmem:s29], [sflag:$0x3] =	stream.linear.gather [hbm4b:s4+s3], $0x50, $0x38;
	[tilespmem:$0x16C00] =	vst v63  }
0xae: {  	_ =	swait.ge [sflag:s17], $0x50  }
0xaf: {  	[sflag:s17] =	ssyncset.done $0x0  }
0xb0: {  	[sflag:s17] =	ssyncadd.s32 $0xFFFFFFB0  }
0xb1: {  	[spmem:s1] =	stream.indirect.scatter.add.f32 [tilespmem:s3], [sflag:$0x10], $0x80, s0, s31, $0xb8;
	[tilespmem:$0x16C00] =	vst v63  }
0xb2: {  	_ =	swait.ge [sflag:s18], $0x2800  }
0xb3: {  	s0 =	rddreg [dreg:$0x7];
	[sflag:s18] =	ssyncset.done $0x0  }
0xb4: {  	[sflag:s18] =	ssyncadd.s32 $0xFFFFD800;
	s4 =	sadd.s32 s8, s0;
	s0 =	simm.s32 $0x2980  }
0xb5: {  	[tilespmem:s0], [sflag:$0x4] =	stream.linear.gather [hbm4b:s4+s3], $0x50, $0x38;
	[tilespmem:$0x16C00] =	vst v63  }
0xb6: {  	_ =	swait.ge [sflag:s30], $0x50  }
0xb7: {  	[sflag:s30] =	ssyncset.done $0x0  }
0xb8: {  	[sflag:s30] =	ssyncadd.s32 $0xFFFFFFB0  }
0xb9: {  	[spmem:s1] =	stream.indirect.scatter.add.f32 [tilespmem:s3], [sflag:$0x9], $0x80, s26, s31, $0xb8;
	[tilespmem:$0x16C00] =	vst v63  }
0xba: {  	_ =	swait.ge [sflag:s19], $0x2800  }
0xbb: {  	s26 =	rddreg [dreg:$0x6];
	[sflag:s19] =	ssyncset.done $0x0  }
0xbc: {  	[sflag:s19] =	ssyncadd.s32 $0xFFFFD800;
	s4 =	sadd.s32 s8, s26  }
0xbd: {  	[tilespmem:s5], [sflag:$0x5] =	stream.linear.gather [hbm4b:s4+s3], $0x50, $0x38;
	[tilespmem:$0x16C00] =	vst v63  }
0xbe: {  	_ =	swait.ge [sflag:s2], $0x50  }
0xbf: {  	[sflag:s2] =	ssyncset.done $0x0  }
0xc0: {  	[sflag:s2] =	ssyncadd.s32 $0xFFFFFFB0  }
0xc1: {  	[spmem:s1] =	stream.indirect.scatter.add.f32 [tilespmem:s3], [sflag:$0xA], $0x80, s28, s31, $0xb8;
	[tilespmem:$0x16C00] =	vst v63  }
0xc2: {  	_ =	swait.ge [sflag:s20], $0x2800  }
0xc3: {  	s5 =	rddreg [dreg:$0x5];
	[sflag:s20] =	ssyncset.done $0x0  }
0xc4: {  	[sflag:s20] =	ssyncadd.s32 $0xFFFFD800;
	s4 =	sadd.s32 s8, s5  }
0xc5: {  	[tilespmem:s7], [sflag:$0x6] =	stream.linear.gather [hbm4b:s4+s3], $0x50, $0x38;
	[tilespmem:$0x16C00] =	vst v63  }
0xc6: {  	_ =	swait.ge [sflag:s6], $0x50  }
0xc7: {  	[sflag:s6] =	ssyncset.done $0x0  }
0xc8: {  	[sflag:s6] =	ssyncadd.s32 $0xFFFFFFB0  }
0xc9: {  	[spmem:s1] =	stream.indirect.scatter.add.f32 [tilespmem:s3], [sflag:$0xB], $0x80, s29, s31, $0xb8;
	[tilespmem:$0x16C00] =	vst v63  }
0xca: {  	_ =	swait.ge [sflag:s21], $0x2800  }
0xcb: {  	s7 =	rddreg [dreg:$0x4];
	[sflag:s21] =	ssyncset.done $0x0  }
0xcc: {  	[sflag:s21] =	ssyncadd.s32 $0xFFFFD800;
	s4 =	sadd.s32 s8, s7  }
0xcd: {  	[tilespmem:s10], [sflag:$0x7] =	stream.linear.gather [hbm4b:s4+s3], $0x50, $0x38;
	[tilespmem:$0x16C00] =	vst v63  }
0xce: {  	_ =	swait.ge [sflag:s9], $0x50  }
0xcf: {  	p0 =	sne.s32 s23, $0x410;
	[sflag:s9] =	ssyncset.done $0x0  }
.Ltmp0:
0xd0: {  	[sflag:s9] =	ssyncadd.s32 $0xFFFFFFB0;
	(pc) =	sbr.rel @p0 .LBB2_2-.Ltmp0, $4  }
0xd1: {  	[spmem:s1] =	stream.indirect.scatter.add.f32 [tilespmem:s3], [sflag:$0xC], $0x80, s0, s31, $0xb8;
	[tilespmem:$0x16C00] =	vst v63  }
0xd2: {  	s24 =	sadd.s32 $0x280, s24;
	s23 =	sadd.s32 $0x50, s23;
	_ =	swait.ge [sflag:s22], $0x2800  }
0xd3: {  	s26 =	simm.s32 $0x2A80;
	[sflag:s22] =	ssyncset.done $0x0;
	s28 =	rddreg [dreg:$0x3]  }
0xd4: {  	s7 =	simm.s32 $0x2B00;
	[sflag:s22] =	ssyncadd.s32 $0xFFFFD800;
	s8 =	sadd.s32 s8, s28  }
0xd5: {  	s0 =	simm.s32 $0x2B80  }
0xd6: {  	[tilespmem:s0], [sflag:$0x8] =	stream.linear.gather [hbm4b:s8+s3], $0x50, $0x38;
	[tilespmem:$0x16C00] =	vst v63  }
0xd7: {  	_ =	swait.ge [sflag:s11], $0x50  }
0xd8: {  	[sflag:s11] =	ssyncset.done $0x0  }
0xd9: {  	s5 =	simm.s32 $0x2A00;
	[sflag:s11] =	ssyncadd.s32 $0xFFFFFFB0  }
0xda: {  	[spmem:s1] =	stream.indirect.scatter.add.f32 [tilespmem:s3], [sflag:$0xD], $0x80, s5, s31, $0xb8;
	[tilespmem:$0x16C00] =	vst v63  }
0xdb: {  	_ =	swait.ge [sflag:s12], $0x2800  }
0xdc: {  	[sflag:s12] =	ssyncset.done $0x0  }
0xdd: {  	s10 =	simm.s32 $0x2800;
	s4 =	rddreg [dreg:$0x15];
	[sflag:s12] =	ssyncadd.s32 $0xFFFFD800  }
0xde: {  	[tilespmem:s10], [sflag:$0x1] =	stream.linear.gather [hbm4b:s4+s3], $0x50, $0x38;
	[tilespmem:$0x16C00] =	vst v63  }
0xdf: {  	_ =	swait.ge [sflag:s13], $0x50  }
0xe0: {  	[sflag:s13] =	ssyncset.done $0x0  }
0xe1: {  	[sflag:s13] =	ssyncadd.s32 $0xFFFFFFB0  }
0xe2: {  	[spmem:s1] =	stream.indirect.scatter.add.f32 [tilespmem:s3], [sflag:$0xE], $0x80, s26, s31, $0xb8;
	[tilespmem:$0x16C00] =	vst v63  }
0xe3: {  	_ =	swait.ge [sflag:s14], $0x2800  }
0xe4: {  	[sflag:s14] =	ssyncset.done $0x0  }
0xe5: {  	s23 =	simm.s32 $0x2880;
	s26 =	rddreg [dreg:$0x16];
	[sflag:s14] =	ssyncadd.s32 $0xFFFFD800  }
0xe6: {  	[tilespmem:s23], [sflag:$0x2] =	stream.linear.gather [hbm4b:s26+s3], $0x50, $0x38;
	[tilespmem:$0x16C00] =	vst v63  }
0xe7: {  	_ =	swait.ge [sflag:s15], $0x50  }
0xe8: {  	[sflag:s15] =	ssyncset.done $0x0  }
0xe9: {  	[sflag:s15] =	ssyncadd.s32 $0xFFFFFFB0  }
0xea: {  	[spmem:s1] =	stream.indirect.scatter.add.f32 [tilespmem:s3], [sflag:$0xF], $0x80, s7, s31, $0xb8;
	[tilespmem:$0x16C00] =	vst v63  }
0xeb: {  	_ =	swait.ge [sflag:s16], $0x2800  }
0xec: {  	[sflag:s16] =	ssyncset.done $0x0  }
0xed: {  	s24 =	simm.s32 $0x2900;
	s28 =	rddreg [dreg:$0x17];
	[sflag:s16] =	ssyncadd.s32 $0xFFFFD800  }
0xee: {  	[tilespmem:s24], [sflag:$0x3] =	stream.linear.gather [hbm4b:s28+s3], $0x50, $0x38;
	[tilespmem:$0x16C00] =	vst v63  }
0xef: {  	_ =	swait.ge [sflag:s17], $0x50  }
0xf0: {  	[sflag:s17] =	ssyncset.done $0x0  }
0xf1: {  	[sflag:s17] =	ssyncadd.s32 $0xFFFFFFB0  }
0xf2: {  	[spmem:s1] =	stream.indirect.scatter.add.f32 [tilespmem:s3], [sflag:$0x10], $0x80, s0, s31, $0xb8;
	[tilespmem:$0x16C00] =	vst v63  }
0xf3: {  	_ =	swait.ge [sflag:s18], $0x2800  }
0xf4: {  	[sflag:s18] =	ssyncset.done $0x0  }
0xf5: {  	s7 =	simm.s32 $0x2980;
	s0 =	rddreg [dreg:$0x18];
	[sflag:s18] =	ssyncadd.s32 $0xFFFFD800  }
0xf6: {  	[tilespmem:s7], [sflag:$0x4] =	stream.linear.gather [hbm4b:s0+s3], $0x50, $0x38;
	[tilespmem:$0x16C00] =	vst v63  }
0xf7: {  	_ =	swait.ge [sflag:s30], $0x50  }
0xf8: {  	[sflag:s30] =	ssyncset.done $0x0  }
0xf9: {  	[sflag:s30] =	ssyncadd.s32 $0xFFFFFFB0  }
0xfa: {  	[spmem:s1] =	stream.indirect.scatter.add.f32 [tilespmem:s3], [sflag:$0x9], $0x80, s10, s31, $0xb8;
	[tilespmem:$0x16C00] =	vst v63  }
0xfb: {  	_ =	swait.ge [sflag:s19], $0x2800  }
0xfc: {  	[sflag:s19] =	ssyncset.done $0x0  }
0xfd: {  	s8 =	rddreg [dreg:$0x19];
	[sflag:s19] =	ssyncadd.s32 $0xFFFFD800  }
0xfe: {  	[tilespmem:s5], [sflag:$0x5] =	stream.linear.gather [hbm4b:s8+s3], $0x50, $0x38;
	[tilespmem:$0x16C00] =	vst v63  }
0xff: {  	_ =	swait.ge [sflag:s2], $0x50  }
0x100: {  	[sflag:s2] =	ssyncset.done $0x0  }
0x101: {  	[sflag:s2] =	ssyncadd.s32 $0xFFFFFFB0  }
0x102: {  	[spmem:s1] =	stream.indirect.scatter.add.f32 [tilespmem:s3], [sflag:$0xA], $0x80, s23, s31, $0xb8;
	[tilespmem:$0x16C00] =	vst v63  }
0x103: {  	_ =	swait.ge [sflag:s20], $0x2800  }
0x104: {  	[sflag:s20] =	ssyncset.done $0x0  }
0x105: {  	[sflag:s20] =	ssyncadd.s32 $0xFFFFD800  }
0x106: {  	_ =	swait.ge [sflag:s6], $0x50  }
0x107: {  	[sflag:s6] =	ssyncset.done $0x0  }
0x108: {  	[sflag:s6] =	ssyncadd.s32 $0xFFFFFFB0  }
0x109: {  	[spmem:s1] =	stream.indirect.scatter.add.f32 [tilespmem:s3], [sflag:$0xB], $0x80, s24, s31, $0xb8;
	[tilespmem:$0x16C00] =	vst v63  }
0x10a: {  	_ =	swait.ge [sflag:s21], $0x2800  }
0x10b: {  	[sflag:s21] =	ssyncset.done $0x0  }
0x10c: {  	[sflag:s21] =	ssyncadd.s32 $0xFFFFD800  }
0x10d: {  	_ =	swait.ge [sflag:s9], $0x50  }
0x10e: {  	[sflag:s9] =	ssyncset.done $0x0  }
0x10f: {  	[sflag:s9] =	ssyncadd.s32 $0xFFFFFFB0  }
0x110: {  	[spmem:s1] =	stream.indirect.scatter.add.f32 [tilespmem:s3], [sflag:$0xC], $0x80, s7, s31, $0xb8;
	[tilespmem:$0x16C00] =	vst v63  }
0x111: {  	_ =	swait.ge [sflag:s22], $0x2800  }
0x112: {  	[sflag:s22] =	ssyncset.done $0x0  }
0x113: {  	[sflag:s22] =	ssyncadd.s32 $0xFFFFD800  }
0x114: {  	_ =	swait.ge [sflag:s11], $0x50  }
0x115: {  	[sflag:s11] =	ssyncset.done $0x0  }
0x116: {  	[sflag:s11] =	ssyncadd.s32 $0xFFFFFFB0  }
0x117: {  	[spmem:s1] =	stream.indirect.scatter.add.f32 [tilespmem:s3], [sflag:$0xD], $0x80, s5, s31, $0xb8;
	[tilespmem:$0x16C00] =	vst v63  }
0x118: {  	_ =	swait.ge [sflag:s12], $0x2800  }
0x119: {  	[sflag:s12] =	ssyncset.done $0x0  }
0x11a: {  	[sflag:s12] =	ssyncadd.s32 $0xFFFFD800  }
0x11b: {  	_ =	swait.ge [sflag:s14], $0x2800  }
0x11c: {  	[sflag:s14] =	ssyncset.done $0x0  }
0x11d: {  	[sflag:s14] =	ssyncadd.s32 $0xFFFFD800  }
0x11e: {  	_ =	swait.ge [sflag:s16], $0x2800  }
0x11f: {  	[sflag:s16] =	ssyncset.done $0x0  }
0x120: {  	[sflag:s16] =	ssyncadd.s32 $0xFFFFD800  }
0x121: {  	_ =	swait.ge [sflag:s18], $0x2800  }
0x122: {  	[sflag:s18] =	ssyncset.done $0x0  }
0x123: {  	[sflag:s18] =	ssyncadd.s32 $0xFFFFD800  }
0x124: {  	_ =	swait.ge [sflag:s19], $0x2800  }
0x125: {  	[sflag:s19] =	ssyncset.done $0x0  }
0x126: {  	[sflag:s19] =	ssyncadd.s32 $0xFFFFD800  }
0x127: {  	[bflag:$0x0] =	sbarrier.arrive $0xFFFF  }
0x128: {  	s10 =	rddreg [dreg:$0x1a]  }
0x129: {  	s23 =	rddreg [dreg:$0x1e]  }
0x12a: {  	s24 =	rddreg [dreg:$0x1f]  }
0x12b: {  	[hbm:s10], [sflag:s23] =	dma.local [spmem:s24], $0x2800  }
0x12c: {  	s23 =	simm.s32 $0x11  }
0x12d: {  	_ =	swait.ge [sflag:s23], $0x2800  }
0x12e: {  	s26 =	rddreg [dreg:$0x1d]  }
0x12f: {  	s28 =	rddreg [dreg:$0x1b];
	s0 =	sadd.s32 $0x1, s26  }
0x130: {  	p0 =	sne.s32 s0, s28  }
.Ltmp1:
0x131: {  	_ = 	snop;
	(pc) =	sbr.rel @p0 .LBB2_1-.Ltmp1, $3  }
0x132: {  	_ =	sdelay $0x1  }
0x133: {  	[sflag:s23] =	ssyncset.done $0x0  }
0x134: {  	[sflag:s23] =	ssyncadd.s32 $0xFFFFD800  }
0x135: {  	_ =	sfence.sel $0x180000  }
0x136: {  	[bflag:$0x0] =	sbarrier.arrive $0xFFFF  }
0x137: {  	_ =	strace $0x90000047  }
0x138: {  	s0 =	stileid.u32;
	[bflag:$0x2] =	sbarrier.arrive $0xFFFF  }
0x139: {  	p0 =	sne.s32 s0, $0x0;
	s0 =	rddreg [dreg:$0x2]  }
0x13a: {  	s0 =	sadd.s32 @!p0 $0x100000, s0  }
0x13b: {  	[sflag:s0] =	ssyncadd.tile.s32 @!p0 $0x1;
	_ =	shalt  }
.Lfunc_end2:
_tile_overlayer_lowered:
.L_overlay_start_2:
0x13c: {  	(tag) =	ssettag $0x2  }
0x13d: {  	s0 =	rddreg [dreg:$0x0];
	s2 =	stileid.u32  }
0x13e: {  	s1 =	rddreg [dreg:$0x1];
	p0 =	sne.s32 s2, $0x0  }
0x13f: {  	s3 =	rddreg [dreg:$0x2];
	[bflag:$0x3] =	sbarrier.arrive $0xFFFF;
	s2 =	simm.s32 @!p0 $0x1C11  }
0x140: {  	[timem:s3], [sflag:s2] =	dma.local @!p0 [hbm:s0], s1  }
0x141: {  	s0 =	simm.s32 @!p0 $0x11  }
0x142: {  	_ =	swait.ge @!p0 [sflag:s0], s1  }
0x143: {  	s1 =	ssub.s32 @!p0 $0x0, s1;
	[sflag:s0] =	ssyncset.done @!p0 $0x0  }
0x144: {  	[sflag:s0] =	ssyncadd.s32 @!p0 s1  }
0x145: {  	[bflag:$0x3] =	sbarrier.arrive $0xFFFF  }
0x146: {  	_ =	shalt  }

</sc_bundles>
